<compile_context>
chip_gen: v7x
topology: tpu7x:2x2x1
jax: 0.10.2.dev20260603
libtpu: 0.0.44.dev20260713+nightly
codegen_flags: <defaults>
</compile_context>

<pallas_src>
import functools

import jax
import jax.numpy as jnp
from jax import lax
from jax.experimental import pallas as pl
from jax.experimental.pallas import tpu as pltpu
from jax.experimental.pallas import tpu_sc as plsc

_NUM_CLASSES = 1000000
_HID = 32
_BATCH = 16384
_NC = 2
_NS = 16
_NW = _NC * _NS
_CW = 512
_RANGE = 31232
_TAIL_LO = 999936
_L = 16

_mesh = plsc.VectorSubcoreMesh(core_axis_name="c", subcore_axis_name="s")


def _iota():
    return lax.iota(jnp.int32, _L)


def _full(v):
    return jnp.full((_L,), v, jnp.int32)


@functools.partial(
    pl.kernel,
    mesh=_mesh,
    out_type=jax.ShapeDtypeStruct((_BATCH, 128), jnp.float32),
    scratch_types=[
        pltpu.VMEM((_BATCH,), jnp.int32),
        pltpu.VMEM((_BATCH,), jnp.int32),
        pltpu.VMEM((_BATCH + 256,), jnp.int32),
        pltpu.VMEM((_BATCH + 256,), jnp.int32),
        pltpu.VMEM((128,), jnp.int32),
        pltpu.VMEM((128,), jnp.int32),
        pltpu.VMEM((128,), jnp.int32),
        pltpu.VMEM((128,), jnp.int32),
        pltpu.VMEM((128,), jnp.int32),
        pltpu.VMEM((128,), jnp.int32),
        pltpu.VMEM((_HID, _CW), jnp.float32),
        pltpu.VMEM((_HID, _CW), jnp.float32),
        pltpu.VMEM((72, 128), jnp.float32),
        pltpu.VMEM((128, 128), jnp.float32),
        pltpu.SemaphoreType.DMA,
        pltpu.SemaphoreType.DMA,
        pltpu.SemaphoreType.DMA,
    ],
    compiler_params=pltpu.CompilerParams(needs_layout_passes=False),
)
def _embed(lab_hbm, drop_hbm, table_t, tail_hbm, out_hbm,
           lab_v, drop_v, slab_v, spos_v, cnts_v, cnts_b, cnts_c, cnts_d,
           offs_v, posb_v, buf0, buf1, tail_v, extbuf, sem0, sem1, semf):
    wid = lax.axis_index("s") * _NC + lax.axis_index("c")
    is31 = wid == _NW - 1
    lo = wid * _RANGE
    hi = jnp.where(is31, _NUM_CLASSES + 1, lo + _RANGE)
    nch = jnp.where(is31, 62, 61)
    ones = jnp.ones((_L,), jnp.int32)
    negones = _full(-1)

    def issue(c, buf, sem):
        col = pl.multiple_of(lo + c * _CW, _CW)
        return pltpu.async_copy(table_t.at[:, pl.ds(col, _CW)], buf, sem)

    issue(0, buf0, sem0)
    issue(1, buf1, sem1)

    pltpu.sync_copy(lab_hbm, lab_v)
    pltpu.sync_copy(drop_hbm, drop_v)
    pltpu.sync_copy(tail_hbm, tail_v)

    for k in range(8):
        cnts_v[pl.ds(k * _L, _L)] = jnp.zeros((_L,), jnp.int32)
    for ref in (cnts_b, cnts_c, cnts_d):
        for k in range(4):
            ref[pl.ds(k * _L, _L)] = jnp.zeros((_L,), jnp.int32)

    def in_range_q(idx):
        inr = (idx >= lo) & (idx < hi)
        q = jnp.minimum(lax.shift_right_logical(idx - lo, 9), 62)
        q = jnp.where(inr, q, 0)
        return inr, q

    stripes = (cnts_v, cnts_b, cnts_c, cnts_d)

    def hist_body(k4, _):
        for u in range(8):
            k = k4 * 8 + u
            sl = pl.ds(k * _L, _L)
            idx = jnp.where(drop_v[sl] != 0, _NUM_CLASSES, lab_v[sl])
            lab_v[sl] = idx
            inr, q = in_range_q(idx)
            plsc.addupdate_scatter(stripes[u % 4], [q], ones, mask=inr)
        return 0
    lax.fori_loop(0, _BATCH // _L // 8, hist_body, 0)

    for k in range(4):
        sl = pl.ds(k * _L, _L)
        cnts_v[sl] = cnts_v[sl] + cnts_b[sl] + cnts_c[sl] + cnts_d[sl]

    carry = jnp.int32(0)
    for k in range(8):
        sl = pl.ds(k * _L, _L)
        c = cnts_v[sl]
        offs_v[sl] = plsc.cumsum(c) - c + carry
        carry = carry + jnp.sum(c)

    base_rank = jnp.min(plsc.scan_count(jnp.zeros((_L,), jnp.int32))[0])

    def place_body(k4, _):
        for u in range(8):
            k = k4 * 8 + u
            idx = lab_v[pl.ds(k * _L, _L)]
            inr, q = in_range_q(idx)
            gpos = k * _L + _iota()
            base = plsc.load_gather(offs_v, [q])
            rank = plsc.scan_count(q, mask=inr)[0] - base_rank
            slot = base + rank
            plsc.store_scatter(slab_v, [slot], idx, mask=inr)
            plsc.store_scatter(spos_v, [slot], gpos, mask=inr)
            plsc.addupdate_scatter(offs_v, [q], ones, mask=inr)
        return 0
    lax.fori_loop(0, _BATCH // _L // 8, place_body, 0)

    for k in range(8):
        posb_v[pl.ds(k * _L, _L)] = negones

    def flush():
        pltpu.async_copy(
            extbuf, out_hbm.at[plsc.Indices(posb_v, ignored_value=-1)], semf
        ).wait()
        for k in range(8):
            posb_v[pl.ds(k * _L, _L)] = negones

    def cnt_at(c):
        acc = jnp.int32(0)
        for k in range(4):
            acc = acc + jnp.sum(jnp.where(k * _L + _iota() == c,
                                          cnts_v[pl.ds(k * _L, _L)], 0))
        return acc

    def do_segment(seg_lo, seg_hi, j, src, base_col, transposed):
        a0 = (seg_lo // 8) * 8

        def chunk_body(m, j):
            base_i = a0 + _L * m
            lpos = base_i + _iota()
            msk = (lpos >= seg_lo) & (lpos < seg_hi)
            sl = pl.ds(pl.multiple_of(base_i, 8), _L)
            labs = slab_v[sl]
            poss = spos_v[sl]
            r = labs - base_col
            mi = msk.astype(jnp.int32)
            slotv = j + plsc.cumsum(mi) - 1
            for h in range(_HID):
                hv = _full(h)
                if transposed:
                    g = plsc.load_gather(src, [hv, r], mask=msk)
                else:
                    g = plsc.load_gather(src, [r, hv], mask=msk)
                plsc.store_scatter(extbuf, [slotv, hv], g, mask=msk)
            plsc.store_scatter(posb_v, [slotv], poss, mask=msk)
            j = j + jnp.sum(mi)
            pl.when(j > 128 - _L)(flush)
            return jnp.where(j > 128 - _L, 0, j)

        nchk = jnp.where(seg_hi > seg_lo, (seg_hi - a0 + _L - 1) // _L, 0)
        return lax.fori_loop(0, nchk, chunk_body, j)

    def pair_body(t, carry):
        j, s_lo = carry
        c0 = 2 * t
        pltpu.make_async_copy(table_t.at[:, pl.ds(0, _CW)], buf0, sem0).wait()
        s_hi = s_lo + cnt_at(c0)
        j = do_segment(s_lo, s_hi, j, buf0, lo + c0 * _CW, True)
        s_lo = s_hi

        @pl.when(c0 + 2 < nch)
        def _():
            issue(c0 + 2, buf0, sem0)

        has_odd = c0 + 1 < nch

        @pl.when(has_odd)
        def _():
            pltpu.make_async_copy(
                table_t.at[:, pl.ds(0, _CW)], buf1, sem1).wait()

        s_hi = s_lo + jnp.where(has_odd, cnt_at(c0 + 1), 0)
        j = do_segment(s_lo, s_hi, j, buf1, lo + (c0 + 1) * _CW, True)
        s_lo = s_hi

        @pl.when(c0 + 3 < nch)
        def _():
            issue(c0 + 3, buf1, sem1)

        return (j, s_lo)

    j, s_lo = lax.fori_loop(0, (nch + 1) // 2, pair_body,
                            (jnp.int32(0), jnp.int32(0)))

    j = do_segment(s_lo, s_lo + cnt_at(62), j, tail_v, _TAIL_LO, False)

    pl.when(j > 0)(flush)


def kernel(labels, train, force_drop_ids, table):
    lab = labels.astype(jnp.int32)
    drop = force_drop_ids.astype(jnp.int32)
    table_t = jnp.swapaxes(table, 0, 1)
    tail = lax.pad(
        lax.slice(table, (_TAIL_LO, 0), (_NUM_CLASSES + 1, _HID)),
        jnp.float32(0.0), ((0, 7, 0), (0, 96, 0)))
    out_wide = _embed(lab, drop, table_t, tail)
    return lax.slice(out_wide, (0, 0), (_BATCH, _HID))

# --- scband reference (transcript-rebuilt; emitter-appended) ---
"""Pipeline reference for scband-label-embedder-35725537968614 (READ-ONLY COPY).

The authoritative reference and input builder live on the scoring server;
editing this copy changes nothing except your own understanding.
"""

import jax, jax.numpy as jnp
import numpy as np

NUM_CLASSES = 1000000
HIDDEN_SIZE = 32
BATCH = 16384

def setup_inputs(seed: int = 0) -> dict:
    key = jax.random.key(seed)
    k1, k2 = jax.random.split(key)
    labels = jax.random.randint(k1, (BATCH,), 0, NUM_CLASSES, dtype=jnp.int64 if jax.config.jax_enable_x64 else jnp.int32)
    train = 0
    force_drop_ids = jnp.zeros((BATCH,), dtype=jnp.bool_)
    # embedding table has num_classes + 1 rows (extra row is the 'dropped label' class)
    table = jax.random.normal(k2, (NUM_CLASSES + 1, HIDDEN_SIZE), dtype=jnp.float32)
    return {"labels": labels, "train": train, "force_drop_ids": force_drop_ids, "table": table}

def reference(labels, train, force_drop_ids, table):
    # Faithful translation of LabelEmbedder.forward with force_drop_ids provided
    if force_drop_ids is not None:
        drop_ids = force_drop_ids.astype(jnp.bool_)
    else:
        # deterministic eval path: no dropout
        drop_ids = jnp.zeros(labels.shape[0], dtype=jnp.bool_)
    labels_copy = jnp.where(drop_ids, NUM_CLASSES, labels)
    return jnp.take(table, labels_copy, axis=0)

if __name__ == "__main__":
    import jax
    _d = setup_inputs()
    print(jax.jit(kernel)(*tuple(_d.values())))

</pallas_src>

<mosaic_0001>
#map = affine_map<(d0, d1) -> (0)>
#map1 = affine_map<(d0, d1) -> (0, 0)>
module attributes {stable_mosaic.version = 14 : i64} {
  func.func @_embed(%arg0: i32, %arg1: i32, %arg2: memref<16384xi32, #tpu.memory_space<hbm>>, %arg3: memref<16384xi32, #tpu.memory_space<hbm>>, %arg4: memref<32x1000001xf32, #tpu.memory_space<hbm>>, %arg5: memref<72x128xf32, #tpu.memory_space<hbm>>, %arg6: memref<16384x128xf32, #tpu.memory_space<hbm>>, %arg7: memref<16384xi32, #tpu.memory_space<vmem>>, %arg8: memref<16384xi32, #tpu.memory_space<vmem>>, %arg9: memref<16640xi32, #tpu.memory_space<vmem>>, %arg10: memref<16640xi32, #tpu.memory_space<vmem>>, %arg11: memref<128xi32, #tpu.memory_space<vmem>>, %arg12: memref<128xi32, #tpu.memory_space<vmem>>, %arg13: memref<128xi32, #tpu.memory_space<vmem>>, %arg14: memref<128xi32, #tpu.memory_space<vmem>>, %arg15: memref<128xi32, #tpu.memory_space<vmem>>, %arg16: memref<128xi32, #tpu.memory_space<vmem>>, %arg17: memref<32x512xf32, #tpu.memory_space<vmem>>, %arg18: memref<32x512xf32, #tpu.memory_space<vmem>>, %arg19: memref<72x128xf32, #tpu.memory_space<vmem>>, %arg20: memref<128x128xf32, #tpu.memory_space<vmem>>, %arg21: memref<!tpu.dma_semaphore, #tpu.memory_space<semaphore_mem>>, %arg22: memref<!tpu.dma_semaphore, #tpu.memory_space<semaphore_mem>>, %arg23: memref<!tpu.dma_semaphore, #tpu.memory_space<semaphore_mem>>) attributes {dimension_semantics = [#tpu.dimension_semantics<core_parallel>, #tpu.dimension_semantics<subcore_parallel>], iteration_bounds = array<i64: 2, 16>, scalar_prefetch = 0 : i64, scratch_operands = 17 : i64, tpu.core_type = #tpu.core_type<sc_vector_subcore>, window_params = [{transform_indices = #map}, {transform_indices = #map}, {transform_indices = #map1}, {transform_indices = #map1}, {transform_indices = #map1}]} {
    %mul3A = arith.constant 2 : i32
    %mul3A_0 = arith.muli %arg1, %mul3A : i32
    %add3A = arith.addi %mul3A_0, %arg0 : i32
    %eq3A = arith.constant 31 : i32
    %eq3A_1 = arith.cmpi eq, %add3A, %eq3A : i32
    %mul3A_2 = arith.constant 31232 : i32
    %mul3A_3 = arith.muli %add3A, %mul3A_2 : i32
    %add3A_4 = arith.constant 31232 : i32
    %add3A_5 = arith.addi %mul3A_3, %add3A_4 : i32
    %jit3A = arith.constant 1000001 : i32
    %select_n3A = arith.select %eq3A_1, %jit3A, %add3A_5 : i32
    %jit3A_6 = arith.constant 62 : i32
    %jit3A_7 = arith.constant 61 : i32
    %select_n3A_8 = arith.select %eq3A_1, %jit3A_6, %jit3A_7 : i32
    %broadcast_in_dim3A = arith.constant 1 : i32
    %broadcast_in_dim3A_9 = vector.broadcast %broadcast_in_dim3A : i32 to vector<16xi32>
    %broadcast_in_dim3A_10 = arith.constant -1 : i32
    %broadcast_in_dim3A_11 = vector.broadcast %broadcast_in_dim3A_10 : i32 to vector<16xi32>
    %add3A_12 = arith.constant 0 : i32
    %add3A_13 = arith.addi %mul3A_3, %add3A_12 : i32
    %multiple_of3A = tpu.assume_multiple %add3A_13, 512 : i32
    %dma_start3A = arith.constant 0 : i32
    %dma_start3A_14 = tpu.memref_slice %arg4[%dma_start3A, %multiple_of3A] : memref<32x1000001xf32, #tpu.memory_space<hbm>> -> memref<32x512xf32, #tpu.memory_space<hbm>>
    %dma_start3A_15 = arith.constant 0 : i32
    %dma_start3A_16 = tpu.memref_slice %arg4[%dma_start3A_15, %multiple_of3A] : memref<32x1000001xf32, #tpu.memory_space<hbm>> -> memref<32x512xf32, #tpu.memory_space<hbm>>
    tpu.enqueue_dma source(%dma_start3A_16 : memref<32x512xf32, #tpu.memory_space<hbm>>) target(%arg17 : memref<32x512xf32, #tpu.memory_space<vmem>>) target_semaphore(%arg21 : memref<!tpu.dma_semaphore, #tpu.memory_space<semaphore_mem>>)
    %add3A_17 = arith.constant 512 : i32
    %add3A_18 = arith.addi %mul3A_3, %add3A_17 : i32
    %multiple_of3A_19 = tpu.assume_multiple %add3A_18, 512 : i32
    %dma_start3A_20 = arith.constant 0 : i32
    %dma_start3A_21 = tpu.memref_slice %arg4[%dma_start3A_20, %multiple_of3A_19] : memref<32x1000001xf32, #tpu.memory_space<hbm>> -> memref<32x512xf32, #tpu.memory_space<hbm>>
    %dma_start3A_22 = arith.constant 0 : i32
    %dma_start3A_23 = tpu.memref_slice %arg4[%dma_start3A_22, %multiple_of3A_19] : memref<32x1000001xf32, #tpu.memory_space<hbm>> -> memref<32x512xf32, #tpu.memory_space<hbm>>
    tpu.enqueue_dma source(%dma_start3A_23 : memref<32x512xf32, #tpu.memory_space<hbm>>) target(%arg18 : memref<32x512xf32, #tpu.memory_space<vmem>>) target_semaphore(%arg22 : memref<!tpu.dma_semaphore, #tpu.memory_space<semaphore_mem>>)
    "tpu.region"() ({
      %run_scoped3A = tpu.sem_alloc : memref<!tpu.dma_semaphore, #tpu.memory_space<semaphore_mem>>
      tpu.enqueue_dma source(%arg2 : memref<16384xi32, #tpu.memory_space<hbm>>) target(%arg7 : memref<16384xi32, #tpu.memory_space<vmem>>) target_semaphore(%run_scoped3A : memref<!tpu.dma_semaphore, #tpu.memory_space<semaphore_mem>>)
      tpu.wait_dma2 semaphore(%run_scoped3A : memref<!tpu.dma_semaphore, #tpu.memory_space<semaphore_mem>>) src(%arg2 : memref<16384xi32, #tpu.memory_space<hbm>>) dst(%arg7 : memref<16384xi32, #tpu.memory_space<vmem>>)
      tpu.yield
    }) : () -> ()
    "tpu.region"() ({
      %run_scoped3A = tpu.sem_alloc : memref<!tpu.dma_semaphore, #tpu.memory_space<semaphore_mem>>
      tpu.enqueue_dma source(%arg3 : memref<16384xi32, #tpu.memory_space<hbm>>) target(%arg8 : memref<16384xi32, #tpu.memory_space<vmem>>) target_semaphore(%run_scoped3A : memref<!tpu.dma_semaphore, #tpu.memory_space<semaphore_mem>>)
      tpu.wait_dma2 semaphore(%run_scoped3A : memref<!tpu.dma_semaphore, #tpu.memory_space<semaphore_mem>>) src(%arg3 : memref<16384xi32, #tpu.memory_space<hbm>>) dst(%arg8 : memref<16384xi32, #tpu.memory_space<vmem>>)
      tpu.yield
    }) : () -> ()
    "tpu.region"() ({
      %run_scoped3A = tpu.sem_alloc : memref<!tpu.dma_semaphore, #tpu.memory_space<semaphore_mem>>
      tpu.enqueue_dma source(%arg5 : memref<72x128xf32, #tpu.memory_space<hbm>>) target(%arg19 : memref<72x128xf32, #tpu.memory_space<vmem>>) target_semaphore(%run_scoped3A : memref<!tpu.dma_semaphore, #tpu.memory_space<semaphore_mem>>)
      tpu.wait_dma2 semaphore(%run_scoped3A : memref<!tpu.dma_semaphore, #tpu.memory_space<semaphore_mem>>) src(%arg5 : memref<72x128xf32, #tpu.memory_space<hbm>>) dst(%arg19 : memref<72x128xf32, #tpu.memory_space<vmem>>)
      tpu.yield
    }) : () -> ()
    %broadcast_in_dim3A_24 = arith.constant 0 : i32
    %broadcast_in_dim3A_25 = vector.broadcast %broadcast_in_dim3A_24 : i32 to vector<16xi32>
    %swap3A = arith.constant 0 : index
    %swap3A_26 = tpu.vector_load %arg11[%swap3A] {strides = array<i32>} : memref<128xi32, #tpu.memory_space<vmem>>, vector<16xi32>,
    tpu.vector_store %arg11[%swap3A], %broadcast_in_dim3A_25 {strides = array<i32>} : memref<128xi32, #tpu.memory_space<vmem>>, vector<16xi32>,
    %broadcast_in_dim3A_27 = arith.constant 0 : i32
    %broadcast_in_dim3A_28 = vector.broadcast %broadcast_in_dim3A_27 : i32 to vector<16xi32>
    %swap3A_29 = arith.constant 16 : index
    %swap3A_30 = tpu.vector_load %arg11[%swap3A_29] {strides = array<i32>} : memref<128xi32, #tpu.memory_space<vmem>>, vector<16xi32>,
    tpu.vector_store %arg11[%swap3A_29], %broadcast_in_dim3A_28 {strides = array<i32>} : memref<128xi32, #tpu.memory_space<vmem>>, vector<16xi32>,
    %broadcast_in_dim3A_31 = arith.constant 0 : i32
    %broadcast_in_dim3A_32 = vector.broadcast %broadcast_in_dim3A_31 : i32 to vector<16xi32>
    %swap3A_33 = arith.constant 32 : index
    %swap3A_34 = tpu.vector_load %arg11[%swap3A_33] {strides = array<i32>} : memref<128xi32, #tpu.memory_space<vmem>>, vector<16xi32>,
    tpu.vector_store %arg11[%swap3A_33], %broadcast_in_dim3A_32 {strides = array<i32>} : memref<128xi32, #tpu.memory_space<vmem>>, vector<16xi32>,
    %broadcast_in_dim3A_35 = arith.constant 0 : i32
    %broadcast_in_dim3A_36 = vector.broadcast %broadcast_in_dim3A_35 : i32 to vector<16xi32>
    %swap3A_37 = arith.constant 48 : index
    %swap3A_38 = tpu.vector_load %arg11[%swap3A_37] {strides = array<i32>} : memref<128xi32, #tpu.memory_space<vmem>>, vector<16xi32>,
    tpu.vector_store %arg11[%swap3A_37], %broadcast_in_dim3A_36 {strides = array<i32>} : memref<128xi32, #tpu.memory_space<vmem>>, vector<16xi32>,
    %broadcast_in_dim3A_39 = arith.constant 0 : i32
    %broadcast_in_dim3A_40 = vector.broadcast %broadcast_in_dim3A_39 : i32 to vector<16xi32>
    %swap3A_41 = arith.constant 64 : index
    %swap3A_42 = tpu.vector_load %arg11[%swap3A_41] {strides = array<i32>} : memref<128xi32, #tpu.memory_space<vmem>>, vector<16xi32>,
    tpu.vector_store %arg11[%swap3A_41], %broadcast_in_dim3A_40 {strides = array<i32>} : memref<128xi32, #tpu.memory_space<vmem>>, vector<16xi32>,
    %broadcast_in_dim3A_43 = arith.constant 0 : i32
    %broadcast_in_dim3A_44 = vector.broadcast %broadcast_in_dim3A_43 : i32 to vector<16xi32>
    %swap3A_45 = arith.constant 80 : index
    %swap3A_46 = tpu.vector_load %arg11[%swap3A_45] {strides = array<i32>} : memref<128xi32, #tpu.memory_space<vmem>>, vector<16xi32>,
    tpu.vector_store %arg11[%swap3A_45], %broadcast_in_dim3A_44 {strides = array<i32>} : memref<128xi32, #tpu.memory_space<vmem>>, vector<16xi32>,
    %broadcast_in_dim3A_47 = arith.constant 0 : i32
    %broadcast_in_dim3A_48 = vector.broadcast %broadcast_in_dim3A_47 : i32 to vector<16xi32>
    %swap3A_49 = arith.constant 96 : index
    %swap3A_50 = tpu.vector_load %arg11[%swap3A_49] {strides = array<i32>} : memref<128xi32, #tpu.memory_space<vmem>>, vector<16xi32>,
    tpu.vector_store %arg11[%swap3A_49], %broadcast_in_dim3A_48 {strides = array<i32>} : memref<128xi32, #tpu.memory_space<vmem>>, vector<16xi32>,
    %broadcast_in_dim3A_51 = arith.constant 0 : i32
    %broadcast_in_dim3A_52 = vector.broadcast %broadcast_in_dim3A_51 : i32 to vector<16xi32>
    %swap3A_53 = arith.constant 112 : index
    %swap3A_54 = tpu.vector_load %arg11[%swap3A_53] {strides = array<i32>} : memref<128xi32, #tpu.memory_space<vmem>>, vector<16xi32>,
    tpu.vector_store %arg11[%swap3A_53], %broadcast_in_dim3A_52 {strides = array<i32>} : memref<128xi32, #tpu.memory_space<vmem>>, vector<16xi32>,
    %broadcast_in_dim3A_55 = arith.constant 0 : i32
    %broadcast_in_dim3A_56 = vector.broadcast %broadcast_in_dim3A_55 : i32 to vector<16xi32>
    %swap3A_57 = arith.constant 0 : index
    %swap3A_58 = tpu.vector_load %arg12[%swap3A_57] {strides = array<i32>} : memref<128xi32, #tpu.memory_space<vmem>>, vector<16xi32>,
    tpu.vector_store %arg12[%swap3A_57], %broadcast_in_dim3A_56 {strides = array<i32>} : memref<128xi32, #tpu.memory_space<vmem>>, vector<16xi32>,
    %broadcast_in_dim3A_59 = arith.constant 0 : i32
    %broadcast_in_dim3A_60 = vector.broadcast %broadcast_in_dim3A_59 : i32 to vector<16xi32>
    %swap3A_61 = arith.constant 16 : index
    %swap3A_62 = tpu.vector_load %arg12[%swap3A_61] {strides = array<i32>} : memref<128xi32, #tpu.memory_space<vmem>>, vector<16xi32>,
    tpu.vector_store %arg12[%swap3A_61], %broadcast_in_dim3A_60 {strides = array<i32>} : memref<128xi32, #tpu.memory_space<vmem>>, vector<16xi32>,
    %broadcast_in_dim3A_63 = arith.constant 0 : i32
    %broadcast_in_dim3A_64 = vector.broadcast %broadcast_in_dim3A_63 : i32 to vector<16xi32>
    %swap3A_65 = arith.constant 32 : index
    %swap3A_66 = tpu.vector_load %arg12[%swap3A_65] {strides = array<i32>} : memref<128xi32, #tpu.memory_space<vmem>>, vector<16xi32>,
    tpu.vector_store %arg12[%swap3A_65], %broadcast_in_dim3A_64 {strides = array<i32>} : memref<128xi32, #tpu.memory_space<vmem>>, vector<16xi32>,
    %broadcast_in_dim3A_67 = arith.constant 0 : i32
    %broadcast_in_dim3A_68 = vector.broadcast %broadcast_in_dim3A_67 : i32 to vector<16xi32>
    %swap3A_69 = arith.constant 48 : index
    %swap3A_70 = tpu.vector_load %arg12[%swap3A_69] {strides = array<i32>} : memref<128xi32, #tpu.memory_space<vmem>>, vector<16xi32>,
    tpu.vector_store %arg12[%swap3A_69], %broadcast_in_dim3A_68 {strides = array<i32>} : memref<128xi32, #tpu.memory_space<vmem>>, vector<16xi32>,
    %broadcast_in_dim3A_71 = arith.constant 0 : i32
    %broadcast_in_dim3A_72 = vector.broadcast %broadcast_in_dim3A_71 : i32 to vector<16xi32>
    %swap3A_73 = arith.constant 0 : index
    %swap3A_74 = tpu.vector_load %arg13[%swap3A_73] {strides = array<i32>} : memref<128xi32, #tpu.memory_space<vmem>>, vector<16xi32>,
    tpu.vector_store %arg13[%swap3A_73], %broadcast_in_dim3A_72 {strides = array<i32>} : memref<128xi32, #tpu.memory_space<vmem>>, vector<16xi32>,
    %broadcast_in_dim3A_75 = arith.constant 0 : i32
    %broadcast_in_dim3A_76 = vector.broadcast %broadcast_in_dim3A_75 : i32 to vector<16xi32>
    %swap3A_77 = arith.constant 16 : index
    %swap3A_78 = tpu.vector_load %arg13[%swap3A_77] {strides = array<i32>} : memref<128xi32, #tpu.memory_space<vmem>>, vector<16xi32>,
    tpu.vector_store %arg13[%swap3A_77], %broadcast_in_dim3A_76 {strides = array<i32>} : memref<128xi32, #tpu.memory_space<vmem>>, vector<16xi32>,
    %broadcast_in_dim3A_79 = arith.constant 0 : i32
    %broadcast_in_dim3A_80 = vector.broadcast %broadcast_in_dim3A_79 : i32 to vector<16xi32>
    %swap3A_81 = arith.constant 32 : index
    %swap3A_82 = tpu.vector_load %arg13[%swap3A_81] {strides = array<i32>} : memref<128xi32, #tpu.memory_space<vmem>>, vector<16xi32>,
    tpu.vector_store %arg13[%swap3A_81], %broadcast_in_dim3A_80 {strides = array<i32>} : memref<128xi32, #tpu.memory_space<vmem>>, vector<16xi32>,
    %broadcast_in_dim3A_83 = arith.constant 0 : i32
    %broadcast_in_dim3A_84 = vector.broadcast %broadcast_in_dim3A_83 : i32 to vector<16xi32>
    %swap3A_85 = arith.constant 48 : index
    %swap3A_86 = tpu.vector_load %arg13[%swap3A_85] {strides = array<i32>} : memref<128xi32, #tpu.memory_space<vmem>>, vector<16xi32>,
    tpu.vector_store %arg13[%swap3A_85], %broadcast_in_dim3A_84 {strides = array<i32>} : memref<128xi32, #tpu.memory_space<vmem>>, vector<16xi32>,
    %broadcast_in_dim3A_87 = arith.constant 0 : i32
    %broadcast_in_dim3A_88 = vector.broadcast %broadcast_in_dim3A_87 : i32 to vector<16xi32>
    %swap3A_89 = arith.constant 0 : index
    %swap3A_90 = tpu.vector_load %arg14[%swap3A_89] {strides = array<i32>} : memref<128xi32, #tpu.memory_space<vmem>>, vector<16xi32>,
    tpu.vector_store %arg14[%swap3A_89], %broadcast_in_dim3A_88 {strides = array<i32>} : memref<128xi32, #tpu.memory_space<vmem>>, vector<16xi32>,
    %broadcast_in_dim3A_91 = arith.constant 0 : i32
    %broadcast_in_dim3A_92 = vector.broadcast %broadcast_in_dim3A_91 : i32 to vector<16xi32>
    %swap3A_93 = arith.constant 16 : index
    %swap3A_94 = tpu.vector_load %arg14[%swap3A_93] {strides = array<i32>} : memref<128xi32, #tpu.memory_space<vmem>>, vector<16xi32>,
    tpu.vector_store %arg14[%swap3A_93], %broadcast_in_dim3A_92 {strides = array<i32>} : memref<128xi32, #tpu.memory_space<vmem>>, vector<16xi32>,
    %broadcast_in_dim3A_95 = arith.constant 0 : i32
    %broadcast_in_dim3A_96 = vector.broadcast %broadcast_in_dim3A_95 : i32 to vector<16xi32>
    %swap3A_97 = arith.constant 32 : index
    %swap3A_98 = tpu.vector_load %arg14[%swap3A_97] {strides = array<i32>} : memref<128xi32, #tpu.memory_space<vmem>>, vector<16xi32>,
    tpu.vector_store %arg14[%swap3A_97], %broadcast_in_dim3A_96 {strides = array<i32>} : memref<128xi32, #tpu.memory_space<vmem>>, vector<16xi32>,
    %broadcast_in_dim3A_99 = arith.constant 0 : i32
    %broadcast_in_dim3A_100 = vector.broadcast %broadcast_in_dim3A_99 : i32 to vector<16xi32>
    %swap3A_101 = arith.constant 48 : index
    %swap3A_102 = tpu.vector_load %arg14[%swap3A_101] {strides = array<i32>} : memref<128xi32, #tpu.memory_space<vmem>>, vector<16xi32>,
    tpu.vector_store %arg14[%swap3A_101], %broadcast_in_dim3A_100 {strides = array<i32>} : memref<128xi32, #tpu.memory_space<vmem>>, vector<16xi32>,
    %scan3A = arith.constant 0 : i32
    %scan3A_103 = arith.constant 0 : i32
    %scan3A_104 = arith.constant 128 : i32
    %scan3A_105 = arith.addi %scan3A_103, %scan3A_104 : i32
    %scan3A_106 = arith.constant 1 : i32
    %scan3A_107 = scf.for %scan3A_487 = %scan3A_103 to %scan3A_105 step %scan3A_106 iter_args(%scan3A_488 = %scan3A) -> (i32)  : i32 {
      %mul3A_489 = arith.constant 8 : i32
      %mul3A_490 = arith.muli %scan3A_487, %mul3A_489 : i32
      %add3A_491 = arith.constant 0 : i32
      %add3A_492 = arith.addi %mul3A_490, %add3A_491 : i32
      %mul3A_493 = arith.constant 16 : i32
      %mul3A_494 = arith.muli %add3A_492, %mul3A_493 : i32
      %get3A_495 = arith.index_cast %mul3A_494 : i32 to index
      %get3A_496 = tpu.vector_load %arg8[%get3A_495] {strides = array<i32>} : memref<16384xi32, #tpu.memory_space<vmem>>, vector<16xi32>,
      %ne3A_497 = arith.constant 0 : i32
      %ne3A_498 = vector.broadcast %ne3A_497 : i32 to vector<16xi32>
      %ne3A_499 = arith.cmpi ne, %get3A_496, %ne3A_498 : vector<16xi32>
      %get3A_500 = arith.index_cast %mul3A_494 : i32 to index
      %get3A_501 = tpu.vector_load %arg7[%get3A_500] {strides = array<i32>} : memref<16384xi32, #tpu.memory_space<vmem>>, vector<16xi32>,
      %jit3A_502 = arith.constant 1000000 : i32
      %broadcast_in_dim3A_503 = vector.broadcast %jit3A_502 : i32 to vector<16xi32>
      %select_n3A_504 = arith.select %ne3A_499, %broadcast_in_dim3A_503, %get3A_501 : vector<16xi1>, vector<16xi32>
      %swap3A_505 = arith.index_cast %mul3A_494 : i32 to index
      %swap3A_506 = tpu.vector_load %arg7[%swap3A_505] {strides = array<i32>} : memref<16384xi32, #tpu.memory_space<vmem>>, vector<16xi32>,
      tpu.vector_store %arg7[%swap3A_505], %select_n3A_504 {strides = array<i32>} : memref<16384xi32, #tpu.memory_space<vmem>>, vector<16xi32>,
      %ge3A = vector.broadcast %mul3A_3 : i32 to vector<16xi32>
      %ge3A_507 = arith.cmpi sge, %select_n3A_504, %ge3A : vector<16xi32>
      %lt3A = vector.broadcast %select_n3A : i32 to vector<16xi32>
      %lt3A_508 = arith.cmpi slt, %select_n3A_504, %lt3A : vector<16xi32>
      %and3A_509 = arith.andi %ge3A_507, %lt3A_508 : vector<16xi1>
      %sub3A_510 = vector.broadcast %mul3A_3 : i32 to vector<16xi32>
      %sub3A_511 = arith.subi %select_n3A_504, %sub3A_510 : vector<16xi32>
      %shift_right_logical3A = arith.constant 9 : i32
      %shift_right_logical3A_512 = vector.broadcast %shift_right_logical3A : i32 to vector<16xi32>
      %shift_right_logical3A_513 = arith.shrui %sub3A_511, %shift_right_logical3A_512 : vector<16xi32>
      %min3A = arith.constant 62 : i32
      %min3A_514 = vector.broadcast %min3A : i32 to vector<16xi32>
      %min3A_515 = arith.minsi %shift_right_logical3A_513, %min3A_514 : vector<16xi32>
      %jit3A_516 = arith.constant 0 : i32
      %broadcast_in_dim3A_517 = vector.broadcast %jit3A_516 : i32 to vector<16xi32>
      %select_n3A_518 = arith.select %and3A_509, %min3A_515, %broadcast_in_dim3A_517 : vector<16xi1>, vector<16xi32>
      tpu.vector_store_idx %arg11[%select_n3A_518], %broadcast_in_dim3A_9 masked %and3A_509 {add = true} : memref<128xi32, #tpu.memory_space<vmem>>[vector<16xi32>], vector<16xi32>, vector<16xi1>
      %mul3A_519 = arith.constant 8 : i32
      %mul3A_520 = arith.muli %scan3A_487, %mul3A_519 : i32
      %add3A_521 = arith.constant 1 : i32
      %add3A_522 = arith.addi %mul3A_520, %add3A_521 : i32
      %mul3A_523 = arith.constant 16 : i32
      %mul3A_524 = arith.muli %add3A_522, %mul3A_523 : i32
      %get3A_525 = arith.index_cast %mul3A_524 : i32 to index
      %get3A_526 = tpu.vector_load %arg8[%get3A_525] {strides = array<i32>} : memref<16384xi32, #tpu.memory_space<vmem>>, vector<16xi32>,
      %ne3A_527 = arith.constant 0 : i32
      %ne3A_528 = vector.broadcast %ne3A_527 : i32 to vector<16xi32>
      %ne3A_529 = arith.cmpi ne, %get3A_526, %ne3A_528 : vector<16xi32>
      %get3A_530 = arith.index_cast %mul3A_524 : i32 to index
      %get3A_531 = tpu.vector_load %arg7[%get3A_530] {strides = array<i32>} : memref<16384xi32, #tpu.memory_space<vmem>>, vector<16xi32>,
      %jit3A_532 = arith.constant 1000000 : i32
      %broadcast_in_dim3A_533 = vector.broadcast %jit3A_532 : i32 to vector<16xi32>
      %select_n3A_534 = arith.select %ne3A_529, %broadcast_in_dim3A_533, %get3A_531 : vector<16xi1>, vector<16xi32>
      %swap3A_535 = arith.index_cast %mul3A_524 : i32 to index
      %swap3A_536 = tpu.vector_load %arg7[%swap3A_535] {strides = array<i32>} : memref<16384xi32, #tpu.memory_space<vmem>>, vector<16xi32>,
      tpu.vector_store %arg7[%swap3A_535], %select_n3A_534 {strides = array<i32>} : memref<16384xi32, #tpu.memory_space<vmem>>, vector<16xi32>,
      %ge3A_537 = vector.broadcast %mul3A_3 : i32 to vector<16xi32>
      %ge3A_538 = arith.cmpi sge, %select_n3A_534, %ge3A_537 : vector<16xi32>
      %lt3A_539 = vector.broadcast %select_n3A : i32 to vector<16xi32>
      %lt3A_540 = arith.cmpi slt, %select_n3A_534, %lt3A_539 : vector<16xi32>
      %and3A_541 = arith.andi %ge3A_538, %lt3A_540 : vector<16xi1>
      %sub3A_542 = vector.broadcast %mul3A_3 : i32 to vector<16xi32>
      %sub3A_543 = arith.subi %select_n3A_534, %sub3A_542 : vector<16xi32>
      %shift_right_logical3A_544 = arith.constant 9 : i32
      %shift_right_logical3A_545 = vector.broadcast %shift_right_logical3A_544 : i32 to vector<16xi32>
      %shift_right_logical3A_546 = arith.shrui %sub3A_543, %shift_right_logical3A_545 : vector<16xi32>
      %min3A_547 = arith.constant 62 : i32
      %min3A_548 = vector.broadcast %min3A_547 : i32 to vector<16xi32>
      %min3A_549 = arith.minsi %shift_right_logical3A_546, %min3A_548 : vector<16xi32>
      %jit3A_550 = arith.constant 0 : i32
      %broadcast_in_dim3A_551 = vector.broadcast %jit3A_550 : i32 to vector<16xi32>
      %select_n3A_552 = arith.select %and3A_541, %min3A_549, %broadcast_in_dim3A_551 : vector<16xi1>, vector<16xi32>
      tpu.vector_store_idx %arg12[%select_n3A_552], %broadcast_in_dim3A_9 masked %and3A_541 {add = true} : memref<128xi32, #tpu.memory_space<vmem>>[vector<16xi32>], vector<16xi32>, vector<16xi1>
      %mul3A_553 = arith.constant 8 : i32
      %mul3A_554 = arith.muli %scan3A_487, %mul3A_553 : i32
      %add3A_555 = arith.constant 2 : i32
      %add3A_556 = arith.addi %mul3A_554, %add3A_555 : i32
      %mul3A_557 = arith.constant 16 : i32
      %mul3A_558 = arith.muli %add3A_556, %mul3A_557 : i32
      %get3A_559 = arith.index_cast %mul3A_558 : i32 to index
      %get3A_560 = tpu.vector_load %arg8[%get3A_559] {strides = array<i32>} : memref<16384xi32, #tpu.memory_space<vmem>>, vector<16xi32>,
      %ne3A_561 = arith.constant 0 : i32
      %ne3A_562 = vector.broadcast %ne3A_561 : i32 to vector<16xi32>
      %ne3A_563 = arith.cmpi ne, %get3A_560, %ne3A_562 : vector<16xi32>
      %get3A_564 = arith.index_cast %mul3A_558 : i32 to index
      %get3A_565 = tpu.vector_load %arg7[%get3A_564] {strides = array<i32>} : memref<16384xi32, #tpu.memory_space<vmem>>, vector<16xi32>,
      %jit3A_566 = arith.constant 1000000 : i32
      %broadcast_in_dim3A_567 = vector.broadcast %jit3A_566 : i32 to vector<16xi32>
      %select_n3A_568 = arith.select %ne3A_563, %broadcast_in_dim3A_567, %get3A_565 : vector<16xi1>, vector<16xi32>
      %swap3A_569 = arith.index_cast %mul3A_558 : i32 to index
      %swap3A_570 = tpu.vector_load %arg7[%swap3A_569] {strides = array<i32>} : memref<16384xi32, #tpu.memory_space<vmem>>, vector<16xi32>,
      tpu.vector_store %arg7[%swap3A_569], %select_n3A_568 {strides = array<i32>} : memref<16384xi32, #tpu.memory_space<vmem>>, vector<16xi32>,
      %ge3A_571 = vector.broadcast %mul3A_3 : i32 to vector<16xi32>
      %ge3A_572 = arith.cmpi sge, %select_n3A_568, %ge3A_571 : vector<16xi32>
      %lt3A_573 = vector.broadcast %select_n3A : i32 to vector<16xi32>
      %lt3A_574 = arith.cmpi slt, %select_n3A_568, %lt3A_573 : vector<16xi32>
      %and3A_575 = arith.andi %ge3A_572, %lt3A_574 : vector<16xi1>
      %sub3A_576 = vector.broadcast %mul3A_3 : i32 to vector<16xi32>
      %sub3A_577 = arith.subi %select_n3A_568, %sub3A_576 : vector<16xi32>
      %shift_right_logical3A_578 = arith.constant 9 : i32
      %shift_right_logical3A_579 = vector.broadcast %shift_right_logical3A_578 : i32 to vector<16xi32>
      %shift_right_logical3A_580 = arith.shrui %sub3A_577, %shift_right_logical3A_579 : vector<16xi32>
      %min3A_581 = arith.constant 62 : i32
      %min3A_582 = vector.broadcast %min3A_581 : i32 to vector<16xi32>
      %min3A_583 = arith.minsi %shift_right_logical3A_580, %min3A_582 : vector<16xi32>
      %jit3A_584 = arith.constant 0 : i32
      %broadcast_in_dim3A_585 = vector.broadcast %jit3A_584 : i32 to vector<16xi32>
      %select_n3A_586 = arith.select %and3A_575, %min3A_583, %broadcast_in_dim3A_585 : vector<16xi1>, vector<16xi32>
      tpu.vector_store_idx %arg13[%select_n3A_586], %broadcast_in_dim3A_9 masked %and3A_575 {add = true} : memref<128xi32, #tpu.memory_space<vmem>>[vector<16xi32>], vector<16xi32>, vector<16xi1>
      %mul3A_587 = arith.constant 8 : i32
      %mul3A_588 = arith.muli %scan3A_487, %mul3A_587 : i32
      %add3A_589 = arith.constant 3 : i32
      %add3A_590 = arith.addi %mul3A_588, %add3A_589 : i32
      %mul3A_591 = arith.constant 16 : i32
      %mul3A_592 = arith.muli %add3A_590, %mul3A_591 : i32
      %get3A_593 = arith.index_cast %mul3A_592 : i32 to index
      %get3A_594 = tpu.vector_load %arg8[%get3A_593] {strides = array<i32>} : memref<16384xi32, #tpu.memory_space<vmem>>, vector<16xi32>,
      %ne3A_595 = arith.constant 0 : i32
      %ne3A_596 = vector.broadcast %ne3A_595 : i32 to vector<16xi32>
      %ne3A_597 = arith.cmpi ne, %get3A_594, %ne3A_596 : vector<16xi32>
      %get3A_598 = arith.index_cast %mul3A_592 : i32 to index
      %get3A_599 = tpu.vector_load %arg7[%get3A_598] {strides = array<i32>} : memref<16384xi32, #tpu.memory_space<vmem>>, vector<16xi32>,
      %jit3A_600 = arith.constant 1000000 : i32
      %broadcast_in_dim3A_601 = vector.broadcast %jit3A_600 : i32 to vector<16xi32>
      %select_n3A_602 = arith.select %ne3A_597, %broadcast_in_dim3A_601, %get3A_599 : vector<16xi1>, vector<16xi32>
      %swap3A_603 = arith.index_cast %mul3A_592 : i32 to index
      %swap3A_604 = tpu.vector_load %arg7[%swap3A_603] {strides = array<i32>} : memref<16384xi32, #tpu.memory_space<vmem>>, vector<16xi32>,
      tpu.vector_store %arg7[%swap3A_603], %select_n3A_602 {strides = array<i32>} : memref<16384xi32, #tpu.memory_space<vmem>>, vector<16xi32>,
      %ge3A_605 = vector.broadcast %mul3A_3 : i32 to vector<16xi32>
      %ge3A_606 = arith.cmpi sge, %select_n3A_602, %ge3A_605 : vector<16xi32>
      %lt3A_607 = vector.broadcast %select_n3A : i32 to vector<16xi32>
      %lt3A_608 = arith.cmpi slt, %select_n3A_602, %lt3A_607 : vector<16xi32>
      %and3A_609 = arith.andi %ge3A_606, %lt3A_608 : vector<16xi1>
      %sub3A_610 = vector.broadcast %mul3A_3 : i32 to vector<16xi32>
      %sub3A_611 = arith.subi %select_n3A_602, %sub3A_610 : vector<16xi32>
      %shift_right_logical3A_612 = arith.constant 9 : i32
      %shift_right_logical3A_613 = vector.broadcast %shift_right_logical3A_612 : i32 to vector<16xi32>
      %shift_right_logical3A_614 = arith.shrui %sub3A_611, %shift_right_logical3A_613 : vector<16xi32>
      %min3A_615 = arith.constant 62 : i32
      %min3A_616 = vector.broadcast %min3A_615 : i32 to vector<16xi32>
      %min3A_617 = arith.minsi %shift_right_logical3A_614, %min3A_616 : vector<16xi32>
      %jit3A_618 = arith.constant 0 : i32
      %broadcast_in_dim3A_619 = vector.broadcast %jit3A_618 : i32 to vector<16xi32>
      %select_n3A_620 = arith.select %and3A_609, %min3A_617, %broadcast_in_dim3A_619 : vector<16xi1>, vector<16xi32>
      tpu.vector_store_idx %arg14[%select_n3A_620], %broadcast_in_dim3A_9 masked %and3A_609 {add = true} : memref<128xi32, #tpu.memory_space<vmem>>[vector<16xi32>], vector<16xi32>, vector<16xi1>
      %mul3A_621 = arith.constant 8 : i32
      %mul3A_622 = arith.muli %scan3A_487, %mul3A_621 : i32
      %add3A_623 = arith.constant 4 : i32
      %add3A_624 = arith.addi %mul3A_622, %add3A_623 : i32
      %mul3A_625 = arith.constant 16 : i32
      %mul3A_626 = arith.muli %add3A_624, %mul3A_625 : i32
      %get3A_627 = arith.index_cast %mul3A_626 : i32 to index
      %get3A_628 = tpu.vector_load %arg8[%get3A_627] {strides = array<i32>} : memref<16384xi32, #tpu.memory_space<vmem>>, vector<16xi32>,
      %ne3A_629 = arith.constant 0 : i32
      %ne3A_630 = vector.broadcast %ne3A_629 : i32 to vector<16xi32>
      %ne3A_631 = arith.cmpi ne, %get3A_628, %ne3A_630 : vector<16xi32>
      %get3A_632 = arith.index_cast %mul3A_626 : i32 to index
      %get3A_633 = tpu.vector_load %arg7[%get3A_632] {strides = array<i32>} : memref<16384xi32, #tpu.memory_space<vmem>>, vector<16xi32>,
      %jit3A_634 = arith.constant 1000000 : i32
      %broadcast_in_dim3A_635 = vector.broadcast %jit3A_634 : i32 to vector<16xi32>
      %select_n3A_636 = arith.select %ne3A_631, %broadcast_in_dim3A_635, %get3A_633 : vector<16xi1>, vector<16xi32>
      %swap3A_637 = arith.index_cast %mul3A_626 : i32 to index
      %swap3A_638 = tpu.vector_load %arg7[%swap3A_637] {strides = array<i32>} : memref<16384xi32, #tpu.memory_space<vmem>>, vector<16xi32>,
      tpu.vector_store %arg7[%swap3A_637], %select_n3A_636 {strides = array<i32>} : memref<16384xi32, #tpu.memory_space<vmem>>, vector<16xi32>,
      %ge3A_639 = vector.broadcast %mul3A_3 : i32 to vector<16xi32>
      %ge3A_640 = arith.cmpi sge, %select_n3A_636, %ge3A_639 : vector<16xi32>
      %lt3A_641 = vector.broadcast %select_n3A : i32 to vector<16xi32>
      %lt3A_642 = arith.cmpi slt, %select_n3A_636, %lt3A_641 : vector<16xi32>
      %and3A_643 = arith.andi %ge3A_640, %lt3A_642 : vector<16xi1>
      %sub3A_644 = vector.broadcast %mul3A_3 : i32 to vector<16xi32>
      %sub3A_645 = arith.subi %select_n3A_636, %sub3A_644 : vector<16xi32>
      %shift_right_logical3A_646 = arith.constant 9 : i32
      %shift_right_logical3A_647 = vector.broadcast %shift_right_logical3A_646 : i32 to vector<16xi32>
      %shift_right_logical3A_648 = arith.shrui %sub3A_645, %shift_right_logical3A_647 : vector<16xi32>
      %min3A_649 = arith.constant 62 : i32
      %min3A_650 = vector.broadcast %min3A_649 : i32 to vector<16xi32>
      %min3A_651 = arith.minsi %shift_right_logical3A_648, %min3A_650 : vector<16xi32>
      %jit3A_652 = arith.constant 0 : i32
      %broadcast_in_dim3A_653 = vector.broadcast %jit3A_652 : i32 to vector<16xi32>
      %select_n3A_654 = arith.select %and3A_643, %min3A_651, %broadcast_in_dim3A_653 : vector<16xi1>, vector<16xi32>
      tpu.vector_store_idx %arg11[%select_n3A_654], %broadcast_in_dim3A_9 masked %and3A_643 {add = true} : memref<128xi32, #tpu.memory_space<vmem>>[vector<16xi32>], vector<16xi32>, vector<16xi1>
      %mul3A_655 = arith.constant 8 : i32
      %mul3A_656 = arith.muli %scan3A_487, %mul3A_655 : i32
      %add3A_657 = arith.constant 5 : i32
      %add3A_658 = arith.addi %mul3A_656, %add3A_657 : i32
      %mul3A_659 = arith.constant 16 : i32
      %mul3A_660 = arith.muli %add3A_658, %mul3A_659 : i32
      %get3A_661 = arith.index_cast %mul3A_660 : i32 to index
      %get3A_662 = tpu.vector_load %arg8[%get3A_661] {strides = array<i32>} : memref<16384xi32, #tpu.memory_space<vmem>>, vector<16xi32>,
      %ne3A_663 = arith.constant 0 : i32
      %ne3A_664 = vector.broadcast %ne3A_663 : i32 to vector<16xi32>
      %ne3A_665 = arith.cmpi ne, %get3A_662, %ne3A_664 : vector<16xi32>
      %get3A_666 = arith.index_cast %mul3A_660 : i32 to index
      %get3A_667 = tpu.vector_load %arg7[%get3A_666] {strides = array<i32>} : memref<16384xi32, #tpu.memory_space<vmem>>, vector<16xi32>,
      %jit3A_668 = arith.constant 1000000 : i32
      %broadcast_in_dim3A_669 = vector.broadcast %jit3A_668 : i32 to vector<16xi32>
      %select_n3A_670 = arith.select %ne3A_665, %broadcast_in_dim3A_669, %get3A_667 : vector<16xi1>, vector<16xi32>
      %swap3A_671 = arith.index_cast %mul3A_660 : i32 to index
      %swap3A_672 = tpu.vector_load %arg7[%swap3A_671] {strides = array<i32>} : memref<16384xi32, #tpu.memory_space<vmem>>, vector<16xi32>,
      tpu.vector_store %arg7[%swap3A_671], %select_n3A_670 {strides = array<i32>} : memref<16384xi32, #tpu.memory_space<vmem>>, vector<16xi32>,
      %ge3A_673 = vector.broadcast %mul3A_3 : i32 to vector<16xi32>
      %ge3A_674 = arith.cmpi sge, %select_n3A_670, %ge3A_673 : vector<16xi32>
      %lt3A_675 = vector.broadcast %select_n3A : i32 to vector<16xi32>
      %lt3A_676 = arith.cmpi slt, %select_n3A_670, %lt3A_675 : vector<16xi32>
      %and3A_677 = arith.andi %ge3A_674, %lt3A_676 : vector<16xi1>
      %sub3A_678 = vector.broadcast %mul3A_3 : i32 to vector<16xi32>
      %sub3A_679 = arith.subi %select_n3A_670, %sub3A_678 : vector<16xi32>
      %shift_right_logical3A_680 = arith.constant 9 : i32
      %shift_right_logical3A_681 = vector.broadcast %shift_right_logical3A_680 : i32 to vector<16xi32>
      %shift_right_logical3A_682 = arith.shrui %sub3A_679, %shift_right_logical3A_681 : vector<16xi32>
      %min3A_683 = arith.constant 62 : i32
      %min3A_684 = vector.broadcast %min3A_683 : i32 to vector<16xi32>
      %min3A_685 = arith.minsi %shift_right_logical3A_682, %min3A_684 : vector<16xi32>
      %jit3A_686 = arith.constant 0 : i32
      %broadcast_in_dim3A_687 = vector.broadcast %jit3A_686 : i32 to vector<16xi32>
      %select_n3A_688 = arith.select %and3A_677, %min3A_685, %broadcast_in_dim3A_687 : vector<16xi1>, vector<16xi32>
      tpu.vector_store_idx %arg12[%select_n3A_688], %broadcast_in_dim3A_9 masked %and3A_677 {add = true} : memref<128xi32, #tpu.memory_space<vmem>>[vector<16xi32>], vector<16xi32>, vector<16xi1>
      %mul3A_689 = arith.constant 8 : i32
      %mul3A_690 = arith.muli %scan3A_487, %mul3A_689 : i32
      %add3A_691 = arith.constant 6 : i32
      %add3A_692 = arith.addi %mul3A_690, %add3A_691 : i32
      %mul3A_693 = arith.constant 16 : i32
      %mul3A_694 = arith.muli %add3A_692, %mul3A_693 : i32
      %get3A_695 = arith.index_cast %mul3A_694 : i32 to index
      %get3A_696 = tpu.vector_load %arg8[%get3A_695] {strides = array<i32>} : memref<16384xi32, #tpu.memory_space<vmem>>, vector<16xi32>,
      %ne3A_697 = arith.constant 0 : i32
      %ne3A_698 = vector.broadcast %ne3A_697 : i32 to vector<16xi32>
      %ne3A_699 = arith.cmpi ne, %get3A_696, %ne3A_698 : vector<16xi32>
      %get3A_700 = arith.index_cast %mul3A_694 : i32 to index
      %get3A_701 = tpu.vector_load %arg7[%get3A_700] {strides = array<i32>} : memref<16384xi32, #tpu.memory_space<vmem>>, vector<16xi32>,
      %jit3A_702 = arith.constant 1000000 : i32
      %broadcast_in_dim3A_703 = vector.broadcast %jit3A_702 : i32 to vector<16xi32>
      %select_n3A_704 = arith.select %ne3A_699, %broadcast_in_dim3A_703, %get3A_701 : vector<16xi1>, vector<16xi32>
      %swap3A_705 = arith.index_cast %mul3A_694 : i32 to index
      %swap3A_706 = tpu.vector_load %arg7[%swap3A_705] {strides = array<i32>} : memref<16384xi32, #tpu.memory_space<vmem>>, vector<16xi32>,
      tpu.vector_store %arg7[%swap3A_705], %select_n3A_704 {strides = array<i32>} : memref<16384xi32, #tpu.memory_space<vmem>>, vector<16xi32>,
      %ge3A_707 = vector.broadcast %mul3A_3 : i32 to vector<16xi32>
      %ge3A_708 = arith.cmpi sge, %select_n3A_704, %ge3A_707 : vector<16xi32>
      %lt3A_709 = vector.broadcast %select_n3A : i32 to vector<16xi32>
      %lt3A_710 = arith.cmpi slt, %select_n3A_704, %lt3A_709 : vector<16xi32>
      %and3A_711 = arith.andi %ge3A_708, %lt3A_710 : vector<16xi1>
      %sub3A_712 = vector.broadcast %mul3A_3 : i32 to vector<16xi32>
      %sub3A_713 = arith.subi %select_n3A_704, %sub3A_712 : vector<16xi32>
      %shift_right_logical3A_714 = arith.constant 9 : i32
      %shift_right_logical3A_715 = vector.broadcast %shift_right_logical3A_714 : i32 to vector<16xi32>
      %shift_right_logical3A_716 = arith.shrui %sub3A_713, %shift_right_logical3A_715 : vector<16xi32>
      %min3A_717 = arith.constant 62 : i32
      %min3A_718 = vector.broadcast %min3A_717 : i32 to vector<16xi32>
      %min3A_719 = arith.minsi %shift_right_logical3A_716, %min3A_718 : vector<16xi32>
      %jit3A_720 = arith.constant 0 : i32
      %broadcast_in_dim3A_721 = vector.broadcast %jit3A_720 : i32 to vector<16xi32>
      %select_n3A_722 = arith.select %and3A_711, %min3A_719, %broadcast_in_dim3A_721 : vector<16xi1>, vector<16xi32>
      tpu.vector_store_idx %arg13[%select_n3A_722], %broadcast_in_dim3A_9 masked %and3A_711 {add = true} : memref<128xi32, #tpu.memory_space<vmem>>[vector<16xi32>], vector<16xi32>, vector<16xi1>
      %mul3A_723 = arith.constant 8 : i32
      %mul3A_724 = arith.muli %scan3A_487, %mul3A_723 : i32
      %add3A_725 = arith.constant 7 : i32
      %add3A_726 = arith.addi %mul3A_724, %add3A_725 : i32
      %mul3A_727 = arith.constant 16 : i32
      %mul3A_728 = arith.muli %add3A_726, %mul3A_727 : i32
      %get3A_729 = arith.index_cast %mul3A_728 : i32 to index
      %get3A_730 = tpu.vector_load %arg8[%get3A_729] {strides = array<i32>} : memref<16384xi32, #tpu.memory_space<vmem>>, vector<16xi32>,
      %ne3A_731 = arith.constant 0 : i32
      %ne3A_732 = vector.broadcast %ne3A_731 : i32 to vector<16xi32>
      %ne3A_733 = arith.cmpi ne, %get3A_730, %ne3A_732 : vector<16xi32>
      %get3A_734 = arith.index_cast %mul3A_728 : i32 to index
      %get3A_735 = tpu.vector_load %arg7[%get3A_734] {strides = array<i32>} : memref<16384xi32, #tpu.memory_space<vmem>>, vector<16xi32>,
      %jit3A_736 = arith.constant 1000000 : i32
      %broadcast_in_dim3A_737 = vector.broadcast %jit3A_736 : i32 to vector<16xi32>
      %select_n3A_738 = arith.select %ne3A_733, %broadcast_in_dim3A_737, %get3A_735 : vector<16xi1>, vector<16xi32>
      %swap3A_739 = arith.index_cast %mul3A_728 : i32 to index
      %swap3A_740 = tpu.vector_load %arg7[%swap3A_739] {strides = array<i32>} : memref<16384xi32, #tpu.memory_space<vmem>>, vector<16xi32>,
      tpu.vector_store %arg7[%swap3A_739], %select_n3A_738 {strides = array<i32>} : memref<16384xi32, #tpu.memory_space<vmem>>, vector<16xi32>,
      %ge3A_741 = vector.broadcast %mul3A_3 : i32 to vector<16xi32>
      %ge3A_742 = arith.cmpi sge, %select_n3A_738, %ge3A_741 : vector<16xi32>
      %lt3A_743 = vector.broadcast %select_n3A : i32 to vector<16xi32>
      %lt3A_744 = arith.cmpi slt, %select_n3A_738, %lt3A_743 : vector<16xi32>
      %and3A_745 = arith.andi %ge3A_742, %lt3A_744 : vector<16xi1>
      %sub3A_746 = vector.broadcast %mul3A_3 : i32 to vector<16xi32>
      %sub3A_747 = arith.subi %select_n3A_738, %sub3A_746 : vector<16xi32>
      %shift_right_logical3A_748 = arith.constant 9 : i32
      %shift_right_logical3A_749 = vector.broadcast %shift_right_logical3A_748 : i32 to vector<16xi32>
      %shift_right_logical3A_750 = arith.shrui %sub3A_747, %shift_right_logical3A_749 : vector<16xi32>
      %min3A_751 = arith.constant 62 : i32
      %min3A_752 = vector.broadcast %min3A_751 : i32 to vector<16xi32>
      %min3A_753 = arith.minsi %shift_right_logical3A_750, %min3A_752 : vector<16xi32>
      %jit3A_754 = arith.constant 0 : i32
      %broadcast_in_dim3A_755 = vector.broadcast %jit3A_754 : i32 to vector<16xi32>
      %select_n3A_756 = arith.select %and3A_745, %min3A_753, %broadcast_in_dim3A_755 : vector<16xi1>, vector<16xi32>
      tpu.vector_store_idx %arg14[%select_n3A_756], %broadcast_in_dim3A_9 masked %and3A_745 {add = true} : memref<128xi32, #tpu.memory_space<vmem>>[vector<16xi32>], vector<16xi32>, vector<16xi1>
      %scan3A_757 = arith.constant 0 : i32
      scf.yield %scan3A_757 : i32
    }
    %scan3A_108 = arith.constant 128 : i32
    %get3A = arith.constant 0 : index
    %get3A_109 = tpu.vector_load %arg11[%get3A] {strides = array<i32>} : memref<128xi32, #tpu.memory_space<vmem>>, vector<16xi32>,
    %get3A_110 = arith.constant 0 : index
    %get3A_111 = tpu.vector_load %arg12[%get3A_110] {strides = array<i32>} : memref<128xi32, #tpu.memory_space<vmem>>, vector<16xi32>,
    %add3A_112 = arith.addi %get3A_109, %get3A_111 : vector<16xi32>
    %get3A_113 = arith.constant 0 : index
    %get3A_114 = tpu.vector_load %arg13[%get3A_113] {strides = array<i32>} : memref<128xi32, #tpu.memory_space<vmem>>, vector<16xi32>,
    %add3A_115 = arith.addi %add3A_112, %get3A_114 : vector<16xi32>
    %get3A_116 = arith.constant 0 : index
    %get3A_117 = tpu.vector_load %arg14[%get3A_116] {strides = array<i32>} : memref<128xi32, #tpu.memory_space<vmem>>, vector<16xi32>,
    %add3A_118 = arith.addi %add3A_115, %get3A_117 : vector<16xi32>
    %swap3A_119 = arith.constant 0 : index
    %swap3A_120 = tpu.vector_load %arg11[%swap3A_119] {strides = array<i32>} : memref<128xi32, #tpu.memory_space<vmem>>, vector<16xi32>,
    tpu.vector_store %arg11[%swap3A_119], %add3A_118 {strides = array<i32>} : memref<128xi32, #tpu.memory_space<vmem>>, vector<16xi32>,
    %get3A_121 = arith.constant 16 : index
    %get3A_122 = tpu.vector_load %arg11[%get3A_121] {strides = array<i32>} : memref<128xi32, #tpu.memory_space<vmem>>, vector<16xi32>,
    %get3A_123 = arith.constant 16 : index
    %get3A_124 = tpu.vector_load %arg12[%get3A_123] {strides = array<i32>} : memref<128xi32, #tpu.memory_space<vmem>>, vector<16xi32>,
    %add3A_125 = arith.addi %get3A_122, %get3A_124 : vector<16xi32>
    %get3A_126 = arith.constant 16 : index
    %get3A_127 = tpu.vector_load %arg13[%get3A_126] {strides = array<i32>} : memref<128xi32, #tpu.memory_space<vmem>>, vector<16xi32>,
    %add3A_128 = arith.addi %add3A_125, %get3A_127 : vector<16xi32>
    %get3A_129 = arith.constant 16 : index
    %get3A_130 = tpu.vector_load %arg14[%get3A_129] {strides = array<i32>} : memref<128xi32, #tpu.memory_space<vmem>>, vector<16xi32>,
    %add3A_131 = arith.addi %add3A_128, %get3A_130 : vector<16xi32>
    %swap3A_132 = arith.constant 16 : index
    %swap3A_133 = tpu.vector_load %arg11[%swap3A_132] {strides = array<i32>} : memref<128xi32, #tpu.memory_space<vmem>>, vector<16xi32>,
    tpu.vector_store %arg11[%swap3A_132], %add3A_131 {strides = array<i32>} : memref<128xi32, #tpu.memory_space<vmem>>, vector<16xi32>,
    %get3A_134 = arith.constant 32 : index
    %get3A_135 = tpu.vector_load %arg11[%get3A_134] {strides = array<i32>} : memref<128xi32, #tpu.memory_space<vmem>>, vector<16xi32>,
    %get3A_136 = arith.constant 32 : index
    %get3A_137 = tpu.vector_load %arg12[%get3A_136] {strides = array<i32>} : memref<128xi32, #tpu.memory_space<vmem>>, vector<16xi32>,
    %add3A_138 = arith.addi %get3A_135, %get3A_137 : vector<16xi32>
    %get3A_139 = arith.constant 32 : index
    %get3A_140 = tpu.vector_load %arg13[%get3A_139] {strides = array<i32>} : memref<128xi32, #tpu.memory_space<vmem>>, vector<16xi32>,
    %add3A_141 = arith.addi %add3A_138, %get3A_140 : vector<16xi32>
    %get3A_142 = arith.constant 32 : index
    %get3A_143 = tpu.vector_load %arg14[%get3A_142] {strides = array<i32>} : memref<128xi32, #tpu.memory_space<vmem>>, vector<16xi32>,
    %add3A_144 = arith.addi %add3A_141, %get3A_143 : vector<16xi32>
    %swap3A_145 = arith.constant 32 : index
    %swap3A_146 = tpu.vector_load %arg11[%swap3A_145] {strides = array<i32>} : memref<128xi32, #tpu.memory_space<vmem>>, vector<16xi32>,
    tpu.vector_store %arg11[%swap3A_145], %add3A_144 {strides = array<i32>} : memref<128xi32, #tpu.memory_space<vmem>>, vector<16xi32>,
    %get3A_147 = arith.constant 48 : index
    %get3A_148 = tpu.vector_load %arg11[%get3A_147] {strides = array<i32>} : memref<128xi32, #tpu.memory_space<vmem>>, vector<16xi32>,
    %get3A_149 = arith.constant 48 : index
    %get3A_150 = tpu.vector_load %arg12[%get3A_149] {strides = array<i32>} : memref<128xi32, #tpu.memory_space<vmem>>, vector<16xi32>,
    %add3A_151 = arith.addi %get3A_148, %get3A_150 : vector<16xi32>
    %get3A_152 = arith.constant 48 : index
    %get3A_153 = tpu.vector_load %arg13[%get3A_152] {strides = array<i32>} : memref<128xi32, #tpu.memory_space<vmem>>, vector<16xi32>,
    %add3A_154 = arith.addi %add3A_151, %get3A_153 : vector<16xi32>
    %get3A_155 = arith.constant 48 : index
    %get3A_156 = tpu.vector_load %arg14[%get3A_155] {strides = array<i32>} : memref<128xi32, #tpu.memory_space<vmem>>, vector<16xi32>,
    %add3A_157 = arith.addi %add3A_154, %get3A_156 : vector<16xi32>
    %swap3A_158 = arith.constant 48 : index
    %swap3A_159 = tpu.vector_load %arg11[%swap3A_158] {strides = array<i32>} : memref<128xi32, #tpu.memory_space<vmem>>, vector<16xi32>,
    tpu.vector_store %arg11[%swap3A_158], %add3A_157 {strides = array<i32>} : memref<128xi32, #tpu.memory_space<vmem>>, vector<16xi32>,
    %get3A_160 = arith.constant 0 : index
    %get3A_161 = tpu.vector_load %arg11[%get3A_160] {strides = array<i32>} : memref<128xi32, #tpu.memory_space<vmem>>, vector<16xi32>,
    %broadcast_in_dim3A_162 = arith.constant true
    %broadcast_in_dim3A_163 = vector.broadcast %broadcast_in_dim3A_162 : i1 to vector<16xi1>
    %masked_cumsum3A = tpu.scan <sum>, %get3A_161 masked %broadcast_in_dim3A_163 : vector<16xi32>, vector<16xi1> -> vector<16xi32>
    %sub3A = arith.subi %masked_cumsum3A, %get3A_161 : vector<16xi32>
    %add3A_164 = arith.constant 0 : i32
    %add3A_165 = vector.broadcast %add3A_164 : i32 to vector<16xi32>
    %add3A_166 = arith.addi %sub3A, %add3A_165 : vector<16xi32>
    %swap3A_167 = arith.constant 0 : index
    %swap3A_168 = tpu.vector_load %arg15[%swap3A_167] {strides = array<i32>} : memref<128xi32, #tpu.memory_space<vmem>>, vector<16xi32>,
    tpu.vector_store %arg15[%swap3A_167], %add3A_166 {strides = array<i32>} : memref<128xi32, #tpu.memory_space<vmem>>, vector<16xi32>,
    %reduce_sum3A = arith.constant true
    %reduce_sum3A_169 = vector.broadcast %reduce_sum3A : i1 to vector<16xi1>
    %reduce_sum3A_170 = tpu.scan <sum>, %get3A_161 masked %reduce_sum3A_169 : vector<16xi32>, vector<16xi1> -> vector<16xi32>
    %reduce_sum3A_171 = vector.extract %reduce_sum3A_170[15] : i32 from vector<16xi32>
    %add3A_172 = arith.constant 0 : i32
    %add3A_173 = arith.addi %add3A_172, %reduce_sum3A_171 : i32
    %get3A_174 = arith.constant 16 : index
    %get3A_175 = tpu.vector_load %arg11[%get3A_174] {strides = array<i32>} : memref<128xi32, #tpu.memory_space<vmem>>, vector<16xi32>,
    %broadcast_in_dim3A_176 = arith.constant true
    %broadcast_in_dim3A_177 = vector.broadcast %broadcast_in_dim3A_176 : i1 to vector<16xi1>
    %masked_cumsum3A_178 = tpu.scan <sum>, %get3A_175 masked %broadcast_in_dim3A_177 : vector<16xi32>, vector<16xi1> -> vector<16xi32>
    %sub3A_179 = arith.subi %masked_cumsum3A_178, %get3A_175 : vector<16xi32>
    %add3A_180 = vector.broadcast %add3A_173 : i32 to vector<16xi32>
    %add3A_181 = arith.addi %sub3A_179, %add3A_180 : vector<16xi32>
    %swap3A_182 = arith.constant 16 : index
    %swap3A_183 = tpu.vector_load %arg15[%swap3A_182] {strides = array<i32>} : memref<128xi32, #tpu.memory_space<vmem>>, vector<16xi32>,
    tpu.vector_store %arg15[%swap3A_182], %add3A_181 {strides = array<i32>} : memref<128xi32, #tpu.memory_space<vmem>>, vector<16xi32>,
    %reduce_sum3A_184 = arith.constant true
    %reduce_sum3A_185 = vector.broadcast %reduce_sum3A_184 : i1 to vector<16xi1>
    %reduce_sum3A_186 = tpu.scan <sum>, %get3A_175 masked %reduce_sum3A_185 : vector<16xi32>, vector<16xi1> -> vector<16xi32>
    %reduce_sum3A_187 = vector.extract %reduce_sum3A_186[15] : i32 from vector<16xi32>
    %add3A_188 = arith.addi %add3A_173, %reduce_sum3A_187 : i32
    %get3A_189 = arith.constant 32 : index
    %get3A_190 = tpu.vector_load %arg11[%get3A_189] {strides = array<i32>} : memref<128xi32, #tpu.memory_space<vmem>>, vector<16xi32>,
    %broadcast_in_dim3A_191 = arith.constant true
    %broadcast_in_dim3A_192 = vector.broadcast %broadcast_in_dim3A_191 : i1 to vector<16xi1>
    %masked_cumsum3A_193 = tpu.scan <sum>, %get3A_190 masked %broadcast_in_dim3A_192 : vector<16xi32>, vector<16xi1> -> vector<16xi32>
    %sub3A_194 = arith.subi %masked_cumsum3A_193, %get3A_190 : vector<16xi32>
    %add3A_195 = vector.broadcast %add3A_188 : i32 to vector<16xi32>
    %add3A_196 = arith.addi %sub3A_194, %add3A_195 : vector<16xi32>
    %swap3A_197 = arith.constant 32 : index
    %swap3A_198 = tpu.vector_load %arg15[%swap3A_197] {strides = array<i32>} : memref<128xi32, #tpu.memory_space<vmem>>, vector<16xi32>,
    tpu.vector_store %arg15[%swap3A_197], %add3A_196 {strides = array<i32>} : memref<128xi32, #tpu.memory_space<vmem>>, vector<16xi32>,
    %reduce_sum3A_199 = arith.constant true
    %reduce_sum3A_200 = vector.broadcast %reduce_sum3A_199 : i1 to vector<16xi1>
    %reduce_sum3A_201 = tpu.scan <sum>, %get3A_190 masked %reduce_sum3A_200 : vector<16xi32>, vector<16xi1> -> vector<16xi32>
    %reduce_sum3A_202 = vector.extract %reduce_sum3A_201[15] : i32 from vector<16xi32>
    %add3A_203 = arith.addi %add3A_188, %reduce_sum3A_202 : i32
    %get3A_204 = arith.constant 48 : index
    %get3A_205 = tpu.vector_load %arg11[%get3A_204] {strides = array<i32>} : memref<128xi32, #tpu.memory_space<vmem>>, vector<16xi32>,
    %broadcast_in_dim3A_206 = arith.constant true
    %broadcast_in_dim3A_207 = vector.broadcast %broadcast_in_dim3A_206 : i1 to vector<16xi1>
    %masked_cumsum3A_208 = tpu.scan <sum>, %get3A_205 masked %broadcast_in_dim3A_207 : vector<16xi32>, vector<16xi1> -> vector<16xi32>
    %sub3A_209 = arith.subi %masked_cumsum3A_208, %get3A_205 : vector<16xi32>
    %add3A_210 = vector.broadcast %add3A_203 : i32 to vector<16xi32>
    %add3A_211 = arith.addi %sub3A_209, %add3A_210 : vector<16xi32>
    %swap3A_212 = arith.constant 48 : index
    %swap3A_213 = tpu.vector_load %arg15[%swap3A_212] {strides = array<i32>} : memref<128xi32, #tpu.memory_space<vmem>>, vector<16xi32>,
    tpu.vector_store %arg15[%swap3A_212], %add3A_211 {strides = array<i32>} : memref<128xi32, #tpu.memory_space<vmem>>, vector<16xi32>,
    %reduce_sum3A_214 = arith.constant true
    %reduce_sum3A_215 = vector.broadcast %reduce_sum3A_214 : i1 to vector<16xi1>
    %reduce_sum3A_216 = tpu.scan <sum>, %get3A_205 masked %reduce_sum3A_215 : vector<16xi32>, vector<16xi1> -> vector<16xi32>
    %reduce_sum3A_217 = vector.extract %reduce_sum3A_216[15] : i32 from vector<16xi32>
    %add3A_218 = arith.addi %add3A_203, %reduce_sum3A_217 : i32
    %get3A_219 = arith.constant 64 : index
    %get3A_220 = tpu.vector_load %arg11[%get3A_219] {strides = array<i32>} : memref<128xi32, #tpu.memory_space<vmem>>, vector<16xi32>,
    %broadcast_in_dim3A_221 = arith.constant true
    %broadcast_in_dim3A_222 = vector.broadcast %broadcast_in_dim3A_221 : i1 to vector<16xi1>
    %masked_cumsum3A_223 = tpu.scan <sum>, %get3A_220 masked %broadcast_in_dim3A_222 : vector<16xi32>, vector<16xi1> -> vector<16xi32>
    %sub3A_224 = arith.subi %masked_cumsum3A_223, %get3A_220 : vector<16xi32>
    %add3A_225 = vector.broadcast %add3A_218 : i32 to vector<16xi32>
    %add3A_226 = arith.addi %sub3A_224, %add3A_225 : vector<16xi32>
    %swap3A_227 = arith.constant 64 : index
    %swap3A_228 = tpu.vector_load %arg15[%swap3A_227] {strides = array<i32>} : memref<128xi32, #tpu.memory_space<vmem>>, vector<16xi32>,
    tpu.vector_store %arg15[%swap3A_227], %add3A_226 {strides = array<i32>} : memref<128xi32, #tpu.memory_space<vmem>>, vector<16xi32>,
    %reduce_sum3A_229 = arith.constant true
    %reduce_sum3A_230 = vector.broadcast %reduce_sum3A_229 : i1 to vector<16xi1>
    %reduce_sum3A_231 = tpu.scan <sum>, %get3A_220 masked %reduce_sum3A_230 : vector<16xi32>, vector<16xi1> -> vector<16xi32>
    %reduce_sum3A_232 = vector.extract %reduce_sum3A_231[15] : i32 from vector<16xi32>
    %add3A_233 = arith.addi %add3A_218, %reduce_sum3A_232 : i32
    %get3A_234 = arith.constant 80 : index
    %get3A_235 = tpu.vector_load %arg11[%get3A_234] {strides = array<i32>} : memref<128xi32, #tpu.memory_space<vmem>>, vector<16xi32>,
    %broadcast_in_dim3A_236 = arith.constant true
    %broadcast_in_dim3A_237 = vector.broadcast %broadcast_in_dim3A_236 : i1 to vector<16xi1>
    %masked_cumsum3A_238 = tpu.scan <sum>, %get3A_235 masked %broadcast_in_dim3A_237 : vector<16xi32>, vector<16xi1> -> vector<16xi32>
    %sub3A_239 = arith.subi %masked_cumsum3A_238, %get3A_235 : vector<16xi32>
    %add3A_240 = vector.broadcast %add3A_233 : i32 to vector<16xi32>
    %add3A_241 = arith.addi %sub3A_239, %add3A_240 : vector<16xi32>
    %swap3A_242 = arith.constant 80 : index
    %swap3A_243 = tpu.vector_load %arg15[%swap3A_242] {strides = array<i32>} : memref<128xi32, #tpu.memory_space<vmem>>, vector<16xi32>,
    tpu.vector_store %arg15[%swap3A_242], %add3A_241 {strides = array<i32>} : memref<128xi32, #tpu.memory_space<vmem>>, vector<16xi32>,
    %reduce_sum3A_244 = arith.constant true
    %reduce_sum3A_245 = vector.broadcast %reduce_sum3A_244 : i1 to vector<16xi1>
    %reduce_sum3A_246 = tpu.scan <sum>, %get3A_235 masked %reduce_sum3A_245 : vector<16xi32>, vector<16xi1> -> vector<16xi32>
    %reduce_sum3A_247 = vector.extract %reduce_sum3A_246[15] : i32 from vector<16xi32>
    %add3A_248 = arith.addi %add3A_233, %reduce_sum3A_247 : i32
    %get3A_249 = arith.constant 96 : index
    %get3A_250 = tpu.vector_load %arg11[%get3A_249] {strides = array<i32>} : memref<128xi32, #tpu.memory_space<vmem>>, vector<16xi32>,
    %broadcast_in_dim3A_251 = arith.constant true
    %broadcast_in_dim3A_252 = vector.broadcast %broadcast_in_dim3A_251 : i1 to vector<16xi1>
    %masked_cumsum3A_253 = tpu.scan <sum>, %get3A_250 masked %broadcast_in_dim3A_252 : vector<16xi32>, vector<16xi1> -> vector<16xi32>
    %sub3A_254 = arith.subi %masked_cumsum3A_253, %get3A_250 : vector<16xi32>
    %add3A_255 = vector.broadcast %add3A_248 : i32 to vector<16xi32>
    %add3A_256 = arith.addi %sub3A_254, %add3A_255 : vector<16xi32>
    %swap3A_257 = arith.constant 96 : index
    %swap3A_258 = tpu.vector_load %arg15[%swap3A_257] {strides = array<i32>} : memref<128xi32, #tpu.memory_space<vmem>>, vector<16xi32>,
    tpu.vector_store %arg15[%swap3A_257], %add3A_256 {strides = array<i32>} : memref<128xi32, #tpu.memory_space<vmem>>, vector<16xi32>,
    %reduce_sum3A_259 = arith.constant true
    %reduce_sum3A_260 = vector.broadcast %reduce_sum3A_259 : i1 to vector<16xi1>
    %reduce_sum3A_261 = tpu.scan <sum>, %get3A_250 masked %reduce_sum3A_260 : vector<16xi32>, vector<16xi1> -> vector<16xi32>
    %reduce_sum3A_262 = vector.extract %reduce_sum3A_261[15] : i32 from vector<16xi32>
    %add3A_263 = arith.addi %add3A_248, %reduce_sum3A_262 : i32
    %get3A_264 = arith.constant 112 : index
    %get3A_265 = tpu.vector_load %arg11[%get3A_264] {strides = array<i32>} : memref<128xi32, #tpu.memory_space<vmem>>, vector<16xi32>,
    %broadcast_in_dim3A_266 = arith.constant true
    %broadcast_in_dim3A_267 = vector.broadcast %broadcast_in_dim3A_266 : i1 to vector<16xi1>
    %masked_cumsum3A_268 = tpu.scan <sum>, %get3A_265 masked %broadcast_in_dim3A_267 : vector<16xi32>, vector<16xi1> -> vector<16xi32>
    %sub3A_269 = arith.subi %masked_cumsum3A_268, %get3A_265 : vector<16xi32>
    %add3A_270 = vector.broadcast %add3A_263 : i32 to vector<16xi32>
    %add3A_271 = arith.addi %sub3A_269, %add3A_270 : vector<16xi32>
    %swap3A_272 = arith.constant 112 : index
    %swap3A_273 = tpu.vector_load %arg15[%swap3A_272] {strides = array<i32>} : memref<128xi32, #tpu.memory_space<vmem>>, vector<16xi32>,
    tpu.vector_store %arg15[%swap3A_272], %add3A_271 {strides = array<i32>} : memref<128xi32, #tpu.memory_space<vmem>>, vector<16xi32>,
    %reduce_sum3A_274 = arith.constant true
    %reduce_sum3A_275 = vector.broadcast %reduce_sum3A_274 : i1 to vector<16xi1>
    %reduce_sum3A_276 = tpu.scan <sum>, %get3A_265 masked %reduce_sum3A_275 : vector<16xi32>, vector<16xi1> -> vector<16xi32>
    %reduce_sum3A_277 = vector.extract %reduce_sum3A_276[15] : i32 from vector<16xi32>
    %add3A_278 = arith.addi %add3A_263, %reduce_sum3A_277 : i32
    %broadcast_in_dim3A_279 = arith.constant 0 : i32
    %broadcast_in_dim3A_280 = vector.broadcast %broadcast_in_dim3A_279 : i32 to vector<16xi32>
    %broadcast_in_dim3A_281 = arith.constant true
    %broadcast_in_dim3A_282 = vector.broadcast %broadcast_in_dim3A_281 : i1 to vector<16xi1>
    %unique3A, %unique3A_283 = tpu.scan_count mask(%broadcast_in_dim3A_282 : vector<16xi1>) value(%broadcast_in_dim3A_280 : vector<16xi32>) : vector<16xi1>, vector<16xi32>
    %reduce_min3A = arith.constant true
    %reduce_min3A_284 = vector.broadcast %reduce_min3A : i1 to vector<16xi1>
    %reduce_min3A_285 = arith.constant -2147483648 : i32
    %reduce_min3A_286 = vector.broadcast %reduce_min3A_285 : i32 to vector<16xi32>
    %reduce_min3A_287 = arith.xori %unique3A_283, %reduce_min3A_286 : vector<16xi32>
    %reduce_min3A_288 = tpu.scan <min>, %reduce_min3A_287 masked %reduce_min3A_284 : vector<16xi32>, vector<16xi1> -> vector<16xi32>
    %reduce_min3A_289 = arith.xori %reduce_min3A_288, %reduce_min3A_286 : vector<16xi32>
    %reduce_min3A_290 = vector.extract %reduce_min3A_289[15] : i32 from vector<16xi32>
    %scan3A_291 = arith.constant 0 : i32
    %scan3A_292 = arith.constant 0 : i32
    %scan3A_293 = arith.constant 128 : i32
    %scan3A_294 = arith.addi %scan3A_292, %scan3A_293 : i32
    %scan3A_295 = arith.constant 1 : i32
    %scan3A_296 = scf.for %scan3A_487 = %scan3A_292 to %scan3A_294 step %scan3A_295 iter_args(%scan3A_488 = %scan3A_291) -> (i32)  : i32 {
      %mul3A_489 = arith.constant 8 : i32
      %mul3A_490 = arith.muli %scan3A_487, %mul3A_489 : i32
      %add3A_491 = arith.constant 0 : i32
      %add3A_492 = arith.addi %mul3A_490, %add3A_491 : i32
      %mul3A_493 = arith.constant 16 : i32
      %mul3A_494 = arith.muli %add3A_492, %mul3A_493 : i32
      %get3A_495 = arith.index_cast %mul3A_494 : i32 to index
      %get3A_496 = tpu.vector_load %arg7[%get3A_495] {strides = array<i32>} : memref<16384xi32, #tpu.memory_space<vmem>>, vector<16xi32>,
      %ge3A = vector.broadcast %mul3A_3 : i32 to vector<16xi32>
      %ge3A_497 = arith.cmpi sge, %get3A_496, %ge3A : vector<16xi32>
      %lt3A = vector.broadcast %select_n3A : i32 to vector<16xi32>
      %lt3A_498 = arith.cmpi slt, %get3A_496, %lt3A : vector<16xi32>
      %and3A_499 = arith.andi %ge3A_497, %lt3A_498 : vector<16xi1>
      %sub3A_500 = vector.broadcast %mul3A_3 : i32 to vector<16xi32>
      %sub3A_501 = arith.subi %get3A_496, %sub3A_500 : vector<16xi32>
      %shift_right_logical3A = arith.constant 9 : i32
      %shift_right_logical3A_502 = vector.broadcast %shift_right_logical3A : i32 to vector<16xi32>
      %shift_right_logical3A_503 = arith.shrui %sub3A_501, %shift_right_logical3A_502 : vector<16xi32>
      %min3A = arith.constant 62 : i32
      %min3A_504 = vector.broadcast %min3A : i32 to vector<16xi32>
      %min3A_505 = arith.minsi %shift_right_logical3A_503, %min3A_504 : vector<16xi32>
      %jit3A_506 = arith.constant 0 : i32
      %broadcast_in_dim3A_507 = vector.broadcast %jit3A_506 : i32 to vector<16xi32>
      %select_n3A_508 = arith.select %and3A_499, %min3A_505, %broadcast_in_dim3A_507 : vector<16xi1>, vector<16xi32>
      %mul3A_509 = arith.constant 16 : i32
      %mul3A_510 = arith.muli %add3A_492, %mul3A_509 : i32
      %iota3A_511 = tpu.iota {dimensions = array<i32: 0>} : vector<16xi32>
      %add3A_512 = vector.broadcast %mul3A_510 : i32 to vector<16xi32>
      %add3A_513 = arith.addi %add3A_512, %iota3A_511 : vector<16xi32>
      %gather3A = tpu.vector_load_idx %arg15[%select_n3A_508] : memref<128xi32, #tpu.memory_space<vmem>>[vector<16xi32>], vector<16xi32>,
      %unique3A_514, %unique3A_515 = tpu.scan_count mask(%and3A_499 : vector<16xi1>) value(%select_n3A_508 : vector<16xi32>) : vector<16xi1>, vector<16xi32>
      %sub3A_516 = vector.broadcast %reduce_min3A_290 : i32 to vector<16xi32>
      %sub3A_517 = arith.subi %unique3A_515, %sub3A_516 : vector<16xi32>
      %add3A_518 = arith.addi %gather3A, %sub3A_517 : vector<16xi32>
      tpu.vector_store_idx %arg9[%add3A_518], %get3A_496 masked %and3A_499 : memref<16640xi32, #tpu.memory_space<vmem>>[vector<16xi32>], vector<16xi32>, vector<16xi1>
      tpu.vector_store_idx %arg10[%add3A_518], %add3A_513 masked %and3A_499 : memref<16640xi32, #tpu.memory_space<vmem>>[vector<16xi32>], vector<16xi32>, vector<16xi1>
      tpu.vector_store_idx %arg15[%select_n3A_508], %broadcast_in_dim3A_9 masked %and3A_499 {add = true} : memref<128xi32, #tpu.memory_space<vmem>>[vector<16xi32>], vector<16xi32>, vector<16xi1>
      %mul3A_519 = arith.constant 8 : i32
      %mul3A_520 = arith.muli %scan3A_487, %mul3A_519 : i32
      %add3A_521 = arith.constant 1 : i32
      %add3A_522 = arith.addi %mul3A_520, %add3A_521 : i32
      %mul3A_523 = arith.constant 16 : i32
      %mul3A_524 = arith.muli %add3A_522, %mul3A_523 : i32
      %get3A_525 = arith.index_cast %mul3A_524 : i32 to index
      %get3A_526 = tpu.vector_load %arg7[%get3A_525] {strides = array<i32>} : memref<16384xi32, #tpu.memory_space<vmem>>, vector<16xi32>,
      %ge3A_527 = vector.broadcast %mul3A_3 : i32 to vector<16xi32>
      %ge3A_528 = arith.cmpi sge, %get3A_526, %ge3A_527 : vector<16xi32>
      %lt3A_529 = vector.broadcast %select_n3A : i32 to vector<16xi32>
      %lt3A_530 = arith.cmpi slt, %get3A_526, %lt3A_529 : vector<16xi32>
      %and3A_531 = arith.andi %ge3A_528, %lt3A_530 : vector<16xi1>
      %sub3A_532 = vector.broadcast %mul3A_3 : i32 to vector<16xi32>
      %sub3A_533 = arith.subi %get3A_526, %sub3A_532 : vector<16xi32>
      %shift_right_logical3A_534 = arith.constant 9 : i32
      %shift_right_logical3A_535 = vector.broadcast %shift_right_logical3A_534 : i32 to vector<16xi32>
      %shift_right_logical3A_536 = arith.shrui %sub3A_533, %shift_right_logical3A_535 : vector<16xi32>
      %min3A_537 = arith.constant 62 : i32
      %min3A_538 = vector.broadcast %min3A_537 : i32 to vector<16xi32>
      %min3A_539 = arith.minsi %shift_right_logical3A_536, %min3A_538 : vector<16xi32>
      %jit3A_540 = arith.constant 0 : i32
      %broadcast_in_dim3A_541 = vector.broadcast %jit3A_540 : i32 to vector<16xi32>
      %select_n3A_542 = arith.select %and3A_531, %min3A_539, %broadcast_in_dim3A_541 : vector<16xi1>, vector<16xi32>
      %mul3A_543 = arith.constant 16 : i32
      %mul3A_544 = arith.muli %add3A_522, %mul3A_543 : i32
      %iota3A_545 = tpu.iota {dimensions = array<i32: 0>} : vector<16xi32>
      %add3A_546 = vector.broadcast %mul3A_544 : i32 to vector<16xi32>
      %add3A_547 = arith.addi %add3A_546, %iota3A_545 : vector<16xi32>
      %gather3A_548 = tpu.vector_load_idx %arg15[%select_n3A_542] : memref<128xi32, #tpu.memory_space<vmem>>[vector<16xi32>], vector<16xi32>,
      %unique3A_549, %unique3A_550 = tpu.scan_count mask(%and3A_531 : vector<16xi1>) value(%select_n3A_542 : vector<16xi32>) : vector<16xi1>, vector<16xi32>
      %sub3A_551 = vector.broadcast %reduce_min3A_290 : i32 to vector<16xi32>
      %sub3A_552 = arith.subi %unique3A_550, %sub3A_551 : vector<16xi32>
      %add3A_553 = arith.addi %gather3A_548, %sub3A_552 : vector<16xi32>
      tpu.vector_store_idx %arg9[%add3A_553], %get3A_526 masked %and3A_531 : memref<16640xi32, #tpu.memory_space<vmem>>[vector<16xi32>], vector<16xi32>, vector<16xi1>
      tpu.vector_store_idx %arg10[%add3A_553], %add3A_547 masked %and3A_531 : memref<16640xi32, #tpu.memory_space<vmem>>[vector<16xi32>], vector<16xi32>, vector<16xi1>
      tpu.vector_store_idx %arg15[%select_n3A_542], %broadcast_in_dim3A_9 masked %and3A_531 {add = true} : memref<128xi32, #tpu.memory_space<vmem>>[vector<16xi32>], vector<16xi32>, vector<16xi1>
      %mul3A_554 = arith.constant 8 : i32
      %mul3A_555 = arith.muli %scan3A_487, %mul3A_554 : i32
      %add3A_556 = arith.constant 2 : i32
      %add3A_557 = arith.addi %mul3A_555, %add3A_556 : i32
      %mul3A_558 = arith.constant 16 : i32
      %mul3A_559 = arith.muli %add3A_557, %mul3A_558 : i32
      %get3A_560 = arith.index_cast %mul3A_559 : i32 to index
      %get3A_561 = tpu.vector_load %arg7[%get3A_560] {strides = array<i32>} : memref<16384xi32, #tpu.memory_space<vmem>>, vector<16xi32>,
      %ge3A_562 = vector.broadcast %mul3A_3 : i32 to vector<16xi32>
      %ge3A_563 = arith.cmpi sge, %get3A_561, %ge3A_562 : vector<16xi32>
      %lt3A_564 = vector.broadcast %select_n3A : i32 to vector<16xi32>
      %lt3A_565 = arith.cmpi slt, %get3A_561, %lt3A_564 : vector<16xi32>
      %and3A_566 = arith.andi %ge3A_563, %lt3A_565 : vector<16xi1>
      %sub3A_567 = vector.broadcast %mul3A_3 : i32 to vector<16xi32>
      %sub3A_568 = arith.subi %get3A_561, %sub3A_567 : vector<16xi32>
      %shift_right_logical3A_569 = arith.constant 9 : i32
      %shift_right_logical3A_570 = vector.broadcast %shift_right_logical3A_569 : i32 to vector<16xi32>
      %shift_right_logical3A_571 = arith.shrui %sub3A_568, %shift_right_logical3A_570 : vector<16xi32>
      %min3A_572 = arith.constant 62 : i32
      %min3A_573 = vector.broadcast %min3A_572 : i32 to vector<16xi32>
      %min3A_574 = arith.minsi %shift_right_logical3A_571, %min3A_573 : vector<16xi32>
      %jit3A_575 = arith.constant 0 : i32
      %broadcast_in_dim3A_576 = vector.broadcast %jit3A_575 : i32 to vector<16xi32>
      %select_n3A_577 = arith.select %and3A_566, %min3A_574, %broadcast_in_dim3A_576 : vector<16xi1>, vector<16xi32>
      %mul3A_578 = arith.constant 16 : i32
      %mul3A_579 = arith.muli %add3A_557, %mul3A_578 : i32
      %iota3A_580 = tpu.iota {dimensions = array<i32: 0>} : vector<16xi32>
      %add3A_581 = vector.broadcast %mul3A_579 : i32 to vector<16xi32>
      %add3A_582 = arith.addi %add3A_581, %iota3A_580 : vector<16xi32>
      %gather3A_583 = tpu.vector_load_idx %arg15[%select_n3A_577] : memref<128xi32, #tpu.memory_space<vmem>>[vector<16xi32>], vector<16xi32>,
      %unique3A_584, %unique3A_585 = tpu.scan_count mask(%and3A_566 : vector<16xi1>) value(%select_n3A_577 : vector<16xi32>) : vector<16xi1>, vector<16xi32>
      %sub3A_586 = vector.broadcast %reduce_min3A_290 : i32 to vector<16xi32>
      %sub3A_587 = arith.subi %unique3A_585, %sub3A_586 : vector<16xi32>
      %add3A_588 = arith.addi %gather3A_583, %sub3A_587 : vector<16xi32>
      tpu.vector_store_idx %arg9[%add3A_588], %get3A_561 masked %and3A_566 : memref<16640xi32, #tpu.memory_space<vmem>>[vector<16xi32>], vector<16xi32>, vector<16xi1>
      tpu.vector_store_idx %arg10[%add3A_588], %add3A_582 masked %and3A_566 : memref<16640xi32, #tpu.memory_space<vmem>>[vector<16xi32>], vector<16xi32>, vector<16xi1>
      tpu.vector_store_idx %arg15[%select_n3A_577], %broadcast_in_dim3A_9 masked %and3A_566 {add = true} : memref<128xi32, #tpu.memory_space<vmem>>[vector<16xi32>], vector<16xi32>, vector<16xi1>
      %mul3A_589 = arith.constant 8 : i32
      %mul3A_590 = arith.muli %scan3A_487, %mul3A_589 : i32
      %add3A_591 = arith.constant 3 : i32
      %add3A_592 = arith.addi %mul3A_590, %add3A_591 : i32
      %mul3A_593 = arith.constant 16 : i32
      %mul3A_594 = arith.muli %add3A_592, %mul3A_593 : i32
      %get3A_595 = arith.index_cast %mul3A_594 : i32 to index
      %get3A_596 = tpu.vector_load %arg7[%get3A_595] {strides = array<i32>} : memref<16384xi32, #tpu.memory_space<vmem>>, vector<16xi32>,
      %ge3A_597 = vector.broadcast %mul3A_3 : i32 to vector<16xi32>
      %ge3A_598 = arith.cmpi sge, %get3A_596, %ge3A_597 : vector<16xi32>
      %lt3A_599 = vector.broadcast %select_n3A : i32 to vector<16xi32>
      %lt3A_600 = arith.cmpi slt, %get3A_596, %lt3A_599 : vector<16xi32>
      %and3A_601 = arith.andi %ge3A_598, %lt3A_600 : vector<16xi1>
      %sub3A_602 = vector.broadcast %mul3A_3 : i32 to vector<16xi32>
      %sub3A_603 = arith.subi %get3A_596, %sub3A_602 : vector<16xi32>
      %shift_right_logical3A_604 = arith.constant 9 : i32
      %shift_right_logical3A_605 = vector.broadcast %shift_right_logical3A_604 : i32 to vector<16xi32>
      %shift_right_logical3A_606 = arith.shrui %sub3A_603, %shift_right_logical3A_605 : vector<16xi32>
      %min3A_607 = arith.constant 62 : i32
      %min3A_608 = vector.broadcast %min3A_607 : i32 to vector<16xi32>
      %min3A_609 = arith.minsi %shift_right_logical3A_606, %min3A_608 : vector<16xi32>
      %jit3A_610 = arith.constant 0 : i32
      %broadcast_in_dim3A_611 = vector.broadcast %jit3A_610 : i32 to vector<16xi32>
      %select_n3A_612 = arith.select %and3A_601, %min3A_609, %broadcast_in_dim3A_611 : vector<16xi1>, vector<16xi32>
      %mul3A_613 = arith.constant 16 : i32
      %mul3A_614 = arith.muli %add3A_592, %mul3A_613 : i32
      %iota3A_615 = tpu.iota {dimensions = array<i32: 0>} : vector<16xi32>
      %add3A_616 = vector.broadcast %mul3A_614 : i32 to vector<16xi32>
      %add3A_617 = arith.addi %add3A_616, %iota3A_615 : vector<16xi32>
      %gather3A_618 = tpu.vector_load_idx %arg15[%select_n3A_612] : memref<128xi32, #tpu.memory_space<vmem>>[vector<16xi32>], vector<16xi32>,
      %unique3A_619, %unique3A_620 = tpu.scan_count mask(%and3A_601 : vector<16xi1>) value(%select_n3A_612 : vector<16xi32>) : vector<16xi1>, vector<16xi32>
      %sub3A_621 = vector.broadcast %reduce_min3A_290 : i32 to vector<16xi32>
      %sub3A_622 = arith.subi %unique3A_620, %sub3A_621 : vector<16xi32>
      %add3A_623 = arith.addi %gather3A_618, %sub3A_622 : vector<16xi32>
      tpu.vector_store_idx %arg9[%add3A_623], %get3A_596 masked %and3A_601 : memref<16640xi32, #tpu.memory_space<vmem>>[vector<16xi32>], vector<16xi32>, vector<16xi1>
      tpu.vector_store_idx %arg10[%add3A_623], %add3A_617 masked %and3A_601 : memref<16640xi32, #tpu.memory_space<vmem>>[vector<16xi32>], vector<16xi32>, vector<16xi1>
      tpu.vector_store_idx %arg15[%select_n3A_612], %broadcast_in_dim3A_9 masked %and3A_601 {add = true} : memref<128xi32, #tpu.memory_space<vmem>>[vector<16xi32>], vector<16xi32>, vector<16xi1>
      %mul3A_624 = arith.constant 8 : i32
      %mul3A_625 = arith.muli %scan3A_487, %mul3A_624 : i32
      %add3A_626 = arith.constant 4 : i32
      %add3A_627 = arith.addi %mul3A_625, %add3A_626 : i32
      %mul3A_628 = arith.constant 16 : i32
      %mul3A_629 = arith.muli %add3A_627, %mul3A_628 : i32
      %get3A_630 = arith.index_cast %mul3A_629 : i32 to index
      %get3A_631 = tpu.vector_load %arg7[%get3A_630] {strides = array<i32>} : memref<16384xi32, #tpu.memory_space<vmem>>, vector<16xi32>,
      %ge3A_632 = vector.broadcast %mul3A_3 : i32 to vector<16xi32>
      %ge3A_633 = arith.cmpi sge, %get3A_631, %ge3A_632 : vector<16xi32>
      %lt3A_634 = vector.broadcast %select_n3A : i32 to vector<16xi32>
      %lt3A_635 = arith.cmpi slt, %get3A_631, %lt3A_634 : vector<16xi32>
      %and3A_636 = arith.andi %ge3A_633, %lt3A_635 : vector<16xi1>
      %sub3A_637 = vector.broadcast %mul3A_3 : i32 to vector<16xi32>
      %sub3A_638 = arith.subi %get3A_631, %sub3A_637 : vector<16xi32>
      %shift_right_logical3A_639 = arith.constant 9 : i32
      %shift_right_logical3A_640 = vector.broadcast %shift_right_logical3A_639 : i32 to vector<16xi32>
      %shift_right_logical3A_641 = arith.shrui %sub3A_638, %shift_right_logical3A_640 : vector<16xi32>
      %min3A_642 = arith.constant 62 : i32
      %min3A_643 = vector.broadcast %min3A_642 : i32 to vector<16xi32>
      %min3A_644 = arith.minsi %shift_right_logical3A_641, %min3A_643 : vector<16xi32>
      %jit3A_645 = arith.constant 0 : i32
      %broadcast_in_dim3A_646 = vector.broadcast %jit3A_645 : i32 to vector<16xi32>
      %select_n3A_647 = arith.select %and3A_636, %min3A_644, %broadcast_in_dim3A_646 : vector<16xi1>, vector<16xi32>
      %mul3A_648 = arith.constant 16 : i32
      %mul3A_649 = arith.muli %add3A_627, %mul3A_648 : i32
      %iota3A_650 = tpu.iota {dimensions = array<i32: 0>} : vector<16xi32>
      %add3A_651 = vector.broadcast %mul3A_649 : i32 to vector<16xi32>
      %add3A_652 = arith.addi %add3A_651, %iota3A_650 : vector<16xi32>
      %gather3A_653 = tpu.vector_load_idx %arg15[%select_n3A_647] : memref<128xi32, #tpu.memory_space<vmem>>[vector<16xi32>], vector<16xi32>,
      %unique3A_654, %unique3A_655 = tpu.scan_count mask(%and3A_636 : vector<16xi1>) value(%select_n3A_647 : vector<16xi32>) : vector<16xi1>, vector<16xi32>
      %sub3A_656 = vector.broadcast %reduce_min3A_290 : i32 to vector<16xi32>
      %sub3A_657 = arith.subi %unique3A_655, %sub3A_656 : vector<16xi32>
      %add3A_658 = arith.addi %gather3A_653, %sub3A_657 : vector<16xi32>
      tpu.vector_store_idx %arg9[%add3A_658], %get3A_631 masked %and3A_636 : memref<16640xi32, #tpu.memory_space<vmem>>[vector<16xi32>], vector<16xi32>, vector<16xi1>
      tpu.vector_store_idx %arg10[%add3A_658], %add3A_652 masked %and3A_636 : memref<16640xi32, #tpu.memory_space<vmem>>[vector<16xi32>], vector<16xi32>, vector<16xi1>
      tpu.vector_store_idx %arg15[%select_n3A_647], %broadcast_in_dim3A_9 masked %and3A_636 {add = true} : memref<128xi32, #tpu.memory_space<vmem>>[vector<16xi32>], vector<16xi32>, vector<16xi1>
      %mul3A_659 = arith.constant 8 : i32
      %mul3A_660 = arith.muli %scan3A_487, %mul3A_659 : i32
      %add3A_661 = arith.constant 5 : i32
      %add3A_662 = arith.addi %mul3A_660, %add3A_661 : i32
      %mul3A_663 = arith.constant 16 : i32
      %mul3A_664 = arith.muli %add3A_662, %mul3A_663 : i32
      %get3A_665 = arith.index_cast %mul3A_664 : i32 to index
      %get3A_666 = tpu.vector_load %arg7[%get3A_665] {strides = array<i32>} : memref<16384xi32, #tpu.memory_space<vmem>>, vector<16xi32>,
      %ge3A_667 = vector.broadcast %mul3A_3 : i32 to vector<16xi32>
      %ge3A_668 = arith.cmpi sge, %get3A_666, %ge3A_667 : vector<16xi32>
      %lt3A_669 = vector.broadcast %select_n3A : i32 to vector<16xi32>
      %lt3A_670 = arith.cmpi slt, %get3A_666, %lt3A_669 : vector<16xi32>
      %and3A_671 = arith.andi %ge3A_668, %lt3A_670 : vector<16xi1>
      %sub3A_672 = vector.broadcast %mul3A_3 : i32 to vector<16xi32>
      %sub3A_673 = arith.subi %get3A_666, %sub3A_672 : vector<16xi32>
      %shift_right_logical3A_674 = arith.constant 9 : i32
      %shift_right_logical3A_675 = vector.broadcast %shift_right_logical3A_674 : i32 to vector<16xi32>
      %shift_right_logical3A_676 = arith.shrui %sub3A_673, %shift_right_logical3A_675 : vector<16xi32>
      %min3A_677 = arith.constant 62 : i32
      %min3A_678 = vector.broadcast %min3A_677 : i32 to vector<16xi32>
      %min3A_679 = arith.minsi %shift_right_logical3A_676, %min3A_678 : vector<16xi32>
      %jit3A_680 = arith.constant 0 : i32
      %broadcast_in_dim3A_681 = vector.broadcast %jit3A_680 : i32 to vector<16xi32>
      %select_n3A_682 = arith.select %and3A_671, %min3A_679, %broadcast_in_dim3A_681 : vector<16xi1>, vector<16xi32>
      %mul3A_683 = arith.constant 16 : i32
      %mul3A_684 = arith.muli %add3A_662, %mul3A_683 : i32
      %iota3A_685 = tpu.iota {dimensions = array<i32: 0>} : vector<16xi32>
      %add3A_686 = vector.broadcast %mul3A_684 : i32 to vector<16xi32>
      %add3A_687 = arith.addi %add3A_686, %iota3A_685 : vector<16xi32>
      %gather3A_688 = tpu.vector_load_idx %arg15[%select_n3A_682] : memref<128xi32, #tpu.memory_space<vmem>>[vector<16xi32>], vector<16xi32>,
      %unique3A_689, %unique3A_690 = tpu.scan_count mask(%and3A_671 : vector<16xi1>) value(%select_n3A_682 : vector<16xi32>) : vector<16xi1>, vector<16xi32>
      %sub3A_691 = vector.broadcast %reduce_min3A_290 : i32 to vector<16xi32>
      %sub3A_692 = arith.subi %unique3A_690, %sub3A_691 : vector<16xi32>
      %add3A_693 = arith.addi %gather3A_688, %sub3A_692 : vector<16xi32>
      tpu.vector_store_idx %arg9[%add3A_693], %get3A_666 masked %and3A_671 : memref<16640xi32, #tpu.memory_space<vmem>>[vector<16xi32>], vector<16xi32>, vector<16xi1>
      tpu.vector_store_idx %arg10[%add3A_693], %add3A_687 masked %and3A_671 : memref<16640xi32, #tpu.memory_space<vmem>>[vector<16xi32>], vector<16xi32>, vector<16xi1>
      tpu.vector_store_idx %arg15[%select_n3A_682], %broadcast_in_dim3A_9 masked %and3A_671 {add = true} : memref<128xi32, #tpu.memory_space<vmem>>[vector<16xi32>], vector<16xi32>, vector<16xi1>
      %mul3A_694 = arith.constant 8 : i32
      %mul3A_695 = arith.muli %scan3A_487, %mul3A_694 : i32
      %add3A_696 = arith.constant 6 : i32
      %add3A_697 = arith.addi %mul3A_695, %add3A_696 : i32
      %mul3A_698 = arith.constant 16 : i32
      %mul3A_699 = arith.muli %add3A_697, %mul3A_698 : i32
      %get3A_700 = arith.index_cast %mul3A_699 : i32 to index
      %get3A_701 = tpu.vector_load %arg7[%get3A_700] {strides = array<i32>} : memref<16384xi32, #tpu.memory_space<vmem>>, vector<16xi32>,
      %ge3A_702 = vector.broadcast %mul3A_3 : i32 to vector<16xi32>
      %ge3A_703 = arith.cmpi sge, %get3A_701, %ge3A_702 : vector<16xi32>
      %lt3A_704 = vector.broadcast %select_n3A : i32 to vector<16xi32>
      %lt3A_705 = arith.cmpi slt, %get3A_701, %lt3A_704 : vector<16xi32>
      %and3A_706 = arith.andi %ge3A_703, %lt3A_705 : vector<16xi1>
      %sub3A_707 = vector.broadcast %mul3A_3 : i32 to vector<16xi32>
      %sub3A_708 = arith.subi %get3A_701, %sub3A_707 : vector<16xi32>
      %shift_right_logical3A_709 = arith.constant 9 : i32
      %shift_right_logical3A_710 = vector.broadcast %shift_right_logical3A_709 : i32 to vector<16xi32>
      %shift_right_logical3A_711 = arith.shrui %sub3A_708, %shift_right_logical3A_710 : vector<16xi32>
      %min3A_712 = arith.constant 62 : i32
      %min3A_713 = vector.broadcast %min3A_712 : i32 to vector<16xi32>
      %min3A_714 = arith.minsi %shift_right_logical3A_711, %min3A_713 : vector<16xi32>
      %jit3A_715 = arith.constant 0 : i32
      %broadcast_in_dim3A_716 = vector.broadcast %jit3A_715 : i32 to vector<16xi32>
      %select_n3A_717 = arith.select %and3A_706, %min3A_714, %broadcast_in_dim3A_716 : vector<16xi1>, vector<16xi32>
      %mul3A_718 = arith.constant 16 : i32
      %mul3A_719 = arith.muli %add3A_697, %mul3A_718 : i32
      %iota3A_720 = tpu.iota {dimensions = array<i32: 0>} : vector<16xi32>
      %add3A_721 = vector.broadcast %mul3A_719 : i32 to vector<16xi32>
      %add3A_722 = arith.addi %add3A_721, %iota3A_720 : vector<16xi32>
      %gather3A_723 = tpu.vector_load_idx %arg15[%select_n3A_717] : memref<128xi32, #tpu.memory_space<vmem>>[vector<16xi32>], vector<16xi32>,
      %unique3A_724, %unique3A_725 = tpu.scan_count mask(%and3A_706 : vector<16xi1>) value(%select_n3A_717 : vector<16xi32>) : vector<16xi1>, vector<16xi32>
      %sub3A_726 = vector.broadcast %reduce_min3A_290 : i32 to vector<16xi32>
      %sub3A_727 = arith.subi %unique3A_725, %sub3A_726 : vector<16xi32>
      %add3A_728 = arith.addi %gather3A_723, %sub3A_727 : vector<16xi32>
      tpu.vector_store_idx %arg9[%add3A_728], %get3A_701 masked %and3A_706 : memref<16640xi32, #tpu.memory_space<vmem>>[vector<16xi32>], vector<16xi32>, vector<16xi1>
      tpu.vector_store_idx %arg10[%add3A_728], %add3A_722 masked %and3A_706 : memref<16640xi32, #tpu.memory_space<vmem>>[vector<16xi32>], vector<16xi32>, vector<16xi1>
      tpu.vector_store_idx %arg15[%select_n3A_717], %broadcast_in_dim3A_9 masked %and3A_706 {add = true} : memref<128xi32, #tpu.memory_space<vmem>>[vector<16xi32>], vector<16xi32>, vector<16xi1>
      %mul3A_729 = arith.constant 8 : i32
      %mul3A_730 = arith.muli %scan3A_487, %mul3A_729 : i32
      %add3A_731 = arith.constant 7 : i32
      %add3A_732 = arith.addi %mul3A_730, %add3A_731 : i32
      %mul3A_733 = arith.constant 16 : i32
      %mul3A_734 = arith.muli %add3A_732, %mul3A_733 : i32
      %get3A_735 = arith.index_cast %mul3A_734 : i32 to index
      %get3A_736 = tpu.vector_load %arg7[%get3A_735] {strides = array<i32>} : memref<16384xi32, #tpu.memory_space<vmem>>, vector<16xi32>,
      %ge3A_737 = vector.broadcast %mul3A_3 : i32 to vector<16xi32>
      %ge3A_738 = arith.cmpi sge, %get3A_736, %ge3A_737 : vector<16xi32>
      %lt3A_739 = vector.broadcast %select_n3A : i32 to vector<16xi32>
      %lt3A_740 = arith.cmpi slt, %get3A_736, %lt3A_739 : vector<16xi32>
      %and3A_741 = arith.andi %ge3A_738, %lt3A_740 : vector<16xi1>
      %sub3A_742 = vector.broadcast %mul3A_3 : i32 to vector<16xi32>
      %sub3A_743 = arith.subi %get3A_736, %sub3A_742 : vector<16xi32>
      %shift_right_logical3A_744 = arith.constant 9 : i32
      %shift_right_logical3A_745 = vector.broadcast %shift_right_logical3A_744 : i32 to vector<16xi32>
      %shift_right_logical3A_746 = arith.shrui %sub3A_743, %shift_right_logical3A_745 : vector<16xi32>
      %min3A_747 = arith.constant 62 : i32
      %min3A_748 = vector.broadcast %min3A_747 : i32 to vector<16xi32>
      %min3A_749 = arith.minsi %shift_right_logical3A_746, %min3A_748 : vector<16xi32>
      %jit3A_750 = arith.constant 0 : i32
      %broadcast_in_dim3A_751 = vector.broadcast %jit3A_750 : i32 to vector<16xi32>
      %select_n3A_752 = arith.select %and3A_741, %min3A_749, %broadcast_in_dim3A_751 : vector<16xi1>, vector<16xi32>
      %mul3A_753 = arith.constant 16 : i32
      %mul3A_754 = arith.muli %add3A_732, %mul3A_753 : i32
      %iota3A_755 = tpu.iota {dimensions = array<i32: 0>} : vector<16xi32>
      %add3A_756 = vector.broadcast %mul3A_754 : i32 to vector<16xi32>
      %add3A_757 = arith.addi %add3A_756, %iota3A_755 : vector<16xi32>
      %gather3A_758 = tpu.vector_load_idx %arg15[%select_n3A_752] : memref<128xi32, #tpu.memory_space<vmem>>[vector<16xi32>], vector<16xi32>,
      %unique3A_759, %unique3A_760 = tpu.scan_count mask(%and3A_741 : vector<16xi1>) value(%select_n3A_752 : vector<16xi32>) : vector<16xi1>, vector<16xi32>
      %sub3A_761 = vector.broadcast %reduce_min3A_290 : i32 to vector<16xi32>
      %sub3A_762 = arith.subi %unique3A_760, %sub3A_761 : vector<16xi32>
      %add3A_763 = arith.addi %gather3A_758, %sub3A_762 : vector<16xi32>
      tpu.vector_store_idx %arg9[%add3A_763], %get3A_736 masked %and3A_741 : memref<16640xi32, #tpu.memory_space<vmem>>[vector<16xi32>], vector<16xi32>, vector<16xi1>
      tpu.vector_store_idx %arg10[%add3A_763], %add3A_757 masked %and3A_741 : memref<16640xi32, #tpu.memory_space<vmem>>[vector<16xi32>], vector<16xi32>, vector<16xi1>
      tpu.vector_store_idx %arg15[%select_n3A_752], %broadcast_in_dim3A_9 masked %and3A_741 {add = true} : memref<128xi32, #tpu.memory_space<vmem>>[vector<16xi32>], vector<16xi32>, vector<16xi1>
      %scan3A_764 = arith.constant 0 : i32
      scf.yield %scan3A_764 : i32
    }
    %scan3A_297 = arith.constant 128 : i32
    %swap3A_298 = arith.constant 0 : index
    %swap3A_299 = tpu.vector_load %arg16[%swap3A_298] {strides = array<i32>} : memref<128xi32, #tpu.memory_space<vmem>>, vector<16xi32>,
    tpu.vector_store %arg16[%swap3A_298], %broadcast_in_dim3A_11 {strides = array<i32>} : memref<128xi32, #tpu.memory_space<vmem>>, vector<16xi32>,
    %swap3A_300 = arith.constant 16 : index
    %swap3A_301 = tpu.vector_load %arg16[%swap3A_300] {strides = array<i32>} : memref<128xi32, #tpu.memory_space<vmem>>, vector<16xi32>,
    tpu.vector_store %arg16[%swap3A_300], %broadcast_in_dim3A_11 {strides = array<i32>} : memref<128xi32, #tpu.memory_space<vmem>>, vector<16xi32>,
    %swap3A_302 = arith.constant 32 : index
    %swap3A_303 = tpu.vector_load %arg16[%swap3A_302] {strides = array<i32>} : memref<128xi32, #tpu.memory_space<vmem>>, vector<16xi32>,
    tpu.vector_store %arg16[%swap3A_302], %broadcast_in_dim3A_11 {strides = array<i32>} : memref<128xi32, #tpu.memory_space<vmem>>, vector<16xi32>,
    %swap3A_304 = arith.constant 48 : index
    %swap3A_305 = tpu.vector_load %arg16[%swap3A_304] {strides = array<i32>} : memref<128xi32, #tpu.memory_space<vmem>>, vector<16xi32>,
    tpu.vector_store %arg16[%swap3A_304], %broadcast_in_dim3A_11 {strides = array<i32>} : memref<128xi32, #tpu.memory_space<vmem>>, vector<16xi32>,
    %swap3A_306 = arith.constant 64 : index
    %swap3A_307 = tpu.vector_load %arg16[%swap3A_306] {strides = array<i32>} : memref<128xi32, #tpu.memory_space<vmem>>, vector<16xi32>,
    tpu.vector_store %arg16[%swap3A_306], %broadcast_in_dim3A_11 {strides = array<i32>} : memref<128xi32, #tpu.memory_space<vmem>>, vector<16xi32>,
    %swap3A_308 = arith.constant 80 : index
    %swap3A_309 = tpu.vector_load %arg16[%swap3A_308] {strides = array<i32>} : memref<128xi32, #tpu.memory_space<vmem>>, vector<16xi32>,
    tpu.vector_store %arg16[%swap3A_308], %broadcast_in_dim3A_11 {strides = array<i32>} : memref<128xi32, #tpu.memory_space<vmem>>, vector<16xi32>,
    %swap3A_310 = arith.constant 96 : index
    %swap3A_311 = tpu.vector_load %arg16[%swap3A_310] {strides = array<i32>} : memref<128xi32, #tpu.memory_space<vmem>>, vector<16xi32>,
    tpu.vector_store %arg16[%swap3A_310], %broadcast_in_dim3A_11 {strides = array<i32>} : memref<128xi32, #tpu.memory_space<vmem>>, vector<16xi32>,
    %swap3A_312 = arith.constant 112 : index
    %swap3A_313 = tpu.vector_load %arg16[%swap3A_312] {strides = array<i32>} : memref<128xi32, #tpu.memory_space<vmem>>, vector<16xi32>,
    tpu.vector_store %arg16[%swap3A_312], %broadcast_in_dim3A_11 {strides = array<i32>} : memref<128xi32, #tpu.memory_space<vmem>>, vector<16xi32>,
    %add3A_314 = arith.constant 1 : i32
    %add3A_315 = arith.addi %select_n3A_8, %add3A_314 : i32
    %jit3A_316 = arith.constant 2 : i32
    %div3A = arith.divsi %add3A_315, %jit3A_316 : i32
    %sign3A = arith.constant 0 : i32
    %sign3A_317 = arith.cmpi sgt, %add3A_315, %sign3A : i32
    %sign3A_318 = arith.extui %sign3A_317 : i1 to i32
    %sign3A_319 = arith.constant 0 : i32
    %sign3A_320 = arith.cmpi slt, %add3A_315, %sign3A_319 : i32
    %sign3A_321 = arith.extui %sign3A_320 : i1 to i32
    %sign3A_322 = arith.subi %sign3A_318, %sign3A_321 : i32
    %sign3A_323 = arith.constant 0 : i32
    %sign3A_324 = arith.cmpi sgt, %jit3A_316, %sign3A_323 : i32
    %sign3A_325 = arith.extui %sign3A_324 : i1 to i32
    %sign3A_326 = arith.constant 0 : i32
    %sign3A_327 = arith.cmpi slt, %jit3A_316, %sign3A_326 : i32
    %sign3A_328 = arith.extui %sign3A_327 : i1 to i32
    %sign3A_329 = arith.subi %sign3A_325, %sign3A_328 : i32
    %ne3A = arith.cmpi ne, %sign3A_322, %sign3A_329 : i32
    %rem3A = arith.remsi %add3A_315, %jit3A_316 : i32
    %ne3A_330 = arith.constant 0 : i32
    %ne3A_331 = arith.cmpi ne, %rem3A, %ne3A_330 : i32
    %and3A = arith.andi %ne3A, %ne3A_331 : i1
    %sub3A_332 = arith.constant 1 : i32
    %sub3A_333 = arith.subi %div3A, %sub3A_332 : i32
    %select_n3A_334 = arith.select %and3A, %sub3A_333, %div3A : i32
    %while3A = arith.constant 0 : i32
    %while3A_335 = arith.constant 0 : i32
    %while3A_336 = arith.constant 0 : i32
    %while3A_337 = arith.subi %select_n3A_334, %while3A : i32
    %while3A_338 = arith.addi %while3A, %while3A_337 : i32
    %while3A_339 = arith.constant 1 : i32
    %while3A_340 = arith.divsi %while3A_337, %while3A_339 : i32
    %while3A_341 = arith.muli %while3A_340, %while3A_339 : i32
    %while3A_342 = arith.addi %while3A, %while3A_341 : i32
    %while3A_343 = arith.constant 1 : i32
    %while3A_344:2 = scf.for %while3A_487 = %while3A to %while3A_342 step %while3A_343 iter_args(%while3A_488 = %while3A_335, %while3A_489 = %while3A_336) -> (i32, i32)  : i32 {
      %mul3A_490 = arith.constant 2 : i32
      %mul3A_491 = arith.muli %mul3A_490, %while3A_487 : i32
      %dma_wait3A = arith.constant 0 : i32
      %dma_wait3A_492 = arith.constant 0 : i32
      %dma_wait3A_493 = tpu.memref_slice %arg4[%dma_wait3A, %dma_wait3A_492] : memref<32x1000001xf32, #tpu.memory_space<hbm>> -> memref<32x512xf32, #tpu.memory_space<hbm>>
      %dma_wait3A_494 = arith.constant 0 : i32
      %dma_wait3A_495 = arith.constant 0 : i32
      %dma_wait3A_496 = tpu.memref_slice %arg4[%dma_wait3A_494, %dma_wait3A_495] : memref<32x1000001xf32, #tpu.memory_space<hbm>> -> memref<32x512xf32, #tpu.memory_space<hbm>>
      tpu.wait_dma2 semaphore(%arg21 : memref<!tpu.dma_semaphore, #tpu.memory_space<semaphore_mem>>) src(%dma_wait3A_496 : memref<32x512xf32, #tpu.memory_space<hbm>>) dst(%arg17 : memref<32x512xf32, #tpu.memory_space<vmem>>)
      %iota3A_497 = tpu.iota {dimensions = array<i32: 0>} : vector<16xi32>
      %add3A_498 = arith.constant 0 : i32
      %add3A_499 = vector.broadcast %add3A_498 : i32 to vector<16xi32>
      %add3A_500 = arith.addi %add3A_499, %iota3A_497 : vector<16xi32>
      %eq3A_501 = vector.broadcast %mul3A_491 : i32 to vector<16xi32>
      %eq3A_502 = arith.cmpi eq, %add3A_500, %eq3A_501 : vector<16xi32>
      %get3A_503 = arith.constant 0 : index
      %get3A_504 = tpu.vector_load %arg11[%get3A_503] {strides = array<i32>} : memref<128xi32, #tpu.memory_space<vmem>>, vector<16xi32>,
      %jit3A_505 = arith.constant 0 : i32
      %broadcast_in_dim3A_506 = vector.broadcast %jit3A_505 : i32 to vector<16xi32>
      %select_n3A_507 = arith.select %eq3A_502, %get3A_504, %broadcast_in_dim3A_506 : vector<16xi1>, vector<16xi32>
      %reduce_sum3A_508 = arith.constant true
      %reduce_sum3A_509 = vector.broadcast %reduce_sum3A_508 : i1 to vector<16xi1>
      %reduce_sum3A_510 = tpu.scan <sum>, %select_n3A_507 masked %reduce_sum3A_509 : vector<16xi32>, vector<16xi1> -> vector<16xi32>
      %reduce_sum3A_511 = vector.extract %reduce_sum3A_510[15] : i32 from vector<16xi32>
      %add3A_512 = arith.constant 0 : i32
      %add3A_513 = arith.addi %add3A_512, %reduce_sum3A_511 : i32
      %iota3A_514 = tpu.iota {dimensions = array<i32: 0>} : vector<16xi32>
      %add3A_515 = arith.constant 16 : i32
      %add3A_516 = vector.broadcast %add3A_515 : i32 to vector<16xi32>
      %add3A_517 = arith.addi %add3A_516, %iota3A_514 : vector<16xi32>
      %eq3A_518 = vector.broadcast %mul3A_491 : i32 to vector<16xi32>
      %eq3A_519 = arith.cmpi eq, %add3A_517, %eq3A_518 : vector<16xi32>
      %get3A_520 = arith.constant 16 : index
      %get3A_521 = tpu.vector_load %arg11[%get3A_520] {strides = array<i32>} : memref<128xi32, #tpu.memory_space<vmem>>, vector<16xi32>,
      %jit3A_522 = arith.constant 0 : i32
      %broadcast_in_dim3A_523 = vector.broadcast %jit3A_522 : i32 to vector<16xi32>
      %select_n3A_524 = arith.select %eq3A_519, %get3A_521, %broadcast_in_dim3A_523 : vector<16xi1>, vector<16xi32>
      %reduce_sum3A_525 = arith.constant true
      %reduce_sum3A_526 = vector.broadcast %reduce_sum3A_525 : i1 to vector<16xi1>
      %reduce_sum3A_527 = tpu.scan <sum>, %select_n3A_524 masked %reduce_sum3A_526 : vector<16xi32>, vector<16xi1> -> vector<16xi32>
      %reduce_sum3A_528 = vector.extract %reduce_sum3A_527[15] : i32 from vector<16xi32>
      %add3A_529 = arith.addi %add3A_513, %reduce_sum3A_528 : i32
      %iota3A_530 = tpu.iota {dimensions = array<i32: 0>} : vector<16xi32>
      %add3A_531 = arith.constant 32 : i32
      %add3A_532 = vector.broadcast %add3A_531 : i32 to vector<16xi32>
      %add3A_533 = arith.addi %add3A_532, %iota3A_530 : vector<16xi32>
      %eq3A_534 = vector.broadcast %mul3A_491 : i32 to vector<16xi32>
      %eq3A_535 = arith.cmpi eq, %add3A_533, %eq3A_534 : vector<16xi32>
      %get3A_536 = arith.constant 32 : index
      %get3A_537 = tpu.vector_load %arg11[%get3A_536] {strides = array<i32>} : memref<128xi32, #tpu.memory_space<vmem>>, vector<16xi32>,
      %jit3A_538 = arith.constant 0 : i32
      %broadcast_in_dim3A_539 = vector.broadcast %jit3A_538 : i32 to vector<16xi32>
      %select_n3A_540 = arith.select %eq3A_535, %get3A_537, %broadcast_in_dim3A_539 : vector<16xi1>, vector<16xi32>
      %reduce_sum3A_541 = arith.constant true
      %reduce_sum3A_542 = vector.broadcast %reduce_sum3A_541 : i1 to vector<16xi1>
      %reduce_sum3A_543 = tpu.scan <sum>, %select_n3A_540 masked %reduce_sum3A_542 : vector<16xi32>, vector<16xi1> -> vector<16xi32>
      %reduce_sum3A_544 = vector.extract %reduce_sum3A_543[15] : i32 from vector<16xi32>
      %add3A_545 = arith.addi %add3A_529, %reduce_sum3A_544 : i32
      %iota3A_546 = tpu.iota {dimensions = array<i32: 0>} : vector<16xi32>
      %add3A_547 = arith.constant 48 : i32
      %add3A_548 = vector.broadcast %add3A_547 : i32 to vector<16xi32>
      %add3A_549 = arith.addi %add3A_548, %iota3A_546 : vector<16xi32>
      %eq3A_550 = vector.broadcast %mul3A_491 : i32 to vector<16xi32>
      %eq3A_551 = arith.cmpi eq, %add3A_549, %eq3A_550 : vector<16xi32>
      %get3A_552 = arith.constant 48 : index
      %get3A_553 = tpu.vector_load %arg11[%get3A_552] {strides = array<i32>} : memref<128xi32, #tpu.memory_space<vmem>>, vector<16xi32>,
      %jit3A_554 = arith.constant 0 : i32
      %broadcast_in_dim3A_555 = vector.broadcast %jit3A_554 : i32 to vector<16xi32>
      %select_n3A_556 = arith.select %eq3A_551, %get3A_553, %broadcast_in_dim3A_555 : vector<16xi1>, vector<16xi32>
      %reduce_sum3A_557 = arith.constant true
      %reduce_sum3A_558 = vector.broadcast %reduce_sum3A_557 : i1 to vector<16xi1>
      %reduce_sum3A_559 = tpu.scan <sum>, %select_n3A_556 masked %reduce_sum3A_558 : vector<16xi32>, vector<16xi1> -> vector<16xi32>
      %reduce_sum3A_560 = vector.extract %reduce_sum3A_559[15] : i32 from vector<16xi32>
      %add3A_561 = arith.addi %add3A_545, %reduce_sum3A_560 : i32
      %add3A_562 = arith.addi %while3A_489, %add3A_561 : i32
      %mul3A_563 = arith.constant 512 : i32
      %mul3A_564 = arith.muli %mul3A_491, %mul3A_563 : i32
      %add3A_565 = arith.addi %mul3A_3, %mul3A_564 : i32
      %jit3A_566 = arith.constant 8 : i32
      %div3A_567 = arith.divsi %while3A_489, %jit3A_566 : i32
      %sign3A_568 = arith.constant 0 : i32
      %sign3A_569 = arith.cmpi sgt, %while3A_489, %sign3A_568 : i32
      %sign3A_570 = arith.extui %sign3A_569 : i1 to i32
      %sign3A_571 = arith.constant 0 : i32
      %sign3A_572 = arith.cmpi slt, %while3A_489, %sign3A_571 : i32
      %sign3A_573 = arith.extui %sign3A_572 : i1 to i32
      %sign3A_574 = arith.subi %sign3A_570, %sign3A_573 : i32
      %sign3A_575 = arith.constant 0 : i32
      %sign3A_576 = arith.cmpi sgt, %jit3A_566, %sign3A_575 : i32
      %sign3A_577 = arith.extui %sign3A_576 : i1 to i32
      %sign3A_578 = arith.constant 0 : i32
      %sign3A_579 = arith.cmpi slt, %jit3A_566, %sign3A_578 : i32
      %sign3A_580 = arith.extui %sign3A_579 : i1 to i32
      %sign3A_581 = arith.subi %sign3A_577, %sign3A_580 : i32
      %ne3A_582 = arith.cmpi ne, %sign3A_574, %sign3A_581 : i32
      %rem3A_583 = arith.remsi %while3A_489, %jit3A_566 : i32
      %ne3A_584 = arith.constant 0 : i32
      %ne3A_585 = arith.cmpi ne, %rem3A_583, %ne3A_584 : i32
      %and3A_586 = arith.andi %ne3A_582, %ne3A_585 : i1
      %sub3A_587 = arith.constant 1 : i32
      %sub3A_588 = arith.subi %div3A_567, %sub3A_587 : i32
      %select_n3A_589 = arith.select %and3A_586, %sub3A_588, %div3A_567 : i32
      %mul3A_590 = arith.constant 8 : i32
      %mul3A_591 = arith.muli %select_n3A_589, %mul3A_590 : i32
      %gt3A_592 = arith.cmpi sgt, %add3A_562, %while3A_489 : i32
      %sub3A_593 = arith.subi %add3A_562, %mul3A_591 : i32
      %add3A_594 = arith.constant 16 : i32
      %add3A_595 = arith.addi %sub3A_593, %add3A_594 : i32
      %sub3A_596 = arith.constant 1 : i32
      %sub3A_597 = arith.subi %add3A_595, %sub3A_596 : i32
      %jit3A_598 = arith.constant 16 : i32
      %div3A_599 = arith.divsi %sub3A_597, %jit3A_598 : i32
      %sign3A_600 = arith.constant 0 : i32
      %sign3A_601 = arith.cmpi sgt, %sub3A_597, %sign3A_600 : i32
      %sign3A_602 = arith.extui %sign3A_601 : i1 to i32
      %sign3A_603 = arith.constant 0 : i32
      %sign3A_604 = arith.cmpi slt, %sub3A_597, %sign3A_603 : i32
      %sign3A_605 = arith.extui %sign3A_604 : i1 to i32
      %sign3A_606 = arith.subi %sign3A_602, %sign3A_605 : i32
      %sign3A_607 = arith.constant 0 : i32
      %sign3A_608 = arith.cmpi sgt, %jit3A_598, %sign3A_607 : i32
      %sign3A_609 = arith.extui %sign3A_608 : i1 to i32
      %sign3A_610 = arith.constant 0 : i32
      %sign3A_611 = arith.cmpi slt, %jit3A_598, %sign3A_610 : i32
      %sign3A_612 = arith.extui %sign3A_611 : i1 to i32
      %sign3A_613 = arith.subi %sign3A_609, %sign3A_612 : i32
      %ne3A_614 = arith.cmpi ne, %sign3A_606, %sign3A_613 : i32
      %rem3A_615 = arith.remsi %sub3A_597, %jit3A_598 : i32
      %ne3A_616 = arith.constant 0 : i32
      %ne3A_617 = arith.cmpi ne, %rem3A_615, %ne3A_616 : i32
      %and3A_618 = arith.andi %ne3A_614, %ne3A_617 : i1
      %sub3A_619 = arith.constant 1 : i32
      %sub3A_620 = arith.subi %div3A_599, %sub3A_619 : i32
      %select_n3A_621 = arith.select %and3A_618, %sub3A_620, %div3A_599 : i32
      %jit3A_622 = arith.constant 0 : i32
      %select_n3A_623 = arith.select %gt3A_592, %select_n3A_621, %jit3A_622 : i32
      %while3A_624 = arith.constant 0 : i32
      %while3A_625 = arith.subi %select_n3A_623, %while3A_624 : i32
      %while3A_626 = arith.addi %while3A_624, %while3A_625 : i32
      %while3A_627 = arith.constant 1 : i32
      %while3A_628 = arith.divsi %while3A_625, %while3A_627 : i32
      %while3A_629 = arith.muli %while3A_628, %while3A_627 : i32
      %while3A_630 = arith.addi %while3A_624, %while3A_629 : i32
      %while3A_631 = arith.constant 1 : i32
      %while3A_632 = scf.for %while3A_796 = %while3A_624 to %while3A_630 step %while3A_631 iter_args(%while3A_797 = %while3A_488) -> (i32)  : i32 {
        %mul3A_798 = arith.constant 16 : i32
        %mul3A_799 = arith.muli %mul3A_798, %while3A_796 : i32
        %add3A_800 = arith.addi %mul3A_591, %mul3A_799 : i32
        %iota3A_801 = tpu.iota {dimensions = array<i32: 0>} : vector<16xi32>
        %add3A_802 = vector.broadcast %add3A_800 : i32 to vector<16xi32>
        %add3A_803 = arith.addi %add3A_802, %iota3A_801 : vector<16xi32>
        %ge3A = vector.broadcast %while3A_489 : i32 to vector<16xi32>
        %ge3A_804 = arith.cmpi sge, %add3A_803, %ge3A : vector<16xi32>
        %lt3A_805 = vector.broadcast %add3A_562 : i32 to vector<16xi32>
        %lt3A_806 = arith.cmpi slt, %add3A_803, %lt3A_805 : vector<16xi32>
        %and3A_807 = arith.andi %ge3A_804, %lt3A_806 : vector<16xi1>
        %multiple_of3A_808 = tpu.assume_multiple %add3A_800, 8 : i32
        %get3A_809 = arith.index_cast %multiple_of3A_808 : i32 to index
        %get3A_810 = tpu.vector_load %arg9[%get3A_809] {strides = array<i32>} : memref<16640xi32, #tpu.memory_space<vmem>>, vector<16xi32>,
        %get3A_811 = arith.index_cast %multiple_of3A_808 : i32 to index
        %get3A_812 = tpu.vector_load %arg10[%get3A_811] {strides = array<i32>} : memref<16640xi32, #tpu.memory_space<vmem>>, vector<16xi32>,
        %sub3A_813 = vector.broadcast %add3A_565 : i32 to vector<16xi32>
        %sub3A_814 = arith.subi %get3A_810, %sub3A_813 : vector<16xi32>
        %convert_element_type3A_815 = arith.extui %and3A_807 : vector<16xi1> to vector<16xi32>
        %broadcast_in_dim3A_816 = arith.constant true
        %broadcast_in_dim3A_817 = vector.broadcast %broadcast_in_dim3A_816 : i1 to vector<16xi1>
        %masked_cumsum3A_818 = tpu.scan <sum>, %convert_element_type3A_815 masked %broadcast_in_dim3A_817 : vector<16xi32>, vector<16xi1> -> vector<16xi32>
        %add3A_819 = vector.broadcast %while3A_797 : i32 to vector<16xi32>
        %add3A_820 = arith.addi %add3A_819, %masked_cumsum3A_818 : vector<16xi32>
        %sub3A_821 = arith.constant 1 : i32
        %sub3A_822 = vector.broadcast %sub3A_821 : i32 to vector<16xi32>
        %sub3A_823 = arith.subi %add3A_820, %sub3A_822 : vector<16xi32>
        %broadcast_in_dim3A_824 = arith.constant 0 : i32
        %broadcast_in_dim3A_825 = vector.broadcast %broadcast_in_dim3A_824 : i32 to vector<16xi32>
        %gather3A = tpu.vector_load_idx %arg17[%broadcast_in_dim3A_825, %sub3A_814] masked %and3A_807 : memref<32x512xf32, #tpu.memory_space<vmem>>[vector<16xi32>, vector<16xi32>], vector<16xf32>, vector<16xi1>
        tpu.vector_store_idx %arg20[%sub3A_823, %broadcast_in_dim3A_825], %gather3A masked %and3A_807 : memref<128x128xf32, #tpu.memory_space<vmem>>[vector<16xi32>, vector<16xi32>], vector<16xf32>, vector<16xi1>
        %broadcast_in_dim3A_826 = arith.constant 1 : i32
        %broadcast_in_dim3A_827 = vector.broadcast %broadcast_in_dim3A_826 : i32 to vector<16xi32>
        %gather3A_828 = tpu.vector_load_idx %arg17[%broadcast_in_dim3A_827, %sub3A_814] masked %and3A_807 : memref<32x512xf32, #tpu.memory_space<vmem>>[vector<16xi32>, vector<16xi32>], vector<16xf32>, vector<16xi1>
        tpu.vector_store_idx %arg20[%sub3A_823, %broadcast_in_dim3A_827], %gather3A_828 masked %and3A_807 : memref<128x128xf32, #tpu.memory_space<vmem>>[vector<16xi32>, vector<16xi32>], vector<16xf32>, vector<16xi1>
        %broadcast_in_dim3A_829 = arith.constant 2 : i32
        %broadcast_in_dim3A_830 = vector.broadcast %broadcast_in_dim3A_829 : i32 to vector<16xi32>
        %gather3A_831 = tpu.vector_load_idx %arg17[%broadcast_in_dim3A_830, %sub3A_814] masked %and3A_807 : memref<32x512xf32, #tpu.memory_space<vmem>>[vector<16xi32>, vector<16xi32>], vector<16xf32>, vector<16xi1>
        tpu.vector_store_idx %arg20[%sub3A_823, %broadcast_in_dim3A_830], %gather3A_831 masked %and3A_807 : memref<128x128xf32, #tpu.memory_space<vmem>>[vector<16xi32>, vector<16xi32>], vector<16xf32>, vector<16xi1>
        %broadcast_in_dim3A_832 = arith.constant 3 : i32
        %broadcast_in_dim3A_833 = vector.broadcast %broadcast_in_dim3A_832 : i32 to vector<16xi32>
        %gather3A_834 = tpu.vector_load_idx %arg17[%broadcast_in_dim3A_833, %sub3A_814] masked %and3A_807 : memref<32x512xf32, #tpu.memory_space<vmem>>[vector<16xi32>, vector<16xi32>], vector<16xf32>, vector<16xi1>
        tpu.vector_store_idx %arg20[%sub3A_823, %broadcast_in_dim3A_833], %gather3A_834 masked %and3A_807 : memref<128x128xf32, #tpu.memory_space<vmem>>[vector<16xi32>, vector<16xi32>], vector<16xf32>, vector<16xi1>
        %broadcast_in_dim3A_835 = arith.constant 4 : i32
        %broadcast_in_dim3A_836 = vector.broadcast %broadcast_in_dim3A_835 : i32 to vector<16xi32>
        %gather3A_837 = tpu.vector_load_idx %arg17[%broadcast_in_dim3A_836, %sub3A_814] masked %and3A_807 : memref<32x512xf32, #tpu.memory_space<vmem>>[vector<16xi32>, vector<16xi32>], vector<16xf32>, vector<16xi1>
        tpu.vector_store_idx %arg20[%sub3A_823, %broadcast_in_dim3A_836], %gather3A_837 masked %and3A_807 : memref<128x128xf32, #tpu.memory_space<vmem>>[vector<16xi32>, vector<16xi32>], vector<16xf32>, vector<16xi1>
        %broadcast_in_dim3A_838 = arith.constant 5 : i32
        %broadcast_in_dim3A_839 = vector.broadcast %broadcast_in_dim3A_838 : i32 to vector<16xi32>
        %gather3A_840 = tpu.vector_load_idx %arg17[%broadcast_in_dim3A_839, %sub3A_814] masked %and3A_807 : memref<32x512xf32, #tpu.memory_space<vmem>>[vector<16xi32>, vector<16xi32>], vector<16xf32>, vector<16xi1>
        tpu.vector_store_idx %arg20[%sub3A_823, %broadcast_in_dim3A_839], %gather3A_840 masked %and3A_807 : memref<128x128xf32, #tpu.memory_space<vmem>>[vector<16xi32>, vector<16xi32>], vector<16xf32>, vector<16xi1>
        %broadcast_in_dim3A_841 = arith.constant 6 : i32
        %broadcast_in_dim3A_842 = vector.broadcast %broadcast_in_dim3A_841 : i32 to vector<16xi32>
        %gather3A_843 = tpu.vector_load_idx %arg17[%broadcast_in_dim3A_842, %sub3A_814] masked %and3A_807 : memref<32x512xf32, #tpu.memory_space<vmem>>[vector<16xi32>, vector<16xi32>], vector<16xf32>, vector<16xi1>
        tpu.vector_store_idx %arg20[%sub3A_823, %broadcast_in_dim3A_842], %gather3A_843 masked %and3A_807 : memref<128x128xf32, #tpu.memory_space<vmem>>[vector<16xi32>, vector<16xi32>], vector<16xf32>, vector<16xi1>
        %broadcast_in_dim3A_844 = arith.constant 7 : i32
        %broadcast_in_dim3A_845 = vector.broadcast %broadcast_in_dim3A_844 : i32 to vector<16xi32>
        %gather3A_846 = tpu.vector_load_idx %arg17[%broadcast_in_dim3A_845, %sub3A_814] masked %and3A_807 : memref<32x512xf32, #tpu.memory_space<vmem>>[vector<16xi32>, vector<16xi32>], vector<16xf32>, vector<16xi1>
        tpu.vector_store_idx %arg20[%sub3A_823, %broadcast_in_dim3A_845], %gather3A_846 masked %and3A_807 : memref<128x128xf32, #tpu.memory_space<vmem>>[vector<16xi32>, vector<16xi32>], vector<16xf32>, vector<16xi1>
        %broadcast_in_dim3A_847 = arith.constant 8 : i32
        %broadcast_in_dim3A_848 = vector.broadcast %broadcast_in_dim3A_847 : i32 to vector<16xi32>
        %gather3A_849 = tpu.vector_load_idx %arg17[%broadcast_in_dim3A_848, %sub3A_814] masked %and3A_807 : memref<32x512xf32, #tpu.memory_space<vmem>>[vector<16xi32>, vector<16xi32>], vector<16xf32>, vector<16xi1>
        tpu.vector_store_idx %arg20[%sub3A_823, %broadcast_in_dim3A_848], %gather3A_849 masked %and3A_807 : memref<128x128xf32, #tpu.memory_space<vmem>>[vector<16xi32>, vector<16xi32>], vector<16xf32>, vector<16xi1>
        %broadcast_in_dim3A_850 = arith.constant 9 : i32
        %broadcast_in_dim3A_851 = vector.broadcast %broadcast_in_dim3A_850 : i32 to vector<16xi32>
        %gather3A_852 = tpu.vector_load_idx %arg17[%broadcast_in_dim3A_851, %sub3A_814] masked %and3A_807 : memref<32x512xf32, #tpu.memory_space<vmem>>[vector<16xi32>, vector<16xi32>], vector<16xf32>, vector<16xi1>
        tpu.vector_store_idx %arg20[%sub3A_823, %broadcast_in_dim3A_851], %gather3A_852 masked %and3A_807 : memref<128x128xf32, #tpu.memory_space<vmem>>[vector<16xi32>, vector<16xi32>], vector<16xf32>, vector<16xi1>
        %broadcast_in_dim3A_853 = arith.constant 10 : i32
        %broadcast_in_dim3A_854 = vector.broadcast %broadcast_in_dim3A_853 : i32 to vector<16xi32>
        %gather3A_855 = tpu.vector_load_idx %arg17[%broadcast_in_dim3A_854, %sub3A_814] masked %and3A_807 : memref<32x512xf32, #tpu.memory_space<vmem>>[vector<16xi32>, vector<16xi32>], vector<16xf32>, vector<16xi1>
        tpu.vector_store_idx %arg20[%sub3A_823, %broadcast_in_dim3A_854], %gather3A_855 masked %and3A_807 : memref<128x128xf32, #tpu.memory_space<vmem>>[vector<16xi32>, vector<16xi32>], vector<16xf32>, vector<16xi1>
        %broadcast_in_dim3A_856 = arith.constant 11 : i32
        %broadcast_in_dim3A_857 = vector.broadcast %broadcast_in_dim3A_856 : i32 to vector<16xi32>
        %gather3A_858 = tpu.vector_load_idx %arg17[%broadcast_in_dim3A_857, %sub3A_814] masked %and3A_807 : memref<32x512xf32, #tpu.memory_space<vmem>>[vector<16xi32>, vector<16xi32>], vector<16xf32>, vector<16xi1>
        tpu.vector_store_idx %arg20[%sub3A_823, %broadcast_in_dim3A_857], %gather3A_858 masked %and3A_807 : memref<128x128xf32, #tpu.memory_space<vmem>>[vector<16xi32>, vector<16xi32>], vector<16xf32>, vector<16xi1>
        %broadcast_in_dim3A_859 = arith.constant 12 : i32
        %broadcast_in_dim3A_860 = vector.broadcast %broadcast_in_dim3A_859 : i32 to vector<16xi32>
        %gather3A_861 = tpu.vector_load_idx %arg17[%broadcast_in_dim3A_860, %sub3A_814] masked %and3A_807 : memref<32x512xf32, #tpu.memory_space<vmem>>[vector<16xi32>, vector<16xi32>], vector<16xf32>, vector<16xi1>
        tpu.vector_store_idx %arg20[%sub3A_823, %broadcast_in_dim3A_860], %gather3A_861 masked %and3A_807 : memref<128x128xf32, #tpu.memory_space<vmem>>[vector<16xi32>, vector<16xi32>], vector<16xf32>, vector<16xi1>
        %broadcast_in_dim3A_862 = arith.constant 13 : i32
        %broadcast_in_dim3A_863 = vector.broadcast %broadcast_in_dim3A_862 : i32 to vector<16xi32>
        %gather3A_864 = tpu.vector_load_idx %arg17[%broadcast_in_dim3A_863, %sub3A_814] masked %and3A_807 : memref<32x512xf32, #tpu.memory_space<vmem>>[vector<16xi32>, vector<16xi32>], vector<16xf32>, vector<16xi1>
        tpu.vector_store_idx %arg20[%sub3A_823, %broadcast_in_dim3A_863], %gather3A_864 masked %and3A_807 : memref<128x128xf32, #tpu.memory_space<vmem>>[vector<16xi32>, vector<16xi32>], vector<16xf32>, vector<16xi1>
        %broadcast_in_dim3A_865 = arith.constant 14 : i32
        %broadcast_in_dim3A_866 = vector.broadcast %broadcast_in_dim3A_865 : i32 to vector<16xi32>
        %gather3A_867 = tpu.vector_load_idx %arg17[%broadcast_in_dim3A_866, %sub3A_814] masked %and3A_807 : memref<32x512xf32, #tpu.memory_space<vmem>>[vector<16xi32>, vector<16xi32>], vector<16xf32>, vector<16xi1>
        tpu.vector_store_idx %arg20[%sub3A_823, %broadcast_in_dim3A_866], %gather3A_867 masked %and3A_807 : memref<128x128xf32, #tpu.memory_space<vmem>>[vector<16xi32>, vector<16xi32>], vector<16xf32>, vector<16xi1>
        %broadcast_in_dim3A_868 = arith.constant 15 : i32
        %broadcast_in_dim3A_869 = vector.broadcast %broadcast_in_dim3A_868 : i32 to vector<16xi32>
        %gather3A_870 = tpu.vector_load_idx %arg17[%broadcast_in_dim3A_869, %sub3A_814] masked %and3A_807 : memref<32x512xf32, #tpu.memory_space<vmem>>[vector<16xi32>, vector<16xi32>], vector<16xf32>, vector<16xi1>
        tpu.vector_store_idx %arg20[%sub3A_823, %broadcast_in_dim3A_869], %gather3A_870 masked %and3A_807 : memref<128x128xf32, #tpu.memory_space<vmem>>[vector<16xi32>, vector<16xi32>], vector<16xf32>, vector<16xi1>
        %broadcast_in_dim3A_871 = arith.constant 16 : i32
        %broadcast_in_dim3A_872 = vector.broadcast %broadcast_in_dim3A_871 : i32 to vector<16xi32>
        %gather3A_873 = tpu.vector_load_idx %arg17[%broadcast_in_dim3A_872, %sub3A_814] masked %and3A_807 : memref<32x512xf32, #tpu.memory_space<vmem>>[vector<16xi32>, vector<16xi32>], vector<16xf32>, vector<16xi1>
        tpu.vector_store_idx %arg20[%sub3A_823, %broadcast_in_dim3A_872], %gather3A_873 masked %and3A_807 : memref<128x128xf32, #tpu.memory_space<vmem>>[vector<16xi32>, vector<16xi32>], vector<16xf32>, vector<16xi1>
        %broadcast_in_dim3A_874 = arith.constant 17 : i32
        %broadcast_in_dim3A_875 = vector.broadcast %broadcast_in_dim3A_874 : i32 to vector<16xi32>
        %gather3A_876 = tpu.vector_load_idx %arg17[%broadcast_in_dim3A_875, %sub3A_814] masked %and3A_807 : memref<32x512xf32, #tpu.memory_space<vmem>>[vector<16xi32>, vector<16xi32>], vector<16xf32>, vector<16xi1>
        tpu.vector_store_idx %arg20[%sub3A_823, %broadcast_in_dim3A_875], %gather3A_876 masked %and3A_807 : memref<128x128xf32, #tpu.memory_space<vmem>>[vector<16xi32>, vector<16xi32>], vector<16xf32>, vector<16xi1>
        %broadcast_in_dim3A_877 = arith.constant 18 : i32
        %broadcast_in_dim3A_878 = vector.broadcast %broadcast_in_dim3A_877 : i32 to vector<16xi32>
        %gather3A_879 = tpu.vector_load_idx %arg17[%broadcast_in_dim3A_878, %sub3A_814] masked %and3A_807 : memref<32x512xf32, #tpu.memory_space<vmem>>[vector<16xi32>, vector<16xi32>], vector<16xf32>, vector<16xi1>
        tpu.vector_store_idx %arg20[%sub3A_823, %broadcast_in_dim3A_878], %gather3A_879 masked %and3A_807 : memref<128x128xf32, #tpu.memory_space<vmem>>[vector<16xi32>, vector<16xi32>], vector<16xf32>, vector<16xi1>
        %broadcast_in_dim3A_880 = arith.constant 19 : i32
        %broadcast_in_dim3A_881 = vector.broadcast %broadcast_in_dim3A_880 : i32 to vector<16xi32>
        %gather3A_882 = tpu.vector_load_idx %arg17[%broadcast_in_dim3A_881, %sub3A_814] masked %and3A_807 : memref<32x512xf32, #tpu.memory_space<vmem>>[vector<16xi32>, vector<16xi32>], vector<16xf32>, vector<16xi1>
        tpu.vector_store_idx %arg20[%sub3A_823, %broadcast_in_dim3A_881], %gather3A_882 masked %and3A_807 : memref<128x128xf32, #tpu.memory_space<vmem>>[vector<16xi32>, vector<16xi32>], vector<16xf32>, vector<16xi1>
        %broadcast_in_dim3A_883 = arith.constant 20 : i32
        %broadcast_in_dim3A_884 = vector.broadcast %broadcast_in_dim3A_883 : i32 to vector<16xi32>
        %gather3A_885 = tpu.vector_load_idx %arg17[%broadcast_in_dim3A_884, %sub3A_814] masked %and3A_807 : memref<32x512xf32, #tpu.memory_space<vmem>>[vector<16xi32>, vector<16xi32>], vector<16xf32>, vector<16xi1>
        tpu.vector_store_idx %arg20[%sub3A_823, %broadcast_in_dim3A_884], %gather3A_885 masked %and3A_807 : memref<128x128xf32, #tpu.memory_space<vmem>>[vector<16xi32>, vector<16xi32>], vector<16xf32>, vector<16xi1>
        %broadcast_in_dim3A_886 = arith.constant 21 : i32
        %broadcast_in_dim3A_887 = vector.broadcast %broadcast_in_dim3A_886 : i32 to vector<16xi32>
        %gather3A_888 = tpu.vector_load_idx %arg17[%broadcast_in_dim3A_887, %sub3A_814] masked %and3A_807 : memref<32x512xf32, #tpu.memory_space<vmem>>[vector<16xi32>, vector<16xi32>], vector<16xf32>, vector<16xi1>
        tpu.vector_store_idx %arg20[%sub3A_823, %broadcast_in_dim3A_887], %gather3A_888 masked %and3A_807 : memref<128x128xf32, #tpu.memory_space<vmem>>[vector<16xi32>, vector<16xi32>], vector<16xf32>, vector<16xi1>
        %broadcast_in_dim3A_889 = arith.constant 22 : i32
        %broadcast_in_dim3A_890 = vector.broadcast %broadcast_in_dim3A_889 : i32 to vector<16xi32>
        %gather3A_891 = tpu.vector_load_idx %arg17[%broadcast_in_dim3A_890, %sub3A_814] masked %and3A_807 : memref<32x512xf32, #tpu.memory_space<vmem>>[vector<16xi32>, vector<16xi32>], vector<16xf32>, vector<16xi1>
        tpu.vector_store_idx %arg20[%sub3A_823, %broadcast_in_dim3A_890], %gather3A_891 masked %and3A_807 : memref<128x128xf32, #tpu.memory_space<vmem>>[vector<16xi32>, vector<16xi32>], vector<16xf32>, vector<16xi1>
        %broadcast_in_dim3A_892 = arith.constant 23 : i32
        %broadcast_in_dim3A_893 = vector.broadcast %broadcast_in_dim3A_892 : i32 to vector<16xi32>
        %gather3A_894 = tpu.vector_load_idx %arg17[%broadcast_in_dim3A_893, %sub3A_814] masked %and3A_807 : memref<32x512xf32, #tpu.memory_space<vmem>>[vector<16xi32>, vector<16xi32>], vector<16xf32>, vector<16xi1>
        tpu.vector_store_idx %arg20[%sub3A_823, %broadcast_in_dim3A_893], %gather3A_894 masked %and3A_807 : memref<128x128xf32, #tpu.memory_space<vmem>>[vector<16xi32>, vector<16xi32>], vector<16xf32>, vector<16xi1>
        %broadcast_in_dim3A_895 = arith.constant 24 : i32
        %broadcast_in_dim3A_896 = vector.broadcast %broadcast_in_dim3A_895 : i32 to vector<16xi32>
        %gather3A_897 = tpu.vector_load_idx %arg17[%broadcast_in_dim3A_896, %sub3A_814] masked %and3A_807 : memref<32x512xf32, #tpu.memory_space<vmem>>[vector<16xi32>, vector<16xi32>], vector<16xf32>, vector<16xi1>
        tpu.vector_store_idx %arg20[%sub3A_823, %broadcast_in_dim3A_896], %gather3A_897 masked %and3A_807 : memref<128x128xf32, #tpu.memory_space<vmem>>[vector<16xi32>, vector<16xi32>], vector<16xf32>, vector<16xi1>
        %broadcast_in_dim3A_898 = arith.constant 25 : i32
        %broadcast_in_dim3A_899 = vector.broadcast %broadcast_in_dim3A_898 : i32 to vector<16xi32>
        %gather3A_900 = tpu.vector_load_idx %arg17[%broadcast_in_dim3A_899, %sub3A_814] masked %and3A_807 : memref<32x512xf32, #tpu.memory_space<vmem>>[vector<16xi32>, vector<16xi32>], vector<16xf32>, vector<16xi1>
        tpu.vector_store_idx %arg20[%sub3A_823, %broadcast_in_dim3A_899], %gather3A_900 masked %and3A_807 : memref<128x128xf32, #tpu.memory_space<vmem>>[vector<16xi32>, vector<16xi32>], vector<16xf32>, vector<16xi1>
        %broadcast_in_dim3A_901 = arith.constant 26 : i32
        %broadcast_in_dim3A_902 = vector.broadcast %broadcast_in_dim3A_901 : i32 to vector<16xi32>
        %gather3A_903 = tpu.vector_load_idx %arg17[%broadcast_in_dim3A_902, %sub3A_814] masked %and3A_807 : memref<32x512xf32, #tpu.memory_space<vmem>>[vector<16xi32>, vector<16xi32>], vector<16xf32>, vector<16xi1>
        tpu.vector_store_idx %arg20[%sub3A_823, %broadcast_in_dim3A_902], %gather3A_903 masked %and3A_807 : memref<128x128xf32, #tpu.memory_space<vmem>>[vector<16xi32>, vector<16xi32>], vector<16xf32>, vector<16xi1>
        %broadcast_in_dim3A_904 = arith.constant 27 : i32
        %broadcast_in_dim3A_905 = vector.broadcast %broadcast_in_dim3A_904 : i32 to vector<16xi32>
        %gather3A_906 = tpu.vector_load_idx %arg17[%broadcast_in_dim3A_905, %sub3A_814] masked %and3A_807 : memref<32x512xf32, #tpu.memory_space<vmem>>[vector<16xi32>, vector<16xi32>], vector<16xf32>, vector<16xi1>
        tpu.vector_store_idx %arg20[%sub3A_823, %broadcast_in_dim3A_905], %gather3A_906 masked %and3A_807 : memref<128x128xf32, #tpu.memory_space<vmem>>[vector<16xi32>, vector<16xi32>], vector<16xf32>, vector<16xi1>
        %broadcast_in_dim3A_907 = arith.constant 28 : i32
        %broadcast_in_dim3A_908 = vector.broadcast %broadcast_in_dim3A_907 : i32 to vector<16xi32>
        %gather3A_909 = tpu.vector_load_idx %arg17[%broadcast_in_dim3A_908, %sub3A_814] masked %and3A_807 : memref<32x512xf32, #tpu.memory_space<vmem>>[vector<16xi32>, vector<16xi32>], vector<16xf32>, vector<16xi1>
        tpu.vector_store_idx %arg20[%sub3A_823, %broadcast_in_dim3A_908], %gather3A_909 masked %and3A_807 : memref<128x128xf32, #tpu.memory_space<vmem>>[vector<16xi32>, vector<16xi32>], vector<16xf32>, vector<16xi1>
        %broadcast_in_dim3A_910 = arith.constant 29 : i32
        %broadcast_in_dim3A_911 = vector.broadcast %broadcast_in_dim3A_910 : i32 to vector<16xi32>
        %gather3A_912 = tpu.vector_load_idx %arg17[%broadcast_in_dim3A_911, %sub3A_814] masked %and3A_807 : memref<32x512xf32, #tpu.memory_space<vmem>>[vector<16xi32>, vector<16xi32>], vector<16xf32>, vector<16xi1>
        tpu.vector_store_idx %arg20[%sub3A_823, %broadcast_in_dim3A_911], %gather3A_912 masked %and3A_807 : memref<128x128xf32, #tpu.memory_space<vmem>>[vector<16xi32>, vector<16xi32>], vector<16xf32>, vector<16xi1>
        %broadcast_in_dim3A_913 = arith.constant 30 : i32
        %broadcast_in_dim3A_914 = vector.broadcast %broadcast_in_dim3A_913 : i32 to vector<16xi32>
        %gather3A_915 = tpu.vector_load_idx %arg17[%broadcast_in_dim3A_914, %sub3A_814] masked %and3A_807 : memref<32x512xf32, #tpu.memory_space<vmem>>[vector<16xi32>, vector<16xi32>], vector<16xf32>, vector<16xi1>
        tpu.vector_store_idx %arg20[%sub3A_823, %broadcast_in_dim3A_914], %gather3A_915 masked %and3A_807 : memref<128x128xf32, #tpu.memory_space<vmem>>[vector<16xi32>, vector<16xi32>], vector<16xf32>, vector<16xi1>
        %broadcast_in_dim3A_916 = arith.constant 31 : i32
        %broadcast_in_dim3A_917 = vector.broadcast %broadcast_in_dim3A_916 : i32 to vector<16xi32>
        %gather3A_918 = tpu.vector_load_idx %arg17[%broadcast_in_dim3A_917, %sub3A_814] masked %and3A_807 : memref<32x512xf32, #tpu.memory_space<vmem>>[vector<16xi32>, vector<16xi32>], vector<16xf32>, vector<16xi1>
        tpu.vector_store_idx %arg20[%sub3A_823, %broadcast_in_dim3A_917], %gather3A_918 masked %and3A_807 : memref<128x128xf32, #tpu.memory_space<vmem>>[vector<16xi32>, vector<16xi32>], vector<16xf32>, vector<16xi1>
        tpu.vector_store_idx %arg16[%sub3A_823], %get3A_812 masked %and3A_807 : memref<128xi32, #tpu.memory_space<vmem>>[vector<16xi32>], vector<16xi32>, vector<16xi1>
        %reduce_sum3A_919 = arith.constant true
        %reduce_sum3A_920 = vector.broadcast %reduce_sum3A_919 : i1 to vector<16xi1>
        %reduce_sum3A_921 = tpu.scan <sum>, %convert_element_type3A_815 masked %reduce_sum3A_920 : vector<16xi32>, vector<16xi1> -> vector<16xi32>
        %reduce_sum3A_922 = vector.extract %reduce_sum3A_921[15] : i32 from vector<16xi32>
        %add3A_923 = arith.addi %while3A_797, %reduce_sum3A_922 : i32
        %gt3A_924 = arith.constant 112 : i32
        %gt3A_925 = arith.cmpi sgt, %add3A_923, %gt3A_924 : i32
        %convert_element_type3A_926 = arith.extui %gt3A_925 : i1 to i32
        %cond3A_927 = arith.constant 0 : i32
        %cond3A_928 = arith.cmpi ne, %convert_element_type3A_926, %cond3A_927 : i32
        scf.if %cond3A_928 {
          %dma_start3A_933 = arith.constant 0 : i32
          %dma_start3A_934 = arith.constant 0 : i32
          %dma_start3A_935 = tpu.memref_slice %arg6[%dma_start3A_933, %dma_start3A_934] : memref<16384x128xf32, #tpu.memory_space<hbm>> -> memref<16384x128xf32, #tpu.memory_space<hbm>>
          %dma_start3A_936 = arith.constant -1 : i32
          tpu.enqueue_indirect_dma source(%arg20 : memref<128x128xf32, #tpu.memory_space<vmem>>) target(%dma_start3A_935 : memref<16384x128xf32, #tpu.memory_space<hbm>>) offsets(%arg16 : memref<128xi32, #tpu.memory_space<vmem>>) offset_filter(%dma_start3A_936) semaphore(%arg23 : memref<!tpu.dma_semaphore, #tpu.memory_space<semaphore_mem>>)
          %dma_wait3A_937 = arith.constant 0 : i32
          %dma_wait3A_938 = arith.constant 0 : i32
          %dma_wait3A_939 = tpu.memref_slice %arg6[%dma_wait3A_937, %dma_wait3A_938] : memref<16384x128xf32, #tpu.memory_space<hbm>> -> memref<16384x128xf32, #tpu.memory_space<hbm>>
          tpu.wait_indirect_dma semaphore(%arg23 : memref<!tpu.dma_semaphore, #tpu.memory_space<semaphore_mem>>) src(%arg20 : memref<128x128xf32, #tpu.memory_space<vmem>>) dst(%dma_wait3A_939 : memref<16384x128xf32, #tpu.memory_space<hbm>>)
          %swap3A_940 = arith.constant 0 : index
          %swap3A_941 = tpu.vector_load %arg16[%swap3A_940] {strides = array<i32>} : memref<128xi32, #tpu.memory_space<vmem>>, vector<16xi32>,
          tpu.vector_store %arg16[%swap3A_940], %broadcast_in_dim3A_11 {strides = array<i32>} : memref<128xi32, #tpu.memory_space<vmem>>, vector<16xi32>,
          %swap3A_942 = arith.constant 16 : index
          %swap3A_943 = tpu.vector_load %arg16[%swap3A_942] {strides = array<i32>} : memref<128xi32, #tpu.memory_space<vmem>>, vector<16xi32>,
          tpu.vector_store %arg16[%swap3A_942], %broadcast_in_dim3A_11 {strides = array<i32>} : memref<128xi32, #tpu.memory_space<vmem>>, vector<16xi32>,
          %swap3A_944 = arith.constant 32 : index
          %swap3A_945 = tpu.vector_load %arg16[%swap3A_944] {strides = array<i32>} : memref<128xi32, #tpu.memory_space<vmem>>, vector<16xi32>,
          tpu.vector_store %arg16[%swap3A_944], %broadcast_in_dim3A_11 {strides = array<i32>} : memref<128xi32, #tpu.memory_space<vmem>>, vector<16xi32>,
          %swap3A_946 = arith.constant 48 : index
          %swap3A_947 = tpu.vector_load %arg16[%swap3A_946] {strides = array<i32>} : memref<128xi32, #tpu.memory_space<vmem>>, vector<16xi32>,
          tpu.vector_store %arg16[%swap3A_946], %broadcast_in_dim3A_11 {strides = array<i32>} : memref<128xi32, #tpu.memory_space<vmem>>, vector<16xi32>,
          %swap3A_948 = arith.constant 64 : index
          %swap3A_949 = tpu.vector_load %arg16[%swap3A_948] {strides = array<i32>} : memref<128xi32, #tpu.memory_space<vmem>>, vector<16xi32>,
          tpu.vector_store %arg16[%swap3A_948], %broadcast_in_dim3A_11 {strides = array<i32>} : memref<128xi32, #tpu.memory_space<vmem>>, vector<16xi32>,
          %swap3A_950 = arith.constant 80 : index
          %swap3A_951 = tpu.vector_load %arg16[%swap3A_950] {strides = array<i32>} : memref<128xi32, #tpu.memory_space<vmem>>, vector<16xi32>,
          tpu.vector_store %arg16[%swap3A_950], %broadcast_in_dim3A_11 {strides = array<i32>} : memref<128xi32, #tpu.memory_space<vmem>>, vector<16xi32>,
          %swap3A_952 = arith.constant 96 : index
          %swap3A_953 = tpu.vector_load %arg16[%swap3A_952] {strides = array<i32>} : memref<128xi32, #tpu.memory_space<vmem>>, vector<16xi32>,
          tpu.vector_store %arg16[%swap3A_952], %broadcast_in_dim3A_11 {strides = array<i32>} : memref<128xi32, #tpu.memory_space<vmem>>, vector<16xi32>,
          %swap3A_954 = arith.constant 112 : index
          %swap3A_955 = tpu.vector_load %arg16[%swap3A_954] {strides = array<i32>} : memref<128xi32, #tpu.memory_space<vmem>>, vector<16xi32>,
          tpu.vector_store %arg16[%swap3A_954], %broadcast_in_dim3A_11 {strides = array<i32>} : memref<128xi32, #tpu.memory_space<vmem>>, vector<16xi32>,
        } else {
        }
        %gt3A_929 = arith.constant 112 : i32
        %gt3A_930 = arith.cmpi sgt, %add3A_923, %gt3A_929 : i32
        %jit3A_931 = arith.constant 0 : i32
        %select_n3A_932 = arith.select %gt3A_930, %jit3A_931, %add3A_923 : i32
        scf.yield %select_n3A_932 : i32
      }
      %while3A_633 = arith.constant 1 : i32
      %while3A_634 = scf.for %while3A_796 = %while3A_630 to %while3A_626 step %while3A_633 iter_args(%while3A_797 = %while3A_632) -> (i32)  : i32 {
        %mul3A_798 = arith.constant 16 : i32
        %mul3A_799 = arith.muli %mul3A_798, %while3A_796 : i32
        %add3A_800 = arith.addi %mul3A_591, %mul3A_799 : i32
        %iota3A_801 = tpu.iota {dimensions = array<i32: 0>} : vector<16xi32>
        %add3A_802 = vector.broadcast %add3A_800 : i32 to vector<16xi32>
        %add3A_803 = arith.addi %add3A_802, %iota3A_801 : vector<16xi32>
        %ge3A = vector.broadcast %while3A_489 : i32 to vector<16xi32>
        %ge3A_804 = arith.cmpi sge, %add3A_803, %ge3A : vector<16xi32>
        %lt3A_805 = vector.broadcast %add3A_562 : i32 to vector<16xi32>
        %lt3A_806 = arith.cmpi slt, %add3A_803, %lt3A_805 : vector<16xi32>
        %and3A_807 = arith.andi %ge3A_804, %lt3A_806 : vector<16xi1>
        %multiple_of3A_808 = tpu.assume_multiple %add3A_800, 8 : i32
        %get3A_809 = arith.index_cast %multiple_of3A_808 : i32 to index
        %get3A_810 = tpu.vector_load %arg9[%get3A_809] {strides = array<i32>} : memref<16640xi32, #tpu.memory_space<vmem>>, vector<16xi32>,
        %get3A_811 = arith.index_cast %multiple_of3A_808 : i32 to index
        %get3A_812 = tpu.vector_load %arg10[%get3A_811] {strides = array<i32>} : memref<16640xi32, #tpu.memory_space<vmem>>, vector<16xi32>,
        %sub3A_813 = vector.broadcast %add3A_565 : i32 to vector<16xi32>
        %sub3A_814 = arith.subi %get3A_810, %sub3A_813 : vector<16xi32>
        %convert_element_type3A_815 = arith.extui %and3A_807 : vector<16xi1> to vector<16xi32>
        %broadcast_in_dim3A_816 = arith.constant true
        %broadcast_in_dim3A_817 = vector.broadcast %broadcast_in_dim3A_816 : i1 to vector<16xi1>
        %masked_cumsum3A_818 = tpu.scan <sum>, %convert_element_type3A_815 masked %broadcast_in_dim3A_817 : vector<16xi32>, vector<16xi1> -> vector<16xi32>
        %add3A_819 = vector.broadcast %while3A_797 : i32 to vector<16xi32>
        %add3A_820 = arith.addi %add3A_819, %masked_cumsum3A_818 : vector<16xi32>
        %sub3A_821 = arith.constant 1 : i32
        %sub3A_822 = vector.broadcast %sub3A_821 : i32 to vector<16xi32>
        %sub3A_823 = arith.subi %add3A_820, %sub3A_822 : vector<16xi32>
        %broadcast_in_dim3A_824 = arith.constant 0 : i32
        %broadcast_in_dim3A_825 = vector.broadcast %broadcast_in_dim3A_824 : i32 to vector<16xi32>
        %gather3A = tpu.vector_load_idx %arg17[%broadcast_in_dim3A_825, %sub3A_814] masked %and3A_807 : memref<32x512xf32, #tpu.memory_space<vmem>>[vector<16xi32>, vector<16xi32>], vector<16xf32>, vector<16xi1>
        tpu.vector_store_idx %arg20[%sub3A_823, %broadcast_in_dim3A_825], %gather3A masked %and3A_807 : memref<128x128xf32, #tpu.memory_space<vmem>>[vector<16xi32>, vector<16xi32>], vector<16xf32>, vector<16xi1>
        %broadcast_in_dim3A_826 = arith.constant 1 : i32
        %broadcast_in_dim3A_827 = vector.broadcast %broadcast_in_dim3A_826 : i32 to vector<16xi32>
        %gather3A_828 = tpu.vector_load_idx %arg17[%broadcast_in_dim3A_827, %sub3A_814] masked %and3A_807 : memref<32x512xf32, #tpu.memory_space<vmem>>[vector<16xi32>, vector<16xi32>], vector<16xf32>, vector<16xi1>
        tpu.vector_store_idx %arg20[%sub3A_823, %broadcast_in_dim3A_827], %gather3A_828 masked %and3A_807 : memref<128x128xf32, #tpu.memory_space<vmem>>[vector<16xi32>, vector<16xi32>], vector<16xf32>, vector<16xi1>
        %broadcast_in_dim3A_829 = arith.constant 2 : i32
        %broadcast_in_dim3A_830 = vector.broadcast %broadcast_in_dim3A_829 : i32 to vector<16xi32>
        %gather3A_831 = tpu.vector_load_idx %arg17[%broadcast_in_dim3A_830, %sub3A_814] masked %and3A_807 : memref<32x512xf32, #tpu.memory_space<vmem>>[vector<16xi32>, vector<16xi32>], vector<16xf32>, vector<16xi1>
        tpu.vector_store_idx %arg20[%sub3A_823, %broadcast_in_dim3A_830], %gather3A_831 masked %and3A_807 : memref<128x128xf32, #tpu.memory_space<vmem>>[vector<16xi32>, vector<16xi32>], vector<16xf32>, vector<16xi1>
        %broadcast_in_dim3A_832 = arith.constant 3 : i32
        %broadcast_in_dim3A_833 = vector.broadcast %broadcast_in_dim3A_832 : i32 to vector<16xi32>
        %gather3A_834 = tpu.vector_load_idx %arg17[%broadcast_in_dim3A_833, %sub3A_814] masked %and3A_807 : memref<32x512xf32, #tpu.memory_space<vmem>>[vector<16xi32>, vector<16xi32>], vector<16xf32>, vector<16xi1>
        tpu.vector_store_idx %arg20[%sub3A_823, %broadcast_in_dim3A_833], %gather3A_834 masked %and3A_807 : memref<128x128xf32, #tpu.memory_space<vmem>>[vector<16xi32>, vector<16xi32>], vector<16xf32>, vector<16xi1>
        %broadcast_in_dim3A_835 = arith.constant 4 : i32
        %broadcast_in_dim3A_836 = vector.broadcast %broadcast_in_dim3A_835 : i32 to vector<16xi32>
        %gather3A_837 = tpu.vector_load_idx %arg17[%broadcast_in_dim3A_836, %sub3A_814] masked %and3A_807 : memref<32x512xf32, #tpu.memory_space<vmem>>[vector<16xi32>, vector<16xi32>], vector<16xf32>, vector<16xi1>
        tpu.vector_store_idx %arg20[%sub3A_823, %broadcast_in_dim3A_836], %gather3A_837 masked %and3A_807 : memref<128x128xf32, #tpu.memory_space<vmem>>[vector<16xi32>, vector<16xi32>], vector<16xf32>, vector<16xi1>
        %broadcast_in_dim3A_838 = arith.constant 5 : i32
        %broadcast_in_dim3A_839 = vector.broadcast %broadcast_in_dim3A_838 : i32 to vector<16xi32>
        %gather3A_840 = tpu.vector_load_idx %arg17[%broadcast_in_dim3A_839, %sub3A_814] masked %and3A_807 : memref<32x512xf32, #tpu.memory_space<vmem>>[vector<16xi32>, vector<16xi32>], vector<16xf32>, vector<16xi1>
        tpu.vector_store_idx %arg20[%sub3A_823, %broadcast_in_dim3A_839], %gather3A_840 masked %and3A_807 : memref<128x128xf32, #tpu.memory_space<vmem>>[vector<16xi32>, vector<16xi32>], vector<16xf32>, vector<16xi1>
        %broadcast_in_dim3A_841 = arith.constant 6 : i32
        %broadcast_in_dim3A_842 = vector.broadcast %broadcast_in_dim3A_841 : i32 to vector<16xi32>
        %gather3A_843 = tpu.vector_load_idx %arg17[%broadcast_in_dim3A_842, %sub3A_814] masked %and3A_807 : memref<32x512xf32, #tpu.memory_space<vmem>>[vector<16xi32>, vector<16xi32>], vector<16xf32>, vector<16xi1>
        tpu.vector_store_idx %arg20[%sub3A_823, %broadcast_in_dim3A_842], %gather3A_843 masked %and3A_807 : memref<128x128xf32, #tpu.memory_space<vmem>>[vector<16xi32>, vector<16xi32>], vector<16xf32>, vector<16xi1>
        %broadcast_in_dim3A_844 = arith.constant 7 : i32
        %broadcast_in_dim3A_845 = vector.broadcast %broadcast_in_dim3A_844 : i32 to vector<16xi32>
        %gather3A_846 = tpu.vector_load_idx %arg17[%broadcast_in_dim3A_845, %sub3A_814] masked %and3A_807 : memref<32x512xf32, #tpu.memory_space<vmem>>[vector<16xi32>, vector<16xi32>], vector<16xf32>, vector<16xi1>
        tpu.vector_store_idx %arg20[%sub3A_823, %broadcast_in_dim3A_845], %gather3A_846 masked %and3A_807 : memref<128x128xf32, #tpu.memory_space<vmem>>[vector<16xi32>, vector<16xi32>], vector<16xf32>, vector<16xi1>
        %broadcast_in_dim3A_847 = arith.constant 8 : i32
        %broadcast_in_dim3A_848 = vector.broadcast %broadcast_in_dim3A_847 : i32 to vector<16xi32>
        %gather3A_849 = tpu.vector_load_idx %arg17[%broadcast_in_dim3A_848, %sub3A_814] masked %and3A_807 : memref<32x512xf32, #tpu.memory_space<vmem>>[vector<16xi32>, vector<16xi32>], vector<16xf32>, vector<16xi1>
        tpu.vector_store_idx %arg20[%sub3A_823, %broadcast_in_dim3A_848], %gather3A_849 masked %and3A_807 : memref<128x128xf32, #tpu.memory_space<vmem>>[vector<16xi32>, vector<16xi32>], vector<16xf32>, vector<16xi1>
        %broadcast_in_dim3A_850 = arith.constant 9 : i32
        %broadcast_in_dim3A_851 = vector.broadcast %broadcast_in_dim3A_850 : i32 to vector<16xi32>
        %gather3A_852 = tpu.vector_load_idx %arg17[%broadcast_in_dim3A_851, %sub3A_814] masked %and3A_807 : memref<32x512xf32, #tpu.memory_space<vmem>>[vector<16xi32>, vector<16xi32>], vector<16xf32>, vector<16xi1>
        tpu.vector_store_idx %arg20[%sub3A_823, %broadcast_in_dim3A_851], %gather3A_852 masked %and3A_807 : memref<128x128xf32, #tpu.memory_space<vmem>>[vector<16xi32>, vector<16xi32>], vector<16xf32>, vector<16xi1>
        %broadcast_in_dim3A_853 = arith.constant 10 : i32
        %broadcast_in_dim3A_854 = vector.broadcast %broadcast_in_dim3A_853 : i32 to vector<16xi32>
        %gather3A_855 = tpu.vector_load_idx %arg17[%broadcast_in_dim3A_854, %sub3A_814] masked %and3A_807 : memref<32x512xf32, #tpu.memory_space<vmem>>[vector<16xi32>, vector<16xi32>], vector<16xf32>, vector<16xi1>
        tpu.vector_store_idx %arg20[%sub3A_823, %broadcast_in_dim3A_854], %gather3A_855 masked %and3A_807 : memref<128x128xf32, #tpu.memory_space<vmem>>[vector<16xi32>, vector<16xi32>], vector<16xf32>, vector<16xi1>
        %broadcast_in_dim3A_856 = arith.constant 11 : i32
        %broadcast_in_dim3A_857 = vector.broadcast %broadcast_in_dim3A_856 : i32 to vector<16xi32>
        %gather3A_858 = tpu.vector_load_idx %arg17[%broadcast_in_dim3A_857, %sub3A_814] masked %and3A_807 : memref<32x512xf32, #tpu.memory_space<vmem>>[vector<16xi32>, vector<16xi32>], vector<16xf32>, vector<16xi1>
        tpu.vector_store_idx %arg20[%sub3A_823, %broadcast_in_dim3A_857], %gather3A_858 masked %and3A_807 : memref<128x128xf32, #tpu.memory_space<vmem>>[vector<16xi32>, vector<16xi32>], vector<16xf32>, vector<16xi1>
        %broadcast_in_dim3A_859 = arith.constant 12 : i32
        %broadcast_in_dim3A_860 = vector.broadcast %broadcast_in_dim3A_859 : i32 to vector<16xi32>
        %gather3A_861 = tpu.vector_load_idx %arg17[%broadcast_in_dim3A_860, %sub3A_814] masked %and3A_807 : memref<32x512xf32, #tpu.memory_space<vmem>>[vector<16xi32>, vector<16xi32>], vector<16xf32>, vector<16xi1>
        tpu.vector_store_idx %arg20[%sub3A_823, %broadcast_in_dim3A_860], %gather3A_861 masked %and3A_807 : memref<128x128xf32, #tpu.memory_space<vmem>>[vector<16xi32>, vector<16xi32>], vector<16xf32>, vector<16xi1>
        %broadcast_in_dim3A_862 = arith.constant 13 : i32
        %broadcast_in_dim3A_863 = vector.broadcast %broadcast_in_dim3A_862 : i32 to vector<16xi32>
        %gather3A_864 = tpu.vector_load_idx %arg17[%broadcast_in_dim3A_863, %sub3A_814] masked %and3A_807 : memref<32x512xf32, #tpu.memory_space<vmem>>[vector<16xi32>, vector<16xi32>], vector<16xf32>, vector<16xi1>
        tpu.vector_store_idx %arg20[%sub3A_823, %broadcast_in_dim3A_863], %gather3A_864 masked %and3A_807 : memref<128x128xf32, #tpu.memory_space<vmem>>[vector<16xi32>, vector<16xi32>], vector<16xf32>, vector<16xi1>
        %broadcast_in_dim3A_865 = arith.constant 14 : i32
        %broadcast_in_dim3A_866 = vector.broadcast %broadcast_in_dim3A_865 : i32 to vector<16xi32>
        %gather3A_867 = tpu.vector_load_idx %arg17[%broadcast_in_dim3A_866, %sub3A_814] masked %and3A_807 : memref<32x512xf32, #tpu.memory_space<vmem>>[vector<16xi32>, vector<16xi32>], vector<16xf32>, vector<16xi1>
        tpu.vector_store_idx %arg20[%sub3A_823, %broadcast_in_dim3A_866], %gather3A_867 masked %and3A_807 : memref<128x128xf32, #tpu.memory_space<vmem>>[vector<16xi32>, vector<16xi32>], vector<16xf32>, vector<16xi1>
        %broadcast_in_dim3A_868 = arith.constant 15 : i32
        %broadcast_in_dim3A_869 = vector.broadcast %broadcast_in_dim3A_868 : i32 to vector<16xi32>
        %gather3A_870 = tpu.vector_load_idx %arg17[%broadcast_in_dim3A_869, %sub3A_814] masked %and3A_807 : memref<32x512xf32, #tpu.memory_space<vmem>>[vector<16xi32>, vector<16xi32>], vector<16xf32>, vector<16xi1>
        tpu.vector_store_idx %arg20[%sub3A_823, %broadcast_in_dim3A_869], %gather3A_870 masked %and3A_807 : memref<128x128xf32, #tpu.memory_space<vmem>>[vector<16xi32>, vector<16xi32>], vector<16xf32>, vector<16xi1>
        %broadcast_in_dim3A_871 = arith.constant 16 : i32
        %broadcast_in_dim3A_872 = vector.broadcast %broadcast_in_dim3A_871 : i32 to vector<16xi32>
        %gather3A_873 = tpu.vector_load_idx %arg17[%broadcast_in_dim3A_872, %sub3A_814] masked %and3A_807 : memref<32x512xf32, #tpu.memory_space<vmem>>[vector<16xi32>, vector<16xi32>], vector<16xf32>, vector<16xi1>
        tpu.vector_store_idx %arg20[%sub3A_823, %broadcast_in_dim3A_872], %gather3A_873 masked %and3A_807 : memref<128x128xf32, #tpu.memory_space<vmem>>[vector<16xi32>, vector<16xi32>], vector<16xf32>, vector<16xi1>
        %broadcast_in_dim3A_874 = arith.constant 17 : i32
        %broadcast_in_dim3A_875 = vector.broadcast %broadcast_in_dim3A_874 : i32 to vector<16xi32>
        %gather3A_876 = tpu.vector_load_idx %arg17[%broadcast_in_dim3A_875, %sub3A_814] masked %and3A_807 : memref<32x512xf32, #tpu.memory_space<vmem>>[vector<16xi32>, vector<16xi32>], vector<16xf32>, vector<16xi1>
        tpu.vector_store_idx %arg20[%sub3A_823, %broadcast_in_dim3A_875], %gather3A_876 masked %and3A_807 : memref<128x128xf32, #tpu.memory_space<vmem>>[vector<16xi32>, vector<16xi32>], vector<16xf32>, vector<16xi1>
        %broadcast_in_dim3A_877 = arith.constant 18 : i32
        %broadcast_in_dim3A_878 = vector.broadcast %broadcast_in_dim3A_877 : i32 to vector<16xi32>
        %gather3A_879 = tpu.vector_load_idx %arg17[%broadcast_in_dim3A_878, %sub3A_814] masked %and3A_807 : memref<32x512xf32, #tpu.memory_space<vmem>>[vector<16xi32>, vector<16xi32>], vector<16xf32>, vector<16xi1>
        tpu.vector_store_idx %arg20[%sub3A_823, %broadcast_in_dim3A_878], %gather3A_879 masked %and3A_807 : memref<128x128xf32, #tpu.memory_space<vmem>>[vector<16xi32>, vector<16xi32>], vector<16xf32>, vector<16xi1>
        %broadcast_in_dim3A_880 = arith.constant 19 : i32
        %broadcast_in_dim3A_881 = vector.broadcast %broadcast_in_dim3A_880 : i32 to vector<16xi32>
        %gather3A_882 = tpu.vector_load_idx %arg17[%broadcast_in_dim3A_881, %sub3A_814] masked %and3A_807 : memref<32x512xf32, #tpu.memory_space<vmem>>[vector<16xi32>, vector<16xi32>], vector<16xf32>, vector<16xi1>
        tpu.vector_store_idx %arg20[%sub3A_823, %broadcast_in_dim3A_881], %gather3A_882 masked %and3A_807 : memref<128x128xf32, #tpu.memory_space<vmem>>[vector<16xi32>, vector<16xi32>], vector<16xf32>, vector<16xi1>
        %broadcast_in_dim3A_883 = arith.constant 20 : i32
        %broadcast_in_dim3A_884 = vector.broadcast %broadcast_in_dim3A_883 : i32 to vector<16xi32>
        %gather3A_885 = tpu.vector_load_idx %arg17[%broadcast_in_dim3A_884, %sub3A_814] masked %and3A_807 : memref<32x512xf32, #tpu.memory_space<vmem>>[vector<16xi32>, vector<16xi32>], vector<16xf32>, vector<16xi1>
        tpu.vector_store_idx %arg20[%sub3A_823, %broadcast_in_dim3A_884], %gather3A_885 masked %and3A_807 : memref<128x128xf32, #tpu.memory_space<vmem>>[vector<16xi32>, vector<16xi32>], vector<16xf32>, vector<16xi1>
        %broadcast_in_dim3A_886 = arith.constant 21 : i32
        %broadcast_in_dim3A_887 = vector.broadcast %broadcast_in_dim3A_886 : i32 to vector<16xi32>
        %gather3A_888 = tpu.vector_load_idx %arg17[%broadcast_in_dim3A_887, %sub3A_814] masked %and3A_807 : memref<32x512xf32, #tpu.memory_space<vmem>>[vector<16xi32>, vector<16xi32>], vector<16xf32>, vector<16xi1>
        tpu.vector_store_idx %arg20[%sub3A_823, %broadcast_in_dim3A_887], %gather3A_888 masked %and3A_807 : memref<128x128xf32, #tpu.memory_space<vmem>>[vector<16xi32>, vector<16xi32>], vector<16xf32>, vector<16xi1>
        %broadcast_in_dim3A_889 = arith.constant 22 : i32
        %broadcast_in_dim3A_890 = vector.broadcast %broadcast_in_dim3A_889 : i32 to vector<16xi32>
        %gather3A_891 = tpu.vector_load_idx %arg17[%broadcast_in_dim3A_890, %sub3A_814] masked %and3A_807 : memref<32x512xf32, #tpu.memory_space<vmem>>[vector<16xi32>, vector<16xi32>], vector<16xf32>, vector<16xi1>
        tpu.vector_store_idx %arg20[%sub3A_823, %broadcast_in_dim3A_890], %gather3A_891 masked %and3A_807 : memref<128x128xf32, #tpu.memory_space<vmem>>[vector<16xi32>, vector<16xi32>], vector<16xf32>, vector<16xi1>
        %broadcast_in_dim3A_892 = arith.constant 23 : i32
        %broadcast_in_dim3A_893 = vector.broadcast %broadcast_in_dim3A_892 : i32 to vector<16xi32>
        %gather3A_894 = tpu.vector_load_idx %arg17[%broadcast_in_dim3A_893, %sub3A_814] masked %and3A_807 : memref<32x512xf32, #tpu.memory_space<vmem>>[vector<16xi32>, vector<16xi32>], vector<16xf32>, vector<16xi1>
        tpu.vector_store_idx %arg20[%sub3A_823, %broadcast_in_dim3A_893], %gather3A_894 masked %and3A_807 : memref<128x128xf32, #tpu.memory_space<vmem>>[vector<16xi32>, vector<16xi32>], vector<16xf32>, vector<16xi1>
        %broadcast_in_dim3A_895 = arith.constant 24 : i32
        %broadcast_in_dim3A_896 = vector.broadcast %broadcast_in_dim3A_895 : i32 to vector<16xi32>
        %gather3A_897 = tpu.vector_load_idx %arg17[%broadcast_in_dim3A_896, %sub3A_814] masked %and3A_807 : memref<32x512xf32, #tpu.memory_space<vmem>>[vector<16xi32>, vector<16xi32>], vector<16xf32>, vector<16xi1>
        tpu.vector_store_idx %arg20[%sub3A_823, %broadcast_in_dim3A_896], %gather3A_897 masked %and3A_807 : memref<128x128xf32, #tpu.memory_space<vmem>>[vector<16xi32>, vector<16xi32>], vector<16xf32>, vector<16xi1>
        %broadcast_in_dim3A_898 = arith.constant 25 : i32
        %broadcast_in_dim3A_899 = vector.broadcast %broadcast_in_dim3A_898 : i32 to vector<16xi32>
        %gather3A_900 = tpu.vector_load_idx %arg17[%broadcast_in_dim3A_899, %sub3A_814] masked %and3A_807 : memref<32x512xf32, #tpu.memory_space<vmem>>[vector<16xi32>, vector<16xi32>], vector<16xf32>, vector<16xi1>
        tpu.vector_store_idx %arg20[%sub3A_823, %broadcast_in_dim3A_899], %gather3A_900 masked %and3A_807 : memref<128x128xf32, #tpu.memory_space<vmem>>[vector<16xi32>, vector<16xi32>], vector<16xf32>, vector<16xi1>
        %broadcast_in_dim3A_901 = arith.constant 26 : i32
        %broadcast_in_dim3A_902 = vector.broadcast %broadcast_in_dim3A_901 : i32 to vector<16xi32>
        %gather3A_903 = tpu.vector_load_idx %arg17[%broadcast_in_dim3A_902, %sub3A_814] masked %and3A_807 : memref<32x512xf32, #tpu.memory_space<vmem>>[vector<16xi32>, vector<16xi32>], vector<16xf32>, vector<16xi1>
        tpu.vector_store_idx %arg20[%sub3A_823, %broadcast_in_dim3A_902], %gather3A_903 masked %and3A_807 : memref<128x128xf32, #tpu.memory_space<vmem>>[vector<16xi32>, vector<16xi32>], vector<16xf32>, vector<16xi1>
        %broadcast_in_dim3A_904 = arith.constant 27 : i32
        %broadcast_in_dim3A_905 = vector.broadcast %broadcast_in_dim3A_904 : i32 to vector<16xi32>
        %gather3A_906 = tpu.vector_load_idx %arg17[%broadcast_in_dim3A_905, %sub3A_814] masked %and3A_807 : memref<32x512xf32, #tpu.memory_space<vmem>>[vector<16xi32>, vector<16xi32>], vector<16xf32>, vector<16xi1>
        tpu.vector_store_idx %arg20[%sub3A_823, %broadcast_in_dim3A_905], %gather3A_906 masked %and3A_807 : memref<128x128xf32, #tpu.memory_space<vmem>>[vector<16xi32>, vector<16xi32>], vector<16xf32>, vector<16xi1>
        %broadcast_in_dim3A_907 = arith.constant 28 : i32
        %broadcast_in_dim3A_908 = vector.broadcast %broadcast_in_dim3A_907 : i32 to vector<16xi32>
        %gather3A_909 = tpu.vector_load_idx %arg17[%broadcast_in_dim3A_908, %sub3A_814] masked %and3A_807 : memref<32x512xf32, #tpu.memory_space<vmem>>[vector<16xi32>, vector<16xi32>], vector<16xf32>, vector<16xi1>
        tpu.vector_store_idx %arg20[%sub3A_823, %broadcast_in_dim3A_908], %gather3A_909 masked %and3A_807 : memref<128x128xf32, #tpu.memory_space<vmem>>[vector<16xi32>, vector<16xi32>], vector<16xf32>, vector<16xi1>
        %broadcast_in_dim3A_910 = arith.constant 29 : i32
        %broadcast_in_dim3A_911 = vector.broadcast %broadcast_in_dim3A_910 : i32 to vector<16xi32>
        %gather3A_912 = tpu.vector_load_idx %arg17[%broadcast_in_dim3A_911, %sub3A_814] masked %and3A_807 : memref<32x512xf32, #tpu.memory_space<vmem>>[vector<16xi32>, vector<16xi32>], vector<16xf32>, vector<16xi1>
        tpu.vector_store_idx %arg20[%sub3A_823, %broadcast_in_dim3A_911], %gather3A_912 masked %and3A_807 : memref<128x128xf32, #tpu.memory_space<vmem>>[vector<16xi32>, vector<16xi32>], vector<16xf32>, vector<16xi1>
        %broadcast_in_dim3A_913 = arith.constant 30 : i32
        %broadcast_in_dim3A_914 = vector.broadcast %broadcast_in_dim3A_913 : i32 to vector<16xi32>
        %gather3A_915 = tpu.vector_load_idx %arg17[%broadcast_in_dim3A_914, %sub3A_814] masked %and3A_807 : memref<32x512xf32, #tpu.memory_space<vmem>>[vector<16xi32>, vector<16xi32>], vector<16xf32>, vector<16xi1>
        tpu.vector_store_idx %arg20[%sub3A_823, %broadcast_in_dim3A_914], %gather3A_915 masked %and3A_807 : memref<128x128xf32, #tpu.memory_space<vmem>>[vector<16xi32>, vector<16xi32>], vector<16xf32>, vector<16xi1>
        %broadcast_in_dim3A_916 = arith.constant 31 : i32
        %broadcast_in_dim3A_917 = vector.broadcast %broadcast_in_dim3A_916 : i32 to vector<16xi32>
        %gather3A_918 = tpu.vector_load_idx %arg17[%broadcast_in_dim3A_917, %sub3A_814] masked %and3A_807 : memref<32x512xf32, #tpu.memory_space<vmem>>[vector<16xi32>, vector<16xi32>], vector<16xf32>, vector<16xi1>
        tpu.vector_store_idx %arg20[%sub3A_823, %broadcast_in_dim3A_917], %gather3A_918 masked %and3A_807 : memref<128x128xf32, #tpu.memory_space<vmem>>[vector<16xi32>, vector<16xi32>], vector<16xf32>, vector<16xi1>
        tpu.vector_store_idx %arg16[%sub3A_823], %get3A_812 masked %and3A_807 : memref<128xi32, #tpu.memory_space<vmem>>[vector<16xi32>], vector<16xi32>, vector<16xi1>
        %reduce_sum3A_919 = arith.constant true
        %reduce_sum3A_920 = vector.broadcast %reduce_sum3A_919 : i1 to vector<16xi1>
        %reduce_sum3A_921 = tpu.scan <sum>, %convert_element_type3A_815 masked %reduce_sum3A_920 : vector<16xi32>, vector<16xi1> -> vector<16xi32>
        %reduce_sum3A_922 = vector.extract %reduce_sum3A_921[15] : i32 from vector<16xi32>
        %add3A_923 = arith.addi %while3A_797, %reduce_sum3A_922 : i32
        %gt3A_924 = arith.constant 112 : i32
        %gt3A_925 = arith.cmpi sgt, %add3A_923, %gt3A_924 : i32
        %convert_element_type3A_926 = arith.extui %gt3A_925 : i1 to i32
        %cond3A_927 = arith.constant 0 : i32
        %cond3A_928 = arith.cmpi ne, %convert_element_type3A_926, %cond3A_927 : i32
        scf.if %cond3A_928 {
          %dma_start3A_933 = arith.constant 0 : i32
          %dma_start3A_934 = arith.constant 0 : i32
          %dma_start3A_935 = tpu.memref_slice %arg6[%dma_start3A_933, %dma_start3A_934] : memref<16384x128xf32, #tpu.memory_space<hbm>> -> memref<16384x128xf32, #tpu.memory_space<hbm>>
          %dma_start3A_936 = arith.constant -1 : i32
          tpu.enqueue_indirect_dma source(%arg20 : memref<128x128xf32, #tpu.memory_space<vmem>>) target(%dma_start3A_935 : memref<16384x128xf32, #tpu.memory_space<hbm>>) offsets(%arg16 : memref<128xi32, #tpu.memory_space<vmem>>) offset_filter(%dma_start3A_936) semaphore(%arg23 : memref<!tpu.dma_semaphore, #tpu.memory_space<semaphore_mem>>)
          %dma_wait3A_937 = arith.constant 0 : i32
          %dma_wait3A_938 = arith.constant 0 : i32
          %dma_wait3A_939 = tpu.memref_slice %arg6[%dma_wait3A_937, %dma_wait3A_938] : memref<16384x128xf32, #tpu.memory_space<hbm>> -> memref<16384x128xf32, #tpu.memory_space<hbm>>
          tpu.wait_indirect_dma semaphore(%arg23 : memref<!tpu.dma_semaphore, #tpu.memory_space<semaphore_mem>>) src(%arg20 : memref<128x128xf32, #tpu.memory_space<vmem>>) dst(%dma_wait3A_939 : memref<16384x128xf32, #tpu.memory_space<hbm>>)
          %swap3A_940 = arith.constant 0 : index
          %swap3A_941 = tpu.vector_load %arg16[%swap3A_940] {strides = array<i32>} : memref<128xi32, #tpu.memory_space<vmem>>, vector<16xi32>,
          tpu.vector_store %arg16[%swap3A_940], %broadcast_in_dim3A_11 {strides = array<i32>} : memref<128xi32, #tpu.memory_space<vmem>>, vector<16xi32>,
          %swap3A_942 = arith.constant 16 : index
          %swap3A_943 = tpu.vector_load %arg16[%swap3A_942] {strides = array<i32>} : memref<128xi32, #tpu.memory_space<vmem>>, vector<16xi32>,
          tpu.vector_store %arg16[%swap3A_942], %broadcast_in_dim3A_11 {strides = array<i32>} : memref<128xi32, #tpu.memory_space<vmem>>, vector<16xi32>,
          %swap3A_944 = arith.constant 32 : index
          %swap3A_945 = tpu.vector_load %arg16[%swap3A_944] {strides = array<i32>} : memref<128xi32, #tpu.memory_space<vmem>>, vector<16xi32>,
          tpu.vector_store %arg16[%swap3A_944], %broadcast_in_dim3A_11 {strides = array<i32>} : memref<128xi32, #tpu.memory_space<vmem>>, vector<16xi32>,
          %swap3A_946 = arith.constant 48 : index
          %swap3A_947 = tpu.vector_load %arg16[%swap3A_946] {strides = array<i32>} : memref<128xi32, #tpu.memory_space<vmem>>, vector<16xi32>,
          tpu.vector_store %arg16[%swap3A_946], %broadcast_in_dim3A_11 {strides = array<i32>} : memref<128xi32, #tpu.memory_space<vmem>>, vector<16xi32>,
          %swap3A_948 = arith.constant 64 : index
          %swap3A_949 = tpu.vector_load %arg16[%swap3A_948] {strides = array<i32>} : memref<128xi32, #tpu.memory_space<vmem>>, vector<16xi32>,
          tpu.vector_store %arg16[%swap3A_948], %broadcast_in_dim3A_11 {strides = array<i32>} : memref<128xi32, #tpu.memory_space<vmem>>, vector<16xi32>,
          %swap3A_950 = arith.constant 80 : index
          %swap3A_951 = tpu.vector_load %arg16[%swap3A_950] {strides = array<i32>} : memref<128xi32, #tpu.memory_space<vmem>>, vector<16xi32>,
          tpu.vector_store %arg16[%swap3A_950], %broadcast_in_dim3A_11 {strides = array<i32>} : memref<128xi32, #tpu.memory_space<vmem>>, vector<16xi32>,
          %swap3A_952 = arith.constant 96 : index
          %swap3A_953 = tpu.vector_load %arg16[%swap3A_952] {strides = array<i32>} : memref<128xi32, #tpu.memory_space<vmem>>, vector<16xi32>,
          tpu.vector_store %arg16[%swap3A_952], %broadcast_in_dim3A_11 {strides = array<i32>} : memref<128xi32, #tpu.memory_space<vmem>>, vector<16xi32>,
          %swap3A_954 = arith.constant 112 : index
          %swap3A_955 = tpu.vector_load %arg16[%swap3A_954] {strides = array<i32>} : memref<128xi32, #tpu.memory_space<vmem>>, vector<16xi32>,
          tpu.vector_store %arg16[%swap3A_954], %broadcast_in_dim3A_11 {strides = array<i32>} : memref<128xi32, #tpu.memory_space<vmem>>, vector<16xi32>,
        } else {
        }
        %gt3A_929 = arith.constant 112 : i32
        %gt3A_930 = arith.cmpi sgt, %add3A_923, %gt3A_929 : i32
        %jit3A_931 = arith.constant 0 : i32
        %select_n3A_932 = arith.select %gt3A_930, %jit3A_931, %add3A_923 : i32
        scf.yield %select_n3A_932 : i32
      }
      %add3A_635 = arith.constant 2 : i32
      %add3A_636 = arith.addi %mul3A_491, %add3A_635 : i32
      %lt3A = arith.cmpi slt, %add3A_636, %select_n3A_8 : i32
      %convert_element_type3A_637 = arith.extui %lt3A : i1 to i32
      %cond3A_638 = arith.constant 0 : i32
      %cond3A_639 = arith.cmpi ne, %convert_element_type3A_637, %cond3A_638 : i32
      scf.if %cond3A_639 {
        %add3A_796 = arith.constant 2 : i32
        %add3A_797 = arith.addi %mul3A_491, %add3A_796 : i32
        %mul3A_798 = arith.constant 512 : i32
        %mul3A_799 = arith.muli %add3A_797, %mul3A_798 : i32
        %add3A_800 = arith.addi %mul3A_3, %mul3A_799 : i32
        %multiple_of3A_801 = tpu.assume_multiple %add3A_800, 512 : i32
        %dma_start3A_802 = arith.constant 0 : i32
        %dma_start3A_803 = tpu.memref_slice %arg4[%dma_start3A_802, %multiple_of3A_801] : memref<32x1000001xf32, #tpu.memory_space<hbm>> -> memref<32x512xf32, #tpu.memory_space<hbm>>
        %dma_start3A_804 = arith.constant 0 : i32
        %dma_start3A_805 = tpu.memref_slice %arg4[%dma_start3A_804, %multiple_of3A_801] : memref<32x1000001xf32, #tpu.memory_space<hbm>> -> memref<32x512xf32, #tpu.memory_space<hbm>>
        tpu.enqueue_dma source(%dma_start3A_805 : memref<32x512xf32, #tpu.memory_space<hbm>>) target(%arg17 : memref<32x512xf32, #tpu.memory_space<vmem>>) target_semaphore(%arg21 : memref<!tpu.dma_semaphore, #tpu.memory_space<semaphore_mem>>)
      } else {
      }
      %add3A_640 = arith.constant 1 : i32
      %add3A_641 = arith.addi %mul3A_491, %add3A_640 : i32
      %lt3A_642 = arith.cmpi slt, %add3A_641, %select_n3A_8 : i32
      %convert_element_type3A_643 = arith.extui %lt3A_642 : i1 to i32
      %cond3A_644 = arith.constant 0 : i32
      %cond3A_645 = arith.cmpi ne, %convert_element_type3A_643, %cond3A_644 : i32
      scf.if %cond3A_645 {
        %dma_wait3A_796 = arith.constant 0 : i32
        %dma_wait3A_797 = arith.constant 0 : i32
        %dma_wait3A_798 = tpu.memref_slice %arg4[%dma_wait3A_796, %dma_wait3A_797] : memref<32x1000001xf32, #tpu.memory_space<hbm>> -> memref<32x512xf32, #tpu.memory_space<hbm>>
        %dma_wait3A_799 = arith.constant 0 : i32
        %dma_wait3A_800 = arith.constant 0 : i32
        %dma_wait3A_801 = tpu.memref_slice %arg4[%dma_wait3A_799, %dma_wait3A_800] : memref<32x1000001xf32, #tpu.memory_space<hbm>> -> memref<32x512xf32, #tpu.memory_space<hbm>>
        tpu.wait_dma2 semaphore(%arg22 : memref<!tpu.dma_semaphore, #tpu.memory_space<semaphore_mem>>) src(%dma_wait3A_801 : memref<32x512xf32, #tpu.memory_space<hbm>>) dst(%arg18 : memref<32x512xf32, #tpu.memory_space<vmem>>)
      } else {
      }
      %add3A_646 = arith.constant 1 : i32
      %add3A_647 = arith.addi %mul3A_491, %add3A_646 : i32
      %iota3A_648 = tpu.iota {dimensions = array<i32: 0>} : vector<16xi32>
      %add3A_649 = arith.constant 0 : i32
      %add3A_650 = vector.broadcast %add3A_649 : i32 to vector<16xi32>
      %add3A_651 = arith.addi %add3A_650, %iota3A_648 : vector<16xi32>
      %eq3A_652 = vector.broadcast %add3A_647 : i32 to vector<16xi32>
      %eq3A_653 = arith.cmpi eq, %add3A_651, %eq3A_652 : vector<16xi32>
      %get3A_654 = arith.constant 0 : index
      %get3A_655 = tpu.vector_load %arg11[%get3A_654] {strides = array<i32>} : memref<128xi32, #tpu.memory_space<vmem>>, vector<16xi32>,
      %jit3A_656 = arith.constant 0 : i32
      %broadcast_in_dim3A_657 = vector.broadcast %jit3A_656 : i32 to vector<16xi32>
      %select_n3A_658 = arith.select %eq3A_653, %get3A_655, %broadcast_in_dim3A_657 : vector<16xi1>, vector<16xi32>
      %reduce_sum3A_659 = arith.constant true
      %reduce_sum3A_660 = vector.broadcast %reduce_sum3A_659 : i1 to vector<16xi1>
      %reduce_sum3A_661 = tpu.scan <sum>, %select_n3A_658 masked %reduce_sum3A_660 : vector<16xi32>, vector<16xi1> -> vector<16xi32>
      %reduce_sum3A_662 = vector.extract %reduce_sum3A_661[15] : i32 from vector<16xi32>
      %add3A_663 = arith.constant 0 : i32
      %add3A_664 = arith.addi %add3A_663, %reduce_sum3A_662 : i32
      %iota3A_665 = tpu.iota {dimensions = array<i32: 0>} : vector<16xi32>
      %add3A_666 = arith.constant 16 : i32
      %add3A_667 = vector.broadcast %add3A_666 : i32 to vector<16xi32>
      %add3A_668 = arith.addi %add3A_667, %iota3A_665 : vector<16xi32>
      %eq3A_669 = vector.broadcast %add3A_647 : i32 to vector<16xi32>
      %eq3A_670 = arith.cmpi eq, %add3A_668, %eq3A_669 : vector<16xi32>
      %get3A_671 = arith.constant 16 : index
      %get3A_672 = tpu.vector_load %arg11[%get3A_671] {strides = array<i32>} : memref<128xi32, #tpu.memory_space<vmem>>, vector<16xi32>,
      %jit3A_673 = arith.constant 0 : i32
      %broadcast_in_dim3A_674 = vector.broadcast %jit3A_673 : i32 to vector<16xi32>
      %select_n3A_675 = arith.select %eq3A_670, %get3A_672, %broadcast_in_dim3A_674 : vector<16xi1>, vector<16xi32>
      %reduce_sum3A_676 = arith.constant true
      %reduce_sum3A_677 = vector.broadcast %reduce_sum3A_676 : i1 to vector<16xi1>
      %reduce_sum3A_678 = tpu.scan <sum>, %select_n3A_675 masked %reduce_sum3A_677 : vector<16xi32>, vector<16xi1> -> vector<16xi32>
      %reduce_sum3A_679 = vector.extract %reduce_sum3A_678[15] : i32 from vector<16xi32>
      %add3A_680 = arith.addi %add3A_664, %reduce_sum3A_679 : i32
      %iota3A_681 = tpu.iota {dimensions = array<i32: 0>} : vector<16xi32>
      %add3A_682 = arith.constant 32 : i32
      %add3A_683 = vector.broadcast %add3A_682 : i32 to vector<16xi32>
      %add3A_684 = arith.addi %add3A_683, %iota3A_681 : vector<16xi32>
      %eq3A_685 = vector.broadcast %add3A_647 : i32 to vector<16xi32>
      %eq3A_686 = arith.cmpi eq, %add3A_684, %eq3A_685 : vector<16xi32>
      %get3A_687 = arith.constant 32 : index
      %get3A_688 = tpu.vector_load %arg11[%get3A_687] {strides = array<i32>} : memref<128xi32, #tpu.memory_space<vmem>>, vector<16xi32>,
      %jit3A_689 = arith.constant 0 : i32
      %broadcast_in_dim3A_690 = vector.broadcast %jit3A_689 : i32 to vector<16xi32>
      %select_n3A_691 = arith.select %eq3A_686, %get3A_688, %broadcast_in_dim3A_690 : vector<16xi1>, vector<16xi32>
      %reduce_sum3A_692 = arith.constant true
      %reduce_sum3A_693 = vector.broadcast %reduce_sum3A_692 : i1 to vector<16xi1>
      %reduce_sum3A_694 = tpu.scan <sum>, %select_n3A_691 masked %reduce_sum3A_693 : vector<16xi32>, vector<16xi1> -> vector<16xi32>
      %reduce_sum3A_695 = vector.extract %reduce_sum3A_694[15] : i32 from vector<16xi32>
      %add3A_696 = arith.addi %add3A_680, %reduce_sum3A_695 : i32
      %iota3A_697 = tpu.iota {dimensions = array<i32: 0>} : vector<16xi32>
      %add3A_698 = arith.constant 48 : i32
      %add3A_699 = vector.broadcast %add3A_698 : i32 to vector<16xi32>
      %add3A_700 = arith.addi %add3A_699, %iota3A_697 : vector<16xi32>
      %eq3A_701 = vector.broadcast %add3A_647 : i32 to vector<16xi32>
      %eq3A_702 = arith.cmpi eq, %add3A_700, %eq3A_701 : vector<16xi32>
      %get3A_703 = arith.constant 48 : index
      %get3A_704 = tpu.vector_load %arg11[%get3A_703] {strides = array<i32>} : memref<128xi32, #tpu.memory_space<vmem>>, vector<16xi32>,
      %jit3A_705 = arith.constant 0 : i32
      %broadcast_in_dim3A_706 = vector.broadcast %jit3A_705 : i32 to vector<16xi32>
      %select_n3A_707 = arith.select %eq3A_702, %get3A_704, %broadcast_in_dim3A_706 : vector<16xi1>, vector<16xi32>
      %reduce_sum3A_708 = arith.constant true
      %reduce_sum3A_709 = vector.broadcast %reduce_sum3A_708 : i1 to vector<16xi1>
      %reduce_sum3A_710 = tpu.scan <sum>, %select_n3A_707 masked %reduce_sum3A_709 : vector<16xi32>, vector<16xi1> -> vector<16xi32>
      %reduce_sum3A_711 = vector.extract %reduce_sum3A_710[15] : i32 from vector<16xi32>
      %add3A_712 = arith.addi %add3A_696, %reduce_sum3A_711 : i32
      %jit3A_713 = arith.constant 0 : i32
      %select_n3A_714 = arith.select %lt3A_642, %add3A_712, %jit3A_713 : i32
      %add3A_715 = arith.addi %add3A_562, %select_n3A_714 : i32
      %add3A_716 = arith.constant 1 : i32
      %add3A_717 = arith.addi %mul3A_491, %add3A_716 : i32
      %mul3A_718 = arith.constant 512 : i32
      %mul3A_719 = arith.muli %add3A_717, %mul3A_718 : i32
      %add3A_720 = arith.addi %mul3A_3, %mul3A_719 : i32
      %jit3A_721 = arith.constant 8 : i32
      %div3A_722 = arith.divsi %add3A_562, %jit3A_721 : i32
      %sign3A_723 = arith.constant 0 : i32
      %sign3A_724 = arith.cmpi sgt, %add3A_562, %sign3A_723 : i32
      %sign3A_725 = arith.extui %sign3A_724 : i1 to i32
      %sign3A_726 = arith.constant 0 : i32
      %sign3A_727 = arith.cmpi slt, %add3A_562, %sign3A_726 : i32
      %sign3A_728 = arith.extui %sign3A_727 : i1 to i32
      %sign3A_729 = arith.subi %sign3A_725, %sign3A_728 : i32
      %sign3A_730 = arith.constant 0 : i32
      %sign3A_731 = arith.cmpi sgt, %jit3A_721, %sign3A_730 : i32
      %sign3A_732 = arith.extui %sign3A_731 : i1 to i32
      %sign3A_733 = arith.constant 0 : i32
      %sign3A_734 = arith.cmpi slt, %jit3A_721, %sign3A_733 : i32
      %sign3A_735 = arith.extui %sign3A_734 : i1 to i32
      %sign3A_736 = arith.subi %sign3A_732, %sign3A_735 : i32
      %ne3A_737 = arith.cmpi ne, %sign3A_729, %sign3A_736 : i32
      %rem3A_738 = arith.remsi %add3A_562, %jit3A_721 : i32
      %ne3A_739 = arith.constant 0 : i32
      %ne3A_740 = arith.cmpi ne, %rem3A_738, %ne3A_739 : i32
      %and3A_741 = arith.andi %ne3A_737, %ne3A_740 : i1
      %sub3A_742 = arith.constant 1 : i32
      %sub3A_743 = arith.subi %div3A_722, %sub3A_742 : i32
      %select_n3A_744 = arith.select %and3A_741, %sub3A_743, %div3A_722 : i32
      %mul3A_745 = arith.constant 8 : i32
      %mul3A_746 = arith.muli %select_n3A_744, %mul3A_745 : i32
      %gt3A_747 = arith.cmpi sgt, %add3A_715, %add3A_562 : i32
      %sub3A_748 = arith.subi %add3A_715, %mul3A_746 : i32
      %add3A_749 = arith.constant 16 : i32
      %add3A_750 = arith.addi %sub3A_748, %add3A_749 : i32
      %sub3A_751 = arith.constant 1 : i32
      %sub3A_752 = arith.subi %add3A_750, %sub3A_751 : i32
      %jit3A_753 = arith.constant 16 : i32
      %div3A_754 = arith.divsi %sub3A_752, %jit3A_753 : i32
      %sign3A_755 = arith.constant 0 : i32
      %sign3A_756 = arith.cmpi sgt, %sub3A_752, %sign3A_755 : i32
      %sign3A_757 = arith.extui %sign3A_756 : i1 to i32
      %sign3A_758 = arith.constant 0 : i32
      %sign3A_759 = arith.cmpi slt, %sub3A_752, %sign3A_758 : i32
      %sign3A_760 = arith.extui %sign3A_759 : i1 to i32
      %sign3A_761 = arith.subi %sign3A_757, %sign3A_760 : i32
      %sign3A_762 = arith.constant 0 : i32
      %sign3A_763 = arith.cmpi sgt, %jit3A_753, %sign3A_762 : i32
      %sign3A_764 = arith.extui %sign3A_763 : i1 to i32
      %sign3A_765 = arith.constant 0 : i32
      %sign3A_766 = arith.cmpi slt, %jit3A_753, %sign3A_765 : i32
      %sign3A_767 = arith.extui %sign3A_766 : i1 to i32
      %sign3A_768 = arith.subi %sign3A_764, %sign3A_767 : i32
      %ne3A_769 = arith.cmpi ne, %sign3A_761, %sign3A_768 : i32
      %rem3A_770 = arith.remsi %sub3A_752, %jit3A_753 : i32
      %ne3A_771 = arith.constant 0 : i32
      %ne3A_772 = arith.cmpi ne, %rem3A_770, %ne3A_771 : i32
      %and3A_773 = arith.andi %ne3A_769, %ne3A_772 : i1
      %sub3A_774 = arith.constant 1 : i32
      %sub3A_775 = arith.subi %div3A_754, %sub3A_774 : i32
      %select_n3A_776 = arith.select %and3A_773, %sub3A_775, %div3A_754 : i32
      %jit3A_777 = arith.constant 0 : i32
      %select_n3A_778 = arith.select %gt3A_747, %select_n3A_776, %jit3A_777 : i32
      %while3A_779 = arith.constant 0 : i32
      %while3A_780 = arith.subi %select_n3A_778, %while3A_779 : i32
      %while3A_781 = arith.addi %while3A_779, %while3A_780 : i32
      %while3A_782 = arith.constant 1 : i32
      %while3A_783 = arith.divsi %while3A_780, %while3A_782 : i32
      %while3A_784 = arith.muli %while3A_783, %while3A_782 : i32
      %while3A_785 = arith.addi %while3A_779, %while3A_784 : i32
      %while3A_786 = arith.constant 1 : i32
      %while3A_787 = scf.for %while3A_796 = %while3A_779 to %while3A_785 step %while3A_786 iter_args(%while3A_797 = %while3A_634) -> (i32)  : i32 {
        %mul3A_798 = arith.constant 16 : i32
        %mul3A_799 = arith.muli %mul3A_798, %while3A_796 : i32
        %add3A_800 = arith.addi %mul3A_746, %mul3A_799 : i32
        %iota3A_801 = tpu.iota {dimensions = array<i32: 0>} : vector<16xi32>
        %add3A_802 = vector.broadcast %add3A_800 : i32 to vector<16xi32>
        %add3A_803 = arith.addi %add3A_802, %iota3A_801 : vector<16xi32>
        %ge3A = vector.broadcast %add3A_562 : i32 to vector<16xi32>
        %ge3A_804 = arith.cmpi sge, %add3A_803, %ge3A : vector<16xi32>
        %lt3A_805 = vector.broadcast %add3A_715 : i32 to vector<16xi32>
        %lt3A_806 = arith.cmpi slt, %add3A_803, %lt3A_805 : vector<16xi32>
        %and3A_807 = arith.andi %ge3A_804, %lt3A_806 : vector<16xi1>
        %multiple_of3A_808 = tpu.assume_multiple %add3A_800, 8 : i32
        %get3A_809 = arith.index_cast %multiple_of3A_808 : i32 to index
        %get3A_810 = tpu.vector_load %arg9[%get3A_809] {strides = array<i32>} : memref<16640xi32, #tpu.memory_space<vmem>>, vector<16xi32>,
        %get3A_811 = arith.index_cast %multiple_of3A_808 : i32 to index
        %get3A_812 = tpu.vector_load %arg10[%get3A_811] {strides = array<i32>} : memref<16640xi32, #tpu.memory_space<vmem>>, vector<16xi32>,
        %sub3A_813 = vector.broadcast %add3A_720 : i32 to vector<16xi32>
        %sub3A_814 = arith.subi %get3A_810, %sub3A_813 : vector<16xi32>
        %convert_element_type3A_815 = arith.extui %and3A_807 : vector<16xi1> to vector<16xi32>
        %broadcast_in_dim3A_816 = arith.constant true
        %broadcast_in_dim3A_817 = vector.broadcast %broadcast_in_dim3A_816 : i1 to vector<16xi1>
        %masked_cumsum3A_818 = tpu.scan <sum>, %convert_element_type3A_815 masked %broadcast_in_dim3A_817 : vector<16xi32>, vector<16xi1> -> vector<16xi32>
        %add3A_819 = vector.broadcast %while3A_797 : i32 to vector<16xi32>
        %add3A_820 = arith.addi %add3A_819, %masked_cumsum3A_818 : vector<16xi32>
        %sub3A_821 = arith.constant 1 : i32
        %sub3A_822 = vector.broadcast %sub3A_821 : i32 to vector<16xi32>
        %sub3A_823 = arith.subi %add3A_820, %sub3A_822 : vector<16xi32>
        %broadcast_in_dim3A_824 = arith.constant 0 : i32
        %broadcast_in_dim3A_825 = vector.broadcast %broadcast_in_dim3A_824 : i32 to vector<16xi32>
        %gather3A = tpu.vector_load_idx %arg18[%broadcast_in_dim3A_825, %sub3A_814] masked %and3A_807 : memref<32x512xf32, #tpu.memory_space<vmem>>[vector<16xi32>, vector<16xi32>], vector<16xf32>, vector<16xi1>
        tpu.vector_store_idx %arg20[%sub3A_823, %broadcast_in_dim3A_825], %gather3A masked %and3A_807 : memref<128x128xf32, #tpu.memory_space<vmem>>[vector<16xi32>, vector<16xi32>], vector<16xf32>, vector<16xi1>
        %broadcast_in_dim3A_826 = arith.constant 1 : i32
        %broadcast_in_dim3A_827 = vector.broadcast %broadcast_in_dim3A_826 : i32 to vector<16xi32>
        %gather3A_828 = tpu.vector_load_idx %arg18[%broadcast_in_dim3A_827, %sub3A_814] masked %and3A_807 : memref<32x512xf32, #tpu.memory_space<vmem>>[vector<16xi32>, vector<16xi32>], vector<16xf32>, vector<16xi1>
        tpu.vector_store_idx %arg20[%sub3A_823, %broadcast_in_dim3A_827], %gather3A_828 masked %and3A_807 : memref<128x128xf32, #tpu.memory_space<vmem>>[vector<16xi32>, vector<16xi32>], vector<16xf32>, vector<16xi1>
        %broadcast_in_dim3A_829 = arith.constant 2 : i32
        %broadcast_in_dim3A_830 = vector.broadcast %broadcast_in_dim3A_829 : i32 to vector<16xi32>
        %gather3A_831 = tpu.vector_load_idx %arg18[%broadcast_in_dim3A_830, %sub3A_814] masked %and3A_807 : memref<32x512xf32, #tpu.memory_space<vmem>>[vector<16xi32>, vector<16xi32>], vector<16xf32>, vector<16xi1>
        tpu.vector_store_idx %arg20[%sub3A_823, %broadcast_in_dim3A_830], %gather3A_831 masked %and3A_807 : memref<128x128xf32, #tpu.memory_space<vmem>>[vector<16xi32>, vector<16xi32>], vector<16xf32>, vector<16xi1>
        %broadcast_in_dim3A_832 = arith.constant 3 : i32
        %broadcast_in_dim3A_833 = vector.broadcast %broadcast_in_dim3A_832 : i32 to vector<16xi32>
        %gather3A_834 = tpu.vector_load_idx %arg18[%broadcast_in_dim3A_833, %sub3A_814] masked %and3A_807 : memref<32x512xf32, #tpu.memory_space<vmem>>[vector<16xi32>, vector<16xi32>], vector<16xf32>, vector<16xi1>
        tpu.vector_store_idx %arg20[%sub3A_823, %broadcast_in_dim3A_833], %gather3A_834 masked %and3A_807 : memref<128x128xf32, #tpu.memory_space<vmem>>[vector<16xi32>, vector<16xi32>], vector<16xf32>, vector<16xi1>
        %broadcast_in_dim3A_835 = arith.constant 4 : i32
        %broadcast_in_dim3A_836 = vector.broadcast %broadcast_in_dim3A_835 : i32 to vector<16xi32>
        %gather3A_837 = tpu.vector_load_idx %arg18[%broadcast_in_dim3A_836, %sub3A_814] masked %and3A_807 : memref<32x512xf32, #tpu.memory_space<vmem>>[vector<16xi32>, vector<16xi32>], vector<16xf32>, vector<16xi1>
        tpu.vector_store_idx %arg20[%sub3A_823, %broadcast_in_dim3A_836], %gather3A_837 masked %and3A_807 : memref<128x128xf32, #tpu.memory_space<vmem>>[vector<16xi32>, vector<16xi32>], vector<16xf32>, vector<16xi1>
        %broadcast_in_dim3A_838 = arith.constant 5 : i32
        %broadcast_in_dim3A_839 = vector.broadcast %broadcast_in_dim3A_838 : i32 to vector<16xi32>
        %gather3A_840 = tpu.vector_load_idx %arg18[%broadcast_in_dim3A_839, %sub3A_814] masked %and3A_807 : memref<32x512xf32, #tpu.memory_space<vmem>>[vector<16xi32>, vector<16xi32>], vector<16xf32>, vector<16xi1>
        tpu.vector_store_idx %arg20[%sub3A_823, %broadcast_in_dim3A_839], %gather3A_840 masked %and3A_807 : memref<128x128xf32, #tpu.memory_space<vmem>>[vector<16xi32>, vector<16xi32>], vector<16xf32>, vector<16xi1>
        %broadcast_in_dim3A_841 = arith.constant 6 : i32
        %broadcast_in_dim3A_842 = vector.broadcast %broadcast_in_dim3A_841 : i32 to vector<16xi32>
        %gather3A_843 = tpu.vector_load_idx %arg18[%broadcast_in_dim3A_842, %sub3A_814] masked %and3A_807 : memref<32x512xf32, #tpu.memory_space<vmem>>[vector<16xi32>, vector<16xi32>], vector<16xf32>, vector<16xi1>
        tpu.vector_store_idx %arg20[%sub3A_823, %broadcast_in_dim3A_842], %gather3A_843 masked %and3A_807 : memref<128x128xf32, #tpu.memory_space<vmem>>[vector<16xi32>, vector<16xi32>], vector<16xf32>, vector<16xi1>
        %broadcast_in_dim3A_844 = arith.constant 7 : i32
        %broadcast_in_dim3A_845 = vector.broadcast %broadcast_in_dim3A_844 : i32 to vector<16xi32>
        %gather3A_846 = tpu.vector_load_idx %arg18[%broadcast_in_dim3A_845, %sub3A_814] masked %and3A_807 : memref<32x512xf32, #tpu.memory_space<vmem>>[vector<16xi32>, vector<16xi32>], vector<16xf32>, vector<16xi1>
        tpu.vector_store_idx %arg20[%sub3A_823, %broadcast_in_dim3A_845], %gather3A_846 masked %and3A_807 : memref<128x128xf32, #tpu.memory_space<vmem>>[vector<16xi32>, vector<16xi32>], vector<16xf32>, vector<16xi1>
        %broadcast_in_dim3A_847 = arith.constant 8 : i32
        %broadcast_in_dim3A_848 = vector.broadcast %broadcast_in_dim3A_847 : i32 to vector<16xi32>
        %gather3A_849 = tpu.vector_load_idx %arg18[%broadcast_in_dim3A_848, %sub3A_814] masked %and3A_807 : memref<32x512xf32, #tpu.memory_space<vmem>>[vector<16xi32>, vector<16xi32>], vector<16xf32>, vector<16xi1>
        tpu.vector_store_idx %arg20[%sub3A_823, %broadcast_in_dim3A_848], %gather3A_849 masked %and3A_807 : memref<128x128xf32, #tpu.memory_space<vmem>>[vector<16xi32>, vector<16xi32>], vector<16xf32>, vector<16xi1>
        %broadcast_in_dim3A_850 = arith.constant 9 : i32
        %broadcast_in_dim3A_851 = vector.broadcast %broadcast_in_dim3A_850 : i32 to vector<16xi32>
        %gather3A_852 = tpu.vector_load_idx %arg18[%broadcast_in_dim3A_851, %sub3A_814] masked %and3A_807 : memref<32x512xf32, #tpu.memory_space<vmem>>[vector<16xi32>, vector<16xi32>], vector<16xf32>, vector<16xi1>
        tpu.vector_store_idx %arg20[%sub3A_823, %broadcast_in_dim3A_851], %gather3A_852 masked %and3A_807 : memref<128x128xf32, #tpu.memory_space<vmem>>[vector<16xi32>, vector<16xi32>], vector<16xf32>, vector<16xi1>
        %broadcast_in_dim3A_853 = arith.constant 10 : i32
        %broadcast_in_dim3A_854 = vector.broadcast %broadcast_in_dim3A_853 : i32 to vector<16xi32>
        %gather3A_855 = tpu.vector_load_idx %arg18[%broadcast_in_dim3A_854, %sub3A_814] masked %and3A_807 : memref<32x512xf32, #tpu.memory_space<vmem>>[vector<16xi32>, vector<16xi32>], vector<16xf32>, vector<16xi1>
        tpu.vector_store_idx %arg20[%sub3A_823, %broadcast_in_dim3A_854], %gather3A_855 masked %and3A_807 : memref<128x128xf32, #tpu.memory_space<vmem>>[vector<16xi32>, vector<16xi32>], vector<16xf32>, vector<16xi1>
        %broadcast_in_dim3A_856 = arith.constant 11 : i32
        %broadcast_in_dim3A_857 = vector.broadcast %broadcast_in_dim3A_856 : i32 to vector<16xi32>
        %gather3A_858 = tpu.vector_load_idx %arg18[%broadcast_in_dim3A_857, %sub3A_814] masked %and3A_807 : memref<32x512xf32, #tpu.memory_space<vmem>>[vector<16xi32>, vector<16xi32>], vector<16xf32>, vector<16xi1>
        tpu.vector_store_idx %arg20[%sub3A_823, %broadcast_in_dim3A_857], %gather3A_858 masked %and3A_807 : memref<128x128xf32, #tpu.memory_space<vmem>>[vector<16xi32>, vector<16xi32>], vector<16xf32>, vector<16xi1>
        %broadcast_in_dim3A_859 = arith.constant 12 : i32
        %broadcast_in_dim3A_860 = vector.broadcast %broadcast_in_dim3A_859 : i32 to vector<16xi32>
        %gather3A_861 = tpu.vector_load_idx %arg18[%broadcast_in_dim3A_860, %sub3A_814] masked %and3A_807 : memref<32x512xf32, #tpu.memory_space<vmem>>[vector<16xi32>, vector<16xi32>], vector<16xf32>, vector<16xi1>
        tpu.vector_store_idx %arg20[%sub3A_823, %broadcast_in_dim3A_860], %gather3A_861 masked %and3A_807 : memref<128x128xf32, #tpu.memory_space<vmem>>[vector<16xi32>, vector<16xi32>], vector<16xf32>, vector<16xi1>
        %broadcast_in_dim3A_862 = arith.constant 13 : i32
        %broadcast_in_dim3A_863 = vector.broadcast %broadcast_in_dim3A_862 : i32 to vector<16xi32>
        %gather3A_864 = tpu.vector_load_idx %arg18[%broadcast_in_dim3A_863, %sub3A_814] masked %and3A_807 : memref<32x512xf32, #tpu.memory_space<vmem>>[vector<16xi32>, vector<16xi32>], vector<16xf32>, vector<16xi1>
        tpu.vector_store_idx %arg20[%sub3A_823, %broadcast_in_dim3A_863], %gather3A_864 masked %and3A_807 : memref<128x128xf32, #tpu.memory_space<vmem>>[vector<16xi32>, vector<16xi32>], vector<16xf32>, vector<16xi1>
        %broadcast_in_dim3A_865 = arith.constant 14 : i32
        %broadcast_in_dim3A_866 = vector.broadcast %broadcast_in_dim3A_865 : i32 to vector<16xi32>
        %gather3A_867 = tpu.vector_load_idx %arg18[%broadcast_in_dim3A_866, %sub3A_814] masked %and3A_807 : memref<32x512xf32, #tpu.memory_space<vmem>>[vector<16xi32>, vector<16xi32>], vector<16xf32>, vector<16xi1>
        tpu.vector_store_idx %arg20[%sub3A_823, %broadcast_in_dim3A_866], %gather3A_867 masked %and3A_807 : memref<128x128xf32, #tpu.memory_space<vmem>>[vector<16xi32>, vector<16xi32>], vector<16xf32>, vector<16xi1>
        %broadcast_in_dim3A_868 = arith.constant 15 : i32
        %broadcast_in_dim3A_869 = vector.broadcast %broadcast_in_dim3A_868 : i32 to vector<16xi32>
        %gather3A_870 = tpu.vector_load_idx %arg18[%broadcast_in_dim3A_869, %sub3A_814] masked %and3A_807 : memref<32x512xf32, #tpu.memory_space<vmem>>[vector<16xi32>, vector<16xi32>], vector<16xf32>, vector<16xi1>
        tpu.vector_store_idx %arg20[%sub3A_823, %broadcast_in_dim3A_869], %gather3A_870 masked %and3A_807 : memref<128x128xf32, #tpu.memory_space<vmem>>[vector<16xi32>, vector<16xi32>], vector<16xf32>, vector<16xi1>
        %broadcast_in_dim3A_871 = arith.constant 16 : i32
        %broadcast_in_dim3A_872 = vector.broadcast %broadcast_in_dim3A_871 : i32 to vector<16xi32>
        %gather3A_873 = tpu.vector_load_idx %arg18[%broadcast_in_dim3A_872, %sub3A_814] masked %and3A_807 : memref<32x512xf32, #tpu.memory_space<vmem>>[vector<16xi32>, vector<16xi32>], vector<16xf32>, vector<16xi1>
        tpu.vector_store_idx %arg20[%sub3A_823, %broadcast_in_dim3A_872], %gather3A_873 masked %and3A_807 : memref<128x128xf32, #tpu.memory_space<vmem>>[vector<16xi32>, vector<16xi32>], vector<16xf32>, vector<16xi1>
        %broadcast_in_dim3A_874 = arith.constant 17 : i32
        %broadcast_in_dim3A_875 = vector.broadcast %broadcast_in_dim3A_874 : i32 to vector<16xi32>
        %gather3A_876 = tpu.vector_load_idx %arg18[%broadcast_in_dim3A_875, %sub3A_814] masked %and3A_807 : memref<32x512xf32, #tpu.memory_space<vmem>>[vector<16xi32>, vector<16xi32>], vector<16xf32>, vector<16xi1>
        tpu.vector_store_idx %arg20[%sub3A_823, %broadcast_in_dim3A_875], %gather3A_876 masked %and3A_807 : memref<128x128xf32, #tpu.memory_space<vmem>>[vector<16xi32>, vector<16xi32>], vector<16xf32>, vector<16xi1>
        %broadcast_in_dim3A_877 = arith.constant 18 : i32
        %broadcast_in_dim3A_878 = vector.broadcast %broadcast_in_dim3A_877 : i32 to vector<16xi32>
        %gather3A_879 = tpu.vector_load_idx %arg18[%broadcast_in_dim3A_878, %sub3A_814] masked %and3A_807 : memref<32x512xf32, #tpu.memory_space<vmem>>[vector<16xi32>, vector<16xi32>], vector<16xf32>, vector<16xi1>
        tpu.vector_store_idx %arg20[%sub3A_823, %broadcast_in_dim3A_878], %gather3A_879 masked %and3A_807 : memref<128x128xf32, #tpu.memory_space<vmem>>[vector<16xi32>, vector<16xi32>], vector<16xf32>, vector<16xi1>
        %broadcast_in_dim3A_880 = arith.constant 19 : i32
        %broadcast_in_dim3A_881 = vector.broadcast %broadcast_in_dim3A_880 : i32 to vector<16xi32>
        %gather3A_882 = tpu.vector_load_idx %arg18[%broadcast_in_dim3A_881, %sub3A_814] masked %and3A_807 : memref<32x512xf32, #tpu.memory_space<vmem>>[vector<16xi32>, vector<16xi32>], vector<16xf32>, vector<16xi1>
        tpu.vector_store_idx %arg20[%sub3A_823, %broadcast_in_dim3A_881], %gather3A_882 masked %and3A_807 : memref<128x128xf32, #tpu.memory_space<vmem>>[vector<16xi32>, vector<16xi32>], vector<16xf32>, vector<16xi1>
        %broadcast_in_dim3A_883 = arith.constant 20 : i32
        %broadcast_in_dim3A_884 = vector.broadcast %broadcast_in_dim3A_883 : i32 to vector<16xi32>
        %gather3A_885 = tpu.vector_load_idx %arg18[%broadcast_in_dim3A_884, %sub3A_814] masked %and3A_807 : memref<32x512xf32, #tpu.memory_space<vmem>>[vector<16xi32>, vector<16xi32>], vector<16xf32>, vector<16xi1>
        tpu.vector_store_idx %arg20[%sub3A_823, %broadcast_in_dim3A_884], %gather3A_885 masked %and3A_807 : memref<128x128xf32, #tpu.memory_space<vmem>>[vector<16xi32>, vector<16xi32>], vector<16xf32>, vector<16xi1>
        %broadcast_in_dim3A_886 = arith.constant 21 : i32
        %broadcast_in_dim3A_887 = vector.broadcast %broadcast_in_dim3A_886 : i32 to vector<16xi32>
        %gather3A_888 = tpu.vector_load_idx %arg18[%broadcast_in_dim3A_887, %sub3A_814] masked %and3A_807 : memref<32x512xf32, #tpu.memory_space<vmem>>[vector<16xi32>, vector<16xi32>], vector<16xf32>, vector<16xi1>
        tpu.vector_store_idx %arg20[%sub3A_823, %broadcast_in_dim3A_887], %gather3A_888 masked %and3A_807 : memref<128x128xf32, #tpu.memory_space<vmem>>[vector<16xi32>, vector<16xi32>], vector<16xf32>, vector<16xi1>
        %broadcast_in_dim3A_889 = arith.constant 22 : i32
        %broadcast_in_dim3A_890 = vector.broadcast %broadcast_in_dim3A_889 : i32 to vector<16xi32>
        %gather3A_891 = tpu.vector_load_idx %arg18[%broadcast_in_dim3A_890, %sub3A_814] masked %and3A_807 : memref<32x512xf32, #tpu.memory_space<vmem>>[vector<16xi32>, vector<16xi32>], vector<16xf32>, vector<16xi1>
        tpu.vector_store_idx %arg20[%sub3A_823, %broadcast_in_dim3A_890], %gather3A_891 masked %and3A_807 : memref<128x128xf32, #tpu.memory_space<vmem>>[vector<16xi32>, vector<16xi32>], vector<16xf32>, vector<16xi1>
        %broadcast_in_dim3A_892 = arith.constant 23 : i32
        %broadcast_in_dim3A_893 = vector.broadcast %broadcast_in_dim3A_892 : i32 to vector<16xi32>
        %gather3A_894 = tpu.vector_load_idx %arg18[%broadcast_in_dim3A_893, %sub3A_814] masked %and3A_807 : memref<32x512xf32, #tpu.memory_space<vmem>>[vector<16xi32>, vector<16xi32>], vector<16xf32>, vector<16xi1>
        tpu.vector_store_idx %arg20[%sub3A_823, %broadcast_in_dim3A_893], %gather3A_894 masked %and3A_807 : memref<128x128xf32, #tpu.memory_space<vmem>>[vector<16xi32>, vector<16xi32>], vector<16xf32>, vector<16xi1>
        %broadcast_in_dim3A_895 = arith.constant 24 : i32
        %broadcast_in_dim3A_896 = vector.broadcast %broadcast_in_dim3A_895 : i32 to vector<16xi32>
        %gather3A_897 = tpu.vector_load_idx %arg18[%broadcast_in_dim3A_896, %sub3A_814] masked %and3A_807 : memref<32x512xf32, #tpu.memory_space<vmem>>[vector<16xi32>, vector<16xi32>], vector<16xf32>, vector<16xi1>
        tpu.vector_store_idx %arg20[%sub3A_823, %broadcast_in_dim3A_896], %gather3A_897 masked %and3A_807 : memref<128x128xf32, #tpu.memory_space<vmem>>[vector<16xi32>, vector<16xi32>], vector<16xf32>, vector<16xi1>
        %broadcast_in_dim3A_898 = arith.constant 25 : i32
        %broadcast_in_dim3A_899 = vector.broadcast %broadcast_in_dim3A_898 : i32 to vector<16xi32>
        %gather3A_900 = tpu.vector_load_idx %arg18[%broadcast_in_dim3A_899, %sub3A_814] masked %and3A_807 : memref<32x512xf32, #tpu.memory_space<vmem>>[vector<16xi32>, vector<16xi32>], vector<16xf32>, vector<16xi1>
        tpu.vector_store_idx %arg20[%sub3A_823, %broadcast_in_dim3A_899], %gather3A_900 masked %and3A_807 : memref<128x128xf32, #tpu.memory_space<vmem>>[vector<16xi32>, vector<16xi32>], vector<16xf32>, vector<16xi1>
        %broadcast_in_dim3A_901 = arith.constant 26 : i32
        %broadcast_in_dim3A_902 = vector.broadcast %broadcast_in_dim3A_901 : i32 to vector<16xi32>
        %gather3A_903 = tpu.vector_load_idx %arg18[%broadcast_in_dim3A_902, %sub3A_814] masked %and3A_807 : memref<32x512xf32, #tpu.memory_space<vmem>>[vector<16xi32>, vector<16xi32>], vector<16xf32>, vector<16xi1>
        tpu.vector_store_idx %arg20[%sub3A_823, %broadcast_in_dim3A_902], %gather3A_903 masked %and3A_807 : memref<128x128xf32, #tpu.memory_space<vmem>>[vector<16xi32>, vector<16xi32>], vector<16xf32>, vector<16xi1>
        %broadcast_in_dim3A_904 = arith.constant 27 : i32
        %broadcast_in_dim3A_905 = vector.broadcast %broadcast_in_dim3A_904 : i32 to vector<16xi32>
        %gather3A_906 = tpu.vector_load_idx %arg18[%broadcast_in_dim3A_905, %sub3A_814] masked %and3A_807 : memref<32x512xf32, #tpu.memory_space<vmem>>[vector<16xi32>, vector<16xi32>], vector<16xf32>, vector<16xi1>
        tpu.vector_store_idx %arg20[%sub3A_823, %broadcast_in_dim3A_905], %gather3A_906 masked %and3A_807 : memref<128x128xf32, #tpu.memory_space<vmem>>[vector<16xi32>, vector<16xi32>], vector<16xf32>, vector<16xi1>
        %broadcast_in_dim3A_907 = arith.constant 28 : i32
        %broadcast_in_dim3A_908 = vector.broadcast %broadcast_in_dim3A_907 : i32 to vector<16xi32>
        %gather3A_909 = tpu.vector_load_idx %arg18[%broadcast_in_dim3A_908, %sub3A_814] masked %and3A_807 : memref<32x512xf32, #tpu.memory_space<vmem>>[vector<16xi32>, vector<16xi32>], vector<16xf32>, vector<16xi1>
        tpu.vector_store_idx %arg20[%sub3A_823, %broadcast_in_dim3A_908], %gather3A_909 masked %and3A_807 : memref<128x128xf32, #tpu.memory_space<vmem>>[vector<16xi32>, vector<16xi32>], vector<16xf32>, vector<16xi1>
        %broadcast_in_dim3A_910 = arith.constant 29 : i32
        %broadcast_in_dim3A_911 = vector.broadcast %broadcast_in_dim3A_910 : i32 to vector<16xi32>
        %gather3A_912 = tpu.vector_load_idx %arg18[%broadcast_in_dim3A_911, %sub3A_814] masked %and3A_807 : memref<32x512xf32, #tpu.memory_space<vmem>>[vector<16xi32>, vector<16xi32>], vector<16xf32>, vector<16xi1>
        tpu.vector_store_idx %arg20[%sub3A_823, %broadcast_in_dim3A_911], %gather3A_912 masked %and3A_807 : memref<128x128xf32, #tpu.memory_space<vmem>>[vector<16xi32>, vector<16xi32>], vector<16xf32>, vector<16xi1>
        %broadcast_in_dim3A_913 = arith.constant 30 : i32
        %broadcast_in_dim3A_914 = vector.broadcast %broadcast_in_dim3A_913 : i32 to vector<16xi32>
        %gather3A_915 = tpu.vector_load_idx %arg18[%broadcast_in_dim3A_914, %sub3A_814] masked %and3A_807 : memref<32x512xf32, #tpu.memory_space<vmem>>[vector<16xi32>, vector<16xi32>], vector<16xf32>, vector<16xi1>
        tpu.vector_store_idx %arg20[%sub3A_823, %broadcast_in_dim3A_914], %gather3A_915 masked %and3A_807 : memref<128x128xf32, #tpu.memory_space<vmem>>[vector<16xi32>, vector<16xi32>], vector<16xf32>, vector<16xi1>
        %broadcast_in_dim3A_916 = arith.constant 31 : i32
        %broadcast_in_dim3A_917 = vector.broadcast %broadcast_in_dim3A_916 : i32 to vector<16xi32>
        %gather3A_918 = tpu.vector_load_idx %arg18[%broadcast_in_dim3A_917, %sub3A_814] masked %and3A_807 : memref<32x512xf32, #tpu.memory_space<vmem>>[vector<16xi32>, vector<16xi32>], vector<16xf32>, vector<16xi1>
        tpu.vector_store_idx %arg20[%sub3A_823, %broadcast_in_dim3A_917], %gather3A_918 masked %and3A_807 : memref<128x128xf32, #tpu.memory_space<vmem>>[vector<16xi32>, vector<16xi32>], vector<16xf32>, vector<16xi1>
        tpu.vector_store_idx %arg16[%sub3A_823], %get3A_812 masked %and3A_807 : memref<128xi32, #tpu.memory_space<vmem>>[vector<16xi32>], vector<16xi32>, vector<16xi1>
        %reduce_sum3A_919 = arith.constant true
        %reduce_sum3A_920 = vector.broadcast %reduce_sum3A_919 : i1 to vector<16xi1>
        %reduce_sum3A_921 = tpu.scan <sum>, %convert_element_type3A_815 masked %reduce_sum3A_920 : vector<16xi32>, vector<16xi1> -> vector<16xi32>
        %reduce_sum3A_922 = vector.extract %reduce_sum3A_921[15] : i32 from vector<16xi32>
        %add3A_923 = arith.addi %while3A_797, %reduce_sum3A_922 : i32
        %gt3A_924 = arith.constant 112 : i32
        %gt3A_925 = arith.cmpi sgt, %add3A_923, %gt3A_924 : i32
        %convert_element_type3A_926 = arith.extui %gt3A_925 : i1 to i32
        %cond3A_927 = arith.constant 0 : i32
        %cond3A_928 = arith.cmpi ne, %convert_element_type3A_926, %cond3A_927 : i32
        scf.if %cond3A_928 {
          %dma_start3A_933 = arith.constant 0 : i32
          %dma_start3A_934 = arith.constant 0 : i32
          %dma_start3A_935 = tpu.memref_slice %arg6[%dma_start3A_933, %dma_start3A_934] : memref<16384x128xf32, #tpu.memory_space<hbm>> -> memref<16384x128xf32, #tpu.memory_space<hbm>>
          %dma_start3A_936 = arith.constant -1 : i32
          tpu.enqueue_indirect_dma source(%arg20 : memref<128x128xf32, #tpu.memory_space<vmem>>) target(%dma_start3A_935 : memref<16384x128xf32, #tpu.memory_space<hbm>>) offsets(%arg16 : memref<128xi32, #tpu.memory_space<vmem>>) offset_filter(%dma_start3A_936) semaphore(%arg23 : memref<!tpu.dma_semaphore, #tpu.memory_space<semaphore_mem>>)
          %dma_wait3A_937 = arith.constant 0 : i32
          %dma_wait3A_938 = arith.constant 0 : i32
          %dma_wait3A_939 = tpu.memref_slice %arg6[%dma_wait3A_937, %dma_wait3A_938] : memref<16384x128xf32, #tpu.memory_space<hbm>> -> memref<16384x128xf32, #tpu.memory_space<hbm>>
          tpu.wait_indirect_dma semaphore(%arg23 : memref<!tpu.dma_semaphore, #tpu.memory_space<semaphore_mem>>) src(%arg20 : memref<128x128xf32, #tpu.memory_space<vmem>>) dst(%dma_wait3A_939 : memref<16384x128xf32, #tpu.memory_space<hbm>>)
          %swap3A_940 = arith.constant 0 : index
          %swap3A_941 = tpu.vector_load %arg16[%swap3A_940] {strides = array<i32>} : memref<128xi32, #tpu.memory_space<vmem>>, vector<16xi32>,
          tpu.vector_store %arg16[%swap3A_940], %broadcast_in_dim3A_11 {strides = array<i32>} : memref<128xi32, #tpu.memory_space<vmem>>, vector<16xi32>,
          %swap3A_942 = arith.constant 16 : index
          %swap3A_943 = tpu.vector_load %arg16[%swap3A_942] {strides = array<i32>} : memref<128xi32, #tpu.memory_space<vmem>>, vector<16xi32>,
          tpu.vector_store %arg16[%swap3A_942], %broadcast_in_dim3A_11 {strides = array<i32>} : memref<128xi32, #tpu.memory_space<vmem>>, vector<16xi32>,
          %swap3A_944 = arith.constant 32 : index
          %swap3A_945 = tpu.vector_load %arg16[%swap3A_944] {strides = array<i32>} : memref<128xi32, #tpu.memory_space<vmem>>, vector<16xi32>,
          tpu.vector_store %arg16[%swap3A_944], %broadcast_in_dim3A_11 {strides = array<i32>} : memref<128xi32, #tpu.memory_space<vmem>>, vector<16xi32>,
          %swap3A_946 = arith.constant 48 : index
          %swap3A_947 = tpu.vector_load %arg16[%swap3A_946] {strides = array<i32>} : memref<128xi32, #tpu.memory_space<vmem>>, vector<16xi32>,
          tpu.vector_store %arg16[%swap3A_946], %broadcast_in_dim3A_11 {strides = array<i32>} : memref<128xi32, #tpu.memory_space<vmem>>, vector<16xi32>,
          %swap3A_948 = arith.constant 64 : index
          %swap3A_949 = tpu.vector_load %arg16[%swap3A_948] {strides = array<i32>} : memref<128xi32, #tpu.memory_space<vmem>>, vector<16xi32>,
          tpu.vector_store %arg16[%swap3A_948], %broadcast_in_dim3A_11 {strides = array<i32>} : memref<128xi32, #tpu.memory_space<vmem>>, vector<16xi32>,
          %swap3A_950 = arith.constant 80 : index
          %swap3A_951 = tpu.vector_load %arg16[%swap3A_950] {strides = array<i32>} : memref<128xi32, #tpu.memory_space<vmem>>, vector<16xi32>,
          tpu.vector_store %arg16[%swap3A_950], %broadcast_in_dim3A_11 {strides = array<i32>} : memref<128xi32, #tpu.memory_space<vmem>>, vector<16xi32>,
          %swap3A_952 = arith.constant 96 : index
          %swap3A_953 = tpu.vector_load %arg16[%swap3A_952] {strides = array<i32>} : memref<128xi32, #tpu.memory_space<vmem>>, vector<16xi32>,
          tpu.vector_store %arg16[%swap3A_952], %broadcast_in_dim3A_11 {strides = array<i32>} : memref<128xi32, #tpu.memory_space<vmem>>, vector<16xi32>,
          %swap3A_954 = arith.constant 112 : index
          %swap3A_955 = tpu.vector_load %arg16[%swap3A_954] {strides = array<i32>} : memref<128xi32, #tpu.memory_space<vmem>>, vector<16xi32>,
          tpu.vector_store %arg16[%swap3A_954], %broadcast_in_dim3A_11 {strides = array<i32>} : memref<128xi32, #tpu.memory_space<vmem>>, vector<16xi32>,
        } else {
        }
        %gt3A_929 = arith.constant 112 : i32
        %gt3A_930 = arith.cmpi sgt, %add3A_923, %gt3A_929 : i32
        %jit3A_931 = arith.constant 0 : i32
        %select_n3A_932 = arith.select %gt3A_930, %jit3A_931, %add3A_923 : i32
        scf.yield %select_n3A_932 : i32
      }
      %while3A_788 = arith.constant 1 : i32
      %while3A_789 = scf.for %while3A_796 = %while3A_785 to %while3A_781 step %while3A_788 iter_args(%while3A_797 = %while3A_787) -> (i32)  : i32 {
        %mul3A_798 = arith.constant 16 : i32
        %mul3A_799 = arith.muli %mul3A_798, %while3A_796 : i32
        %add3A_800 = arith.addi %mul3A_746, %mul3A_799 : i32
        %iota3A_801 = tpu.iota {dimensions = array<i32: 0>} : vector<16xi32>
        %add3A_802 = vector.broadcast %add3A_800 : i32 to vector<16xi32>
        %add3A_803 = arith.addi %add3A_802, %iota3A_801 : vector<16xi32>
        %ge3A = vector.broadcast %add3A_562 : i32 to vector<16xi32>
        %ge3A_804 = arith.cmpi sge, %add3A_803, %ge3A : vector<16xi32>
        %lt3A_805 = vector.broadcast %add3A_715 : i32 to vector<16xi32>
        %lt3A_806 = arith.cmpi slt, %add3A_803, %lt3A_805 : vector<16xi32>
        %and3A_807 = arith.andi %ge3A_804, %lt3A_806 : vector<16xi1>
        %multiple_of3A_808 = tpu.assume_multiple %add3A_800, 8 : i32
        %get3A_809 = arith.index_cast %multiple_of3A_808 : i32 to index
        %get3A_810 = tpu.vector_load %arg9[%get3A_809] {strides = array<i32>} : memref<16640xi32, #tpu.memory_space<vmem>>, vector<16xi32>,
        %get3A_811 = arith.index_cast %multiple_of3A_808 : i32 to index
        %get3A_812 = tpu.vector_load %arg10[%get3A_811] {strides = array<i32>} : memref<16640xi32, #tpu.memory_space<vmem>>, vector<16xi32>,
        %sub3A_813 = vector.broadcast %add3A_720 : i32 to vector<16xi32>
        %sub3A_814 = arith.subi %get3A_810, %sub3A_813 : vector<16xi32>
        %convert_element_type3A_815 = arith.extui %and3A_807 : vector<16xi1> to vector<16xi32>
        %broadcast_in_dim3A_816 = arith.constant true
        %broadcast_in_dim3A_817 = vector.broadcast %broadcast_in_dim3A_816 : i1 to vector<16xi1>
        %masked_cumsum3A_818 = tpu.scan <sum>, %convert_element_type3A_815 masked %broadcast_in_dim3A_817 : vector<16xi32>, vector<16xi1> -> vector<16xi32>
        %add3A_819 = vector.broadcast %while3A_797 : i32 to vector<16xi32>
        %add3A_820 = arith.addi %add3A_819, %masked_cumsum3A_818 : vector<16xi32>
        %sub3A_821 = arith.constant 1 : i32
        %sub3A_822 = vector.broadcast %sub3A_821 : i32 to vector<16xi32>
        %sub3A_823 = arith.subi %add3A_820, %sub3A_822 : vector<16xi32>
        %broadcast_in_dim3A_824 = arith.constant 0 : i32
        %broadcast_in_dim3A_825 = vector.broadcast %broadcast_in_dim3A_824 : i32 to vector<16xi32>
        %gather3A = tpu.vector_load_idx %arg18[%broadcast_in_dim3A_825, %sub3A_814] masked %and3A_807 : memref<32x512xf32, #tpu.memory_space<vmem>>[vector<16xi32>, vector<16xi32>], vector<16xf32>, vector<16xi1>
        tpu.vector_store_idx %arg20[%sub3A_823, %broadcast_in_dim3A_825], %gather3A masked %and3A_807 : memref<128x128xf32, #tpu.memory_space<vmem>>[vector<16xi32>, vector<16xi32>], vector<16xf32>, vector<16xi1>
        %broadcast_in_dim3A_826 = arith.constant 1 : i32
        %broadcast_in_dim3A_827 = vector.broadcast %broadcast_in_dim3A_826 : i32 to vector<16xi32>
        %gather3A_828 = tpu.vector_load_idx %arg18[%broadcast_in_dim3A_827, %sub3A_814] masked %and3A_807 : memref<32x512xf32, #tpu.memory_space<vmem>>[vector<16xi32>, vector<16xi32>], vector<16xf32>, vector<16xi1>
        tpu.vector_store_idx %arg20[%sub3A_823, %broadcast_in_dim3A_827], %gather3A_828 masked %and3A_807 : memref<128x128xf32, #tpu.memory_space<vmem>>[vector<16xi32>, vector<16xi32>], vector<16xf32>, vector<16xi1>
        %broadcast_in_dim3A_829 = arith.constant 2 : i32
        %broadcast_in_dim3A_830 = vector.broadcast %broadcast_in_dim3A_829 : i32 to vector<16xi32>
        %gather3A_831 = tpu.vector_load_idx %arg18[%broadcast_in_dim3A_830, %sub3A_814] masked %and3A_807 : memref<32x512xf32, #tpu.memory_space<vmem>>[vector<16xi32>, vector<16xi32>], vector<16xf32>, vector<16xi1>
        tpu.vector_store_idx %arg20[%sub3A_823, %broadcast_in_dim3A_830], %gather3A_831 masked %and3A_807 : memref<128x128xf32, #tpu.memory_space<vmem>>[vector<16xi32>, vector<16xi32>], vector<16xf32>, vector<16xi1>
        %broadcast_in_dim3A_832 = arith.constant 3 : i32
        %broadcast_in_dim3A_833 = vector.broadcast %broadcast_in_dim3A_832 : i32 to vector<16xi32>
        %gather3A_834 = tpu.vector_load_idx %arg18[%broadcast_in_dim3A_833, %sub3A_814] masked %and3A_807 : memref<32x512xf32, #tpu.memory_space<vmem>>[vector<16xi32>, vector<16xi32>], vector<16xf32>, vector<16xi1>
        tpu.vector_store_idx %arg20[%sub3A_823, %broadcast_in_dim3A_833], %gather3A_834 masked %and3A_807 : memref<128x128xf32, #tpu.memory_space<vmem>>[vector<16xi32>, vector<16xi32>], vector<16xf32>, vector<16xi1>
        %broadcast_in_dim3A_835 = arith.constant 4 : i32
        %broadcast_in_dim3A_836 = vector.broadcast %broadcast_in_dim3A_835 : i32 to vector<16xi32>
        %gather3A_837 = tpu.vector_load_idx %arg18[%broadcast_in_dim3A_836, %sub3A_814] masked %and3A_807 : memref<32x512xf32, #tpu.memory_space<vmem>>[vector<16xi32>, vector<16xi32>], vector<16xf32>, vector<16xi1>
        tpu.vector_store_idx %arg20[%sub3A_823, %broadcast_in_dim3A_836], %gather3A_837 masked %and3A_807 : memref<128x128xf32, #tpu.memory_space<vmem>>[vector<16xi32>, vector<16xi32>], vector<16xf32>, vector<16xi1>
        %broadcast_in_dim3A_838 = arith.constant 5 : i32
        %broadcast_in_dim3A_839 = vector.broadcast %broadcast_in_dim3A_838 : i32 to vector<16xi32>
        %gather3A_840 = tpu.vector_load_idx %arg18[%broadcast_in_dim3A_839, %sub3A_814] masked %and3A_807 : memref<32x512xf32, #tpu.memory_space<vmem>>[vector<16xi32>, vector<16xi32>], vector<16xf32>, vector<16xi1>
        tpu.vector_store_idx %arg20[%sub3A_823, %broadcast_in_dim3A_839], %gather3A_840 masked %and3A_807 : memref<128x128xf32, #tpu.memory_space<vmem>>[vector<16xi32>, vector<16xi32>], vector<16xf32>, vector<16xi1>
        %broadcast_in_dim3A_841 = arith.constant 6 : i32
        %broadcast_in_dim3A_842 = vector.broadcast %broadcast_in_dim3A_841 : i32 to vector<16xi32>
        %gather3A_843 = tpu.vector_load_idx %arg18[%broadcast_in_dim3A_842, %sub3A_814] masked %and3A_807 : memref<32x512xf32, #tpu.memory_space<vmem>>[vector<16xi32>, vector<16xi32>], vector<16xf32>, vector<16xi1>
        tpu.vector_store_idx %arg20[%sub3A_823, %broadcast_in_dim3A_842], %gather3A_843 masked %and3A_807 : memref<128x128xf32, #tpu.memory_space<vmem>>[vector<16xi32>, vector<16xi32>], vector<16xf32>, vector<16xi1>
        %broadcast_in_dim3A_844 = arith.constant 7 : i32
        %broadcast_in_dim3A_845 = vector.broadcast %broadcast_in_dim3A_844 : i32 to vector<16xi32>
        %gather3A_846 = tpu.vector_load_idx %arg18[%broadcast_in_dim3A_845, %sub3A_814] masked %and3A_807 : memref<32x512xf32, #tpu.memory_space<vmem>>[vector<16xi32>, vector<16xi32>], vector<16xf32>, vector<16xi1>
        tpu.vector_store_idx %arg20[%sub3A_823, %broadcast_in_dim3A_845], %gather3A_846 masked %and3A_807 : memref<128x128xf32, #tpu.memory_space<vmem>>[vector<16xi32>, vector<16xi32>], vector<16xf32>, vector<16xi1>
        %broadcast_in_dim3A_847 = arith.constant 8 : i32
        %broadcast_in_dim3A_848 = vector.broadcast %broadcast_in_dim3A_847 : i32 to vector<16xi32>
        %gather3A_849 = tpu.vector_load_idx %arg18[%broadcast_in_dim3A_848, %sub3A_814] masked %and3A_807 : memref<32x512xf32, #tpu.memory_space<vmem>>[vector<16xi32>, vector<16xi32>], vector<16xf32>, vector<16xi1>
        tpu.vector_store_idx %arg20[%sub3A_823, %broadcast_in_dim3A_848], %gather3A_849 masked %and3A_807 : memref<128x128xf32, #tpu.memory_space<vmem>>[vector<16xi32>, vector<16xi32>], vector<16xf32>, vector<16xi1>
        %broadcast_in_dim3A_850 = arith.constant 9 : i32
        %broadcast_in_dim3A_851 = vector.broadcast %broadcast_in_dim3A_850 : i32 to vector<16xi32>
        %gather3A_852 = tpu.vector_load_idx %arg18[%broadcast_in_dim3A_851, %sub3A_814] masked %and3A_807 : memref<32x512xf32, #tpu.memory_space<vmem>>[vector<16xi32>, vector<16xi32>], vector<16xf32>, vector<16xi1>
        tpu.vector_store_idx %arg20[%sub3A_823, %broadcast_in_dim3A_851], %gather3A_852 masked %and3A_807 : memref<128x128xf32, #tpu.memory_space<vmem>>[vector<16xi32>, vector<16xi32>], vector<16xf32>, vector<16xi1>
        %broadcast_in_dim3A_853 = arith.constant 10 : i32
        %broadcast_in_dim3A_854 = vector.broadcast %broadcast_in_dim3A_853 : i32 to vector<16xi32>
        %gather3A_855 = tpu.vector_load_idx %arg18[%broadcast_in_dim3A_854, %sub3A_814] masked %and3A_807 : memref<32x512xf32, #tpu.memory_space<vmem>>[vector<16xi32>, vector<16xi32>], vector<16xf32>, vector<16xi1>
        tpu.vector_store_idx %arg20[%sub3A_823, %broadcast_in_dim3A_854], %gather3A_855 masked %and3A_807 : memref<128x128xf32, #tpu.memory_space<vmem>>[vector<16xi32>, vector<16xi32>], vector<16xf32>, vector<16xi1>
        %broadcast_in_dim3A_856 = arith.constant 11 : i32
        %broadcast_in_dim3A_857 = vector.broadcast %broadcast_in_dim3A_856 : i32 to vector<16xi32>
        %gather3A_858 = tpu.vector_load_idx %arg18[%broadcast_in_dim3A_857, %sub3A_814] masked %and3A_807 : memref<32x512xf32, #tpu.memory_space<vmem>>[vector<16xi32>, vector<16xi32>], vector<16xf32>, vector<16xi1>
        tpu.vector_store_idx %arg20[%sub3A_823, %broadcast_in_dim3A_857], %gather3A_858 masked %and3A_807 : memref<128x128xf32, #tpu.memory_space<vmem>>[vector<16xi32>, vector<16xi32>], vector<16xf32>, vector<16xi1>
        %broadcast_in_dim3A_859 = arith.constant 12 : i32
        %broadcast_in_dim3A_860 = vector.broadcast %broadcast_in_dim3A_859 : i32 to vector<16xi32>
        %gather3A_861 = tpu.vector_load_idx %arg18[%broadcast_in_dim3A_860, %sub3A_814] masked %and3A_807 : memref<32x512xf32, #tpu.memory_space<vmem>>[vector<16xi32>, vector<16xi32>], vector<16xf32>, vector<16xi1>
        tpu.vector_store_idx %arg20[%sub3A_823, %broadcast_in_dim3A_860], %gather3A_861 masked %and3A_807 : memref<128x128xf32, #tpu.memory_space<vmem>>[vector<16xi32>, vector<16xi32>], vector<16xf32>, vector<16xi1>
        %broadcast_in_dim3A_862 = arith.constant 13 : i32
        %broadcast_in_dim3A_863 = vector.broadcast %broadcast_in_dim3A_862 : i32 to vector<16xi32>
        %gather3A_864 = tpu.vector_load_idx %arg18[%broadcast_in_dim3A_863, %sub3A_814] masked %and3A_807 : memref<32x512xf32, #tpu.memory_space<vmem>>[vector<16xi32>, vector<16xi32>], vector<16xf32>, vector<16xi1>
        tpu.vector_store_idx %arg20[%sub3A_823, %broadcast_in_dim3A_863], %gather3A_864 masked %and3A_807 : memref<128x128xf32, #tpu.memory_space<vmem>>[vector<16xi32>, vector<16xi32>], vector<16xf32>, vector<16xi1>
        %broadcast_in_dim3A_865 = arith.constant 14 : i32
        %broadcast_in_dim3A_866 = vector.broadcast %broadcast_in_dim3A_865 : i32 to vector<16xi32>
        %gather3A_867 = tpu.vector_load_idx %arg18[%broadcast_in_dim3A_866, %sub3A_814] masked %and3A_807 : memref<32x512xf32, #tpu.memory_space<vmem>>[vector<16xi32>, vector<16xi32>], vector<16xf32>, vector<16xi1>
        tpu.vector_store_idx %arg20[%sub3A_823, %broadcast_in_dim3A_866], %gather3A_867 masked %and3A_807 : memref<128x128xf32, #tpu.memory_space<vmem>>[vector<16xi32>, vector<16xi32>], vector<16xf32>, vector<16xi1>
        %broadcast_in_dim3A_868 = arith.constant 15 : i32
        %broadcast_in_dim3A_869 = vector.broadcast %broadcast_in_dim3A_868 : i32 to vector<16xi32>
        %gather3A_870 = tpu.vector_load_idx %arg18[%broadcast_in_dim3A_869, %sub3A_814] masked %and3A_807 : memref<32x512xf32, #tpu.memory_space<vmem>>[vector<16xi32>, vector<16xi32>], vector<16xf32>, vector<16xi1>
        tpu.vector_store_idx %arg20[%sub3A_823, %broadcast_in_dim3A_869], %gather3A_870 masked %and3A_807 : memref<128x128xf32, #tpu.memory_space<vmem>>[vector<16xi32>, vector<16xi32>], vector<16xf32>, vector<16xi1>
        %broadcast_in_dim3A_871 = arith.constant 16 : i32
        %broadcast_in_dim3A_872 = vector.broadcast %broadcast_in_dim3A_871 : i32 to vector<16xi32>
        %gather3A_873 = tpu.vector_load_idx %arg18[%broadcast_in_dim3A_872, %sub3A_814] masked %and3A_807 : memref<32x512xf32, #tpu.memory_space<vmem>>[vector<16xi32>, vector<16xi32>], vector<16xf32>, vector<16xi1>
        tpu.vector_store_idx %arg20[%sub3A_823, %broadcast_in_dim3A_872], %gather3A_873 masked %and3A_807 : memref<128x128xf32, #tpu.memory_space<vmem>>[vector<16xi32>, vector<16xi32>], vector<16xf32>, vector<16xi1>
        %broadcast_in_dim3A_874 = arith.constant 17 : i32
        %broadcast_in_dim3A_875 = vector.broadcast %broadcast_in_dim3A_874 : i32 to vector<16xi32>
        %gather3A_876 = tpu.vector_load_idx %arg18[%broadcast_in_dim3A_875, %sub3A_814] masked %and3A_807 : memref<32x512xf32, #tpu.memory_space<vmem>>[vector<16xi32>, vector<16xi32>], vector<16xf32>, vector<16xi1>
        tpu.vector_store_idx %arg20[%sub3A_823, %broadcast_in_dim3A_875], %gather3A_876 masked %and3A_807 : memref<128x128xf32, #tpu.memory_space<vmem>>[vector<16xi32>, vector<16xi32>], vector<16xf32>, vector<16xi1>
        %broadcast_in_dim3A_877 = arith.constant 18 : i32
        %broadcast_in_dim3A_878 = vector.broadcast %broadcast_in_dim3A_877 : i32 to vector<16xi32>
        %gather3A_879 = tpu.vector_load_idx %arg18[%broadcast_in_dim3A_878, %sub3A_814] masked %and3A_807 : memref<32x512xf32, #tpu.memory_space<vmem>>[vector<16xi32>, vector<16xi32>], vector<16xf32>, vector<16xi1>
        tpu.vector_store_idx %arg20[%sub3A_823, %broadcast_in_dim3A_878], %gather3A_879 masked %and3A_807 : memref<128x128xf32, #tpu.memory_space<vmem>>[vector<16xi32>, vector<16xi32>], vector<16xf32>, vector<16xi1>
        %broadcast_in_dim3A_880 = arith.constant 19 : i32
        %broadcast_in_dim3A_881 = vector.broadcast %broadcast_in_dim3A_880 : i32 to vector<16xi32>
        %gather3A_882 = tpu.vector_load_idx %arg18[%broadcast_in_dim3A_881, %sub3A_814] masked %and3A_807 : memref<32x512xf32, #tpu.memory_space<vmem>>[vector<16xi32>, vector<16xi32>], vector<16xf32>, vector<16xi1>
        tpu.vector_store_idx %arg20[%sub3A_823, %broadcast_in_dim3A_881], %gather3A_882 masked %and3A_807 : memref<128x128xf32, #tpu.memory_space<vmem>>[vector<16xi32>, vector<16xi32>], vector<16xf32>, vector<16xi1>
        %broadcast_in_dim3A_883 = arith.constant 20 : i32
        %broadcast_in_dim3A_884 = vector.broadcast %broadcast_in_dim3A_883 : i32 to vector<16xi32>
        %gather3A_885 = tpu.vector_load_idx %arg18[%broadcast_in_dim3A_884, %sub3A_814] masked %and3A_807 : memref<32x512xf32, #tpu.memory_space<vmem>>[vector<16xi32>, vector<16xi32>], vector<16xf32>, vector<16xi1>
        tpu.vector_store_idx %arg20[%sub3A_823, %broadcast_in_dim3A_884], %gather3A_885 masked %and3A_807 : memref<128x128xf32, #tpu.memory_space<vmem>>[vector<16xi32>, vector<16xi32>], vector<16xf32>, vector<16xi1>
        %broadcast_in_dim3A_886 = arith.constant 21 : i32
        %broadcast_in_dim3A_887 = vector.broadcast %broadcast_in_dim3A_886 : i32 to vector<16xi32>
        %gather3A_888 = tpu.vector_load_idx %arg18[%broadcast_in_dim3A_887, %sub3A_814] masked %and3A_807 : memref<32x512xf32, #tpu.memory_space<vmem>>[vector<16xi32>, vector<16xi32>], vector<16xf32>, vector<16xi1>
        tpu.vector_store_idx %arg20[%sub3A_823, %broadcast_in_dim3A_887], %gather3A_888 masked %and3A_807 : memref<128x128xf32, #tpu.memory_space<vmem>>[vector<16xi32>, vector<16xi32>], vector<16xf32>, vector<16xi1>
        %broadcast_in_dim3A_889 = arith.constant 22 : i32
        %broadcast_in_dim3A_890 = vector.broadcast %broadcast_in_dim3A_889 : i32 to vector<16xi32>
        %gather3A_891 = tpu.vector_load_idx %arg18[%broadcast_in_dim3A_890, %sub3A_814] masked %and3A_807 : memref<32x512xf32, #tpu.memory_space<vmem>>[vector<16xi32>, vector<16xi32>], vector<16xf32>, vector<16xi1>
        tpu.vector_store_idx %arg20[%sub3A_823, %broadcast_in_dim3A_890], %gather3A_891 masked %and3A_807 : memref<128x128xf32, #tpu.memory_space<vmem>>[vector<16xi32>, vector<16xi32>], vector<16xf32>, vector<16xi1>
        %broadcast_in_dim3A_892 = arith.constant 23 : i32
        %broadcast_in_dim3A_893 = vector.broadcast %broadcast_in_dim3A_892 : i32 to vector<16xi32>
        %gather3A_894 = tpu.vector_load_idx %arg18[%broadcast_in_dim3A_893, %sub3A_814] masked %and3A_807 : memref<32x512xf32, #tpu.memory_space<vmem>>[vector<16xi32>, vector<16xi32>], vector<16xf32>, vector<16xi1>
        tpu.vector_store_idx %arg20[%sub3A_823, %broadcast_in_dim3A_893], %gather3A_894 masked %and3A_807 : memref<128x128xf32, #tpu.memory_space<vmem>>[vector<16xi32>, vector<16xi32>], vector<16xf32>, vector<16xi1>
        %broadcast_in_dim3A_895 = arith.constant 24 : i32
        %broadcast_in_dim3A_896 = vector.broadcast %broadcast_in_dim3A_895 : i32 to vector<16xi32>
        %gather3A_897 = tpu.vector_load_idx %arg18[%broadcast_in_dim3A_896, %sub3A_814] masked %and3A_807 : memref<32x512xf32, #tpu.memory_space<vmem>>[vector<16xi32>, vector<16xi32>], vector<16xf32>, vector<16xi1>
        tpu.vector_store_idx %arg20[%sub3A_823, %broadcast_in_dim3A_896], %gather3A_897 masked %and3A_807 : memref<128x128xf32, #tpu.memory_space<vmem>>[vector<16xi32>, vector<16xi32>], vector<16xf32>, vector<16xi1>
        %broadcast_in_dim3A_898 = arith.constant 25 : i32
        %broadcast_in_dim3A_899 = vector.broadcast %broadcast_in_dim3A_898 : i32 to vector<16xi32>
        %gather3A_900 = tpu.vector_load_idx %arg18[%broadcast_in_dim3A_899, %sub3A_814] masked %and3A_807 : memref<32x512xf32, #tpu.memory_space<vmem>>[vector<16xi32>, vector<16xi32>], vector<16xf32>, vector<16xi1>
        tpu.vector_store_idx %arg20[%sub3A_823, %broadcast_in_dim3A_899], %gather3A_900 masked %and3A_807 : memref<128x128xf32, #tpu.memory_space<vmem>>[vector<16xi32>, vector<16xi32>], vector<16xf32>, vector<16xi1>
        %broadcast_in_dim3A_901 = arith.constant 26 : i32
        %broadcast_in_dim3A_902 = vector.broadcast %broadcast_in_dim3A_901 : i32 to vector<16xi32>
        %gather3A_903 = tpu.vector_load_idx %arg18[%broadcast_in_dim3A_902, %sub3A_814] masked %and3A_807 : memref<32x512xf32, #tpu.memory_space<vmem>>[vector<16xi32>, vector<16xi32>], vector<16xf32>, vector<16xi1>
        tpu.vector_store_idx %arg20[%sub3A_823, %broadcast_in_dim3A_902], %gather3A_903 masked %and3A_807 : memref<128x128xf32, #tpu.memory_space<vmem>>[vector<16xi32>, vector<16xi32>], vector<16xf32>, vector<16xi1>
        %broadcast_in_dim3A_904 = arith.constant 27 : i32
        %broadcast_in_dim3A_905 = vector.broadcast %broadcast_in_dim3A_904 : i32 to vector<16xi32>
        %gather3A_906 = tpu.vector_load_idx %arg18[%broadcast_in_dim3A_905, %sub3A_814] masked %and3A_807 : memref<32x512xf32, #tpu.memory_space<vmem>>[vector<16xi32>, vector<16xi32>], vector<16xf32>, vector<16xi1>
        tpu.vector_store_idx %arg20[%sub3A_823, %broadcast_in_dim3A_905], %gather3A_906 masked %and3A_807 : memref<128x128xf32, #tpu.memory_space<vmem>>[vector<16xi32>, vector<16xi32>], vector<16xf32>, vector<16xi1>
        %broadcast_in_dim3A_907 = arith.constant 28 : i32
        %broadcast_in_dim3A_908 = vector.broadcast %broadcast_in_dim3A_907 : i32 to vector<16xi32>
        %gather3A_909 = tpu.vector_load_idx %arg18[%broadcast_in_dim3A_908, %sub3A_814] masked %and3A_807 : memref<32x512xf32, #tpu.memory_space<vmem>>[vector<16xi32>, vector<16xi32>], vector<16xf32>, vector<16xi1>
        tpu.vector_store_idx %arg20[%sub3A_823, %broadcast_in_dim3A_908], %gather3A_909 masked %and3A_807 : memref<128x128xf32, #tpu.memory_space<vmem>>[vector<16xi32>, vector<16xi32>], vector<16xf32>, vector<16xi1>
        %broadcast_in_dim3A_910 = arith.constant 29 : i32
        %broadcast_in_dim3A_911 = vector.broadcast %broadcast_in_dim3A_910 : i32 to vector<16xi32>
        %gather3A_912 = tpu.vector_load_idx %arg18[%broadcast_in_dim3A_911, %sub3A_814] masked %and3A_807 : memref<32x512xf32, #tpu.memory_space<vmem>>[vector<16xi32>, vector<16xi32>], vector<16xf32>, vector<16xi1>
        tpu.vector_store_idx %arg20[%sub3A_823, %broadcast_in_dim3A_911], %gather3A_912 masked %and3A_807 : memref<128x128xf32, #tpu.memory_space<vmem>>[vector<16xi32>, vector<16xi32>], vector<16xf32>, vector<16xi1>
        %broadcast_in_dim3A_913 = arith.constant 30 : i32
        %broadcast_in_dim3A_914 = vector.broadcast %broadcast_in_dim3A_913 : i32 to vector<16xi32>
        %gather3A_915 = tpu.vector_load_idx %arg18[%broadcast_in_dim3A_914, %sub3A_814] masked %and3A_807 : memref<32x512xf32, #tpu.memory_space<vmem>>[vector<16xi32>, vector<16xi32>], vector<16xf32>, vector<16xi1>
        tpu.vector_store_idx %arg20[%sub3A_823, %broadcast_in_dim3A_914], %gather3A_915 masked %and3A_807 : memref<128x128xf32, #tpu.memory_space<vmem>>[vector<16xi32>, vector<16xi32>], vector<16xf32>, vector<16xi1>
        %broadcast_in_dim3A_916 = arith.constant 31 : i32
        %broadcast_in_dim3A_917 = vector.broadcast %broadcast_in_dim3A_916 : i32 to vector<16xi32>
        %gather3A_918 = tpu.vector_load_idx %arg18[%broadcast_in_dim3A_917, %sub3A_814] masked %and3A_807 : memref<32x512xf32, #tpu.memory_space<vmem>>[vector<16xi32>, vector<16xi32>], vector<16xf32>, vector<16xi1>
        tpu.vector_store_idx %arg20[%sub3A_823, %broadcast_in_dim3A_917], %gather3A_918 masked %and3A_807 : memref<128x128xf32, #tpu.memory_space<vmem>>[vector<16xi32>, vector<16xi32>], vector<16xf32>, vector<16xi1>
        tpu.vector_store_idx %arg16[%sub3A_823], %get3A_812 masked %and3A_807 : memref<128xi32, #tpu.memory_space<vmem>>[vector<16xi32>], vector<16xi32>, vector<16xi1>
        %reduce_sum3A_919 = arith.constant true
        %reduce_sum3A_920 = vector.broadcast %reduce_sum3A_919 : i1 to vector<16xi1>
        %reduce_sum3A_921 = tpu.scan <sum>, %convert_element_type3A_815 masked %reduce_sum3A_920 : vector<16xi32>, vector<16xi1> -> vector<16xi32>
        %reduce_sum3A_922 = vector.extract %reduce_sum3A_921[15] : i32 from vector<16xi32>
        %add3A_923 = arith.addi %while3A_797, %reduce_sum3A_922 : i32
        %gt3A_924 = arith.constant 112 : i32
        %gt3A_925 = arith.cmpi sgt, %add3A_923, %gt3A_924 : i32
        %convert_element_type3A_926 = arith.extui %gt3A_925 : i1 to i32
        %cond3A_927 = arith.constant 0 : i32
        %cond3A_928 = arith.cmpi ne, %convert_element_type3A_926, %cond3A_927 : i32
        scf.if %cond3A_928 {
          %dma_start3A_933 = arith.constant 0 : i32
          %dma_start3A_934 = arith.constant 0 : i32
          %dma_start3A_935 = tpu.memref_slice %arg6[%dma_start3A_933, %dma_start3A_934] : memref<16384x128xf32, #tpu.memory_space<hbm>> -> memref<16384x128xf32, #tpu.memory_space<hbm>>
          %dma_start3A_936 = arith.constant -1 : i32
          tpu.enqueue_indirect_dma source(%arg20 : memref<128x128xf32, #tpu.memory_space<vmem>>) target(%dma_start3A_935 : memref<16384x128xf32, #tpu.memory_space<hbm>>) offsets(%arg16 : memref<128xi32, #tpu.memory_space<vmem>>) offset_filter(%dma_start3A_936) semaphore(%arg23 : memref<!tpu.dma_semaphore, #tpu.memory_space<semaphore_mem>>)
          %dma_wait3A_937 = arith.constant 0 : i32
          %dma_wait3A_938 = arith.constant 0 : i32
          %dma_wait3A_939 = tpu.memref_slice %arg6[%dma_wait3A_937, %dma_wait3A_938] : memref<16384x128xf32, #tpu.memory_space<hbm>> -> memref<16384x128xf32, #tpu.memory_space<hbm>>
          tpu.wait_indirect_dma semaphore(%arg23 : memref<!tpu.dma_semaphore, #tpu.memory_space<semaphore_mem>>) src(%arg20 : memref<128x128xf32, #tpu.memory_space<vmem>>) dst(%dma_wait3A_939 : memref<16384x128xf32, #tpu.memory_space<hbm>>)
          %swap3A_940 = arith.constant 0 : index
          %swap3A_941 = tpu.vector_load %arg16[%swap3A_940] {strides = array<i32>} : memref<128xi32, #tpu.memory_space<vmem>>, vector<16xi32>,
          tpu.vector_store %arg16[%swap3A_940], %broadcast_in_dim3A_11 {strides = array<i32>} : memref<128xi32, #tpu.memory_space<vmem>>, vector<16xi32>,
          %swap3A_942 = arith.constant 16 : index
          %swap3A_943 = tpu.vector_load %arg16[%swap3A_942] {strides = array<i32>} : memref<128xi32, #tpu.memory_space<vmem>>, vector<16xi32>,
          tpu.vector_store %arg16[%swap3A_942], %broadcast_in_dim3A_11 {strides = array<i32>} : memref<128xi32, #tpu.memory_space<vmem>>, vector<16xi32>,
          %swap3A_944 = arith.constant 32 : index
          %swap3A_945 = tpu.vector_load %arg16[%swap3A_944] {strides = array<i32>} : memref<128xi32, #tpu.memory_space<vmem>>, vector<16xi32>,
          tpu.vector_store %arg16[%swap3A_944], %broadcast_in_dim3A_11 {strides = array<i32>} : memref<128xi32, #tpu.memory_space<vmem>>, vector<16xi32>,
          %swap3A_946 = arith.constant 48 : index
          %swap3A_947 = tpu.vector_load %arg16[%swap3A_946] {strides = array<i32>} : memref<128xi32, #tpu.memory_space<vmem>>, vector<16xi32>,
          tpu.vector_store %arg16[%swap3A_946], %broadcast_in_dim3A_11 {strides = array<i32>} : memref<128xi32, #tpu.memory_space<vmem>>, vector<16xi32>,
          %swap3A_948 = arith.constant 64 : index
          %swap3A_949 = tpu.vector_load %arg16[%swap3A_948] {strides = array<i32>} : memref<128xi32, #tpu.memory_space<vmem>>, vector<16xi32>,
          tpu.vector_store %arg16[%swap3A_948], %broadcast_in_dim3A_11 {strides = array<i32>} : memref<128xi32, #tpu.memory_space<vmem>>, vector<16xi32>,
          %swap3A_950 = arith.constant 80 : index
          %swap3A_951 = tpu.vector_load %arg16[%swap3A_950] {strides = array<i32>} : memref<128xi32, #tpu.memory_space<vmem>>, vector<16xi32>,
          tpu.vector_store %arg16[%swap3A_950], %broadcast_in_dim3A_11 {strides = array<i32>} : memref<128xi32, #tpu.memory_space<vmem>>, vector<16xi32>,
          %swap3A_952 = arith.constant 96 : index
          %swap3A_953 = tpu.vector_load %arg16[%swap3A_952] {strides = array<i32>} : memref<128xi32, #tpu.memory_space<vmem>>, vector<16xi32>,
          tpu.vector_store %arg16[%swap3A_952], %broadcast_in_dim3A_11 {strides = array<i32>} : memref<128xi32, #tpu.memory_space<vmem>>, vector<16xi32>,
          %swap3A_954 = arith.constant 112 : index
          %swap3A_955 = tpu.vector_load %arg16[%swap3A_954] {strides = array<i32>} : memref<128xi32, #tpu.memory_space<vmem>>, vector<16xi32>,
          tpu.vector_store %arg16[%swap3A_954], %broadcast_in_dim3A_11 {strides = array<i32>} : memref<128xi32, #tpu.memory_space<vmem>>, vector<16xi32>,
        } else {
        }
        %gt3A_929 = arith.constant 112 : i32
        %gt3A_930 = arith.cmpi sgt, %add3A_923, %gt3A_929 : i32
        %jit3A_931 = arith.constant 0 : i32
        %select_n3A_932 = arith.select %gt3A_930, %jit3A_931, %add3A_923 : i32
        scf.yield %select_n3A_932 : i32
      }
      %add3A_790 = arith.constant 3 : i32
      %add3A_791 = arith.addi %mul3A_491, %add3A_790 : i32
      %lt3A_792 = arith.cmpi slt, %add3A_791, %select_n3A_8 : i32
      %convert_element_type3A_793 = arith.extui %lt3A_792 : i1 to i32
      %cond3A_794 = arith.constant 0 : i32
      %cond3A_795 = arith.cmpi ne, %convert_element_type3A_793, %cond3A_794 : i32
      scf.if %cond3A_795 {
        %add3A_796 = arith.constant 3 : i32
        %add3A_797 = arith.addi %mul3A_491, %add3A_796 : i32
        %mul3A_798 = arith.constant 512 : i32
        %mul3A_799 = arith.muli %add3A_797, %mul3A_798 : i32
        %add3A_800 = arith.addi %mul3A_3, %mul3A_799 : i32
        %multiple_of3A_801 = tpu.assume_multiple %add3A_800, 512 : i32
        %dma_start3A_802 = arith.constant 0 : i32
        %dma_start3A_803 = tpu.memref_slice %arg4[%dma_start3A_802, %multiple_of3A_801] : memref<32x1000001xf32, #tpu.memory_space<hbm>> -> memref<32x512xf32, #tpu.memory_space<hbm>>
        %dma_start3A_804 = arith.constant 0 : i32
        %dma_start3A_805 = tpu.memref_slice %arg4[%dma_start3A_804, %multiple_of3A_801] : memref<32x1000001xf32, #tpu.memory_space<hbm>> -> memref<32x512xf32, #tpu.memory_space<hbm>>
        tpu.enqueue_dma source(%dma_start3A_805 : memref<32x512xf32, #tpu.memory_space<hbm>>) target(%arg18 : memref<32x512xf32, #tpu.memory_space<vmem>>) target_semaphore(%arg22 : memref<!tpu.dma_semaphore, #tpu.memory_space<semaphore_mem>>)
      } else {
      }
      scf.yield %while3A_789, %add3A_715 : i32, i32
    }
    %while3A_345 = arith.constant 1 : i32
    %while3A_346:2 = scf.for %while3A_487 = %while3A_342 to %while3A_338 step %while3A_345 iter_args(%while3A_488 = %while3A_344#0, %while3A_489 = %while3A_344#1) -> (i32, i32)  : i32 {
      %mul3A_490 = arith.constant 2 : i32
      %mul3A_491 = arith.muli %mul3A_490, %while3A_487 : i32
      %dma_wait3A = arith.constant 0 : i32
      %dma_wait3A_492 = arith.constant 0 : i32
      %dma_wait3A_493 = tpu.memref_slice %arg4[%dma_wait3A, %dma_wait3A_492] : memref<32x1000001xf32, #tpu.memory_space<hbm>> -> memref<32x512xf32, #tpu.memory_space<hbm>>
      %dma_wait3A_494 = arith.constant 0 : i32
      %dma_wait3A_495 = arith.constant 0 : i32
      %dma_wait3A_496 = tpu.memref_slice %arg4[%dma_wait3A_494, %dma_wait3A_495] : memref<32x1000001xf32, #tpu.memory_space<hbm>> -> memref<32x512xf32, #tpu.memory_space<hbm>>
      tpu.wait_dma2 semaphore(%arg21 : memref<!tpu.dma_semaphore, #tpu.memory_space<semaphore_mem>>) src(%dma_wait3A_496 : memref<32x512xf32, #tpu.memory_space<hbm>>) dst(%arg17 : memref<32x512xf32, #tpu.memory_space<vmem>>)
      %iota3A_497 = tpu.iota {dimensions = array<i32: 0>} : vector<16xi32>
      %add3A_498 = arith.constant 0 : i32
      %add3A_499 = vector.broadcast %add3A_498 : i32 to vector<16xi32>
      %add3A_500 = arith.addi %add3A_499, %iota3A_497 : vector<16xi32>
      %eq3A_501 = vector.broadcast %mul3A_491 : i32 to vector<16xi32>
      %eq3A_502 = arith.cmpi eq, %add3A_500, %eq3A_501 : vector<16xi32>
      %get3A_503 = arith.constant 0 : index
      %get3A_504 = tpu.vector_load %arg11[%get3A_503] {strides = array<i32>} : memref<128xi32, #tpu.memory_space<vmem>>, vector<16xi32>,
      %jit3A_505 = arith.constant 0 : i32
      %broadcast_in_dim3A_506 = vector.broadcast %jit3A_505 : i32 to vector<16xi32>
      %select_n3A_507 = arith.select %eq3A_502, %get3A_504, %broadcast_in_dim3A_506 : vector<16xi1>, vector<16xi32>
      %reduce_sum3A_508 = arith.constant true
      %reduce_sum3A_509 = vector.broadcast %reduce_sum3A_508 : i1 to vector<16xi1>
      %reduce_sum3A_510 = tpu.scan <sum>, %select_n3A_507 masked %reduce_sum3A_509 : vector<16xi32>, vector<16xi1> -> vector<16xi32>
      %reduce_sum3A_511 = vector.extract %reduce_sum3A_510[15] : i32 from vector<16xi32>
      %add3A_512 = arith.constant 0 : i32
      %add3A_513 = arith.addi %add3A_512, %reduce_sum3A_511 : i32
      %iota3A_514 = tpu.iota {dimensions = array<i32: 0>} : vector<16xi32>
      %add3A_515 = arith.constant 16 : i32
      %add3A_516 = vector.broadcast %add3A_515 : i32 to vector<16xi32>
      %add3A_517 = arith.addi %add3A_516, %iota3A_514 : vector<16xi32>
      %eq3A_518 = vector.broadcast %mul3A_491 : i32 to vector<16xi32>
      %eq3A_519 = arith.cmpi eq, %add3A_517, %eq3A_518 : vector<16xi32>
      %get3A_520 = arith.constant 16 : index
      %get3A_521 = tpu.vector_load %arg11[%get3A_520] {strides = array<i32>} : memref<128xi32, #tpu.memory_space<vmem>>, vector<16xi32>,
      %jit3A_522 = arith.constant 0 : i32
      %broadcast_in_dim3A_523 = vector.broadcast %jit3A_522 : i32 to vector<16xi32>
      %select_n3A_524 = arith.select %eq3A_519, %get3A_521, %broadcast_in_dim3A_523 : vector<16xi1>, vector<16xi32>
      %reduce_sum3A_525 = arith.constant true
      %reduce_sum3A_526 = vector.broadcast %reduce_sum3A_525 : i1 to vector<16xi1>
      %reduce_sum3A_527 = tpu.scan <sum>, %select_n3A_524 masked %reduce_sum3A_526 : vector<16xi32>, vector<16xi1> -> vector<16xi32>
      %reduce_sum3A_528 = vector.extract %reduce_sum3A_527[15] : i32 from vector<16xi32>
      %add3A_529 = arith.addi %add3A_513, %reduce_sum3A_528 : i32
      %iota3A_530 = tpu.iota {dimensions = array<i32: 0>} : vector<16xi32>
      %add3A_531 = arith.constant 32 : i32
      %add3A_532 = vector.broadcast %add3A_531 : i32 to vector<16xi32>
      %add3A_533 = arith.addi %add3A_532, %iota3A_530 : vector<16xi32>
      %eq3A_534 = vector.broadcast %mul3A_491 : i32 to vector<16xi32>
      %eq3A_535 = arith.cmpi eq, %add3A_533, %eq3A_534 : vector<16xi32>
      %get3A_536 = arith.constant 32 : index
      %get3A_537 = tpu.vector_load %arg11[%get3A_536] {strides = array<i32>} : memref<128xi32, #tpu.memory_space<vmem>>, vector<16xi32>,
      %jit3A_538 = arith.constant 0 : i32
      %broadcast_in_dim3A_539 = vector.broadcast %jit3A_538 : i32 to vector<16xi32>
      %select_n3A_540 = arith.select %eq3A_535, %get3A_537, %broadcast_in_dim3A_539 : vector<16xi1>, vector<16xi32>
      %reduce_sum3A_541 = arith.constant true
      %reduce_sum3A_542 = vector.broadcast %reduce_sum3A_541 : i1 to vector<16xi1>
      %reduce_sum3A_543 = tpu.scan <sum>, %select_n3A_540 masked %reduce_sum3A_542 : vector<16xi32>, vector<16xi1> -> vector<16xi32>
      %reduce_sum3A_544 = vector.extract %reduce_sum3A_543[15] : i32 from vector<16xi32>
      %add3A_545 = arith.addi %add3A_529, %reduce_sum3A_544 : i32
      %iota3A_546 = tpu.iota {dimensions = array<i32: 0>} : vector<16xi32>
      %add3A_547 = arith.constant 48 : i32
      %add3A_548 = vector.broadcast %add3A_547 : i32 to vector<16xi32>
      %add3A_549 = arith.addi %add3A_548, %iota3A_546 : vector<16xi32>
      %eq3A_550 = vector.broadcast %mul3A_491 : i32 to vector<16xi32>
      %eq3A_551 = arith.cmpi eq, %add3A_549, %eq3A_550 : vector<16xi32>
      %get3A_552 = arith.constant 48 : index
      %get3A_553 = tpu.vector_load %arg11[%get3A_552] {strides = array<i32>} : memref<128xi32, #tpu.memory_space<vmem>>, vector<16xi32>,
      %jit3A_554 = arith.constant 0 : i32
      %broadcast_in_dim3A_555 = vector.broadcast %jit3A_554 : i32 to vector<16xi32>
      %select_n3A_556 = arith.select %eq3A_551, %get3A_553, %broadcast_in_dim3A_555 : vector<16xi1>, vector<16xi32>
      %reduce_sum3A_557 = arith.constant true
      %reduce_sum3A_558 = vector.broadcast %reduce_sum3A_557 : i1 to vector<16xi1>
      %reduce_sum3A_559 = tpu.scan <sum>, %select_n3A_556 masked %reduce_sum3A_558 : vector<16xi32>, vector<16xi1> -> vector<16xi32>
      %reduce_sum3A_560 = vector.extract %reduce_sum3A_559[15] : i32 from vector<16xi32>
      %add3A_561 = arith.addi %add3A_545, %reduce_sum3A_560 : i32
      %add3A_562 = arith.addi %while3A_489, %add3A_561 : i32
      %mul3A_563 = arith.constant 512 : i32
      %mul3A_564 = arith.muli %mul3A_491, %mul3A_563 : i32
      %add3A_565 = arith.addi %mul3A_3, %mul3A_564 : i32
      %jit3A_566 = arith.constant 8 : i32
      %div3A_567 = arith.divsi %while3A_489, %jit3A_566 : i32
      %sign3A_568 = arith.constant 0 : i32
      %sign3A_569 = arith.cmpi sgt, %while3A_489, %sign3A_568 : i32
      %sign3A_570 = arith.extui %sign3A_569 : i1 to i32
      %sign3A_571 = arith.constant 0 : i32
      %sign3A_572 = arith.cmpi slt, %while3A_489, %sign3A_571 : i32
      %sign3A_573 = arith.extui %sign3A_572 : i1 to i32
      %sign3A_574 = arith.subi %sign3A_570, %sign3A_573 : i32
      %sign3A_575 = arith.constant 0 : i32
      %sign3A_576 = arith.cmpi sgt, %jit3A_566, %sign3A_575 : i32
      %sign3A_577 = arith.extui %sign3A_576 : i1 to i32
      %sign3A_578 = arith.constant 0 : i32
      %sign3A_579 = arith.cmpi slt, %jit3A_566, %sign3A_578 : i32
      %sign3A_580 = arith.extui %sign3A_579 : i1 to i32
      %sign3A_581 = arith.subi %sign3A_577, %sign3A_580 : i32
      %ne3A_582 = arith.cmpi ne, %sign3A_574, %sign3A_581 : i32
      %rem3A_583 = arith.remsi %while3A_489, %jit3A_566 : i32
      %ne3A_584 = arith.constant 0 : i32
      %ne3A_585 = arith.cmpi ne, %rem3A_583, %ne3A_584 : i32
      %and3A_586 = arith.andi %ne3A_582, %ne3A_585 : i1
      %sub3A_587 = arith.constant 1 : i32
      %sub3A_588 = arith.subi %div3A_567, %sub3A_587 : i32
      %select_n3A_589 = arith.select %and3A_586, %sub3A_588, %div3A_567 : i32
      %mul3A_590 = arith.constant 8 : i32
      %mul3A_591 = arith.muli %select_n3A_589, %mul3A_590 : i32
      %gt3A_592 = arith.cmpi sgt, %add3A_562, %while3A_489 : i32
      %sub3A_593 = arith.subi %add3A_562, %mul3A_591 : i32
      %add3A_594 = arith.constant 16 : i32
      %add3A_595 = arith.addi %sub3A_593, %add3A_594 : i32
      %sub3A_596 = arith.constant 1 : i32
      %sub3A_597 = arith.subi %add3A_595, %sub3A_596 : i32
      %jit3A_598 = arith.constant 16 : i32
      %div3A_599 = arith.divsi %sub3A_597, %jit3A_598 : i32
      %sign3A_600 = arith.constant 0 : i32
      %sign3A_601 = arith.cmpi sgt, %sub3A_597, %sign3A_600 : i32
      %sign3A_602 = arith.extui %sign3A_601 : i1 to i32
      %sign3A_603 = arith.constant 0 : i32
      %sign3A_604 = arith.cmpi slt, %sub3A_597, %sign3A_603 : i32
      %sign3A_605 = arith.extui %sign3A_604 : i1 to i32
      %sign3A_606 = arith.subi %sign3A_602, %sign3A_605 : i32
      %sign3A_607 = arith.constant 0 : i32
      %sign3A_608 = arith.cmpi sgt, %jit3A_598, %sign3A_607 : i32
      %sign3A_609 = arith.extui %sign3A_608 : i1 to i32
      %sign3A_610 = arith.constant 0 : i32
      %sign3A_611 = arith.cmpi slt, %jit3A_598, %sign3A_610 : i32
      %sign3A_612 = arith.extui %sign3A_611 : i1 to i32
      %sign3A_613 = arith.subi %sign3A_609, %sign3A_612 : i32
      %ne3A_614 = arith.cmpi ne, %sign3A_606, %sign3A_613 : i32
      %rem3A_615 = arith.remsi %sub3A_597, %jit3A_598 : i32
      %ne3A_616 = arith.constant 0 : i32
      %ne3A_617 = arith.cmpi ne, %rem3A_615, %ne3A_616 : i32
      %and3A_618 = arith.andi %ne3A_614, %ne3A_617 : i1
      %sub3A_619 = arith.constant 1 : i32
      %sub3A_620 = arith.subi %div3A_599, %sub3A_619 : i32
      %select_n3A_621 = arith.select %and3A_618, %sub3A_620, %div3A_599 : i32
      %jit3A_622 = arith.constant 0 : i32
      %select_n3A_623 = arith.select %gt3A_592, %select_n3A_621, %jit3A_622 : i32
      %while3A_624 = arith.constant 0 : i32
      %while3A_625 = arith.subi %select_n3A_623, %while3A_624 : i32
      %while3A_626 = arith.addi %while3A_624, %while3A_625 : i32
      %while3A_627 = arith.constant 1 : i32
      %while3A_628 = arith.divsi %while3A_625, %while3A_627 : i32
      %while3A_629 = arith.muli %while3A_628, %while3A_627 : i32
      %while3A_630 = arith.addi %while3A_624, %while3A_629 : i32
      %while3A_631 = arith.constant 1 : i32
      %while3A_632 = scf.for %while3A_796 = %while3A_624 to %while3A_630 step %while3A_631 iter_args(%while3A_797 = %while3A_488) -> (i32)  : i32 {
        %mul3A_798 = arith.constant 16 : i32
        %mul3A_799 = arith.muli %mul3A_798, %while3A_796 : i32
        %add3A_800 = arith.addi %mul3A_591, %mul3A_799 : i32
        %iota3A_801 = tpu.iota {dimensions = array<i32: 0>} : vector<16xi32>
        %add3A_802 = vector.broadcast %add3A_800 : i32 to vector<16xi32>
        %add3A_803 = arith.addi %add3A_802, %iota3A_801 : vector<16xi32>
        %ge3A = vector.broadcast %while3A_489 : i32 to vector<16xi32>
        %ge3A_804 = arith.cmpi sge, %add3A_803, %ge3A : vector<16xi32>
        %lt3A_805 = vector.broadcast %add3A_562 : i32 to vector<16xi32>
        %lt3A_806 = arith.cmpi slt, %add3A_803, %lt3A_805 : vector<16xi32>
        %and3A_807 = arith.andi %ge3A_804, %lt3A_806 : vector<16xi1>
        %multiple_of3A_808 = tpu.assume_multiple %add3A_800, 8 : i32
        %get3A_809 = arith.index_cast %multiple_of3A_808 : i32 to index
        %get3A_810 = tpu.vector_load %arg9[%get3A_809] {strides = array<i32>} : memref<16640xi32, #tpu.memory_space<vmem>>, vector<16xi32>,
        %get3A_811 = arith.index_cast %multiple_of3A_808 : i32 to index
        %get3A_812 = tpu.vector_load %arg10[%get3A_811] {strides = array<i32>} : memref<16640xi32, #tpu.memory_space<vmem>>, vector<16xi32>,
        %sub3A_813 = vector.broadcast %add3A_565 : i32 to vector<16xi32>
        %sub3A_814 = arith.subi %get3A_810, %sub3A_813 : vector<16xi32>
        %convert_element_type3A_815 = arith.extui %and3A_807 : vector<16xi1> to vector<16xi32>
        %broadcast_in_dim3A_816 = arith.constant true
        %broadcast_in_dim3A_817 = vector.broadcast %broadcast_in_dim3A_816 : i1 to vector<16xi1>
        %masked_cumsum3A_818 = tpu.scan <sum>, %convert_element_type3A_815 masked %broadcast_in_dim3A_817 : vector<16xi32>, vector<16xi1> -> vector<16xi32>
        %add3A_819 = vector.broadcast %while3A_797 : i32 to vector<16xi32>
        %add3A_820 = arith.addi %add3A_819, %masked_cumsum3A_818 : vector<16xi32>
        %sub3A_821 = arith.constant 1 : i32
        %sub3A_822 = vector.broadcast %sub3A_821 : i32 to vector<16xi32>
        %sub3A_823 = arith.subi %add3A_820, %sub3A_822 : vector<16xi32>
        %broadcast_in_dim3A_824 = arith.constant 0 : i32
        %broadcast_in_dim3A_825 = vector.broadcast %broadcast_in_dim3A_824 : i32 to vector<16xi32>
        %gather3A = tpu.vector_load_idx %arg17[%broadcast_in_dim3A_825, %sub3A_814] masked %and3A_807 : memref<32x512xf32, #tpu.memory_space<vmem>>[vector<16xi32>, vector<16xi32>], vector<16xf32>, vector<16xi1>
        tpu.vector_store_idx %arg20[%sub3A_823, %broadcast_in_dim3A_825], %gather3A masked %and3A_807 : memref<128x128xf32, #tpu.memory_space<vmem>>[vector<16xi32>, vector<16xi32>], vector<16xf32>, vector<16xi1>
        %broadcast_in_dim3A_826 = arith.constant 1 : i32
        %broadcast_in_dim3A_827 = vector.broadcast %broadcast_in_dim3A_826 : i32 to vector<16xi32>
        %gather3A_828 = tpu.vector_load_idx %arg17[%broadcast_in_dim3A_827, %sub3A_814] masked %and3A_807 : memref<32x512xf32, #tpu.memory_space<vmem>>[vector<16xi32>, vector<16xi32>], vector<16xf32>, vector<16xi1>
        tpu.vector_store_idx %arg20[%sub3A_823, %broadcast_in_dim3A_827], %gather3A_828 masked %and3A_807 : memref<128x128xf32, #tpu.memory_space<vmem>>[vector<16xi32>, vector<16xi32>], vector<16xf32>, vector<16xi1>
        %broadcast_in_dim3A_829 = arith.constant 2 : i32
        %broadcast_in_dim3A_830 = vector.broadcast %broadcast_in_dim3A_829 : i32 to vector<16xi32>
        %gather3A_831 = tpu.vector_load_idx %arg17[%broadcast_in_dim3A_830, %sub3A_814] masked %and3A_807 : memref<32x512xf32, #tpu.memory_space<vmem>>[vector<16xi32>, vector<16xi32>], vector<16xf32>, vector<16xi1>
        tpu.vector_store_idx %arg20[%sub3A_823, %broadcast_in_dim3A_830], %gather3A_831 masked %and3A_807 : memref<128x128xf32, #tpu.memory_space<vmem>>[vector<16xi32>, vector<16xi32>], vector<16xf32>, vector<16xi1>
        %broadcast_in_dim3A_832 = arith.constant 3 : i32
        %broadcast_in_dim3A_833 = vector.broadcast %broadcast_in_dim3A_832 : i32 to vector<16xi32>
        %gather3A_834 = tpu.vector_load_idx %arg17[%broadcast_in_dim3A_833, %sub3A_814] masked %and3A_807 : memref<32x512xf32, #tpu.memory_space<vmem>>[vector<16xi32>, vector<16xi32>], vector<16xf32>, vector<16xi1>
        tpu.vector_store_idx %arg20[%sub3A_823, %broadcast_in_dim3A_833], %gather3A_834 masked %and3A_807 : memref<128x128xf32, #tpu.memory_space<vmem>>[vector<16xi32>, vector<16xi32>], vector<16xf32>, vector<16xi1>
        %broadcast_in_dim3A_835 = arith.constant 4 : i32
        %broadcast_in_dim3A_836 = vector.broadcast %broadcast_in_dim3A_835 : i32 to vector<16xi32>
        %gather3A_837 = tpu.vector_load_idx %arg17[%broadcast_in_dim3A_836, %sub3A_814] masked %and3A_807 : memref<32x512xf32, #tpu.memory_space<vmem>>[vector<16xi32>, vector<16xi32>], vector<16xf32>, vector<16xi1>
        tpu.vector_store_idx %arg20[%sub3A_823, %broadcast_in_dim3A_836], %gather3A_837 masked %and3A_807 : memref<128x128xf32, #tpu.memory_space<vmem>>[vector<16xi32>, vector<16xi32>], vector<16xf32>, vector<16xi1>
        %broadcast_in_dim3A_838 = arith.constant 5 : i32
        %broadcast_in_dim3A_839 = vector.broadcast %broadcast_in_dim3A_838 : i32 to vector<16xi32>
        %gather3A_840 = tpu.vector_load_idx %arg17[%broadcast_in_dim3A_839, %sub3A_814] masked %and3A_807 : memref<32x512xf32, #tpu.memory_space<vmem>>[vector<16xi32>, vector<16xi32>], vector<16xf32>, vector<16xi1>
        tpu.vector_store_idx %arg20[%sub3A_823, %broadcast_in_dim3A_839], %gather3A_840 masked %and3A_807 : memref<128x128xf32, #tpu.memory_space<vmem>>[vector<16xi32>, vector<16xi32>], vector<16xf32>, vector<16xi1>
        %broadcast_in_dim3A_841 = arith.constant 6 : i32
        %broadcast_in_dim3A_842 = vector.broadcast %broadcast_in_dim3A_841 : i32 to vector<16xi32>
        %gather3A_843 = tpu.vector_load_idx %arg17[%broadcast_in_dim3A_842, %sub3A_814] masked %and3A_807 : memref<32x512xf32, #tpu.memory_space<vmem>>[vector<16xi32>, vector<16xi32>], vector<16xf32>, vector<16xi1>
        tpu.vector_store_idx %arg20[%sub3A_823, %broadcast_in_dim3A_842], %gather3A_843 masked %and3A_807 : memref<128x128xf32, #tpu.memory_space<vmem>>[vector<16xi32>, vector<16xi32>], vector<16xf32>, vector<16xi1>
        %broadcast_in_dim3A_844 = arith.constant 7 : i32
        %broadcast_in_dim3A_845 = vector.broadcast %broadcast_in_dim3A_844 : i32 to vector<16xi32>
        %gather3A_846 = tpu.vector_load_idx %arg17[%broadcast_in_dim3A_845, %sub3A_814] masked %and3A_807 : memref<32x512xf32, #tpu.memory_space<vmem>>[vector<16xi32>, vector<16xi32>], vector<16xf32>, vector<16xi1>
        tpu.vector_store_idx %arg20[%sub3A_823, %broadcast_in_dim3A_845], %gather3A_846 masked %and3A_807 : memref<128x128xf32, #tpu.memory_space<vmem>>[vector<16xi32>, vector<16xi32>], vector<16xf32>, vector<16xi1>
        %broadcast_in_dim3A_847 = arith.constant 8 : i32
        %broadcast_in_dim3A_848 = vector.broadcast %broadcast_in_dim3A_847 : i32 to vector<16xi32>
        %gather3A_849 = tpu.vector_load_idx %arg17[%broadcast_in_dim3A_848, %sub3A_814] masked %and3A_807 : memref<32x512xf32, #tpu.memory_space<vmem>>[vector<16xi32>, vector<16xi32>], vector<16xf32>, vector<16xi1>
        tpu.vector_store_idx %arg20[%sub3A_823, %broadcast_in_dim3A_848], %gather3A_849 masked %and3A_807 : memref<128x128xf32, #tpu.memory_space<vmem>>[vector<16xi32>, vector<16xi32>], vector<16xf32>, vector<16xi1>
        %broadcast_in_dim3A_850 = arith.constant 9 : i32
        %broadcast_in_dim3A_851 = vector.broadcast %broadcast_in_dim3A_850 : i32 to vector<16xi32>
        %gather3A_852 = tpu.vector_load_idx %arg17[%broadcast_in_dim3A_851, %sub3A_814] masked %and3A_807 : memref<32x512xf32, #tpu.memory_space<vmem>>[vector<16xi32>, vector<16xi32>], vector<16xf32>, vector<16xi1>
        tpu.vector_store_idx %arg20[%sub3A_823, %broadcast_in_dim3A_851], %gather3A_852 masked %and3A_807 : memref<128x128xf32, #tpu.memory_space<vmem>>[vector<16xi32>, vector<16xi32>], vector<16xf32>, vector<16xi1>
        %broadcast_in_dim3A_853 = arith.constant 10 : i32
        %broadcast_in_dim3A_854 = vector.broadcast %broadcast_in_dim3A_853 : i32 to vector<16xi32>
        %gather3A_855 = tpu.vector_load_idx %arg17[%broadcast_in_dim3A_854, %sub3A_814] masked %and3A_807 : memref<32x512xf32, #tpu.memory_space<vmem>>[vector<16xi32>, vector<16xi32>], vector<16xf32>, vector<16xi1>
        tpu.vector_store_idx %arg20[%sub3A_823, %broadcast_in_dim3A_854], %gather3A_855 masked %and3A_807 : memref<128x128xf32, #tpu.memory_space<vmem>>[vector<16xi32>, vector<16xi32>], vector<16xf32>, vector<16xi1>
        %broadcast_in_dim3A_856 = arith.constant 11 : i32
        %broadcast_in_dim3A_857 = vector.broadcast %broadcast_in_dim3A_856 : i32 to vector<16xi32>
        %gather3A_858 = tpu.vector_load_idx %arg17[%broadcast_in_dim3A_857, %sub3A_814] masked %and3A_807 : memref<32x512xf32, #tpu.memory_space<vmem>>[vector<16xi32>, vector<16xi32>], vector<16xf32>, vector<16xi1>
        tpu.vector_store_idx %arg20[%sub3A_823, %broadcast_in_dim3A_857], %gather3A_858 masked %and3A_807 : memref<128x128xf32, #tpu.memory_space<vmem>>[vector<16xi32>, vector<16xi32>], vector<16xf32>, vector<16xi1>
        %broadcast_in_dim3A_859 = arith.constant 12 : i32
        %broadcast_in_dim3A_860 = vector.broadcast %broadcast_in_dim3A_859 : i32 to vector<16xi32>
        %gather3A_861 = tpu.vector_load_idx %arg17[%broadcast_in_dim3A_860, %sub3A_814] masked %and3A_807 : memref<32x512xf32, #tpu.memory_space<vmem>>[vector<16xi32>, vector<16xi32>], vector<16xf32>, vector<16xi1>
        tpu.vector_store_idx %arg20[%sub3A_823, %broadcast_in_dim3A_860], %gather3A_861 masked %and3A_807 : memref<128x128xf32, #tpu.memory_space<vmem>>[vector<16xi32>, vector<16xi32>], vector<16xf32>, vector<16xi1>
        %broadcast_in_dim3A_862 = arith.constant 13 : i32
        %broadcast_in_dim3A_863 = vector.broadcast %broadcast_in_dim3A_862 : i32 to vector<16xi32>
        %gather3A_864 = tpu.vector_load_idx %arg17[%broadcast_in_dim3A_863, %sub3A_814] masked %and3A_807 : memref<32x512xf32, #tpu.memory_space<vmem>>[vector<16xi32>, vector<16xi32>], vector<16xf32>, vector<16xi1>
        tpu.vector_store_idx %arg20[%sub3A_823, %broadcast_in_dim3A_863], %gather3A_864 masked %and3A_807 : memref<128x128xf32, #tpu.memory_space<vmem>>[vector<16xi32>, vector<16xi32>], vector<16xf32>, vector<16xi1>
        %broadcast_in_dim3A_865 = arith.constant 14 : i32
        %broadcast_in_dim3A_866 = vector.broadcast %broadcast_in_dim3A_865 : i32 to vector<16xi32>
        %gather3A_867 = tpu.vector_load_idx %arg17[%broadcast_in_dim3A_866, %sub3A_814] masked %and3A_807 : memref<32x512xf32, #tpu.memory_space<vmem>>[vector<16xi32>, vector<16xi32>], vector<16xf32>, vector<16xi1>
        tpu.vector_store_idx %arg20[%sub3A_823, %broadcast_in_dim3A_866], %gather3A_867 masked %and3A_807 : memref<128x128xf32, #tpu.memory_space<vmem>>[vector<16xi32>, vector<16xi32>], vector<16xf32>, vector<16xi1>
        %broadcast_in_dim3A_868 = arith.constant 15 : i32
        %broadcast_in_dim3A_869 = vector.broadcast %broadcast_in_dim3A_868 : i32 to vector<16xi32>
        %gather3A_870 = tpu.vector_load_idx %arg17[%broadcast_in_dim3A_869, %sub3A_814] masked %and3A_807 : memref<32x512xf32, #tpu.memory_space<vmem>>[vector<16xi32>, vector<16xi32>], vector<16xf32>, vector<16xi1>
        tpu.vector_store_idx %arg20[%sub3A_823, %broadcast_in_dim3A_869], %gather3A_870 masked %and3A_807 : memref<128x128xf32, #tpu.memory_space<vmem>>[vector<16xi32>, vector<16xi32>], vector<16xf32>, vector<16xi1>
        %broadcast_in_dim3A_871 = arith.constant 16 : i32
        %broadcast_in_dim3A_872 = vector.broadcast %broadcast_in_dim3A_871 : i32 to vector<16xi32>
        %gather3A_873 = tpu.vector_load_idx %arg17[%broadcast_in_dim3A_872, %sub3A_814] masked %and3A_807 : memref<32x512xf32, #tpu.memory_space<vmem>>[vector<16xi32>, vector<16xi32>], vector<16xf32>, vector<16xi1>
        tpu.vector_store_idx %arg20[%sub3A_823, %broadcast_in_dim3A_872], %gather3A_873 masked %and3A_807 : memref<128x128xf32, #tpu.memory_space<vmem>>[vector<16xi32>, vector<16xi32>], vector<16xf32>, vector<16xi1>
        %broadcast_in_dim3A_874 = arith.constant 17 : i32
        %broadcast_in_dim3A_875 = vector.broadcast %broadcast_in_dim3A_874 : i32 to vector<16xi32>
        %gather3A_876 = tpu.vector_load_idx %arg17[%broadcast_in_dim3A_875, %sub3A_814] masked %and3A_807 : memref<32x512xf32, #tpu.memory_space<vmem>>[vector<16xi32>, vector<16xi32>], vector<16xf32>, vector<16xi1>
        tpu.vector_store_idx %arg20[%sub3A_823, %broadcast_in_dim3A_875], %gather3A_876 masked %and3A_807 : memref<128x128xf32, #tpu.memory_space<vmem>>[vector<16xi32>, vector<16xi32>], vector<16xf32>, vector<16xi1>
        %broadcast_in_dim3A_877 = arith.constant 18 : i32
        %broadcast_in_dim3A_878 = vector.broadcast %broadcast_in_dim3A_877 : i32 to vector<16xi32>
        %gather3A_879 = tpu.vector_load_idx %arg17[%broadcast_in_dim3A_878, %sub3A_814] masked %and3A_807 : memref<32x512xf32, #tpu.memory_space<vmem>>[vector<16xi32>, vector<16xi32>], vector<16xf32>, vector<16xi1>
        tpu.vector_store_idx %arg20[%sub3A_823, %broadcast_in_dim3A_878], %gather3A_879 masked %and3A_807 : memref<128x128xf32, #tpu.memory_space<vmem>>[vector<16xi32>, vector<16xi32>], vector<16xf32>, vector<16xi1>
        %broadcast_in_dim3A_880 = arith.constant 19 : i32
        %broadcast_in_dim3A_881 = vector.broadcast %broadcast_in_dim3A_880 : i32 to vector<16xi32>
        %gather3A_882 = tpu.vector_load_idx %arg17[%broadcast_in_dim3A_881, %sub3A_814] masked %and3A_807 : memref<32x512xf32, #tpu.memory_space<vmem>>[vector<16xi32>, vector<16xi32>], vector<16xf32>, vector<16xi1>
        tpu.vector_store_idx %arg20[%sub3A_823, %broadcast_in_dim3A_881], %gather3A_882 masked %and3A_807 : memref<128x128xf32, #tpu.memory_space<vmem>>[vector<16xi32>, vector<16xi32>], vector<16xf32>, vector<16xi1>
        %broadcast_in_dim3A_883 = arith.constant 20 : i32
        %broadcast_in_dim3A_884 = vector.broadcast %broadcast_in_dim3A_883 : i32 to vector<16xi32>
        %gather3A_885 = tpu.vector_load_idx %arg17[%broadcast_in_dim3A_884, %sub3A_814] masked %and3A_807 : memref<32x512xf32, #tpu.memory_space<vmem>>[vector<16xi32>, vector<16xi32>], vector<16xf32>, vector<16xi1>
        tpu.vector_store_idx %arg20[%sub3A_823, %broadcast_in_dim3A_884], %gather3A_885 masked %and3A_807 : memref<128x128xf32, #tpu.memory_space<vmem>>[vector<16xi32>, vector<16xi32>], vector<16xf32>, vector<16xi1>
        %broadcast_in_dim3A_886 = arith.constant 21 : i32
        %broadcast_in_dim3A_887 = vector.broadcast %broadcast_in_dim3A_886 : i32 to vector<16xi32>
        %gather3A_888 = tpu.vector_load_idx %arg17[%broadcast_in_dim3A_887, %sub3A_814] masked %and3A_807 : memref<32x512xf32, #tpu.memory_space<vmem>>[vector<16xi32>, vector<16xi32>], vector<16xf32>, vector<16xi1>
        tpu.vector_store_idx %arg20[%sub3A_823, %broadcast_in_dim3A_887], %gather3A_888 masked %and3A_807 : memref<128x128xf32, #tpu.memory_space<vmem>>[vector<16xi32>, vector<16xi32>], vector<16xf32>, vector<16xi1>
        %broadcast_in_dim3A_889 = arith.constant 22 : i32
        %broadcast_in_dim3A_890 = vector.broadcast %broadcast_in_dim3A_889 : i32 to vector<16xi32>
        %gather3A_891 = tpu.vector_load_idx %arg17[%broadcast_in_dim3A_890, %sub3A_814] masked %and3A_807 : memref<32x512xf32, #tpu.memory_space<vmem>>[vector<16xi32>, vector<16xi32>], vector<16xf32>, vector<16xi1>
        tpu.vector_store_idx %arg20[%sub3A_823, %broadcast_in_dim3A_890], %gather3A_891 masked %and3A_807 : memref<128x128xf32, #tpu.memory_space<vmem>>[vector<16xi32>, vector<16xi32>], vector<16xf32>, vector<16xi1>
        %broadcast_in_dim3A_892 = arith.constant 23 : i32
        %broadcast_in_dim3A_893 = vector.broadcast %broadcast_in_dim3A_892 : i32 to vector<16xi32>
        %gather3A_894 = tpu.vector_load_idx %arg17[%broadcast_in_dim3A_893, %sub3A_814] masked %and3A_807 : memref<32x512xf32, #tpu.memory_space<vmem>>[vector<16xi32>, vector<16xi32>], vector<16xf32>, vector<16xi1>
        tpu.vector_store_idx %arg20[%sub3A_823, %broadcast_in_dim3A_893], %gather3A_894 masked %and3A_807 : memref<128x128xf32, #tpu.memory_space<vmem>>[vector<16xi32>, vector<16xi32>], vector<16xf32>, vector<16xi1>
        %broadcast_in_dim3A_895 = arith.constant 24 : i32
        %broadcast_in_dim3A_896 = vector.broadcast %broadcast_in_dim3A_895 : i32 to vector<16xi32>
        %gather3A_897 = tpu.vector_load_idx %arg17[%broadcast_in_dim3A_896, %sub3A_814] masked %and3A_807 : memref<32x512xf32, #tpu.memory_space<vmem>>[vector<16xi32>, vector<16xi32>], vector<16xf32>, vector<16xi1>
        tpu.vector_store_idx %arg20[%sub3A_823, %broadcast_in_dim3A_896], %gather3A_897 masked %and3A_807 : memref<128x128xf32, #tpu.memory_space<vmem>>[vector<16xi32>, vector<16xi32>], vector<16xf32>, vector<16xi1>
        %broadcast_in_dim3A_898 = arith.constant 25 : i32
        %broadcast_in_dim3A_899 = vector.broadcast %broadcast_in_dim3A_898 : i32 to vector<16xi32>
        %gather3A_900 = tpu.vector_load_idx %arg17[%broadcast_in_dim3A_899, %sub3A_814] masked %and3A_807 : memref<32x512xf32, #tpu.memory_space<vmem>>[vector<16xi32>, vector<16xi32>], vector<16xf32>, vector<16xi1>
        tpu.vector_store_idx %arg20[%sub3A_823, %broadcast_in_dim3A_899], %gather3A_900 masked %and3A_807 : memref<128x128xf32, #tpu.memory_space<vmem>>[vector<16xi32>, vector<16xi32>], vector<16xf32>, vector<16xi1>
        %broadcast_in_dim3A_901 = arith.constant 26 : i32
        %broadcast_in_dim3A_902 = vector.broadcast %broadcast_in_dim3A_901 : i32 to vector<16xi32>
        %gather3A_903 = tpu.vector_load_idx %arg17[%broadcast_in_dim3A_902, %sub3A_814] masked %and3A_807 : memref<32x512xf32, #tpu.memory_space<vmem>>[vector<16xi32>, vector<16xi32>], vector<16xf32>, vector<16xi1>
        tpu.vector_store_idx %arg20[%sub3A_823, %broadcast_in_dim3A_902], %gather3A_903 masked %and3A_807 : memref<128x128xf32, #tpu.memory_space<vmem>>[vector<16xi32>, vector<16xi32>], vector<16xf32>, vector<16xi1>
        %broadcast_in_dim3A_904 = arith.constant 27 : i32
        %broadcast_in_dim3A_905 = vector.broadcast %broadcast_in_dim3A_904 : i32 to vector<16xi32>
        %gather3A_906 = tpu.vector_load_idx %arg17[%broadcast_in_dim3A_905, %sub3A_814] masked %and3A_807 : memref<32x512xf32, #tpu.memory_space<vmem>>[vector<16xi32>, vector<16xi32>], vector<16xf32>, vector<16xi1>
        tpu.vector_store_idx %arg20[%sub3A_823, %broadcast_in_dim3A_905], %gather3A_906 masked %and3A_807 : memref<128x128xf32, #tpu.memory_space<vmem>>[vector<16xi32>, vector<16xi32>], vector<16xf32>, vector<16xi1>
        %broadcast_in_dim3A_907 = arith.constant 28 : i32
        %broadcast_in_dim3A_908 = vector.broadcast %broadcast_in_dim3A_907 : i32 to vector<16xi32>
        %gather3A_909 = tpu.vector_load_idx %arg17[%broadcast_in_dim3A_908, %sub3A_814] masked %and3A_807 : memref<32x512xf32, #tpu.memory_space<vmem>>[vector<16xi32>, vector<16xi32>], vector<16xf32>, vector<16xi1>
        tpu.vector_store_idx %arg20[%sub3A_823, %broadcast_in_dim3A_908], %gather3A_909 masked %and3A_807 : memref<128x128xf32, #tpu.memory_space<vmem>>[vector<16xi32>, vector<16xi32>], vector<16xf32>, vector<16xi1>
        %broadcast_in_dim3A_910 = arith.constant 29 : i32
        %broadcast_in_dim3A_911 = vector.broadcast %broadcast_in_dim3A_910 : i32 to vector<16xi32>
        %gather3A_912 = tpu.vector_load_idx %arg17[%broadcast_in_dim3A_911, %sub3A_814] masked %and3A_807 : memref<32x512xf32, #tpu.memory_space<vmem>>[vector<16xi32>, vector<16xi32>], vector<16xf32>, vector<16xi1>
        tpu.vector_store_idx %arg20[%sub3A_823, %broadcast_in_dim3A_911], %gather3A_912 masked %and3A_807 : memref<128x128xf32, #tpu.memory_space<vmem>>[vector<16xi32>, vector<16xi32>], vector<16xf32>, vector<16xi1>
        %broadcast_in_dim3A_913 = arith.constant 30 : i32
        %broadcast_in_dim3A_914 = vector.broadcast %broadcast_in_dim3A_913 : i32 to vector<16xi32>
        %gather3A_915 = tpu.vector_load_idx %arg17[%broadcast_in_dim3A_914, %sub3A_814] masked %and3A_807 : memref<32x512xf32, #tpu.memory_space<vmem>>[vector<16xi32>, vector<16xi32>], vector<16xf32>, vector<16xi1>
        tpu.vector_store_idx %arg20[%sub3A_823, %broadcast_in_dim3A_914], %gather3A_915 masked %and3A_807 : memref<128x128xf32, #tpu.memory_space<vmem>>[vector<16xi32>, vector<16xi32>], vector<16xf32>, vector<16xi1>
        %broadcast_in_dim3A_916 = arith.constant 31 : i32
        %broadcast_in_dim3A_917 = vector.broadcast %broadcast_in_dim3A_916 : i32 to vector<16xi32>
        %gather3A_918 = tpu.vector_load_idx %arg17[%broadcast_in_dim3A_917, %sub3A_814] masked %and3A_807 : memref<32x512xf32, #tpu.memory_space<vmem>>[vector<16xi32>, vector<16xi32>], vector<16xf32>, vector<16xi1>
        tpu.vector_store_idx %arg20[%sub3A_823, %broadcast_in_dim3A_917], %gather3A_918 masked %and3A_807 : memref<128x128xf32, #tpu.memory_space<vmem>>[vector<16xi32>, vector<16xi32>], vector<16xf32>, vector<16xi1>
        tpu.vector_store_idx %arg16[%sub3A_823], %get3A_812 masked %and3A_807 : memref<128xi32, #tpu.memory_space<vmem>>[vector<16xi32>], vector<16xi32>, vector<16xi1>
        %reduce_sum3A_919 = arith.constant true
        %reduce_sum3A_920 = vector.broadcast %reduce_sum3A_919 : i1 to vector<16xi1>
        %reduce_sum3A_921 = tpu.scan <sum>, %convert_element_type3A_815 masked %reduce_sum3A_920 : vector<16xi32>, vector<16xi1> -> vector<16xi32>
        %reduce_sum3A_922 = vector.extract %reduce_sum3A_921[15] : i32 from vector<16xi32>
        %add3A_923 = arith.addi %while3A_797, %reduce_sum3A_922 : i32
        %gt3A_924 = arith.constant 112 : i32
        %gt3A_925 = arith.cmpi sgt, %add3A_923, %gt3A_924 : i32
        %convert_element_type3A_926 = arith.extui %gt3A_925 : i1 to i32
        %cond3A_927 = arith.constant 0 : i32
        %cond3A_928 = arith.cmpi ne, %convert_element_type3A_926, %cond3A_927 : i32
        scf.if %cond3A_928 {
          %dma_start3A_933 = arith.constant 0 : i32
          %dma_start3A_934 = arith.constant 0 : i32
          %dma_start3A_935 = tpu.memref_slice %arg6[%dma_start3A_933, %dma_start3A_934] : memref<16384x128xf32, #tpu.memory_space<hbm>> -> memref<16384x128xf32, #tpu.memory_space<hbm>>
          %dma_start3A_936 = arith.constant -1 : i32
          tpu.enqueue_indirect_dma source(%arg20 : memref<128x128xf32, #tpu.memory_space<vmem>>) target(%dma_start3A_935 : memref<16384x128xf32, #tpu.memory_space<hbm>>) offsets(%arg16 : memref<128xi32, #tpu.memory_space<vmem>>) offset_filter(%dma_start3A_936) semaphore(%arg23 : memref<!tpu.dma_semaphore, #tpu.memory_space<semaphore_mem>>)
          %dma_wait3A_937 = arith.constant 0 : i32
          %dma_wait3A_938 = arith.constant 0 : i32
          %dma_wait3A_939 = tpu.memref_slice %arg6[%dma_wait3A_937, %dma_wait3A_938] : memref<16384x128xf32, #tpu.memory_space<hbm>> -> memref<16384x128xf32, #tpu.memory_space<hbm>>
          tpu.wait_indirect_dma semaphore(%arg23 : memref<!tpu.dma_semaphore, #tpu.memory_space<semaphore_mem>>) src(%arg20 : memref<128x128xf32, #tpu.memory_space<vmem>>) dst(%dma_wait3A_939 : memref<16384x128xf32, #tpu.memory_space<hbm>>)
          %swap3A_940 = arith.constant 0 : index
          %swap3A_941 = tpu.vector_load %arg16[%swap3A_940] {strides = array<i32>} : memref<128xi32, #tpu.memory_space<vmem>>, vector<16xi32>,
          tpu.vector_store %arg16[%swap3A_940], %broadcast_in_dim3A_11 {strides = array<i32>} : memref<128xi32, #tpu.memory_space<vmem>>, vector<16xi32>,
          %swap3A_942 = arith.constant 16 : index
          %swap3A_943 = tpu.vector_load %arg16[%swap3A_942] {strides = array<i32>} : memref<128xi32, #tpu.memory_space<vmem>>, vector<16xi32>,
          tpu.vector_store %arg16[%swap3A_942], %broadcast_in_dim3A_11 {strides = array<i32>} : memref<128xi32, #tpu.memory_space<vmem>>, vector<16xi32>,
          %swap3A_944 = arith.constant 32 : index
          %swap3A_945 = tpu.vector_load %arg16[%swap3A_944] {strides = array<i32>} : memref<128xi32, #tpu.memory_space<vmem>>, vector<16xi32>,
          tpu.vector_store %arg16[%swap3A_944], %broadcast_in_dim3A_11 {strides = array<i32>} : memref<128xi32, #tpu.memory_space<vmem>>, vector<16xi32>,
          %swap3A_946 = arith.constant 48 : index
          %swap3A_947 = tpu.vector_load %arg16[%swap3A_946] {strides = array<i32>} : memref<128xi32, #tpu.memory_space<vmem>>, vector<16xi32>,
          tpu.vector_store %arg16[%swap3A_946], %broadcast_in_dim3A_11 {strides = array<i32>} : memref<128xi32, #tpu.memory_space<vmem>>, vector<16xi32>,
          %swap3A_948 = arith.constant 64 : index
          %swap3A_949 = tpu.vector_load %arg16[%swap3A_948] {strides = array<i32>} : memref<128xi32, #tpu.memory_space<vmem>>, vector<16xi32>,
          tpu.vector_store %arg16[%swap3A_948], %broadcast_in_dim3A_11 {strides = array<i32>} : memref<128xi32, #tpu.memory_space<vmem>>, vector<16xi32>,
          %swap3A_950 = arith.constant 80 : index
          %swap3A_951 = tpu.vector_load %arg16[%swap3A_950] {strides = array<i32>} : memref<128xi32, #tpu.memory_space<vmem>>, vector<16xi32>,
          tpu.vector_store %arg16[%swap3A_950], %broadcast_in_dim3A_11 {strides = array<i32>} : memref<128xi32, #tpu.memory_space<vmem>>, vector<16xi32>,
          %swap3A_952 = arith.constant 96 : index
          %swap3A_953 = tpu.vector_load %arg16[%swap3A_952] {strides = array<i32>} : memref<128xi32, #tpu.memory_space<vmem>>, vector<16xi32>,
          tpu.vector_store %arg16[%swap3A_952], %broadcast_in_dim3A_11 {strides = array<i32>} : memref<128xi32, #tpu.memory_space<vmem>>, vector<16xi32>,
          %swap3A_954 = arith.constant 112 : index
          %swap3A_955 = tpu.vector_load %arg16[%swap3A_954] {strides = array<i32>} : memref<128xi32, #tpu.memory_space<vmem>>, vector<16xi32>,
          tpu.vector_store %arg16[%swap3A_954], %broadcast_in_dim3A_11 {strides = array<i32>} : memref<128xi32, #tpu.memory_space<vmem>>, vector<16xi32>,
        } else {
        }
        %gt3A_929 = arith.constant 112 : i32
        %gt3A_930 = arith.cmpi sgt, %add3A_923, %gt3A_929 : i32
        %jit3A_931 = arith.constant 0 : i32
        %select_n3A_932 = arith.select %gt3A_930, %jit3A_931, %add3A_923 : i32
        scf.yield %select_n3A_932 : i32
      }
      %while3A_633 = arith.constant 1 : i32
      %while3A_634 = scf.for %while3A_796 = %while3A_630 to %while3A_626 step %while3A_633 iter_args(%while3A_797 = %while3A_632) -> (i32)  : i32 {
        %mul3A_798 = arith.constant 16 : i32
        %mul3A_799 = arith.muli %mul3A_798, %while3A_796 : i32
        %add3A_800 = arith.addi %mul3A_591, %mul3A_799 : i32
        %iota3A_801 = tpu.iota {dimensions = array<i32: 0>} : vector<16xi32>
        %add3A_802 = vector.broadcast %add3A_800 : i32 to vector<16xi32>
        %add3A_803 = arith.addi %add3A_802, %iota3A_801 : vector<16xi32>
        %ge3A = vector.broadcast %while3A_489 : i32 to vector<16xi32>
        %ge3A_804 = arith.cmpi sge, %add3A_803, %ge3A : vector<16xi32>
        %lt3A_805 = vector.broadcast %add3A_562 : i32 to vector<16xi32>
        %lt3A_806 = arith.cmpi slt, %add3A_803, %lt3A_805 : vector<16xi32>
        %and3A_807 = arith.andi %ge3A_804, %lt3A_806 : vector<16xi1>
        %multiple_of3A_808 = tpu.assume_multiple %add3A_800, 8 : i32
        %get3A_809 = arith.index_cast %multiple_of3A_808 : i32 to index
        %get3A_810 = tpu.vector_load %arg9[%get3A_809] {strides = array<i32>} : memref<16640xi32, #tpu.memory_space<vmem>>, vector<16xi32>,
        %get3A_811 = arith.index_cast %multiple_of3A_808 : i32 to index
        %get3A_812 = tpu.vector_load %arg10[%get3A_811] {strides = array<i32>} : memref<16640xi32, #tpu.memory_space<vmem>>, vector<16xi32>,
        %sub3A_813 = vector.broadcast %add3A_565 : i32 to vector<16xi32>
        %sub3A_814 = arith.subi %get3A_810, %sub3A_813 : vector<16xi32>
        %convert_element_type3A_815 = arith.extui %and3A_807 : vector<16xi1> to vector<16xi32>
        %broadcast_in_dim3A_816 = arith.constant true
        %broadcast_in_dim3A_817 = vector.broadcast %broadcast_in_dim3A_816 : i1 to vector<16xi1>
        %masked_cumsum3A_818 = tpu.scan <sum>, %convert_element_type3A_815 masked %broadcast_in_dim3A_817 : vector<16xi32>, vector<16xi1> -> vector<16xi32>
        %add3A_819 = vector.broadcast %while3A_797 : i32 to vector<16xi32>
        %add3A_820 = arith.addi %add3A_819, %masked_cumsum3A_818 : vector<16xi32>
        %sub3A_821 = arith.constant 1 : i32
        %sub3A_822 = vector.broadcast %sub3A_821 : i32 to vector<16xi32>
        %sub3A_823 = arith.subi %add3A_820, %sub3A_822 : vector<16xi32>
        %broadcast_in_dim3A_824 = arith.constant 0 : i32
        %broadcast_in_dim3A_825 = vector.broadcast %broadcast_in_dim3A_824 : i32 to vector<16xi32>
        %gather3A = tpu.vector_load_idx %arg17[%broadcast_in_dim3A_825, %sub3A_814] masked %and3A_807 : memref<32x512xf32, #tpu.memory_space<vmem>>[vector<16xi32>, vector<16xi32>], vector<16xf32>, vector<16xi1>
        tpu.vector_store_idx %arg20[%sub3A_823, %broadcast_in_dim3A_825], %gather3A masked %and3A_807 : memref<128x128xf32, #tpu.memory_space<vmem>>[vector<16xi32>, vector<16xi32>], vector<16xf32>, vector<16xi1>
        %broadcast_in_dim3A_826 = arith.constant 1 : i32
        %broadcast_in_dim3A_827 = vector.broadcast %broadcast_in_dim3A_826 : i32 to vector<16xi32>
        %gather3A_828 = tpu.vector_load_idx %arg17[%broadcast_in_dim3A_827, %sub3A_814] masked %and3A_807 : memref<32x512xf32, #tpu.memory_space<vmem>>[vector<16xi32>, vector<16xi32>], vector<16xf32>, vector<16xi1>
        tpu.vector_store_idx %arg20[%sub3A_823, %broadcast_in_dim3A_827], %gather3A_828 masked %and3A_807 : memref<128x128xf32, #tpu.memory_space<vmem>>[vector<16xi32>, vector<16xi32>], vector<16xf32>, vector<16xi1>
        %broadcast_in_dim3A_829 = arith.constant 2 : i32
        %broadcast_in_dim3A_830 = vector.broadcast %broadcast_in_dim3A_829 : i32 to vector<16xi32>
        %gather3A_831 = tpu.vector_load_idx %arg17[%broadcast_in_dim3A_830, %sub3A_814] masked %and3A_807 : memref<32x512xf32, #tpu.memory_space<vmem>>[vector<16xi32>, vector<16xi32>], vector<16xf32>, vector<16xi1>
        tpu.vector_store_idx %arg20[%sub3A_823, %broadcast_in_dim3A_830], %gather3A_831 masked %and3A_807 : memref<128x128xf32, #tpu.memory_space<vmem>>[vector<16xi32>, vector<16xi32>], vector<16xf32>, vector<16xi1>
        %broadcast_in_dim3A_832 = arith.constant 3 : i32
        %broadcast_in_dim3A_833 = vector.broadcast %broadcast_in_dim3A_832 : i32 to vector<16xi32>
        %gather3A_834 = tpu.vector_load_idx %arg17[%broadcast_in_dim3A_833, %sub3A_814] masked %and3A_807 : memref<32x512xf32, #tpu.memory_space<vmem>>[vector<16xi32>, vector<16xi32>], vector<16xf32>, vector<16xi1>
        tpu.vector_store_idx %arg20[%sub3A_823, %broadcast_in_dim3A_833], %gather3A_834 masked %and3A_807 : memref<128x128xf32, #tpu.memory_space<vmem>>[vector<16xi32>, vector<16xi32>], vector<16xf32>, vector<16xi1>
        %broadcast_in_dim3A_835 = arith.constant 4 : i32
        %broadcast_in_dim3A_836 = vector.broadcast %broadcast_in_dim3A_835 : i32 to vector<16xi32>
        %gather3A_837 = tpu.vector_load_idx %arg17[%broadcast_in_dim3A_836, %sub3A_814] masked %and3A_807 : memref<32x512xf32, #tpu.memory_space<vmem>>[vector<16xi32>, vector<16xi32>], vector<16xf32>, vector<16xi1>
        tpu.vector_store_idx %arg20[%sub3A_823, %broadcast_in_dim3A_836], %gather3A_837 masked %and3A_807 : memref<128x128xf32, #tpu.memory_space<vmem>>[vector<16xi32>, vector<16xi32>], vector<16xf32>, vector<16xi1>
        %broadcast_in_dim3A_838 = arith.constant 5 : i32
        %broadcast_in_dim3A_839 = vector.broadcast %broadcast_in_dim3A_838 : i32 to vector<16xi32>
        %gather3A_840 = tpu.vector_load_idx %arg17[%broadcast_in_dim3A_839, %sub3A_814] masked %and3A_807 : memref<32x512xf32, #tpu.memory_space<vmem>>[vector<16xi32>, vector<16xi32>], vector<16xf32>, vector<16xi1>
        tpu.vector_store_idx %arg20[%sub3A_823, %broadcast_in_dim3A_839], %gather3A_840 masked %and3A_807 : memref<128x128xf32, #tpu.memory_space<vmem>>[vector<16xi32>, vector<16xi32>], vector<16xf32>, vector<16xi1>
        %broadcast_in_dim3A_841 = arith.constant 6 : i32
        %broadcast_in_dim3A_842 = vector.broadcast %broadcast_in_dim3A_841 : i32 to vector<16xi32>
        %gather3A_843 = tpu.vector_load_idx %arg17[%broadcast_in_dim3A_842, %sub3A_814] masked %and3A_807 : memref<32x512xf32, #tpu.memory_space<vmem>>[vector<16xi32>, vector<16xi32>], vector<16xf32>, vector<16xi1>
        tpu.vector_store_idx %arg20[%sub3A_823, %broadcast_in_dim3A_842], %gather3A_843 masked %and3A_807 : memref<128x128xf32, #tpu.memory_space<vmem>>[vector<16xi32>, vector<16xi32>], vector<16xf32>, vector<16xi1>
        %broadcast_in_dim3A_844 = arith.constant 7 : i32
        %broadcast_in_dim3A_845 = vector.broadcast %broadcast_in_dim3A_844 : i32 to vector<16xi32>
        %gather3A_846 = tpu.vector_load_idx %arg17[%broadcast_in_dim3A_845, %sub3A_814] masked %and3A_807 : memref<32x512xf32, #tpu.memory_space<vmem>>[vector<16xi32>, vector<16xi32>], vector<16xf32>, vector<16xi1>
        tpu.vector_store_idx %arg20[%sub3A_823, %broadcast_in_dim3A_845], %gather3A_846 masked %and3A_807 : memref<128x128xf32, #tpu.memory_space<vmem>>[vector<16xi32>, vector<16xi32>], vector<16xf32>, vector<16xi1>
        %broadcast_in_dim3A_847 = arith.constant 8 : i32
        %broadcast_in_dim3A_848 = vector.broadcast %broadcast_in_dim3A_847 : i32 to vector<16xi32>
        %gather3A_849 = tpu.vector_load_idx %arg17[%broadcast_in_dim3A_848, %sub3A_814] masked %and3A_807 : memref<32x512xf32, #tpu.memory_space<vmem>>[vector<16xi32>, vector<16xi32>], vector<16xf32>, vector<16xi1>
        tpu.vector_store_idx %arg20[%sub3A_823, %broadcast_in_dim3A_848], %gather3A_849 masked %and3A_807 : memref<128x128xf32, #tpu.memory_space<vmem>>[vector<16xi32>, vector<16xi32>], vector<16xf32>, vector<16xi1>
        %broadcast_in_dim3A_850 = arith.constant 9 : i32
        %broadcast_in_dim3A_851 = vector.broadcast %broadcast_in_dim3A_850 : i32 to vector<16xi32>
        %gather3A_852 = tpu.vector_load_idx %arg17[%broadcast_in_dim3A_851, %sub3A_814] masked %and3A_807 : memref<32x512xf32, #tpu.memory_space<vmem>>[vector<16xi32>, vector<16xi32>], vector<16xf32>, vector<16xi1>
        tpu.vector_store_idx %arg20[%sub3A_823, %broadcast_in_dim3A_851], %gather3A_852 masked %and3A_807 : memref<128x128xf32, #tpu.memory_space<vmem>>[vector<16xi32>, vector<16xi32>], vector<16xf32>, vector<16xi1>
        %broadcast_in_dim3A_853 = arith.constant 10 : i32
        %broadcast_in_dim3A_854 = vector.broadcast %broadcast_in_dim3A_853 : i32 to vector<16xi32>
        %gather3A_855 = tpu.vector_load_idx %arg17[%broadcast_in_dim3A_854, %sub3A_814] masked %and3A_807 : memref<32x512xf32, #tpu.memory_space<vmem>>[vector<16xi32>, vector<16xi32>], vector<16xf32>, vector<16xi1>
        tpu.vector_store_idx %arg20[%sub3A_823, %broadcast_in_dim3A_854], %gather3A_855 masked %and3A_807 : memref<128x128xf32, #tpu.memory_space<vmem>>[vector<16xi32>, vector<16xi32>], vector<16xf32>, vector<16xi1>
        %broadcast_in_dim3A_856 = arith.constant 11 : i32
        %broadcast_in_dim3A_857 = vector.broadcast %broadcast_in_dim3A_856 : i32 to vector<16xi32>
        %gather3A_858 = tpu.vector_load_idx %arg17[%broadcast_in_dim3A_857, %sub3A_814] masked %and3A_807 : memref<32x512xf32, #tpu.memory_space<vmem>>[vector<16xi32>, vector<16xi32>], vector<16xf32>, vector<16xi1>
        tpu.vector_store_idx %arg20[%sub3A_823, %broadcast_in_dim3A_857], %gather3A_858 masked %and3A_807 : memref<128x128xf32, #tpu.memory_space<vmem>>[vector<16xi32>, vector<16xi32>], vector<16xf32>, vector<16xi1>
        %broadcast_in_dim3A_859 = arith.constant 12 : i32
        %broadcast_in_dim3A_860 = vector.broadcast %broadcast_in_dim3A_859 : i32 to vector<16xi32>
        %gather3A_861 = tpu.vector_load_idx %arg17[%broadcast_in_dim3A_860, %sub3A_814] masked %and3A_807 : memref<32x512xf32, #tpu.memory_space<vmem>>[vector<16xi32>, vector<16xi32>], vector<16xf32>, vector<16xi1>
        tpu.vector_store_idx %arg20[%sub3A_823, %broadcast_in_dim3A_860], %gather3A_861 masked %and3A_807 : memref<128x128xf32, #tpu.memory_space<vmem>>[vector<16xi32>, vector<16xi32>], vector<16xf32>, vector<16xi1>
        %broadcast_in_dim3A_862 = arith.constant 13 : i32
        %broadcast_in_dim3A_863 = vector.broadcast %broadcast_in_dim3A_862 : i32 to vector<16xi32>
        %gather3A_864 = tpu.vector_load_idx %arg17[%broadcast_in_dim3A_863, %sub3A_814] masked %and3A_807 : memref<32x512xf32, #tpu.memory_space<vmem>>[vector<16xi32>, vector<16xi32>], vector<16xf32>, vector<16xi1>
        tpu.vector_store_idx %arg20[%sub3A_823, %broadcast_in_dim3A_863], %gather3A_864 masked %and3A_807 : memref<128x128xf32, #tpu.memory_space<vmem>>[vector<16xi32>, vector<16xi32>], vector<16xf32>, vector<16xi1>
        %broadcast_in_dim3A_865 = arith.constant 14 : i32
        %broadcast_in_dim3A_866 = vector.broadcast %broadcast_in_dim3A_865 : i32 to vector<16xi32>
        %gather3A_867 = tpu.vector_load_idx %arg17[%broadcast_in_dim3A_866, %sub3A_814] masked %and3A_807 : memref<32x512xf32, #tpu.memory_space<vmem>>[vector<16xi32>, vector<16xi32>], vector<16xf32>, vector<16xi1>
        tpu.vector_store_idx %arg20[%sub3A_823, %broadcast_in_dim3A_866], %gather3A_867 masked %and3A_807 : memref<128x128xf32, #tpu.memory_space<vmem>>[vector<16xi32>, vector<16xi32>], vector<16xf32>, vector<16xi1>
        %broadcast_in_dim3A_868 = arith.constant 15 : i32
        %broadcast_in_dim3A_869 = vector.broadcast %broadcast_in_dim3A_868 : i32 to vector<16xi32>
        %gather3A_870 = tpu.vector_load_idx %arg17[%broadcast_in_dim3A_869, %sub3A_814] masked %and3A_807 : memref<32x512xf32, #tpu.memory_space<vmem>>[vector<16xi32>, vector<16xi32>], vector<16xf32>, vector<16xi1>
        tpu.vector_store_idx %arg20[%sub3A_823, %broadcast_in_dim3A_869], %gather3A_870 masked %and3A_807 : memref<128x128xf32, #tpu.memory_space<vmem>>[vector<16xi32>, vector<16xi32>], vector<16xf32>, vector<16xi1>
        %broadcast_in_dim3A_871 = arith.constant 16 : i32
        %broadcast_in_dim3A_872 = vector.broadcast %broadcast_in_dim3A_871 : i32 to vector<16xi32>
        %gather3A_873 = tpu.vector_load_idx %arg17[%broadcast_in_dim3A_872, %sub3A_814] masked %and3A_807 : memref<32x512xf32, #tpu.memory_space<vmem>>[vector<16xi32>, vector<16xi32>], vector<16xf32>, vector<16xi1>
        tpu.vector_store_idx %arg20[%sub3A_823, %broadcast_in_dim3A_872], %gather3A_873 masked %and3A_807 : memref<128x128xf32, #tpu.memory_space<vmem>>[vector<16xi32>, vector<16xi32>], vector<16xf32>, vector<16xi1>
        %broadcast_in_dim3A_874 = arith.constant 17 : i32
        %broadcast_in_dim3A_875 = vector.broadcast %broadcast_in_dim3A_874 : i32 to vector<16xi32>
        %gather3A_876 = tpu.vector_load_idx %arg17[%broadcast_in_dim3A_875, %sub3A_814] masked %and3A_807 : memref<32x512xf32, #tpu.memory_space<vmem>>[vector<16xi32>, vector<16xi32>], vector<16xf32>, vector<16xi1>
        tpu.vector_store_idx %arg20[%sub3A_823, %broadcast_in_dim3A_875], %gather3A_876 masked %and3A_807 : memref<128x128xf32, #tpu.memory_space<vmem>>[vector<16xi32>, vector<16xi32>], vector<16xf32>, vector<16xi1>
        %broadcast_in_dim3A_877 = arith.constant 18 : i32
        %broadcast_in_dim3A_878 = vector.broadcast %broadcast_in_dim3A_877 : i32 to vector<16xi32>
        %gather3A_879 = tpu.vector_load_idx %arg17[%broadcast_in_dim3A_878, %sub3A_814] masked %and3A_807 : memref<32x512xf32, #tpu.memory_space<vmem>>[vector<16xi32>, vector<16xi32>], vector<16xf32>, vector<16xi1>
        tpu.vector_store_idx %arg20[%sub3A_823, %broadcast_in_dim3A_878], %gather3A_879 masked %and3A_807 : memref<128x128xf32, #tpu.memory_space<vmem>>[vector<16xi32>, vector<16xi32>], vector<16xf32>, vector<16xi1>
        %broadcast_in_dim3A_880 = arith.constant 19 : i32
        %broadcast_in_dim3A_881 = vector.broadcast %broadcast_in_dim3A_880 : i32 to vector<16xi32>
        %gather3A_882 = tpu.vector_load_idx %arg17[%broadcast_in_dim3A_881, %sub3A_814] masked %and3A_807 : memref<32x512xf32, #tpu.memory_space<vmem>>[vector<16xi32>, vector<16xi32>], vector<16xf32>, vector<16xi1>
        tpu.vector_store_idx %arg20[%sub3A_823, %broadcast_in_dim3A_881], %gather3A_882 masked %and3A_807 : memref<128x128xf32, #tpu.memory_space<vmem>>[vector<16xi32>, vector<16xi32>], vector<16xf32>, vector<16xi1>
        %broadcast_in_dim3A_883 = arith.constant 20 : i32
        %broadcast_in_dim3A_884 = vector.broadcast %broadcast_in_dim3A_883 : i32 to vector<16xi32>
        %gather3A_885 = tpu.vector_load_idx %arg17[%broadcast_in_dim3A_884, %sub3A_814] masked %and3A_807 : memref<32x512xf32, #tpu.memory_space<vmem>>[vector<16xi32>, vector<16xi32>], vector<16xf32>, vector<16xi1>
        tpu.vector_store_idx %arg20[%sub3A_823, %broadcast_in_dim3A_884], %gather3A_885 masked %and3A_807 : memref<128x128xf32, #tpu.memory_space<vmem>>[vector<16xi32>, vector<16xi32>], vector<16xf32>, vector<16xi1>
        %broadcast_in_dim3A_886 = arith.constant 21 : i32
        %broadcast_in_dim3A_887 = vector.broadcast %broadcast_in_dim3A_886 : i32 to vector<16xi32>
        %gather3A_888 = tpu.vector_load_idx %arg17[%broadcast_in_dim3A_887, %sub3A_814] masked %and3A_807 : memref<32x512xf32, #tpu.memory_space<vmem>>[vector<16xi32>, vector<16xi32>], vector<16xf32>, vector<16xi1>
        tpu.vector_store_idx %arg20[%sub3A_823, %broadcast_in_dim3A_887], %gather3A_888 masked %and3A_807 : memref<128x128xf32, #tpu.memory_space<vmem>>[vector<16xi32>, vector<16xi32>], vector<16xf32>, vector<16xi1>
        %broadcast_in_dim3A_889 = arith.constant 22 : i32
        %broadcast_in_dim3A_890 = vector.broadcast %broadcast_in_dim3A_889 : i32 to vector<16xi32>
        %gather3A_891 = tpu.vector_load_idx %arg17[%broadcast_in_dim3A_890, %sub3A_814] masked %and3A_807 : memref<32x512xf32, #tpu.memory_space<vmem>>[vector<16xi32>, vector<16xi32>], vector<16xf32>, vector<16xi1>
        tpu.vector_store_idx %arg20[%sub3A_823, %broadcast_in_dim3A_890], %gather3A_891 masked %and3A_807 : memref<128x128xf32, #tpu.memory_space<vmem>>[vector<16xi32>, vector<16xi32>], vector<16xf32>, vector<16xi1>
        %broadcast_in_dim3A_892 = arith.constant 23 : i32
        %broadcast_in_dim3A_893 = vector.broadcast %broadcast_in_dim3A_892 : i32 to vector<16xi32>
        %gather3A_894 = tpu.vector_load_idx %arg17[%broadcast_in_dim3A_893, %sub3A_814] masked %and3A_807 : memref<32x512xf32, #tpu.memory_space<vmem>>[vector<16xi32>, vector<16xi32>], vector<16xf32>, vector<16xi1>
        tpu.vector_store_idx %arg20[%sub3A_823, %broadcast_in_dim3A_893], %gather3A_894 masked %and3A_807 : memref<128x128xf32, #tpu.memory_space<vmem>>[vector<16xi32>, vector<16xi32>], vector<16xf32>, vector<16xi1>
        %broadcast_in_dim3A_895 = arith.constant 24 : i32
        %broadcast_in_dim3A_896 = vector.broadcast %broadcast_in_dim3A_895 : i32 to vector<16xi32>
        %gather3A_897 = tpu.vector_load_idx %arg17[%broadcast_in_dim3A_896, %sub3A_814] masked %and3A_807 : memref<32x512xf32, #tpu.memory_space<vmem>>[vector<16xi32>, vector<16xi32>], vector<16xf32>, vector<16xi1>
        tpu.vector_store_idx %arg20[%sub3A_823, %broadcast_in_dim3A_896], %gather3A_897 masked %and3A_807 : memref<128x128xf32, #tpu.memory_space<vmem>>[vector<16xi32>, vector<16xi32>], vector<16xf32>, vector<16xi1>
        %broadcast_in_dim3A_898 = arith.constant 25 : i32
        %broadcast_in_dim3A_899 = vector.broadcast %broadcast_in_dim3A_898 : i32 to vector<16xi32>
        %gather3A_900 = tpu.vector_load_idx %arg17[%broadcast_in_dim3A_899, %sub3A_814] masked %and3A_807 : memref<32x512xf32, #tpu.memory_space<vmem>>[vector<16xi32>, vector<16xi32>], vector<16xf32>, vector<16xi1>
        tpu.vector_store_idx %arg20[%sub3A_823, %broadcast_in_dim3A_899], %gather3A_900 masked %and3A_807 : memref<128x128xf32, #tpu.memory_space<vmem>>[vector<16xi32>, vector<16xi32>], vector<16xf32>, vector<16xi1>
        %broadcast_in_dim3A_901 = arith.constant 26 : i32
        %broadcast_in_dim3A_902 = vector.broadcast %broadcast_in_dim3A_901 : i32 to vector<16xi32>
        %gather3A_903 = tpu.vector_load_idx %arg17[%broadcast_in_dim3A_902, %sub3A_814] masked %and3A_807 : memref<32x512xf32, #tpu.memory_space<vmem>>[vector<16xi32>, vector<16xi32>], vector<16xf32>, vector<16xi1>
        tpu.vector_store_idx %arg20[%sub3A_823, %broadcast_in_dim3A_902], %gather3A_903 masked %and3A_807 : memref<128x128xf32, #tpu.memory_space<vmem>>[vector<16xi32>, vector<16xi32>], vector<16xf32>, vector<16xi1>
        %broadcast_in_dim3A_904 = arith.constant 27 : i32
        %broadcast_in_dim3A_905 = vector.broadcast %broadcast_in_dim3A_904 : i32 to vector<16xi32>
        %gather3A_906 = tpu.vector_load_idx %arg17[%broadcast_in_dim3A_905, %sub3A_814] masked %and3A_807 : memref<32x512xf32, #tpu.memory_space<vmem>>[vector<16xi32>, vector<16xi32>], vector<16xf32>, vector<16xi1>
        tpu.vector_store_idx %arg20[%sub3A_823, %broadcast_in_dim3A_905], %gather3A_906 masked %and3A_807 : memref<128x128xf32, #tpu.memory_space<vmem>>[vector<16xi32>, vector<16xi32>], vector<16xf32>, vector<16xi1>
        %broadcast_in_dim3A_907 = arith.constant 28 : i32
        %broadcast_in_dim3A_908 = vector.broadcast %broadcast_in_dim3A_907 : i32 to vector<16xi32>
        %gather3A_909 = tpu.vector_load_idx %arg17[%broadcast_in_dim3A_908, %sub3A_814] masked %and3A_807 : memref<32x512xf32, #tpu.memory_space<vmem>>[vector<16xi32>, vector<16xi32>], vector<16xf32>, vector<16xi1>
        tpu.vector_store_idx %arg20[%sub3A_823, %broadcast_in_dim3A_908], %gather3A_909 masked %and3A_807 : memref<128x128xf32, #tpu.memory_space<vmem>>[vector<16xi32>, vector<16xi32>], vector<16xf32>, vector<16xi1>
        %broadcast_in_dim3A_910 = arith.constant 29 : i32
        %broadcast_in_dim3A_911 = vector.broadcast %broadcast_in_dim3A_910 : i32 to vector<16xi32>
        %gather3A_912 = tpu.vector_load_idx %arg17[%broadcast_in_dim3A_911, %sub3A_814] masked %and3A_807 : memref<32x512xf32, #tpu.memory_space<vmem>>[vector<16xi32>, vector<16xi32>], vector<16xf32>, vector<16xi1>
        tpu.vector_store_idx %arg20[%sub3A_823, %broadcast_in_dim3A_911], %gather3A_912 masked %and3A_807 : memref<128x128xf32, #tpu.memory_space<vmem>>[vector<16xi32>, vector<16xi32>], vector<16xf32>, vector<16xi1>
        %broadcast_in_dim3A_913 = arith.constant 30 : i32
        %broadcast_in_dim3A_914 = vector.broadcast %broadcast_in_dim3A_913 : i32 to vector<16xi32>
        %gather3A_915 = tpu.vector_load_idx %arg17[%broadcast_in_dim3A_914, %sub3A_814] masked %and3A_807 : memref<32x512xf32, #tpu.memory_space<vmem>>[vector<16xi32>, vector<16xi32>], vector<16xf32>, vector<16xi1>
        tpu.vector_store_idx %arg20[%sub3A_823, %broadcast_in_dim3A_914], %gather3A_915 masked %and3A_807 : memref<128x128xf32, #tpu.memory_space<vmem>>[vector<16xi32>, vector<16xi32>], vector<16xf32>, vector<16xi1>
        %broadcast_in_dim3A_916 = arith.constant 31 : i32
        %broadcast_in_dim3A_917 = vector.broadcast %broadcast_in_dim3A_916 : i32 to vector<16xi32>
        %gather3A_918 = tpu.vector_load_idx %arg17[%broadcast_in_dim3A_917, %sub3A_814] masked %and3A_807 : memref<32x512xf32, #tpu.memory_space<vmem>>[vector<16xi32>, vector<16xi32>], vector<16xf32>, vector<16xi1>
        tpu.vector_store_idx %arg20[%sub3A_823, %broadcast_in_dim3A_917], %gather3A_918 masked %and3A_807 : memref<128x128xf32, #tpu.memory_space<vmem>>[vector<16xi32>, vector<16xi32>], vector<16xf32>, vector<16xi1>
        tpu.vector_store_idx %arg16[%sub3A_823], %get3A_812 masked %and3A_807 : memref<128xi32, #tpu.memory_space<vmem>>[vector<16xi32>], vector<16xi32>, vector<16xi1>
        %reduce_sum3A_919 = arith.constant true
        %reduce_sum3A_920 = vector.broadcast %reduce_sum3A_919 : i1 to vector<16xi1>
        %reduce_sum3A_921 = tpu.scan <sum>, %convert_element_type3A_815 masked %reduce_sum3A_920 : vector<16xi32>, vector<16xi1> -> vector<16xi32>
        %reduce_sum3A_922 = vector.extract %reduce_sum3A_921[15] : i32 from vector<16xi32>
        %add3A_923 = arith.addi %while3A_797, %reduce_sum3A_922 : i32
        %gt3A_924 = arith.constant 112 : i32
        %gt3A_925 = arith.cmpi sgt, %add3A_923, %gt3A_924 : i32
        %convert_element_type3A_926 = arith.extui %gt3A_925 : i1 to i32
        %cond3A_927 = arith.constant 0 : i32
        %cond3A_928 = arith.cmpi ne, %convert_element_type3A_926, %cond3A_927 : i32
        scf.if %cond3A_928 {
          %dma_start3A_933 = arith.constant 0 : i32
          %dma_start3A_934 = arith.constant 0 : i32
          %dma_start3A_935 = tpu.memref_slice %arg6[%dma_start3A_933, %dma_start3A_934] : memref<16384x128xf32, #tpu.memory_space<hbm>> -> memref<16384x128xf32, #tpu.memory_space<hbm>>
          %dma_start3A_936 = arith.constant -1 : i32
          tpu.enqueue_indirect_dma source(%arg20 : memref<128x128xf32, #tpu.memory_space<vmem>>) target(%dma_start3A_935 : memref<16384x128xf32, #tpu.memory_space<hbm>>) offsets(%arg16 : memref<128xi32, #tpu.memory_space<vmem>>) offset_filter(%dma_start3A_936) semaphore(%arg23 : memref<!tpu.dma_semaphore, #tpu.memory_space<semaphore_mem>>)
          %dma_wait3A_937 = arith.constant 0 : i32
          %dma_wait3A_938 = arith.constant 0 : i32
          %dma_wait3A_939 = tpu.memref_slice %arg6[%dma_wait3A_937, %dma_wait3A_938] : memref<16384x128xf32, #tpu.memory_space<hbm>> -> memref<16384x128xf32, #tpu.memory_space<hbm>>
          tpu.wait_indirect_dma semaphore(%arg23 : memref<!tpu.dma_semaphore, #tpu.memory_space<semaphore_mem>>) src(%arg20 : memref<128x128xf32, #tpu.memory_space<vmem>>) dst(%dma_wait3A_939 : memref<16384x128xf32, #tpu.memory_space<hbm>>)
          %swap3A_940 = arith.constant 0 : index
          %swap3A_941 = tpu.vector_load %arg16[%swap3A_940] {strides = array<i32>} : memref<128xi32, #tpu.memory_space<vmem>>, vector<16xi32>,
          tpu.vector_store %arg16[%swap3A_940], %broadcast_in_dim3A_11 {strides = array<i32>} : memref<128xi32, #tpu.memory_space<vmem>>, vector<16xi32>,
          %swap3A_942 = arith.constant 16 : index
          %swap3A_943 = tpu.vector_load %arg16[%swap3A_942] {strides = array<i32>} : memref<128xi32, #tpu.memory_space<vmem>>, vector<16xi32>,
          tpu.vector_store %arg16[%swap3A_942], %broadcast_in_dim3A_11 {strides = array<i32>} : memref<128xi32, #tpu.memory_space<vmem>>, vector<16xi32>,
          %swap3A_944 = arith.constant 32 : index
          %swap3A_945 = tpu.vector_load %arg16[%swap3A_944] {strides = array<i32>} : memref<128xi32, #tpu.memory_space<vmem>>, vector<16xi32>,
          tpu.vector_store %arg16[%swap3A_944], %broadcast_in_dim3A_11 {strides = array<i32>} : memref<128xi32, #tpu.memory_space<vmem>>, vector<16xi32>,
          %swap3A_946 = arith.constant 48 : index
          %swap3A_947 = tpu.vector_load %arg16[%swap3A_946] {strides = array<i32>} : memref<128xi32, #tpu.memory_space<vmem>>, vector<16xi32>,
          tpu.vector_store %arg16[%swap3A_946], %broadcast_in_dim3A_11 {strides = array<i32>} : memref<128xi32, #tpu.memory_space<vmem>>, vector<16xi32>,
          %swap3A_948 = arith.constant 64 : index
          %swap3A_949 = tpu.vector_load %arg16[%swap3A_948] {strides = array<i32>} : memref<128xi32, #tpu.memory_space<vmem>>, vector<16xi32>,
          tpu.vector_store %arg16[%swap3A_948], %broadcast_in_dim3A_11 {strides = array<i32>} : memref<128xi32, #tpu.memory_space<vmem>>, vector<16xi32>,
          %swap3A_950 = arith.constant 80 : index
          %swap3A_951 = tpu.vector_load %arg16[%swap3A_950] {strides = array<i32>} : memref<128xi32, #tpu.memory_space<vmem>>, vector<16xi32>,
          tpu.vector_store %arg16[%swap3A_950], %broadcast_in_dim3A_11 {strides = array<i32>} : memref<128xi32, #tpu.memory_space<vmem>>, vector<16xi32>,
          %swap3A_952 = arith.constant 96 : index
          %swap3A_953 = tpu.vector_load %arg16[%swap3A_952] {strides = array<i32>} : memref<128xi32, #tpu.memory_space<vmem>>, vector<16xi32>,
          tpu.vector_store %arg16[%swap3A_952], %broadcast_in_dim3A_11 {strides = array<i32>} : memref<128xi32, #tpu.memory_space<vmem>>, vector<16xi32>,
          %swap3A_954 = arith.constant 112 : index
          %swap3A_955 = tpu.vector_load %arg16[%swap3A_954] {strides = array<i32>} : memref<128xi32, #tpu.memory_space<vmem>>, vector<16xi32>,
          tpu.vector_store %arg16[%swap3A_954], %broadcast_in_dim3A_11 {strides = array<i32>} : memref<128xi32, #tpu.memory_space<vmem>>, vector<16xi32>,
        } else {
        }
        %gt3A_929 = arith.constant 112 : i32
        %gt3A_930 = arith.cmpi sgt, %add3A_923, %gt3A_929 : i32
        %jit3A_931 = arith.constant 0 : i32
        %select_n3A_932 = arith.select %gt3A_930, %jit3A_931, %add3A_923 : i32
        scf.yield %select_n3A_932 : i32
      }
      %add3A_635 = arith.constant 2 : i32
      %add3A_636 = arith.addi %mul3A_491, %add3A_635 : i32
      %lt3A = arith.cmpi slt, %add3A_636, %select_n3A_8 : i32
      %convert_element_type3A_637 = arith.extui %lt3A : i1 to i32
      %cond3A_638 = arith.constant 0 : i32
      %cond3A_639 = arith.cmpi ne, %convert_element_type3A_637, %cond3A_638 : i32
      scf.if %cond3A_639 {
        %add3A_796 = arith.constant 2 : i32
        %add3A_797 = arith.addi %mul3A_491, %add3A_796 : i32
        %mul3A_798 = arith.constant 512 : i32
        %mul3A_799 = arith.muli %add3A_797, %mul3A_798 : i32
        %add3A_800 = arith.addi %mul3A_3, %mul3A_799 : i32
        %multiple_of3A_801 = tpu.assume_multiple %add3A_800, 512 : i32
        %dma_start3A_802 = arith.constant 0 : i32
        %dma_start3A_803 = tpu.memref_slice %arg4[%dma_start3A_802, %multiple_of3A_801] : memref<32x1000001xf32, #tpu.memory_space<hbm>> -> memref<32x512xf32, #tpu.memory_space<hbm>>
        %dma_start3A_804 = arith.constant 0 : i32
        %dma_start3A_805 = tpu.memref_slice %arg4[%dma_start3A_804, %multiple_of3A_801] : memref<32x1000001xf32, #tpu.memory_space<hbm>> -> memref<32x512xf32, #tpu.memory_space<hbm>>
        tpu.enqueue_dma source(%dma_start3A_805 : memref<32x512xf32, #tpu.memory_space<hbm>>) target(%arg17 : memref<32x512xf32, #tpu.memory_space<vmem>>) target_semaphore(%arg21 : memref<!tpu.dma_semaphore, #tpu.memory_space<semaphore_mem>>)
      } else {
      }
      %add3A_640 = arith.constant 1 : i32
      %add3A_641 = arith.addi %mul3A_491, %add3A_640 : i32
      %lt3A_642 = arith.cmpi slt, %add3A_641, %select_n3A_8 : i32
      %convert_element_type3A_643 = arith.extui %lt3A_642 : i1 to i32
      %cond3A_644 = arith.constant 0 : i32
      %cond3A_645 = arith.cmpi ne, %convert_element_type3A_643, %cond3A_644 : i32
      scf.if %cond3A_645 {
        %dma_wait3A_796 = arith.constant 0 : i32
        %dma_wait3A_797 = arith.constant 0 : i32
        %dma_wait3A_798 = tpu.memref_slice %arg4[%dma_wait3A_796, %dma_wait3A_797] : memref<32x1000001xf32, #tpu.memory_space<hbm>> -> memref<32x512xf32, #tpu.memory_space<hbm>>
        %dma_wait3A_799 = arith.constant 0 : i32
        %dma_wait3A_800 = arith.constant 0 : i32
        %dma_wait3A_801 = tpu.memref_slice %arg4[%dma_wait3A_799, %dma_wait3A_800] : memref<32x1000001xf32, #tpu.memory_space<hbm>> -> memref<32x512xf32, #tpu.memory_space<hbm>>
        tpu.wait_dma2 semaphore(%arg22 : memref<!tpu.dma_semaphore, #tpu.memory_space<semaphore_mem>>) src(%dma_wait3A_801 : memref<32x512xf32, #tpu.memory_space<hbm>>) dst(%arg18 : memref<32x512xf32, #tpu.memory_space<vmem>>)
      } else {
      }
      %add3A_646 = arith.constant 1 : i32
      %add3A_647 = arith.addi %mul3A_491, %add3A_646 : i32
      %iota3A_648 = tpu.iota {dimensions = array<i32: 0>} : vector<16xi32>
      %add3A_649 = arith.constant 0 : i32
      %add3A_650 = vector.broadcast %add3A_649 : i32 to vector<16xi32>
      %add3A_651 = arith.addi %add3A_650, %iota3A_648 : vector<16xi32>
      %eq3A_652 = vector.broadcast %add3A_647 : i32 to vector<16xi32>
      %eq3A_653 = arith.cmpi eq, %add3A_651, %eq3A_652 : vector<16xi32>
      %get3A_654 = arith.constant 0 : index
      %get3A_655 = tpu.vector_load %arg11[%get3A_654] {strides = array<i32>} : memref<128xi32, #tpu.memory_space<vmem>>, vector<16xi32>,
      %jit3A_656 = arith.constant 0 : i32
      %broadcast_in_dim3A_657 = vector.broadcast %jit3A_656 : i32 to vector<16xi32>
      %select_n3A_658 = arith.select %eq3A_653, %get3A_655, %broadcast_in_dim3A_657 : vector<16xi1>, vector<16xi32>
      %reduce_sum3A_659 = arith.constant true
      %reduce_sum3A_660 = vector.broadcast %reduce_sum3A_659 : i1 to vector<16xi1>
      %reduce_sum3A_661 = tpu.scan <sum>, %select_n3A_658 masked %reduce_sum3A_660 : vector<16xi32>, vector<16xi1> -> vector<16xi32>
      %reduce_sum3A_662 = vector.extract %reduce_sum3A_661[15] : i32 from vector<16xi32>
      %add3A_663 = arith.constant 0 : i32
      %add3A_664 = arith.addi %add3A_663, %reduce_sum3A_662 : i32
      %iota3A_665 = tpu.iota {dimensions = array<i32: 0>} : vector<16xi32>
      %add3A_666 = arith.constant 16 : i32
      %add3A_667 = vector.broadcast %add3A_666 : i32 to vector<16xi32>
      %add3A_668 = arith.addi %add3A_667, %iota3A_665 : vector<16xi32>
      %eq3A_669 = vector.broadcast %add3A_647 : i32 to vector<16xi32>
      %eq3A_670 = arith.cmpi eq, %add3A_668, %eq3A_669 : vector<16xi32>
      %get3A_671 = arith.constant 16 : index
      %get3A_672 = tpu.vector_load %arg11[%get3A_671] {strides = array<i32>} : memref<128xi32, #tpu.memory_space<vmem>>, vector<16xi32>,
      %jit3A_673 = arith.constant 0 : i32
      %broadcast_in_dim3A_674 = vector.broadcast %jit3A_673 : i32 to vector<16xi32>
      %select_n3A_675 = arith.select %eq3A_670, %get3A_672, %broadcast_in_dim3A_674 : vector<16xi1>, vector<16xi32>
      %reduce_sum3A_676 = arith.constant true
      %reduce_sum3A_677 = vector.broadcast %reduce_sum3A_676 : i1 to vector<16xi1>
      %reduce_sum3A_678 = tpu.scan <sum>, %select_n3A_675 masked %reduce_sum3A_677 : vector<16xi32>, vector<16xi1> -> vector<16xi32>
      %reduce_sum3A_679 = vector.extract %reduce_sum3A_678[15] : i32 from vector<16xi32>
      %add3A_680 = arith.addi %add3A_664, %reduce_sum3A_679 : i32
      %iota3A_681 = tpu.iota {dimensions = array<i32: 0>} : vector<16xi32>
      %add3A_682 = arith.constant 32 : i32
      %add3A_683 = vector.broadcast %add3A_682 : i32 to vector<16xi32>
      %add3A_684 = arith.addi %add3A_683, %iota3A_681 : vector<16xi32>
      %eq3A_685 = vector.broadcast %add3A_647 : i32 to vector<16xi32>
      %eq3A_686 = arith.cmpi eq, %add3A_684, %eq3A_685 : vector<16xi32>
      %get3A_687 = arith.constant 32 : index
      %get3A_688 = tpu.vector_load %arg11[%get3A_687] {strides = array<i32>} : memref<128xi32, #tpu.memory_space<vmem>>, vector<16xi32>,
      %jit3A_689 = arith.constant 0 : i32
      %broadcast_in_dim3A_690 = vector.broadcast %jit3A_689 : i32 to vector<16xi32>
      %select_n3A_691 = arith.select %eq3A_686, %get3A_688, %broadcast_in_dim3A_690 : vector<16xi1>, vector<16xi32>
      %reduce_sum3A_692 = arith.constant true
      %reduce_sum3A_693 = vector.broadcast %reduce_sum3A_692 : i1 to vector<16xi1>
      %reduce_sum3A_694 = tpu.scan <sum>, %select_n3A_691 masked %reduce_sum3A_693 : vector<16xi32>, vector<16xi1> -> vector<16xi32>
      %reduce_sum3A_695 = vector.extract %reduce_sum3A_694[15] : i32 from vector<16xi32>
      %add3A_696 = arith.addi %add3A_680, %reduce_sum3A_695 : i32
      %iota3A_697 = tpu.iota {dimensions = array<i32: 0>} : vector<16xi32>
      %add3A_698 = arith.constant 48 : i32
      %add3A_699 = vector.broadcast %add3A_698 : i32 to vector<16xi32>
      %add3A_700 = arith.addi %add3A_699, %iota3A_697 : vector<16xi32>
      %eq3A_701 = vector.broadcast %add3A_647 : i32 to vector<16xi32>
      %eq3A_702 = arith.cmpi eq, %add3A_700, %eq3A_701 : vector<16xi32>
      %get3A_703 = arith.constant 48 : index
      %get3A_704 = tpu.vector_load %arg11[%get3A_703] {strides = array<i32>} : memref<128xi32, #tpu.memory_space<vmem>>, vector<16xi32>,
      %jit3A_705 = arith.constant 0 : i32
      %broadcast_in_dim3A_706 = vector.broadcast %jit3A_705 : i32 to vector<16xi32>
      %select_n3A_707 = arith.select %eq3A_702, %get3A_704, %broadcast_in_dim3A_706 : vector<16xi1>, vector<16xi32>
      %reduce_sum3A_708 = arith.constant true
      %reduce_sum3A_709 = vector.broadcast %reduce_sum3A_708 : i1 to vector<16xi1>
      %reduce_sum3A_710 = tpu.scan <sum>, %select_n3A_707 masked %reduce_sum3A_709 : vector<16xi32>, vector<16xi1> -> vector<16xi32>
      %reduce_sum3A_711 = vector.extract %reduce_sum3A_710[15] : i32 from vector<16xi32>
      %add3A_712 = arith.addi %add3A_696, %reduce_sum3A_711 : i32
      %jit3A_713 = arith.constant 0 : i32
      %select_n3A_714 = arith.select %lt3A_642, %add3A_712, %jit3A_713 : i32
      %add3A_715 = arith.addi %add3A_562, %select_n3A_714 : i32
      %add3A_716 = arith.constant 1 : i32
      %add3A_717 = arith.addi %mul3A_491, %add3A_716 : i32
      %mul3A_718 = arith.constant 512 : i32
      %mul3A_719 = arith.muli %add3A_717, %mul3A_718 : i32
      %add3A_720 = arith.addi %mul3A_3, %mul3A_719 : i32
      %jit3A_721 = arith.constant 8 : i32
      %div3A_722 = arith.divsi %add3A_562, %jit3A_721 : i32
      %sign3A_723 = arith.constant 0 : i32
      %sign3A_724 = arith.cmpi sgt, %add3A_562, %sign3A_723 : i32
      %sign3A_725 = arith.extui %sign3A_724 : i1 to i32
      %sign3A_726 = arith.constant 0 : i32
      %sign3A_727 = arith.cmpi slt, %add3A_562, %sign3A_726 : i32
      %sign3A_728 = arith.extui %sign3A_727 : i1 to i32
      %sign3A_729 = arith.subi %sign3A_725, %sign3A_728 : i32
      %sign3A_730 = arith.constant 0 : i32
      %sign3A_731 = arith.cmpi sgt, %jit3A_721, %sign3A_730 : i32
      %sign3A_732 = arith.extui %sign3A_731 : i1 to i32
      %sign3A_733 = arith.constant 0 : i32
      %sign3A_734 = arith.cmpi slt, %jit3A_721, %sign3A_733 : i32
      %sign3A_735 = arith.extui %sign3A_734 : i1 to i32
      %sign3A_736 = arith.subi %sign3A_732, %sign3A_735 : i32
      %ne3A_737 = arith.cmpi ne, %sign3A_729, %sign3A_736 : i32
      %rem3A_738 = arith.remsi %add3A_562, %jit3A_721 : i32
      %ne3A_739 = arith.constant 0 : i32
      %ne3A_740 = arith.cmpi ne, %rem3A_738, %ne3A_739 : i32
      %and3A_741 = arith.andi %ne3A_737, %ne3A_740 : i1
      %sub3A_742 = arith.constant 1 : i32
      %sub3A_743 = arith.subi %div3A_722, %sub3A_742 : i32
      %select_n3A_744 = arith.select %and3A_741, %sub3A_743, %div3A_722 : i32
      %mul3A_745 = arith.constant 8 : i32
      %mul3A_746 = arith.muli %select_n3A_744, %mul3A_745 : i32
      %gt3A_747 = arith.cmpi sgt, %add3A_715, %add3A_562 : i32
      %sub3A_748 = arith.subi %add3A_715, %mul3A_746 : i32
      %add3A_749 = arith.constant 16 : i32
      %add3A_750 = arith.addi %sub3A_748, %add3A_749 : i32
      %sub3A_751 = arith.constant 1 : i32
      %sub3A_752 = arith.subi %add3A_750, %sub3A_751 : i32
      %jit3A_753 = arith.constant 16 : i32
      %div3A_754 = arith.divsi %sub3A_752, %jit3A_753 : i32
      %sign3A_755 = arith.constant 0 : i32
      %sign3A_756 = arith.cmpi sgt, %sub3A_752, %sign3A_755 : i32
      %sign3A_757 = arith.extui %sign3A_756 : i1 to i32
      %sign3A_758 = arith.constant 0 : i32
      %sign3A_759 = arith.cmpi slt, %sub3A_752, %sign3A_758 : i32
      %sign3A_760 = arith.extui %sign3A_759 : i1 to i32
      %sign3A_761 = arith.subi %sign3A_757, %sign3A_760 : i32
      %sign3A_762 = arith.constant 0 : i32
      %sign3A_763 = arith.cmpi sgt, %jit3A_753, %sign3A_762 : i32
      %sign3A_764 = arith.extui %sign3A_763 : i1 to i32
      %sign3A_765 = arith.constant 0 : i32
      %sign3A_766 = arith.cmpi slt, %jit3A_753, %sign3A_765 : i32
      %sign3A_767 = arith.extui %sign3A_766 : i1 to i32
      %sign3A_768 = arith.subi %sign3A_764, %sign3A_767 : i32
      %ne3A_769 = arith.cmpi ne, %sign3A_761, %sign3A_768 : i32
      %rem3A_770 = arith.remsi %sub3A_752, %jit3A_753 : i32
      %ne3A_771 = arith.constant 0 : i32
      %ne3A_772 = arith.cmpi ne, %rem3A_770, %ne3A_771 : i32
      %and3A_773 = arith.andi %ne3A_769, %ne3A_772 : i1
      %sub3A_774 = arith.constant 1 : i32
      %sub3A_775 = arith.subi %div3A_754, %sub3A_774 : i32
      %select_n3A_776 = arith.select %and3A_773, %sub3A_775, %div3A_754 : i32
      %jit3A_777 = arith.constant 0 : i32
      %select_n3A_778 = arith.select %gt3A_747, %select_n3A_776, %jit3A_777 : i32
      %while3A_779 = arith.constant 0 : i32
      %while3A_780 = arith.subi %select_n3A_778, %while3A_779 : i32
      %while3A_781 = arith.addi %while3A_779, %while3A_780 : i32
      %while3A_782 = arith.constant 1 : i32
      %while3A_783 = arith.divsi %while3A_780, %while3A_782 : i32
      %while3A_784 = arith.muli %while3A_783, %while3A_782 : i32
      %while3A_785 = arith.addi %while3A_779, %while3A_784 : i32
      %while3A_786 = arith.constant 1 : i32
      %while3A_787 = scf.for %while3A_796 = %while3A_779 to %while3A_785 step %while3A_786 iter_args(%while3A_797 = %while3A_634) -> (i32)  : i32 {
        %mul3A_798 = arith.constant 16 : i32
        %mul3A_799 = arith.muli %mul3A_798, %while3A_796 : i32
        %add3A_800 = arith.addi %mul3A_746, %mul3A_799 : i32
        %iota3A_801 = tpu.iota {dimensions = array<i32: 0>} : vector<16xi32>
        %add3A_802 = vector.broadcast %add3A_800 : i32 to vector<16xi32>
        %add3A_803 = arith.addi %add3A_802, %iota3A_801 : vector<16xi32>
        %ge3A = vector.broadcast %add3A_562 : i32 to vector<16xi32>
        %ge3A_804 = arith.cmpi sge, %add3A_803, %ge3A : vector<16xi32>
        %lt3A_805 = vector.broadcast %add3A_715 : i32 to vector<16xi32>
        %lt3A_806 = arith.cmpi slt, %add3A_803, %lt3A_805 : vector<16xi32>
        %and3A_807 = arith.andi %ge3A_804, %lt3A_806 : vector<16xi1>
        %multiple_of3A_808 = tpu.assume_multiple %add3A_800, 8 : i32
        %get3A_809 = arith.index_cast %multiple_of3A_808 : i32 to index
        %get3A_810 = tpu.vector_load %arg9[%get3A_809] {strides = array<i32>} : memref<16640xi32, #tpu.memory_space<vmem>>, vector<16xi32>,
        %get3A_811 = arith.index_cast %multiple_of3A_808 : i32 to index
        %get3A_812 = tpu.vector_load %arg10[%get3A_811] {strides = array<i32>} : memref<16640xi32, #tpu.memory_space<vmem>>, vector<16xi32>,
        %sub3A_813 = vector.broadcast %add3A_720 : i32 to vector<16xi32>
        %sub3A_814 = arith.subi %get3A_810, %sub3A_813 : vector<16xi32>
        %convert_element_type3A_815 = arith.extui %and3A_807 : vector<16xi1> to vector<16xi32>
        %broadcast_in_dim3A_816 = arith.constant true
        %broadcast_in_dim3A_817 = vector.broadcast %broadcast_in_dim3A_816 : i1 to vector<16xi1>
        %masked_cumsum3A_818 = tpu.scan <sum>, %convert_element_type3A_815 masked %broadcast_in_dim3A_817 : vector<16xi32>, vector<16xi1> -> vector<16xi32>
        %add3A_819 = vector.broadcast %while3A_797 : i32 to vector<16xi32>
        %add3A_820 = arith.addi %add3A_819, %masked_cumsum3A_818 : vector<16xi32>
        %sub3A_821 = arith.constant 1 : i32
        %sub3A_822 = vector.broadcast %sub3A_821 : i32 to vector<16xi32>
        %sub3A_823 = arith.subi %add3A_820, %sub3A_822 : vector<16xi32>
        %broadcast_in_dim3A_824 = arith.constant 0 : i32
        %broadcast_in_dim3A_825 = vector.broadcast %broadcast_in_dim3A_824 : i32 to vector<16xi32>
        %gather3A = tpu.vector_load_idx %arg18[%broadcast_in_dim3A_825, %sub3A_814] masked %and3A_807 : memref<32x512xf32, #tpu.memory_space<vmem>>[vector<16xi32>, vector<16xi32>], vector<16xf32>, vector<16xi1>
        tpu.vector_store_idx %arg20[%sub3A_823, %broadcast_in_dim3A_825], %gather3A masked %and3A_807 : memref<128x128xf32, #tpu.memory_space<vmem>>[vector<16xi32>, vector<16xi32>], vector<16xf32>, vector<16xi1>
        %broadcast_in_dim3A_826 = arith.constant 1 : i32
        %broadcast_in_dim3A_827 = vector.broadcast %broadcast_in_dim3A_826 : i32 to vector<16xi32>
        %gather3A_828 = tpu.vector_load_idx %arg18[%broadcast_in_dim3A_827, %sub3A_814] masked %and3A_807 : memref<32x512xf32, #tpu.memory_space<vmem>>[vector<16xi32>, vector<16xi32>], vector<16xf32>, vector<16xi1>
        tpu.vector_store_idx %arg20[%sub3A_823, %broadcast_in_dim3A_827], %gather3A_828 masked %and3A_807 : memref<128x128xf32, #tpu.memory_space<vmem>>[vector<16xi32>, vector<16xi32>], vector<16xf32>, vector<16xi1>
        %broadcast_in_dim3A_829 = arith.constant 2 : i32
        %broadcast_in_dim3A_830 = vector.broadcast %broadcast_in_dim3A_829 : i32 to vector<16xi32>
        %gather3A_831 = tpu.vector_load_idx %arg18[%broadcast_in_dim3A_830, %sub3A_814] masked %and3A_807 : memref<32x512xf32, #tpu.memory_space<vmem>>[vector<16xi32>, vector<16xi32>], vector<16xf32>, vector<16xi1>
        tpu.vector_store_idx %arg20[%sub3A_823, %broadcast_in_dim3A_830], %gather3A_831 masked %and3A_807 : memref<128x128xf32, #tpu.memory_space<vmem>>[vector<16xi32>, vector<16xi32>], vector<16xf32>, vector<16xi1>
        %broadcast_in_dim3A_832 = arith.constant 3 : i32
        %broadcast_in_dim3A_833 = vector.broadcast %broadcast_in_dim3A_832 : i32 to vector<16xi32>
        %gather3A_834 = tpu.vector_load_idx %arg18[%broadcast_in_dim3A_833, %sub3A_814] masked %and3A_807 : memref<32x512xf32, #tpu.memory_space<vmem>>[vector<16xi32>, vector<16xi32>], vector<16xf32>, vector<16xi1>
        tpu.vector_store_idx %arg20[%sub3A_823, %broadcast_in_dim3A_833], %gather3A_834 masked %and3A_807 : memref<128x128xf32, #tpu.memory_space<vmem>>[vector<16xi32>, vector<16xi32>], vector<16xf32>, vector<16xi1>
        %broadcast_in_dim3A_835 = arith.constant 4 : i32
        %broadcast_in_dim3A_836 = vector.broadcast %broadcast_in_dim3A_835 : i32 to vector<16xi32>
        %gather3A_837 = tpu.vector_load_idx %arg18[%broadcast_in_dim3A_836, %sub3A_814] masked %and3A_807 : memref<32x512xf32, #tpu.memory_space<vmem>>[vector<16xi32>, vector<16xi32>], vector<16xf32>, vector<16xi1>
        tpu.vector_store_idx %arg20[%sub3A_823, %broadcast_in_dim3A_836], %gather3A_837 masked %and3A_807 : memref<128x128xf32, #tpu.memory_space<vmem>>[vector<16xi32>, vector<16xi32>], vector<16xf32>, vector<16xi1>
        %broadcast_in_dim3A_838 = arith.constant 5 : i32
        %broadcast_in_dim3A_839 = vector.broadcast %broadcast_in_dim3A_838 : i32 to vector<16xi32>
        %gather3A_840 = tpu.vector_load_idx %arg18[%broadcast_in_dim3A_839, %sub3A_814] masked %and3A_807 : memref<32x512xf32, #tpu.memory_space<vmem>>[vector<16xi32>, vector<16xi32>], vector<16xf32>, vector<16xi1>
        tpu.vector_store_idx %arg20[%sub3A_823, %broadcast_in_dim3A_839], %gather3A_840 masked %and3A_807 : memref<128x128xf32, #tpu.memory_space<vmem>>[vector<16xi32>, vector<16xi32>], vector<16xf32>, vector<16xi1>
        %broadcast_in_dim3A_841 = arith.constant 6 : i32
        %broadcast_in_dim3A_842 = vector.broadcast %broadcast_in_dim3A_841 : i32 to vector<16xi32>
        %gather3A_843 = tpu.vector_load_idx %arg18[%broadcast_in_dim3A_842, %sub3A_814] masked %and3A_807 : memref<32x512xf32, #tpu.memory_space<vmem>>[vector<16xi32>, vector<16xi32>], vector<16xf32>, vector<16xi1>
        tpu.vector_store_idx %arg20[%sub3A_823, %broadcast_in_dim3A_842], %gather3A_843 masked %and3A_807 : memref<128x128xf32, #tpu.memory_space<vmem>>[vector<16xi32>, vector<16xi32>], vector<16xf32>, vector<16xi1>
        %broadcast_in_dim3A_844 = arith.constant 7 : i32
        %broadcast_in_dim3A_845 = vector.broadcast %broadcast_in_dim3A_844 : i32 to vector<16xi32>
        %gather3A_846 = tpu.vector_load_idx %arg18[%broadcast_in_dim3A_845, %sub3A_814] masked %and3A_807 : memref<32x512xf32, #tpu.memory_space<vmem>>[vector<16xi32>, vector<16xi32>], vector<16xf32>, vector<16xi1>
        tpu.vector_store_idx %arg20[%sub3A_823, %broadcast_in_dim3A_845], %gather3A_846 masked %and3A_807 : memref<128x128xf32, #tpu.memory_space<vmem>>[vector<16xi32>, vector<16xi32>], vector<16xf32>, vector<16xi1>
        %broadcast_in_dim3A_847 = arith.constant 8 : i32
        %broadcast_in_dim3A_848 = vector.broadcast %broadcast_in_dim3A_847 : i32 to vector<16xi32>
        %gather3A_849 = tpu.vector_load_idx %arg18[%broadcast_in_dim3A_848, %sub3A_814] masked %and3A_807 : memref<32x512xf32, #tpu.memory_space<vmem>>[vector<16xi32>, vector<16xi32>], vector<16xf32>, vector<16xi1>
        tpu.vector_store_idx %arg20[%sub3A_823, %broadcast_in_dim3A_848], %gather3A_849 masked %and3A_807 : memref<128x128xf32, #tpu.memory_space<vmem>>[vector<16xi32>, vector<16xi32>], vector<16xf32>, vector<16xi1>
        %broadcast_in_dim3A_850 = arith.constant 9 : i32
        %broadcast_in_dim3A_851 = vector.broadcast %broadcast_in_dim3A_850 : i32 to vector<16xi32>
        %gather3A_852 = tpu.vector_load_idx %arg18[%broadcast_in_dim3A_851, %sub3A_814] masked %and3A_807 : memref<32x512xf32, #tpu.memory_space<vmem>>[vector<16xi32>, vector<16xi32>], vector<16xf32>, vector<16xi1>
        tpu.vector_store_idx %arg20[%sub3A_823, %broadcast_in_dim3A_851], %gather3A_852 masked %and3A_807 : memref<128x128xf32, #tpu.memory_space<vmem>>[vector<16xi32>, vector<16xi32>], vector<16xf32>, vector<16xi1>
        %broadcast_in_dim3A_853 = arith.constant 10 : i32
        %broadcast_in_dim3A_854 = vector.broadcast %broadcast_in_dim3A_853 : i32 to vector<16xi32>
        %gather3A_855 = tpu.vector_load_idx %arg18[%broadcast_in_dim3A_854, %sub3A_814] masked %and3A_807 : memref<32x512xf32, #tpu.memory_space<vmem>>[vector<16xi32>, vector<16xi32>], vector<16xf32>, vector<16xi1>
        tpu.vector_store_idx %arg20[%sub3A_823, %broadcast_in_dim3A_854], %gather3A_855 masked %and3A_807 : memref<128x128xf32, #tpu.memory_space<vmem>>[vector<16xi32>, vector<16xi32>], vector<16xf32>, vector<16xi1>
        %broadcast_in_dim3A_856 = arith.constant 11 : i32
        %broadcast_in_dim3A_857 = vector.broadcast %broadcast_in_dim3A_856 : i32 to vector<16xi32>
        %gather3A_858 = tpu.vector_load_idx %arg18[%broadcast_in_dim3A_857, %sub3A_814] masked %and3A_807 : memref<32x512xf32, #tpu.memory_space<vmem>>[vector<16xi32>, vector<16xi32>], vector<16xf32>, vector<16xi1>
        tpu.vector_store_idx %arg20[%sub3A_823, %broadcast_in_dim3A_857], %gather3A_858 masked %and3A_807 : memref<128x128xf32, #tpu.memory_space<vmem>>[vector<16xi32>, vector<16xi32>], vector<16xf32>, vector<16xi1>
        %broadcast_in_dim3A_859 = arith.constant 12 : i32
        %broadcast_in_dim3A_860 = vector.broadcast %broadcast_in_dim3A_859 : i32 to vector<16xi32>
        %gather3A_861 = tpu.vector_load_idx %arg18[%broadcast_in_dim3A_860, %sub3A_814] masked %and3A_807 : memref<32x512xf32, #tpu.memory_space<vmem>>[vector<16xi32>, vector<16xi32>], vector<16xf32>, vector<16xi1>
        tpu.vector_store_idx %arg20[%sub3A_823, %broadcast_in_dim3A_860], %gather3A_861 masked %and3A_807 : memref<128x128xf32, #tpu.memory_space<vmem>>[vector<16xi32>, vector<16xi32>], vector<16xf32>, vector<16xi1>
        %broadcast_in_dim3A_862 = arith.constant 13 : i32
        %broadcast_in_dim3A_863 = vector.broadcast %broadcast_in_dim3A_862 : i32 to vector<16xi32>
        %gather3A_864 = tpu.vector_load_idx %arg18[%broadcast_in_dim3A_863, %sub3A_814] masked %and3A_807 : memref<32x512xf32, #tpu.memory_space<vmem>>[vector<16xi32>, vector<16xi32>], vector<16xf32>, vector<16xi1>
        tpu.vector_store_idx %arg20[%sub3A_823, %broadcast_in_dim3A_863], %gather3A_864 masked %and3A_807 : memref<128x128xf32, #tpu.memory_space<vmem>>[vector<16xi32>, vector<16xi32>], vector<16xf32>, vector<16xi1>
        %broadcast_in_dim3A_865 = arith.constant 14 : i32
        %broadcast_in_dim3A_866 = vector.broadcast %broadcast_in_dim3A_865 : i32 to vector<16xi32>
        %gather3A_867 = tpu.vector_load_idx %arg18[%broadcast_in_dim3A_866, %sub3A_814] masked %and3A_807 : memref<32x512xf32, #tpu.memory_space<vmem>>[vector<16xi32>, vector<16xi32>], vector<16xf32>, vector<16xi1>
        tpu.vector_store_idx %arg20[%sub3A_823, %broadcast_in_dim3A_866], %gather3A_867 masked %and3A_807 : memref<128x128xf32, #tpu.memory_space<vmem>>[vector<16xi32>, vector<16xi32>], vector<16xf32>, vector<16xi1>
        %broadcast_in_dim3A_868 = arith.constant 15 : i32
        %broadcast_in_dim3A_869 = vector.broadcast %broadcast_in_dim3A_868 : i32 to vector<16xi32>
        %gather3A_870 = tpu.vector_load_idx %arg18[%broadcast_in_dim3A_869, %sub3A_814] masked %and3A_807 : memref<32x512xf32, #tpu.memory_space<vmem>>[vector<16xi32>, vector<16xi32>], vector<16xf32>, vector<16xi1>
        tpu.vector_store_idx %arg20[%sub3A_823, %broadcast_in_dim3A_869], %gather3A_870 masked %and3A_807 : memref<128x128xf32, #tpu.memory_space<vmem>>[vector<16xi32>, vector<16xi32>], vector<16xf32>, vector<16xi1>
        %broadcast_in_dim3A_871 = arith.constant 16 : i32
        %broadcast_in_dim3A_872 = vector.broadcast %broadcast_in_dim3A_871 : i32 to vector<16xi32>
        %gather3A_873 = tpu.vector_load_idx %arg18[%broadcast_in_dim3A_872, %sub3A_814] masked %and3A_807 : memref<32x512xf32, #tpu.memory_space<vmem>>[vector<16xi32>, vector<16xi32>], vector<16xf32>, vector<16xi1>
        tpu.vector_store_idx %arg20[%sub3A_823, %broadcast_in_dim3A_872], %gather3A_873 masked %and3A_807 : memref<128x128xf32, #tpu.memory_space<vmem>>[vector<16xi32>, vector<16xi32>], vector<16xf32>, vector<16xi1>
        %broadcast_in_dim3A_874 = arith.constant 17 : i32
        %broadcast_in_dim3A_875 = vector.broadcast %broadcast_in_dim3A_874 : i32 to vector<16xi32>
        %gather3A_876 = tpu.vector_load_idx %arg18[%broadcast_in_dim3A_875, %sub3A_814] masked %and3A_807 : memref<32x512xf32, #tpu.memory_space<vmem>>[vector<16xi32>, vector<16xi32>], vector<16xf32>, vector<16xi1>
        tpu.vector_store_idx %arg20[%sub3A_823, %broadcast_in_dim3A_875], %gather3A_876 masked %and3A_807 : memref<128x128xf32, #tpu.memory_space<vmem>>[vector<16xi32>, vector<16xi32>], vector<16xf32>, vector<16xi1>
        %broadcast_in_dim3A_877 = arith.constant 18 : i32
        %broadcast_in_dim3A_878 = vector.broadcast %broadcast_in_dim3A_877 : i32 to vector<16xi32>
        %gather3A_879 = tpu.vector_load_idx %arg18[%broadcast_in_dim3A_878, %sub3A_814] masked %and3A_807 : memref<32x512xf32, #tpu.memory_space<vmem>>[vector<16xi32>, vector<16xi32>], vector<16xf32>, vector<16xi1>
        tpu.vector_store_idx %arg20[%sub3A_823, %broadcast_in_dim3A_878], %gather3A_879 masked %and3A_807 : memref<128x128xf32, #tpu.memory_space<vmem>>[vector<16xi32>, vector<16xi32>], vector<16xf32>, vector<16xi1>
        %broadcast_in_dim3A_880 = arith.constant 19 : i32
        %broadcast_in_dim3A_881 = vector.broadcast %broadcast_in_dim3A_880 : i32 to vector<16xi32>
        %gather3A_882 = tpu.vector_load_idx %arg18[%broadcast_in_dim3A_881, %sub3A_814] masked %and3A_807 : memref<32x512xf32, #tpu.memory_space<vmem>>[vector<16xi32>, vector<16xi32>], vector<16xf32>, vector<16xi1>
        tpu.vector_store_idx %arg20[%sub3A_823, %broadcast_in_dim3A_881], %gather3A_882 masked %and3A_807 : memref<128x128xf32, #tpu.memory_space<vmem>>[vector<16xi32>, vector<16xi32>], vector<16xf32>, vector<16xi1>
        %broadcast_in_dim3A_883 = arith.constant 20 : i32
        %broadcast_in_dim3A_884 = vector.broadcast %broadcast_in_dim3A_883 : i32 to vector<16xi32>
        %gather3A_885 = tpu.vector_load_idx %arg18[%broadcast_in_dim3A_884, %sub3A_814] masked %and3A_807 : memref<32x512xf32, #tpu.memory_space<vmem>>[vector<16xi32>, vector<16xi32>], vector<16xf32>, vector<16xi1>
        tpu.vector_store_idx %arg20[%sub3A_823, %broadcast_in_dim3A_884], %gather3A_885 masked %and3A_807 : memref<128x128xf32, #tpu.memory_space<vmem>>[vector<16xi32>, vector<16xi32>], vector<16xf32>, vector<16xi1>
        %broadcast_in_dim3A_886 = arith.constant 21 : i32
        %broadcast_in_dim3A_887 = vector.broadcast %broadcast_in_dim3A_886 : i32 to vector<16xi32>
        %gather3A_888 = tpu.vector_load_idx %arg18[%broadcast_in_dim3A_887, %sub3A_814] masked %and3A_807 : memref<32x512xf32, #tpu.memory_space<vmem>>[vector<16xi32>, vector<16xi32>], vector<16xf32>, vector<16xi1>
        tpu.vector_store_idx %arg20[%sub3A_823, %broadcast_in_dim3A_887], %gather3A_888 masked %and3A_807 : memref<128x128xf32, #tpu.memory_space<vmem>>[vector<16xi32>, vector<16xi32>], vector<16xf32>, vector<16xi1>
        %broadcast_in_dim3A_889 = arith.constant 22 : i32
        %broadcast_in_dim3A_890 = vector.broadcast %broadcast_in_dim3A_889 : i32 to vector<16xi32>
        %gather3A_891 = tpu.vector_load_idx %arg18[%broadcast_in_dim3A_890, %sub3A_814] masked %and3A_807 : memref<32x512xf32, #tpu.memory_space<vmem>>[vector<16xi32>, vector<16xi32>], vector<16xf32>, vector<16xi1>
        tpu.vector_store_idx %arg20[%sub3A_823, %broadcast_in_dim3A_890], %gather3A_891 masked %and3A_807 : memref<128x128xf32, #tpu.memory_space<vmem>>[vector<16xi32>, vector<16xi32>], vector<16xf32>, vector<16xi1>
        %broadcast_in_dim3A_892 = arith.constant 23 : i32
        %broadcast_in_dim3A_893 = vector.broadcast %broadcast_in_dim3A_892 : i32 to vector<16xi32>
        %gather3A_894 = tpu.vector_load_idx %arg18[%broadcast_in_dim3A_893, %sub3A_814] masked %and3A_807 : memref<32x512xf32, #tpu.memory_space<vmem>>[vector<16xi32>, vector<16xi32>], vector<16xf32>, vector<16xi1>
        tpu.vector_store_idx %arg20[%sub3A_823, %broadcast_in_dim3A_893], %gather3A_894 masked %and3A_807 : memref<128x128xf32, #tpu.memory_space<vmem>>[vector<16xi32>, vector<16xi32>], vector<16xf32>, vector<16xi1>
        %broadcast_in_dim3A_895 = arith.constant 24 : i32
        %broadcast_in_dim3A_896 = vector.broadcast %broadcast_in_dim3A_895 : i32 to vector<16xi32>
        %gather3A_897 = tpu.vector_load_idx %arg18[%broadcast_in_dim3A_896, %sub3A_814] masked %and3A_807 : memref<32x512xf32, #tpu.memory_space<vmem>>[vector<16xi32>, vector<16xi32>], vector<16xf32>, vector<16xi1>
        tpu.vector_store_idx %arg20[%sub3A_823, %broadcast_in_dim3A_896], %gather3A_897 masked %and3A_807 : memref<128x128xf32, #tpu.memory_space<vmem>>[vector<16xi32>, vector<16xi32>], vector<16xf32>, vector<16xi1>
        %broadcast_in_dim3A_898 = arith.constant 25 : i32
        %broadcast_in_dim3A_899 = vector.broadcast %broadcast_in_dim3A_898 : i32 to vector<16xi32>
        %gather3A_900 = tpu.vector_load_idx %arg18[%broadcast_in_dim3A_899, %sub3A_814] masked %and3A_807 : memref<32x512xf32, #tpu.memory_space<vmem>>[vector<16xi32>, vector<16xi32>], vector<16xf32>, vector<16xi1>
        tpu.vector_store_idx %arg20[%sub3A_823, %broadcast_in_dim3A_899], %gather3A_900 masked %and3A_807 : memref<128x128xf32, #tpu.memory_space<vmem>>[vector<16xi32>, vector<16xi32>], vector<16xf32>, vector<16xi1>
        %broadcast_in_dim3A_901 = arith.constant 26 : i32
        %broadcast_in_dim3A_902 = vector.broadcast %broadcast_in_dim3A_901 : i32 to vector<16xi32>
        %gather3A_903 = tpu.vector_load_idx %arg18[%broadcast_in_dim3A_902, %sub3A_814] masked %and3A_807 : memref<32x512xf32, #tpu.memory_space<vmem>>[vector<16xi32>, vector<16xi32>], vector<16xf32>, vector<16xi1>
        tpu.vector_store_idx %arg20[%sub3A_823, %broadcast_in_dim3A_902], %gather3A_903 masked %and3A_807 : memref<128x128xf32, #tpu.memory_space<vmem>>[vector<16xi32>, vector<16xi32>], vector<16xf32>, vector<16xi1>
        %broadcast_in_dim3A_904 = arith.constant 27 : i32
        %broadcast_in_dim3A_905 = vector.broadcast %broadcast_in_dim3A_904 : i32 to vector<16xi32>
        %gather3A_906 = tpu.vector_load_idx %arg18[%broadcast_in_dim3A_905, %sub3A_814] masked %and3A_807 : memref<32x512xf32, #tpu.memory_space<vmem>>[vector<16xi32>, vector<16xi32>], vector<16xf32>, vector<16xi1>
        tpu.vector_store_idx %arg20[%sub3A_823, %broadcast_in_dim3A_905], %gather3A_906 masked %and3A_807 : memref<128x128xf32, #tpu.memory_space<vmem>>[vector<16xi32>, vector<16xi32>], vector<16xf32>, vector<16xi1>
        %broadcast_in_dim3A_907 = arith.constant 28 : i32
        %broadcast_in_dim3A_908 = vector.broadcast %broadcast_in_dim3A_907 : i32 to vector<16xi32>
        %gather3A_909 = tpu.vector_load_idx %arg18[%broadcast_in_dim3A_908, %sub3A_814] masked %and3A_807 : memref<32x512xf32, #tpu.memory_space<vmem>>[vector<16xi32>, vector<16xi32>], vector<16xf32>, vector<16xi1>
        tpu.vector_store_idx %arg20[%sub3A_823, %broadcast_in_dim3A_908], %gather3A_909 masked %and3A_807 : memref<128x128xf32, #tpu.memory_space<vmem>>[vector<16xi32>, vector<16xi32>], vector<16xf32>, vector<16xi1>
        %broadcast_in_dim3A_910 = arith.constant 29 : i32
        %broadcast_in_dim3A_911 = vector.broadcast %broadcast_in_dim3A_910 : i32 to vector<16xi32>
        %gather3A_912 = tpu.vector_load_idx %arg18[%broadcast_in_dim3A_911, %sub3A_814] masked %and3A_807 : memref<32x512xf32, #tpu.memory_space<vmem>>[vector<16xi32>, vector<16xi32>], vector<16xf32>, vector<16xi1>
        tpu.vector_store_idx %arg20[%sub3A_823, %broadcast_in_dim3A_911], %gather3A_912 masked %and3A_807 : memref<128x128xf32, #tpu.memory_space<vmem>>[vector<16xi32>, vector<16xi32>], vector<16xf32>, vector<16xi1>
        %broadcast_in_dim3A_913 = arith.constant 30 : i32
        %broadcast_in_dim3A_914 = vector.broadcast %broadcast_in_dim3A_913 : i32 to vector<16xi32>
        %gather3A_915 = tpu.vector_load_idx %arg18[%broadcast_in_dim3A_914, %sub3A_814] masked %and3A_807 : memref<32x512xf32, #tpu.memory_space<vmem>>[vector<16xi32>, vector<16xi32>], vector<16xf32>, vector<16xi1>
        tpu.vector_store_idx %arg20[%sub3A_823, %broadcast_in_dim3A_914], %gather3A_915 masked %and3A_807 : memref<128x128xf32, #tpu.memory_space<vmem>>[vector<16xi32>, vector<16xi32>], vector<16xf32>, vector<16xi1>
        %broadcast_in_dim3A_916 = arith.constant 31 : i32
        %broadcast_in_dim3A_917 = vector.broadcast %broadcast_in_dim3A_916 : i32 to vector<16xi32>
        %gather3A_918 = tpu.vector_load_idx %arg18[%broadcast_in_dim3A_917, %sub3A_814] masked %and3A_807 : memref<32x512xf32, #tpu.memory_space<vmem>>[vector<16xi32>, vector<16xi32>], vector<16xf32>, vector<16xi1>
        tpu.vector_store_idx %arg20[%sub3A_823, %broadcast_in_dim3A_917], %gather3A_918 masked %and3A_807 : memref<128x128xf32, #tpu.memory_space<vmem>>[vector<16xi32>, vector<16xi32>], vector<16xf32>, vector<16xi1>
        tpu.vector_store_idx %arg16[%sub3A_823], %get3A_812 masked %and3A_807 : memref<128xi32, #tpu.memory_space<vmem>>[vector<16xi32>], vector<16xi32>, vector<16xi1>
        %reduce_sum3A_919 = arith.constant true
        %reduce_sum3A_920 = vector.broadcast %reduce_sum3A_919 : i1 to vector<16xi1>
        %reduce_sum3A_921 = tpu.scan <sum>, %convert_element_type3A_815 masked %reduce_sum3A_920 : vector<16xi32>, vector<16xi1> -> vector<16xi32>
        %reduce_sum3A_922 = vector.extract %reduce_sum3A_921[15] : i32 from vector<16xi32>
        %add3A_923 = arith.addi %while3A_797, %reduce_sum3A_922 : i32
        %gt3A_924 = arith.constant 112 : i32
        %gt3A_925 = arith.cmpi sgt, %add3A_923, %gt3A_924 : i32
        %convert_element_type3A_926 = arith.extui %gt3A_925 : i1 to i32
        %cond3A_927 = arith.constant 0 : i32
        %cond3A_928 = arith.cmpi ne, %convert_element_type3A_926, %cond3A_927 : i32
        scf.if %cond3A_928 {
          %dma_start3A_933 = arith.constant 0 : i32
          %dma_start3A_934 = arith.constant 0 : i32
          %dma_start3A_935 = tpu.memref_slice %arg6[%dma_start3A_933, %dma_start3A_934] : memref<16384x128xf32, #tpu.memory_space<hbm>> -> memref<16384x128xf32, #tpu.memory_space<hbm>>
          %dma_start3A_936 = arith.constant -1 : i32
          tpu.enqueue_indirect_dma source(%arg20 : memref<128x128xf32, #tpu.memory_space<vmem>>) target(%dma_start3A_935 : memref<16384x128xf32, #tpu.memory_space<hbm>>) offsets(%arg16 : memref<128xi32, #tpu.memory_space<vmem>>) offset_filter(%dma_start3A_936) semaphore(%arg23 : memref<!tpu.dma_semaphore, #tpu.memory_space<semaphore_mem>>)
          %dma_wait3A_937 = arith.constant 0 : i32
          %dma_wait3A_938 = arith.constant 0 : i32
          %dma_wait3A_939 = tpu.memref_slice %arg6[%dma_wait3A_937, %dma_wait3A_938] : memref<16384x128xf32, #tpu.memory_space<hbm>> -> memref<16384x128xf32, #tpu.memory_space<hbm>>
          tpu.wait_indirect_dma semaphore(%arg23 : memref<!tpu.dma_semaphore, #tpu.memory_space<semaphore_mem>>) src(%arg20 : memref<128x128xf32, #tpu.memory_space<vmem>>) dst(%dma_wait3A_939 : memref<16384x128xf32, #tpu.memory_space<hbm>>)
          %swap3A_940 = arith.constant 0 : index
          %swap3A_941 = tpu.vector_load %arg16[%swap3A_940] {strides = array<i32>} : memref<128xi32, #tpu.memory_space<vmem>>, vector<16xi32>,
          tpu.vector_store %arg16[%swap3A_940], %broadcast_in_dim3A_11 {strides = array<i32>} : memref<128xi32, #tpu.memory_space<vmem>>, vector<16xi32>,
          %swap3A_942 = arith.constant 16 : index
          %swap3A_943 = tpu.vector_load %arg16[%swap3A_942] {strides = array<i32>} : memref<128xi32, #tpu.memory_space<vmem>>, vector<16xi32>,
          tpu.vector_store %arg16[%swap3A_942], %broadcast_in_dim3A_11 {strides = array<i32>} : memref<128xi32, #tpu.memory_space<vmem>>, vector<16xi32>,
          %swap3A_944 = arith.constant 32 : index
          %swap3A_945 = tpu.vector_load %arg16[%swap3A_944] {strides = array<i32>} : memref<128xi32, #tpu.memory_space<vmem>>, vector<16xi32>,
          tpu.vector_store %arg16[%swap3A_944], %broadcast_in_dim3A_11 {strides = array<i32>} : memref<128xi32, #tpu.memory_space<vmem>>, vector<16xi32>,
          %swap3A_946 = arith.constant 48 : index
          %swap3A_947 = tpu.vector_load %arg16[%swap3A_946] {strides = array<i32>} : memref<128xi32, #tpu.memory_space<vmem>>, vector<16xi32>,
          tpu.vector_store %arg16[%swap3A_946], %broadcast_in_dim3A_11 {strides = array<i32>} : memref<128xi32, #tpu.memory_space<vmem>>, vector<16xi32>,
          %swap3A_948 = arith.constant 64 : index
          %swap3A_949 = tpu.vector_load %arg16[%swap3A_948] {strides = array<i32>} : memref<128xi32, #tpu.memory_space<vmem>>, vector<16xi32>,
          tpu.vector_store %arg16[%swap3A_948], %broadcast_in_dim3A_11 {strides = array<i32>} : memref<128xi32, #tpu.memory_space<vmem>>, vector<16xi32>,
          %swap3A_950 = arith.constant 80 : index
          %swap3A_951 = tpu.vector_load %arg16[%swap3A_950] {strides = array<i32>} : memref<128xi32, #tpu.memory_space<vmem>>, vector<16xi32>,
          tpu.vector_store %arg16[%swap3A_950], %broadcast_in_dim3A_11 {strides = array<i32>} : memref<128xi32, #tpu.memory_space<vmem>>, vector<16xi32>,
          %swap3A_952 = arith.constant 96 : index
          %swap3A_953 = tpu.vector_load %arg16[%swap3A_952] {strides = array<i32>} : memref<128xi32, #tpu.memory_space<vmem>>, vector<16xi32>,
          tpu.vector_store %arg16[%swap3A_952], %broadcast_in_dim3A_11 {strides = array<i32>} : memref<128xi32, #tpu.memory_space<vmem>>, vector<16xi32>,
          %swap3A_954 = arith.constant 112 : index
          %swap3A_955 = tpu.vector_load %arg16[%swap3A_954] {strides = array<i32>} : memref<128xi32, #tpu.memory_space<vmem>>, vector<16xi32>,
          tpu.vector_store %arg16[%swap3A_954], %broadcast_in_dim3A_11 {strides = array<i32>} : memref<128xi32, #tpu.memory_space<vmem>>, vector<16xi32>,
        } else {
        }
        %gt3A_929 = arith.constant 112 : i32
        %gt3A_930 = arith.cmpi sgt, %add3A_923, %gt3A_929 : i32
        %jit3A_931 = arith.constant 0 : i32
        %select_n3A_932 = arith.select %gt3A_930, %jit3A_931, %add3A_923 : i32
        scf.yield %select_n3A_932 : i32
      }
      %while3A_788 = arith.constant 1 : i32
      %while3A_789 = scf.for %while3A_796 = %while3A_785 to %while3A_781 step %while3A_788 iter_args(%while3A_797 = %while3A_787) -> (i32)  : i32 {
        %mul3A_798 = arith.constant 16 : i32
        %mul3A_799 = arith.muli %mul3A_798, %while3A_796 : i32
        %add3A_800 = arith.addi %mul3A_746, %mul3A_799 : i32
        %iota3A_801 = tpu.iota {dimensions = array<i32: 0>} : vector<16xi32>
        %add3A_802 = vector.broadcast %add3A_800 : i32 to vector<16xi32>
        %add3A_803 = arith.addi %add3A_802, %iota3A_801 : vector<16xi32>
        %ge3A = vector.broadcast %add3A_562 : i32 to vector<16xi32>
        %ge3A_804 = arith.cmpi sge, %add3A_803, %ge3A : vector<16xi32>
        %lt3A_805 = vector.broadcast %add3A_715 : i32 to vector<16xi32>
        %lt3A_806 = arith.cmpi slt, %add3A_803, %lt3A_805 : vector<16xi32>
        %and3A_807 = arith.andi %ge3A_804, %lt3A_806 : vector<16xi1>
        %multiple_of3A_808 = tpu.assume_multiple %add3A_800, 8 : i32
        %get3A_809 = arith.index_cast %multiple_of3A_808 : i32 to index
        %get3A_810 = tpu.vector_load %arg9[%get3A_809] {strides = array<i32>} : memref<16640xi32, #tpu.memory_space<vmem>>, vector<16xi32>,
        %get3A_811 = arith.index_cast %multiple_of3A_808 : i32 to index
        %get3A_812 = tpu.vector_load %arg10[%get3A_811] {strides = array<i32>} : memref<16640xi32, #tpu.memory_space<vmem>>, vector<16xi32>,
        %sub3A_813 = vector.broadcast %add3A_720 : i32 to vector<16xi32>
        %sub3A_814 = arith.subi %get3A_810, %sub3A_813 : vector<16xi32>
        %convert_element_type3A_815 = arith.extui %and3A_807 : vector<16xi1> to vector<16xi32>
        %broadcast_in_dim3A_816 = arith.constant true
        %broadcast_in_dim3A_817 = vector.broadcast %broadcast_in_dim3A_816 : i1 to vector<16xi1>
        %masked_cumsum3A_818 = tpu.scan <sum>, %convert_element_type3A_815 masked %broadcast_in_dim3A_817 : vector<16xi32>, vector<16xi1> -> vector<16xi32>
        %add3A_819 = vector.broadcast %while3A_797 : i32 to vector<16xi32>
        %add3A_820 = arith.addi %add3A_819, %masked_cumsum3A_818 : vector<16xi32>
        %sub3A_821 = arith.constant 1 : i32
        %sub3A_822 = vector.broadcast %sub3A_821 : i32 to vector<16xi32>
        %sub3A_823 = arith.subi %add3A_820, %sub3A_822 : vector<16xi32>
        %broadcast_in_dim3A_824 = arith.constant 0 : i32
        %broadcast_in_dim3A_825 = vector.broadcast %broadcast_in_dim3A_824 : i32 to vector<16xi32>
        %gather3A = tpu.vector_load_idx %arg18[%broadcast_in_dim3A_825, %sub3A_814] masked %and3A_807 : memref<32x512xf32, #tpu.memory_space<vmem>>[vector<16xi32>, vector<16xi32>], vector<16xf32>, vector<16xi1>
        tpu.vector_store_idx %arg20[%sub3A_823, %broadcast_in_dim3A_825], %gather3A masked %and3A_807 : memref<128x128xf32, #tpu.memory_space<vmem>>[vector<16xi32>, vector<16xi32>], vector<16xf32>, vector<16xi1>
        %broadcast_in_dim3A_826 = arith.constant 1 : i32
        %broadcast_in_dim3A_827 = vector.broadcast %broadcast_in_dim3A_826 : i32 to vector<16xi32>
        %gather3A_828 = tpu.vector_load_idx %arg18[%broadcast_in_dim3A_827, %sub3A_814] masked %and3A_807 : memref<32x512xf32, #tpu.memory_space<vmem>>[vector<16xi32>, vector<16xi32>], vector<16xf32>, vector<16xi1>
        tpu.vector_store_idx %arg20[%sub3A_823, %broadcast_in_dim3A_827], %gather3A_828 masked %and3A_807 : memref<128x128xf32, #tpu.memory_space<vmem>>[vector<16xi32>, vector<16xi32>], vector<16xf32>, vector<16xi1>
        %broadcast_in_dim3A_829 = arith.constant 2 : i32
        %broadcast_in_dim3A_830 = vector.broadcast %broadcast_in_dim3A_829 : i32 to vector<16xi32>
        %gather3A_831 = tpu.vector_load_idx %arg18[%broadcast_in_dim3A_830, %sub3A_814] masked %and3A_807 : memref<32x512xf32, #tpu.memory_space<vmem>>[vector<16xi32>, vector<16xi32>], vector<16xf32>, vector<16xi1>
        tpu.vector_store_idx %arg20[%sub3A_823, %broadcast_in_dim3A_830], %gather3A_831 masked %and3A_807 : memref<128x128xf32, #tpu.memory_space<vmem>>[vector<16xi32>, vector<16xi32>], vector<16xf32>, vector<16xi1>
        %broadcast_in_dim3A_832 = arith.constant 3 : i32
        %broadcast_in_dim3A_833 = vector.broadcast %broadcast_in_dim3A_832 : i32 to vector<16xi32>
        %gather3A_834 = tpu.vector_load_idx %arg18[%broadcast_in_dim3A_833, %sub3A_814] masked %and3A_807 : memref<32x512xf32, #tpu.memory_space<vmem>>[vector<16xi32>, vector<16xi32>], vector<16xf32>, vector<16xi1>
        tpu.vector_store_idx %arg20[%sub3A_823, %broadcast_in_dim3A_833], %gather3A_834 masked %and3A_807 : memref<128x128xf32, #tpu.memory_space<vmem>>[vector<16xi32>, vector<16xi32>], vector<16xf32>, vector<16xi1>
        %broadcast_in_dim3A_835 = arith.constant 4 : i32
        %broadcast_in_dim3A_836 = vector.broadcast %broadcast_in_dim3A_835 : i32 to vector<16xi32>
        %gather3A_837 = tpu.vector_load_idx %arg18[%broadcast_in_dim3A_836, %sub3A_814] masked %and3A_807 : memref<32x512xf32, #tpu.memory_space<vmem>>[vector<16xi32>, vector<16xi32>], vector<16xf32>, vector<16xi1>
        tpu.vector_store_idx %arg20[%sub3A_823, %broadcast_in_dim3A_836], %gather3A_837 masked %and3A_807 : memref<128x128xf32, #tpu.memory_space<vmem>>[vector<16xi32>, vector<16xi32>], vector<16xf32>, vector<16xi1>
        %broadcast_in_dim3A_838 = arith.constant 5 : i32
        %broadcast_in_dim3A_839 = vector.broadcast %broadcast_in_dim3A_838 : i32 to vector<16xi32>
        %gather3A_840 = tpu.vector_load_idx %arg18[%broadcast_in_dim3A_839, %sub3A_814] masked %and3A_807 : memref<32x512xf32, #tpu.memory_space<vmem>>[vector<16xi32>, vector<16xi32>], vector<16xf32>, vector<16xi1>
        tpu.vector_store_idx %arg20[%sub3A_823, %broadcast_in_dim3A_839], %gather3A_840 masked %and3A_807 : memref<128x128xf32, #tpu.memory_space<vmem>>[vector<16xi32>, vector<16xi32>], vector<16xf32>, vector<16xi1>
        %broadcast_in_dim3A_841 = arith.constant 6 : i32
        %broadcast_in_dim3A_842 = vector.broadcast %broadcast_in_dim3A_841 : i32 to vector<16xi32>
        %gather3A_843 = tpu.vector_load_idx %arg18[%broadcast_in_dim3A_842, %sub3A_814] masked %and3A_807 : memref<32x512xf32, #tpu.memory_space<vmem>>[vector<16xi32>, vector<16xi32>], vector<16xf32>, vector<16xi1>
        tpu.vector_store_idx %arg20[%sub3A_823, %broadcast_in_dim3A_842], %gather3A_843 masked %and3A_807 : memref<128x128xf32, #tpu.memory_space<vmem>>[vector<16xi32>, vector<16xi32>], vector<16xf32>, vector<16xi1>
        %broadcast_in_dim3A_844 = arith.constant 7 : i32
        %broadcast_in_dim3A_845 = vector.broadcast %broadcast_in_dim3A_844 : i32 to vector<16xi32>
        %gather3A_846 = tpu.vector_load_idx %arg18[%broadcast_in_dim3A_845, %sub3A_814] masked %and3A_807 : memref<32x512xf32, #tpu.memory_space<vmem>>[vector<16xi32>, vector<16xi32>], vector<16xf32>, vector<16xi1>
        tpu.vector_store_idx %arg20[%sub3A_823, %broadcast_in_dim3A_845], %gather3A_846 masked %and3A_807 : memref<128x128xf32, #tpu.memory_space<vmem>>[vector<16xi32>, vector<16xi32>], vector<16xf32>, vector<16xi1>
        %broadcast_in_dim3A_847 = arith.constant 8 : i32
        %broadcast_in_dim3A_848 = vector.broadcast %broadcast_in_dim3A_847 : i32 to vector<16xi32>
        %gather3A_849 = tpu.vector_load_idx %arg18[%broadcast_in_dim3A_848, %sub3A_814] masked %and3A_807 : memref<32x512xf32, #tpu.memory_space<vmem>>[vector<16xi32>, vector<16xi32>], vector<16xf32>, vector<16xi1>
        tpu.vector_store_idx %arg20[%sub3A_823, %broadcast_in_dim3A_848], %gather3A_849 masked %and3A_807 : memref<128x128xf32, #tpu.memory_space<vmem>>[vector<16xi32>, vector<16xi32>], vector<16xf32>, vector<16xi1>
        %broadcast_in_dim3A_850 = arith.constant 9 : i32
        %broadcast_in_dim3A_851 = vector.broadcast %broadcast_in_dim3A_850 : i32 to vector<16xi32>
        %gather3A_852 = tpu.vector_load_idx %arg18[%broadcast_in_dim3A_851, %sub3A_814] masked %and3A_807 : memref<32x512xf32, #tpu.memory_space<vmem>>[vector<16xi32>, vector<16xi32>], vector<16xf32>, vector<16xi1>
        tpu.vector_store_idx %arg20[%sub3A_823, %broadcast_in_dim3A_851], %gather3A_852 masked %and3A_807 : memref<128x128xf32, #tpu.memory_space<vmem>>[vector<16xi32>, vector<16xi32>], vector<16xf32>, vector<16xi1>
        %broadcast_in_dim3A_853 = arith.constant 10 : i32
        %broadcast_in_dim3A_854 = vector.broadcast %broadcast_in_dim3A_853 : i32 to vector<16xi32>
        %gather3A_855 = tpu.vector_load_idx %arg18[%broadcast_in_dim3A_854, %sub3A_814] masked %and3A_807 : memref<32x512xf32, #tpu.memory_space<vmem>>[vector<16xi32>, vector<16xi32>], vector<16xf32>, vector<16xi1>
        tpu.vector_store_idx %arg20[%sub3A_823, %broadcast_in_dim3A_854], %gather3A_855 masked %and3A_807 : memref<128x128xf32, #tpu.memory_space<vmem>>[vector<16xi32>, vector<16xi32>], vector<16xf32>, vector<16xi1>
        %broadcast_in_dim3A_856 = arith.constant 11 : i32
        %broadcast_in_dim3A_857 = vector.broadcast %broadcast_in_dim3A_856 : i32 to vector<16xi32>
        %gather3A_858 = tpu.vector_load_idx %arg18[%broadcast_in_dim3A_857, %sub3A_814] masked %and3A_807 : memref<32x512xf32, #tpu.memory_space<vmem>>[vector<16xi32>, vector<16xi32>], vector<16xf32>, vector<16xi1>
        tpu.vector_store_idx %arg20[%sub3A_823, %broadcast_in_dim3A_857], %gather3A_858 masked %and3A_807 : memref<128x128xf32, #tpu.memory_space<vmem>>[vector<16xi32>, vector<16xi32>], vector<16xf32>, vector<16xi1>
        %broadcast_in_dim3A_859 = arith.constant 12 : i32
        %broadcast_in_dim3A_860 = vector.broadcast %broadcast_in_dim3A_859 : i32 to vector<16xi32>
        %gather3A_861 = tpu.vector_load_idx %arg18[%broadcast_in_dim3A_860, %sub3A_814] masked %and3A_807 : memref<32x512xf32, #tpu.memory_space<vmem>>[vector<16xi32>, vector<16xi32>], vector<16xf32>, vector<16xi1>
        tpu.vector_store_idx %arg20[%sub3A_823, %broadcast_in_dim3A_860], %gather3A_861 masked %and3A_807 : memref<128x128xf32, #tpu.memory_space<vmem>>[vector<16xi32>, vector<16xi32>], vector<16xf32>, vector<16xi1>
        %broadcast_in_dim3A_862 = arith.constant 13 : i32
        %broadcast_in_dim3A_863 = vector.broadcast %broadcast_in_dim3A_862 : i32 to vector<16xi32>
        %gather3A_864 = tpu.vector_load_idx %arg18[%broadcast_in_dim3A_863, %sub3A_814] masked %and3A_807 : memref<32x512xf32, #tpu.memory_space<vmem>>[vector<16xi32>, vector<16xi32>], vector<16xf32>, vector<16xi1>
        tpu.vector_store_idx %arg20[%sub3A_823, %broadcast_in_dim3A_863], %gather3A_864 masked %and3A_807 : memref<128x128xf32, #tpu.memory_space<vmem>>[vector<16xi32>, vector<16xi32>], vector<16xf32>, vector<16xi1>
        %broadcast_in_dim3A_865 = arith.constant 14 : i32
        %broadcast_in_dim3A_866 = vector.broadcast %broadcast_in_dim3A_865 : i32 to vector<16xi32>
        %gather3A_867 = tpu.vector_load_idx %arg18[%broadcast_in_dim3A_866, %sub3A_814] masked %and3A_807 : memref<32x512xf32, #tpu.memory_space<vmem>>[vector<16xi32>, vector<16xi32>], vector<16xf32>, vector<16xi1>
        tpu.vector_store_idx %arg20[%sub3A_823, %broadcast_in_dim3A_866], %gather3A_867 masked %and3A_807 : memref<128x128xf32, #tpu.memory_space<vmem>>[vector<16xi32>, vector<16xi32>], vector<16xf32>, vector<16xi1>
        %broadcast_in_dim3A_868 = arith.constant 15 : i32
        %broadcast_in_dim3A_869 = vector.broadcast %broadcast_in_dim3A_868 : i32 to vector<16xi32>
        %gather3A_870 = tpu.vector_load_idx %arg18[%broadcast_in_dim3A_869, %sub3A_814] masked %and3A_807 : memref<32x512xf32, #tpu.memory_space<vmem>>[vector<16xi32>, vector<16xi32>], vector<16xf32>, vector<16xi1>
        tpu.vector_store_idx %arg20[%sub3A_823, %broadcast_in_dim3A_869], %gather3A_870 masked %and3A_807 : memref<128x128xf32, #tpu.memory_space<vmem>>[vector<16xi32>, vector<16xi32>], vector<16xf32>, vector<16xi1>
        %broadcast_in_dim3A_871 = arith.constant 16 : i32
        %broadcast_in_dim3A_872 = vector.broadcast %broadcast_in_dim3A_871 : i32 to vector<16xi32>
        %gather3A_873 = tpu.vector_load_idx %arg18[%broadcast_in_dim3A_872, %sub3A_814] masked %and3A_807 : memref<32x512xf32, #tpu.memory_space<vmem>>[vector<16xi32>, vector<16xi32>], vector<16xf32>, vector<16xi1>
        tpu.vector_store_idx %arg20[%sub3A_823, %broadcast_in_dim3A_872], %gather3A_873 masked %and3A_807 : memref<128x128xf32, #tpu.memory_space<vmem>>[vector<16xi32>, vector<16xi32>], vector<16xf32>, vector<16xi1>
        %broadcast_in_dim3A_874 = arith.constant 17 : i32
        %broadcast_in_dim3A_875 = vector.broadcast %broadcast_in_dim3A_874 : i32 to vector<16xi32>
        %gather3A_876 = tpu.vector_load_idx %arg18[%broadcast_in_dim3A_875, %sub3A_814] masked %and3A_807 : memref<32x512xf32, #tpu.memory_space<vmem>>[vector<16xi32>, vector<16xi32>], vector<16xf32>, vector<16xi1>
        tpu.vector_store_idx %arg20[%sub3A_823, %broadcast_in_dim3A_875], %gather3A_876 masked %and3A_807 : memref<128x128xf32, #tpu.memory_space<vmem>>[vector<16xi32>, vector<16xi32>], vector<16xf32>, vector<16xi1>
        %broadcast_in_dim3A_877 = arith.constant 18 : i32
        %broadcast_in_dim3A_878 = vector.broadcast %broadcast_in_dim3A_877 : i32 to vector<16xi32>
        %gather3A_879 = tpu.vector_load_idx %arg18[%broadcast_in_dim3A_878, %sub3A_814] masked %and3A_807 : memref<32x512xf32, #tpu.memory_space<vmem>>[vector<16xi32>, vector<16xi32>], vector<16xf32>, vector<16xi1>
        tpu.vector_store_idx %arg20[%sub3A_823, %broadcast_in_dim3A_878], %gather3A_879 masked %and3A_807 : memref<128x128xf32, #tpu.memory_space<vmem>>[vector<16xi32>, vector<16xi32>], vector<16xf32>, vector<16xi1>
        %broadcast_in_dim3A_880 = arith.constant 19 : i32
        %broadcast_in_dim3A_881 = vector.broadcast %broadcast_in_dim3A_880 : i32 to vector<16xi32>
        %gather3A_882 = tpu.vector_load_idx %arg18[%broadcast_in_dim3A_881, %sub3A_814] masked %and3A_807 : memref<32x512xf32, #tpu.memory_space<vmem>>[vector<16xi32>, vector<16xi32>], vector<16xf32>, vector<16xi1>
        tpu.vector_store_idx %arg20[%sub3A_823, %broadcast_in_dim3A_881], %gather3A_882 masked %and3A_807 : memref<128x128xf32, #tpu.memory_space<vmem>>[vector<16xi32>, vector<16xi32>], vector<16xf32>, vector<16xi1>
        %broadcast_in_dim3A_883 = arith.constant 20 : i32
        %broadcast_in_dim3A_884 = vector.broadcast %broadcast_in_dim3A_883 : i32 to vector<16xi32>
        %gather3A_885 = tpu.vector_load_idx %arg18[%broadcast_in_dim3A_884, %sub3A_814] masked %and3A_807 : memref<32x512xf32, #tpu.memory_space<vmem>>[vector<16xi32>, vector<16xi32>], vector<16xf32>, vector<16xi1>
        tpu.vector_store_idx %arg20[%sub3A_823, %broadcast_in_dim3A_884], %gather3A_885 masked %and3A_807 : memref<128x128xf32, #tpu.memory_space<vmem>>[vector<16xi32>, vector<16xi32>], vector<16xf32>, vector<16xi1>
        %broadcast_in_dim3A_886 = arith.constant 21 : i32
        %broadcast_in_dim3A_887 = vector.broadcast %broadcast_in_dim3A_886 : i32 to vector<16xi32>
        %gather3A_888 = tpu.vector_load_idx %arg18[%broadcast_in_dim3A_887, %sub3A_814] masked %and3A_807 : memref<32x512xf32, #tpu.memory_space<vmem>>[vector<16xi32>, vector<16xi32>], vector<16xf32>, vector<16xi1>
        tpu.vector_store_idx %arg20[%sub3A_823, %broadcast_in_dim3A_887], %gather3A_888 masked %and3A_807 : memref<128x128xf32, #tpu.memory_space<vmem>>[vector<16xi32>, vector<16xi32>], vector<16xf32>, vector<16xi1>
        %broadcast_in_dim3A_889 = arith.constant 22 : i32
        %broadcast_in_dim3A_890 = vector.broadcast %broadcast_in_dim3A_889 : i32 to vector<16xi32>
        %gather3A_891 = tpu.vector_load_idx %arg18[%broadcast_in_dim3A_890, %sub3A_814] masked %and3A_807 : memref<32x512xf32, #tpu.memory_space<vmem>>[vector<16xi32>, vector<16xi32>], vector<16xf32>, vector<16xi1>
        tpu.vector_store_idx %arg20[%sub3A_823, %broadcast_in_dim3A_890], %gather3A_891 masked %and3A_807 : memref<128x128xf32, #tpu.memory_space<vmem>>[vector<16xi32>, vector<16xi32>], vector<16xf32>, vector<16xi1>
        %broadcast_in_dim3A_892 = arith.constant 23 : i32
        %broadcast_in_dim3A_893 = vector.broadcast %broadcast_in_dim3A_892 : i32 to vector<16xi32>
        %gather3A_894 = tpu.vector_load_idx %arg18[%broadcast_in_dim3A_893, %sub3A_814] masked %and3A_807 : memref<32x512xf32, #tpu.memory_space<vmem>>[vector<16xi32>, vector<16xi32>], vector<16xf32>, vector<16xi1>
        tpu.vector_store_idx %arg20[%sub3A_823, %broadcast_in_dim3A_893], %gather3A_894 masked %and3A_807 : memref<128x128xf32, #tpu.memory_space<vmem>>[vector<16xi32>, vector<16xi32>], vector<16xf32>, vector<16xi1>
        %broadcast_in_dim3A_895 = arith.constant 24 : i32
        %broadcast_in_dim3A_896 = vector.broadcast %broadcast_in_dim3A_895 : i32 to vector<16xi32>
        %gather3A_897 = tpu.vector_load_idx %arg18[%broadcast_in_dim3A_896, %sub3A_814] masked %and3A_807 : memref<32x512xf32, #tpu.memory_space<vmem>>[vector<16xi32>, vector<16xi32>], vector<16xf32>, vector<16xi1>
        tpu.vector_store_idx %arg20[%sub3A_823, %broadcast_in_dim3A_896], %gather3A_897 masked %and3A_807 : memref<128x128xf32, #tpu.memory_space<vmem>>[vector<16xi32>, vector<16xi32>], vector<16xf32>, vector<16xi1>
        %broadcast_in_dim3A_898 = arith.constant 25 : i32
        %broadcast_in_dim3A_899 = vector.broadcast %broadcast_in_dim3A_898 : i32 to vector<16xi32>
        %gather3A_900 = tpu.vector_load_idx %arg18[%broadcast_in_dim3A_899, %sub3A_814] masked %and3A_807 : memref<32x512xf32, #tpu.memory_space<vmem>>[vector<16xi32>, vector<16xi32>], vector<16xf32>, vector<16xi1>
        tpu.vector_store_idx %arg20[%sub3A_823, %broadcast_in_dim3A_899], %gather3A_900 masked %and3A_807 : memref<128x128xf32, #tpu.memory_space<vmem>>[vector<16xi32>, vector<16xi32>], vector<16xf32>, vector<16xi1>
        %broadcast_in_dim3A_901 = arith.constant 26 : i32
        %broadcast_in_dim3A_902 = vector.broadcast %broadcast_in_dim3A_901 : i32 to vector<16xi32>
        %gather3A_903 = tpu.vector_load_idx %arg18[%broadcast_in_dim3A_902, %sub3A_814] masked %and3A_807 : memref<32x512xf32, #tpu.memory_space<vmem>>[vector<16xi32>, vector<16xi32>], vector<16xf32>, vector<16xi1>
        tpu.vector_store_idx %arg20[%sub3A_823, %broadcast_in_dim3A_902], %gather3A_903 masked %and3A_807 : memref<128x128xf32, #tpu.memory_space<vmem>>[vector<16xi32>, vector<16xi32>], vector<16xf32>, vector<16xi1>
        %broadcast_in_dim3A_904 = arith.constant 27 : i32
        %broadcast_in_dim3A_905 = vector.broadcast %broadcast_in_dim3A_904 : i32 to vector<16xi32>
        %gather3A_906 = tpu.vector_load_idx %arg18[%broadcast_in_dim3A_905, %sub3A_814] masked %and3A_807 : memref<32x512xf32, #tpu.memory_space<vmem>>[vector<16xi32>, vector<16xi32>], vector<16xf32>, vector<16xi1>
        tpu.vector_store_idx %arg20[%sub3A_823, %broadcast_in_dim3A_905], %gather3A_906 masked %and3A_807 : memref<128x128xf32, #tpu.memory_space<vmem>>[vector<16xi32>, vector<16xi32>], vector<16xf32>, vector<16xi1>
        %broadcast_in_dim3A_907 = arith.constant 28 : i32
        %broadcast_in_dim3A_908 = vector.broadcast %broadcast_in_dim3A_907 : i32 to vector<16xi32>
        %gather3A_909 = tpu.vector_load_idx %arg18[%broadcast_in_dim3A_908, %sub3A_814] masked %and3A_807 : memref<32x512xf32, #tpu.memory_space<vmem>>[vector<16xi32>, vector<16xi32>], vector<16xf32>, vector<16xi1>
        tpu.vector_store_idx %arg20[%sub3A_823, %broadcast_in_dim3A_908], %gather3A_909 masked %and3A_807 : memref<128x128xf32, #tpu.memory_space<vmem>>[vector<16xi32>, vector<16xi32>], vector<16xf32>, vector<16xi1>
        %broadcast_in_dim3A_910 = arith.constant 29 : i32
        %broadcast_in_dim3A_911 = vector.broadcast %broadcast_in_dim3A_910 : i32 to vector<16xi32>
        %gather3A_912 = tpu.vector_load_idx %arg18[%broadcast_in_dim3A_911, %sub3A_814] masked %and3A_807 : memref<32x512xf32, #tpu.memory_space<vmem>>[vector<16xi32>, vector<16xi32>], vector<16xf32>, vector<16xi1>
        tpu.vector_store_idx %arg20[%sub3A_823, %broadcast_in_dim3A_911], %gather3A_912 masked %and3A_807 : memref<128x128xf32, #tpu.memory_space<vmem>>[vector<16xi32>, vector<16xi32>], vector<16xf32>, vector<16xi1>
        %broadcast_in_dim3A_913 = arith.constant 30 : i32
        %broadcast_in_dim3A_914 = vector.broadcast %broadcast_in_dim3A_913 : i32 to vector<16xi32>
        %gather3A_915 = tpu.vector_load_idx %arg18[%broadcast_in_dim3A_914, %sub3A_814] masked %and3A_807 : memref<32x512xf32, #tpu.memory_space<vmem>>[vector<16xi32>, vector<16xi32>], vector<16xf32>, vector<16xi1>
        tpu.vector_store_idx %arg20[%sub3A_823, %broadcast_in_dim3A_914], %gather3A_915 masked %and3A_807 : memref<128x128xf32, #tpu.memory_space<vmem>>[vector<16xi32>, vector<16xi32>], vector<16xf32>, vector<16xi1>
        %broadcast_in_dim3A_916 = arith.constant 31 : i32
        %broadcast_in_dim3A_917 = vector.broadcast %broadcast_in_dim3A_916 : i32 to vector<16xi32>
        %gather3A_918 = tpu.vector_load_idx %arg18[%broadcast_in_dim3A_917, %sub3A_814] masked %and3A_807 : memref<32x512xf32, #tpu.memory_space<vmem>>[vector<16xi32>, vector<16xi32>], vector<16xf32>, vector<16xi1>
        tpu.vector_store_idx %arg20[%sub3A_823, %broadcast_in_dim3A_917], %gather3A_918 masked %and3A_807 : memref<128x128xf32, #tpu.memory_space<vmem>>[vector<16xi32>, vector<16xi32>], vector<16xf32>, vector<16xi1>
        tpu.vector_store_idx %arg16[%sub3A_823], %get3A_812 masked %and3A_807 : memref<128xi32, #tpu.memory_space<vmem>>[vector<16xi32>], vector<16xi32>, vector<16xi1>
        %reduce_sum3A_919 = arith.constant true
        %reduce_sum3A_920 = vector.broadcast %reduce_sum3A_919 : i1 to vector<16xi1>
        %reduce_sum3A_921 = tpu.scan <sum>, %convert_element_type3A_815 masked %reduce_sum3A_920 : vector<16xi32>, vector<16xi1> -> vector<16xi32>
        %reduce_sum3A_922 = vector.extract %reduce_sum3A_921[15] : i32 from vector<16xi32>
        %add3A_923 = arith.addi %while3A_797, %reduce_sum3A_922 : i32
        %gt3A_924 = arith.constant 112 : i32
        %gt3A_925 = arith.cmpi sgt, %add3A_923, %gt3A_924 : i32
        %convert_element_type3A_926 = arith.extui %gt3A_925 : i1 to i32
        %cond3A_927 = arith.constant 0 : i32
        %cond3A_928 = arith.cmpi ne, %convert_element_type3A_926, %cond3A_927 : i32
        scf.if %cond3A_928 {
          %dma_start3A_933 = arith.constant 0 : i32
          %dma_start3A_934 = arith.constant 0 : i32
          %dma_start3A_935 = tpu.memref_slice %arg6[%dma_start3A_933, %dma_start3A_934] : memref<16384x128xf32, #tpu.memory_space<hbm>> -> memref<16384x128xf32, #tpu.memory_space<hbm>>
          %dma_start3A_936 = arith.constant -1 : i32
          tpu.enqueue_indirect_dma source(%arg20 : memref<128x128xf32, #tpu.memory_space<vmem>>) target(%dma_start3A_935 : memref<16384x128xf32, #tpu.memory_space<hbm>>) offsets(%arg16 : memref<128xi32, #tpu.memory_space<vmem>>) offset_filter(%dma_start3A_936) semaphore(%arg23 : memref<!tpu.dma_semaphore, #tpu.memory_space<semaphore_mem>>)
          %dma_wait3A_937 = arith.constant 0 : i32
          %dma_wait3A_938 = arith.constant 0 : i32
          %dma_wait3A_939 = tpu.memref_slice %arg6[%dma_wait3A_937, %dma_wait3A_938] : memref<16384x128xf32, #tpu.memory_space<hbm>> -> memref<16384x128xf32, #tpu.memory_space<hbm>>
          tpu.wait_indirect_dma semaphore(%arg23 : memref<!tpu.dma_semaphore, #tpu.memory_space<semaphore_mem>>) src(%arg20 : memref<128x128xf32, #tpu.memory_space<vmem>>) dst(%dma_wait3A_939 : memref<16384x128xf32, #tpu.memory_space<hbm>>)
          %swap3A_940 = arith.constant 0 : index
          %swap3A_941 = tpu.vector_load %arg16[%swap3A_940] {strides = array<i32>} : memref<128xi32, #tpu.memory_space<vmem>>, vector<16xi32>,
          tpu.vector_store %arg16[%swap3A_940], %broadcast_in_dim3A_11 {strides = array<i32>} : memref<128xi32, #tpu.memory_space<vmem>>, vector<16xi32>,
          %swap3A_942 = arith.constant 16 : index
          %swap3A_943 = tpu.vector_load %arg16[%swap3A_942] {strides = array<i32>} : memref<128xi32, #tpu.memory_space<vmem>>, vector<16xi32>,
          tpu.vector_store %arg16[%swap3A_942], %broadcast_in_dim3A_11 {strides = array<i32>} : memref<128xi32, #tpu.memory_space<vmem>>, vector<16xi32>,
          %swap3A_944 = arith.constant 32 : index
          %swap3A_945 = tpu.vector_load %arg16[%swap3A_944] {strides = array<i32>} : memref<128xi32, #tpu.memory_space<vmem>>, vector<16xi32>,
          tpu.vector_store %arg16[%swap3A_944], %broadcast_in_dim3A_11 {strides = array<i32>} : memref<128xi32, #tpu.memory_space<vmem>>, vector<16xi32>,
          %swap3A_946 = arith.constant 48 : index
          %swap3A_947 = tpu.vector_load %arg16[%swap3A_946] {strides = array<i32>} : memref<128xi32, #tpu.memory_space<vmem>>, vector<16xi32>,
          tpu.vector_store %arg16[%swap3A_946], %broadcast_in_dim3A_11 {strides = array<i32>} : memref<128xi32, #tpu.memory_space<vmem>>, vector<16xi32>,
          %swap3A_948 = arith.constant 64 : index
          %swap3A_949 = tpu.vector_load %arg16[%swap3A_948] {strides = array<i32>} : memref<128xi32, #tpu.memory_space<vmem>>, vector<16xi32>,
          tpu.vector_store %arg16[%swap3A_948], %broadcast_in_dim3A_11 {strides = array<i32>} : memref<128xi32, #tpu.memory_space<vmem>>, vector<16xi32>,
          %swap3A_950 = arith.constant 80 : index
          %swap3A_951 = tpu.vector_load %arg16[%swap3A_950] {strides = array<i32>} : memref<128xi32, #tpu.memory_space<vmem>>, vector<16xi32>,
          tpu.vector_store %arg16[%swap3A_950], %broadcast_in_dim3A_11 {strides = array<i32>} : memref<128xi32, #tpu.memory_space<vmem>>, vector<16xi32>,
          %swap3A_952 = arith.constant 96 : index
          %swap3A_953 = tpu.vector_load %arg16[%swap3A_952] {strides = array<i32>} : memref<128xi32, #tpu.memory_space<vmem>>, vector<16xi32>,
          tpu.vector_store %arg16[%swap3A_952], %broadcast_in_dim3A_11 {strides = array<i32>} : memref<128xi32, #tpu.memory_space<vmem>>, vector<16xi32>,
          %swap3A_954 = arith.constant 112 : index
          %swap3A_955 = tpu.vector_load %arg16[%swap3A_954] {strides = array<i32>} : memref<128xi32, #tpu.memory_space<vmem>>, vector<16xi32>,
          tpu.vector_store %arg16[%swap3A_954], %broadcast_in_dim3A_11 {strides = array<i32>} : memref<128xi32, #tpu.memory_space<vmem>>, vector<16xi32>,
        } else {
        }
        %gt3A_929 = arith.constant 112 : i32
        %gt3A_930 = arith.cmpi sgt, %add3A_923, %gt3A_929 : i32
        %jit3A_931 = arith.constant 0 : i32
        %select_n3A_932 = arith.select %gt3A_930, %jit3A_931, %add3A_923 : i32
        scf.yield %select_n3A_932 : i32
      }
      %add3A_790 = arith.constant 3 : i32
      %add3A_791 = arith.addi %mul3A_491, %add3A_790 : i32
      %lt3A_792 = arith.cmpi slt, %add3A_791, %select_n3A_8 : i32
      %convert_element_type3A_793 = arith.extui %lt3A_792 : i1 to i32
      %cond3A_794 = arith.constant 0 : i32
      %cond3A_795 = arith.cmpi ne, %convert_element_type3A_793, %cond3A_794 : i32
      scf.if %cond3A_795 {
        %add3A_796 = arith.constant 3 : i32
        %add3A_797 = arith.addi %mul3A_491, %add3A_796 : i32
        %mul3A_798 = arith.constant 512 : i32
        %mul3A_799 = arith.muli %add3A_797, %mul3A_798 : i32
        %add3A_800 = arith.addi %mul3A_3, %mul3A_799 : i32
        %multiple_of3A_801 = tpu.assume_multiple %add3A_800, 512 : i32
        %dma_start3A_802 = arith.constant 0 : i32
        %dma_start3A_803 = tpu.memref_slice %arg4[%dma_start3A_802, %multiple_of3A_801] : memref<32x1000001xf32, #tpu.memory_space<hbm>> -> memref<32x512xf32, #tpu.memory_space<hbm>>
        %dma_start3A_804 = arith.constant 0 : i32
        %dma_start3A_805 = tpu.memref_slice %arg4[%dma_start3A_804, %multiple_of3A_801] : memref<32x1000001xf32, #tpu.memory_space<hbm>> -> memref<32x512xf32, #tpu.memory_space<hbm>>
        tpu.enqueue_dma source(%dma_start3A_805 : memref<32x512xf32, #tpu.memory_space<hbm>>) target(%arg18 : memref<32x512xf32, #tpu.memory_space<vmem>>) target_semaphore(%arg22 : memref<!tpu.dma_semaphore, #tpu.memory_space<semaphore_mem>>)
      } else {
      }
      scf.yield %while3A_789, %add3A_715 : i32, i32
    }
    %iota3A = tpu.iota {dimensions = array<i32: 0>} : vector<16xi32>
    %add3A_347 = arith.constant 0 : i32
    %add3A_348 = vector.broadcast %add3A_347 : i32 to vector<16xi32>
    %add3A_349 = arith.addi %add3A_348, %iota3A : vector<16xi32>
    %eq3A_350 = arith.constant 62 : i32
    %eq3A_351 = vector.broadcast %eq3A_350 : i32 to vector<16xi32>
    %eq3A_352 = arith.cmpi eq, %add3A_349, %eq3A_351 : vector<16xi32>
    %get3A_353 = arith.constant 0 : index
    %get3A_354 = tpu.vector_load %arg11[%get3A_353] {strides = array<i32>} : memref<128xi32, #tpu.memory_space<vmem>>, vector<16xi32>,
    %jit3A_355 = arith.constant 0 : i32
    %broadcast_in_dim3A_356 = vector.broadcast %jit3A_355 : i32 to vector<16xi32>
    %select_n3A_357 = arith.select %eq3A_352, %get3A_354, %broadcast_in_dim3A_356 : vector<16xi1>, vector<16xi32>
    %reduce_sum3A_358 = arith.constant true
    %reduce_sum3A_359 = vector.broadcast %reduce_sum3A_358 : i1 to vector<16xi1>
    %reduce_sum3A_360 = tpu.scan <sum>, %select_n3A_357 masked %reduce_sum3A_359 : vector<16xi32>, vector<16xi1> -> vector<16xi32>
    %reduce_sum3A_361 = vector.extract %reduce_sum3A_360[15] : i32 from vector<16xi32>
    %add3A_362 = arith.constant 0 : i32
    %add3A_363 = arith.addi %add3A_362, %reduce_sum3A_361 : i32
    %iota3A_364 = tpu.iota {dimensions = array<i32: 0>} : vector<16xi32>
    %add3A_365 = arith.constant 16 : i32
    %add3A_366 = vector.broadcast %add3A_365 : i32 to vector<16xi32>
    %add3A_367 = arith.addi %add3A_366, %iota3A_364 : vector<16xi32>
    %eq3A_368 = arith.constant 62 : i32
    %eq3A_369 = vector.broadcast %eq3A_368 : i32 to vector<16xi32>
    %eq3A_370 = arith.cmpi eq, %add3A_367, %eq3A_369 : vector<16xi32>
    %get3A_371 = arith.constant 16 : index
    %get3A_372 = tpu.vector_load %arg11[%get3A_371] {strides = array<i32>} : memref<128xi32, #tpu.memory_space<vmem>>, vector<16xi32>,
    %jit3A_373 = arith.constant 0 : i32
    %broadcast_in_dim3A_374 = vector.broadcast %jit3A_373 : i32 to vector<16xi32>
    %select_n3A_375 = arith.select %eq3A_370, %get3A_372, %broadcast_in_dim3A_374 : vector<16xi1>, vector<16xi32>
    %reduce_sum3A_376 = arith.constant true
    %reduce_sum3A_377 = vector.broadcast %reduce_sum3A_376 : i1 to vector<16xi1>
    %reduce_sum3A_378 = tpu.scan <sum>, %select_n3A_375 masked %reduce_sum3A_377 : vector<16xi32>, vector<16xi1> -> vector<16xi32>
    %reduce_sum3A_379 = vector.extract %reduce_sum3A_378[15] : i32 from vector<16xi32>
    %add3A_380 = arith.addi %add3A_363, %reduce_sum3A_379 : i32
    %iota3A_381 = tpu.iota {dimensions = array<i32: 0>} : vector<16xi32>
    %add3A_382 = arith.constant 32 : i32
    %add3A_383 = vector.broadcast %add3A_382 : i32 to vector<16xi32>
    %add3A_384 = arith.addi %add3A_383, %iota3A_381 : vector<16xi32>
    %eq3A_385 = arith.constant 62 : i32
    %eq3A_386 = vector.broadcast %eq3A_385 : i32 to vector<16xi32>
    %eq3A_387 = arith.cmpi eq, %add3A_384, %eq3A_386 : vector<16xi32>
    %get3A_388 = arith.constant 32 : index
    %get3A_389 = tpu.vector_load %arg11[%get3A_388] {strides = array<i32>} : memref<128xi32, #tpu.memory_space<vmem>>, vector<16xi32>,
    %jit3A_390 = arith.constant 0 : i32
    %broadcast_in_dim3A_391 = vector.broadcast %jit3A_390 : i32 to vector<16xi32>
    %select_n3A_392 = arith.select %eq3A_387, %get3A_389, %broadcast_in_dim3A_391 : vector<16xi1>, vector<16xi32>
    %reduce_sum3A_393 = arith.constant true
    %reduce_sum3A_394 = vector.broadcast %reduce_sum3A_393 : i1 to vector<16xi1>
    %reduce_sum3A_395 = tpu.scan <sum>, %select_n3A_392 masked %reduce_sum3A_394 : vector<16xi32>, vector<16xi1> -> vector<16xi32>
    %reduce_sum3A_396 = vector.extract %reduce_sum3A_395[15] : i32 from vector<16xi32>
    %add3A_397 = arith.addi %add3A_380, %reduce_sum3A_396 : i32
    %iota3A_398 = tpu.iota {dimensions = array<i32: 0>} : vector<16xi32>
    %add3A_399 = arith.constant 48 : i32
    %add3A_400 = vector.broadcast %add3A_399 : i32 to vector<16xi32>
    %add3A_401 = arith.addi %add3A_400, %iota3A_398 : vector<16xi32>
    %eq3A_402 = arith.constant 62 : i32
    %eq3A_403 = vector.broadcast %eq3A_402 : i32 to vector<16xi32>
    %eq3A_404 = arith.cmpi eq, %add3A_401, %eq3A_403 : vector<16xi32>
    %get3A_405 = arith.constant 48 : index
    %get3A_406 = tpu.vector_load %arg11[%get3A_405] {strides = array<i32>} : memref<128xi32, #tpu.memory_space<vmem>>, vector<16xi32>,
    %jit3A_407 = arith.constant 0 : i32
    %broadcast_in_dim3A_408 = vector.broadcast %jit3A_407 : i32 to vector<16xi32>
    %select_n3A_409 = arith.select %eq3A_404, %get3A_406, %broadcast_in_dim3A_408 : vector<16xi1>, vector<16xi32>
    %reduce_sum3A_410 = arith.constant true
    %reduce_sum3A_411 = vector.broadcast %reduce_sum3A_410 : i1 to vector<16xi1>
    %reduce_sum3A_412 = tpu.scan <sum>, %select_n3A_409 masked %reduce_sum3A_411 : vector<16xi32>, vector<16xi1> -> vector<16xi32>
    %reduce_sum3A_413 = vector.extract %reduce_sum3A_412[15] : i32 from vector<16xi32>
    %add3A_414 = arith.addi %add3A_397, %reduce_sum3A_413 : i32
    %add3A_415 = arith.addi %while3A_346#1, %add3A_414 : i32
    %jit3A_416 = arith.constant 8 : i32
    %div3A_417 = arith.divsi %while3A_346#1, %jit3A_416 : i32
    %sign3A_418 = arith.constant 0 : i32
    %sign3A_419 = arith.cmpi sgt, %while3A_346#1, %sign3A_418 : i32
    %sign3A_420 = arith.extui %sign3A_419 : i1 to i32
    %sign3A_421 = arith.constant 0 : i32
    %sign3A_422 = arith.cmpi slt, %while3A_346#1, %sign3A_421 : i32
    %sign3A_423 = arith.extui %sign3A_422 : i1 to i32
    %sign3A_424 = arith.subi %sign3A_420, %sign3A_423 : i32
    %sign3A_425 = arith.constant 0 : i32
    %sign3A_426 = arith.cmpi sgt, %jit3A_416, %sign3A_425 : i32
    %sign3A_427 = arith.extui %sign3A_426 : i1 to i32
    %sign3A_428 = arith.constant 0 : i32
    %sign3A_429 = arith.cmpi slt, %jit3A_416, %sign3A_428 : i32
    %sign3A_430 = arith.extui %sign3A_429 : i1 to i32
    %sign3A_431 = arith.subi %sign3A_427, %sign3A_430 : i32
    %ne3A_432 = arith.cmpi ne, %sign3A_424, %sign3A_431 : i32
    %rem3A_433 = arith.remsi %while3A_346#1, %jit3A_416 : i32
    %ne3A_434 = arith.constant 0 : i32
    %ne3A_435 = arith.cmpi ne, %rem3A_433, %ne3A_434 : i32
    %and3A_436 = arith.andi %ne3A_432, %ne3A_435 : i1
    %sub3A_437 = arith.constant 1 : i32
    %sub3A_438 = arith.subi %div3A_417, %sub3A_437 : i32
    %select_n3A_439 = arith.select %and3A_436, %sub3A_438, %div3A_417 : i32
    %mul3A_440 = arith.constant 8 : i32
    %mul3A_441 = arith.muli %select_n3A_439, %mul3A_440 : i32
    %gt3A = arith.cmpi sgt, %add3A_415, %while3A_346#1 : i32
    %sub3A_442 = arith.subi %add3A_415, %mul3A_441 : i32
    %add3A_443 = arith.constant 16 : i32
    %add3A_444 = arith.addi %sub3A_442, %add3A_443 : i32
    %sub3A_445 = arith.constant 1 : i32
    %sub3A_446 = arith.subi %add3A_444, %sub3A_445 : i32
    %jit3A_447 = arith.constant 16 : i32
    %div3A_448 = arith.divsi %sub3A_446, %jit3A_447 : i32
    %sign3A_449 = arith.constant 0 : i32
    %sign3A_450 = arith.cmpi sgt, %sub3A_446, %sign3A_449 : i32
    %sign3A_451 = arith.extui %sign3A_450 : i1 to i32
    %sign3A_452 = arith.constant 0 : i32
    %sign3A_453 = arith.cmpi slt, %sub3A_446, %sign3A_452 : i32
    %sign3A_454 = arith.extui %sign3A_453 : i1 to i32
    %sign3A_455 = arith.subi %sign3A_451, %sign3A_454 : i32
    %sign3A_456 = arith.constant 0 : i32
    %sign3A_457 = arith.cmpi sgt, %jit3A_447, %sign3A_456 : i32
    %sign3A_458 = arith.extui %sign3A_457 : i1 to i32
    %sign3A_459 = arith.constant 0 : i32
    %sign3A_460 = arith.cmpi slt, %jit3A_447, %sign3A_459 : i32
    %sign3A_461 = arith.extui %sign3A_460 : i1 to i32
    %sign3A_462 = arith.subi %sign3A_458, %sign3A_461 : i32
    %ne3A_463 = arith.cmpi ne, %sign3A_455, %sign3A_462 : i32
    %rem3A_464 = arith.remsi %sub3A_446, %jit3A_447 : i32
    %ne3A_465 = arith.constant 0 : i32
    %ne3A_466 = arith.cmpi ne, %rem3A_464, %ne3A_465 : i32
    %and3A_467 = arith.andi %ne3A_463, %ne3A_466 : i1
    %sub3A_468 = arith.constant 1 : i32
    %sub3A_469 = arith.subi %div3A_448, %sub3A_468 : i32
    %select_n3A_470 = arith.select %and3A_467, %sub3A_469, %div3A_448 : i32
    %jit3A_471 = arith.constant 0 : i32
    %select_n3A_472 = arith.select %gt3A, %select_n3A_470, %jit3A_471 : i32
    %while3A_473 = arith.constant 0 : i32
    %while3A_474 = arith.subi %select_n3A_472, %while3A_473 : i32
    %while3A_475 = arith.addi %while3A_473, %while3A_474 : i32
    %while3A_476 = arith.constant 1 : i32
    %while3A_477 = arith.divsi %while3A_474, %while3A_476 : i32
    %while3A_478 = arith.muli %while3A_477, %while3A_476 : i32
    %while3A_479 = arith.addi %while3A_473, %while3A_478 : i32
    %while3A_480 = arith.constant 1 : i32
    %while3A_481 = scf.for %while3A_487 = %while3A_473 to %while3A_479 step %while3A_480 iter_args(%while3A_488 = %while3A_346#0) -> (i32)  : i32 {
      %mul3A_489 = arith.constant 16 : i32
      %mul3A_490 = arith.muli %mul3A_489, %while3A_487 : i32
      %add3A_491 = arith.addi %mul3A_441, %mul3A_490 : i32
      %iota3A_492 = tpu.iota {dimensions = array<i32: 0>} : vector<16xi32>
      %add3A_493 = vector.broadcast %add3A_491 : i32 to vector<16xi32>
      %add3A_494 = arith.addi %add3A_493, %iota3A_492 : vector<16xi32>
      %ge3A = vector.broadcast %while3A_346#1 : i32 to vector<16xi32>
      %ge3A_495 = arith.cmpi sge, %add3A_494, %ge3A : vector<16xi32>
      %lt3A = vector.broadcast %add3A_415 : i32 to vector<16xi32>
      %lt3A_496 = arith.cmpi slt, %add3A_494, %lt3A : vector<16xi32>
      %and3A_497 = arith.andi %ge3A_495, %lt3A_496 : vector<16xi1>
      %multiple_of3A_498 = tpu.assume_multiple %add3A_491, 8 : i32
      %get3A_499 = arith.index_cast %multiple_of3A_498 : i32 to index
      %get3A_500 = tpu.vector_load %arg9[%get3A_499] {strides = array<i32>} : memref<16640xi32, #tpu.memory_space<vmem>>, vector<16xi32>,
      %get3A_501 = arith.index_cast %multiple_of3A_498 : i32 to index
      %get3A_502 = tpu.vector_load %arg10[%get3A_501] {strides = array<i32>} : memref<16640xi32, #tpu.memory_space<vmem>>, vector<16xi32>,
      %sub3A_503 = arith.constant 999936 : i32
      %sub3A_504 = vector.broadcast %sub3A_503 : i32 to vector<16xi32>
      %sub3A_505 = arith.subi %get3A_500, %sub3A_504 : vector<16xi32>
      %convert_element_type3A_506 = arith.extui %and3A_497 : vector<16xi1> to vector<16xi32>
      %broadcast_in_dim3A_507 = arith.constant true
      %broadcast_in_dim3A_508 = vector.broadcast %broadcast_in_dim3A_507 : i1 to vector<16xi1>
      %masked_cumsum3A_509 = tpu.scan <sum>, %convert_element_type3A_506 masked %broadcast_in_dim3A_508 : vector<16xi32>, vector<16xi1> -> vector<16xi32>
      %add3A_510 = vector.broadcast %while3A_488 : i32 to vector<16xi32>
      %add3A_511 = arith.addi %add3A_510, %masked_cumsum3A_509 : vector<16xi32>
      %sub3A_512 = arith.constant 1 : i32
      %sub3A_513 = vector.broadcast %sub3A_512 : i32 to vector<16xi32>
      %sub3A_514 = arith.subi %add3A_511, %sub3A_513 : vector<16xi32>
      %broadcast_in_dim3A_515 = arith.constant 0 : i32
      %broadcast_in_dim3A_516 = vector.broadcast %broadcast_in_dim3A_515 : i32 to vector<16xi32>
      %gather3A = tpu.vector_load_idx %arg19[%sub3A_505, %broadcast_in_dim3A_516] masked %and3A_497 : memref<72x128xf32, #tpu.memory_space<vmem>>[vector<16xi32>, vector<16xi32>], vector<16xf32>, vector<16xi1>
      tpu.vector_store_idx %arg20[%sub3A_514, %broadcast_in_dim3A_516], %gather3A masked %and3A_497 : memref<128x128xf32, #tpu.memory_space<vmem>>[vector<16xi32>, vector<16xi32>], vector<16xf32>, vector<16xi1>
      %broadcast_in_dim3A_517 = arith.constant 1 : i32
      %broadcast_in_dim3A_518 = vector.broadcast %broadcast_in_dim3A_517 : i32 to vector<16xi32>
      %gather3A_519 = tpu.vector_load_idx %arg19[%sub3A_505, %broadcast_in_dim3A_518] masked %and3A_497 : memref<72x128xf32, #tpu.memory_space<vmem>>[vector<16xi32>, vector<16xi32>], vector<16xf32>, vector<16xi1>
      tpu.vector_store_idx %arg20[%sub3A_514, %broadcast_in_dim3A_518], %gather3A_519 masked %and3A_497 : memref<128x128xf32, #tpu.memory_space<vmem>>[vector<16xi32>, vector<16xi32>], vector<16xf32>, vector<16xi1>
      %broadcast_in_dim3A_520 = arith.constant 2 : i32
      %broadcast_in_dim3A_521 = vector.broadcast %broadcast_in_dim3A_520 : i32 to vector<16xi32>
      %gather3A_522 = tpu.vector_load_idx %arg19[%sub3A_505, %broadcast_in_dim3A_521] masked %and3A_497 : memref<72x128xf32, #tpu.memory_space<vmem>>[vector<16xi32>, vector<16xi32>], vector<16xf32>, vector<16xi1>
      tpu.vector_store_idx %arg20[%sub3A_514, %broadcast_in_dim3A_521], %gather3A_522 masked %and3A_497 : memref<128x128xf32, #tpu.memory_space<vmem>>[vector<16xi32>, vector<16xi32>], vector<16xf32>, vector<16xi1>
      %broadcast_in_dim3A_523 = arith.constant 3 : i32
      %broadcast_in_dim3A_524 = vector.broadcast %broadcast_in_dim3A_523 : i32 to vector<16xi32>
      %gather3A_525 = tpu.vector_load_idx %arg19[%sub3A_505, %broadcast_in_dim3A_524] masked %and3A_497 : memref<72x128xf32, #tpu.memory_space<vmem>>[vector<16xi32>, vector<16xi32>], vector<16xf32>, vector<16xi1>
      tpu.vector_store_idx %arg20[%sub3A_514, %broadcast_in_dim3A_524], %gather3A_525 masked %and3A_497 : memref<128x128xf32, #tpu.memory_space<vmem>>[vector<16xi32>, vector<16xi32>], vector<16xf32>, vector<16xi1>
      %broadcast_in_dim3A_526 = arith.constant 4 : i32
      %broadcast_in_dim3A_527 = vector.broadcast %broadcast_in_dim3A_526 : i32 to vector<16xi32>
      %gather3A_528 = tpu.vector_load_idx %arg19[%sub3A_505, %broadcast_in_dim3A_527] masked %and3A_497 : memref<72x128xf32, #tpu.memory_space<vmem>>[vector<16xi32>, vector<16xi32>], vector<16xf32>, vector<16xi1>
      tpu.vector_store_idx %arg20[%sub3A_514, %broadcast_in_dim3A_527], %gather3A_528 masked %and3A_497 : memref<128x128xf32, #tpu.memory_space<vmem>>[vector<16xi32>, vector<16xi32>], vector<16xf32>, vector<16xi1>
      %broadcast_in_dim3A_529 = arith.constant 5 : i32
      %broadcast_in_dim3A_530 = vector.broadcast %broadcast_in_dim3A_529 : i32 to vector<16xi32>
      %gather3A_531 = tpu.vector_load_idx %arg19[%sub3A_505, %broadcast_in_dim3A_530] masked %and3A_497 : memref<72x128xf32, #tpu.memory_space<vmem>>[vector<16xi32>, vector<16xi32>], vector<16xf32>, vector<16xi1>
      tpu.vector_store_idx %arg20[%sub3A_514, %broadcast_in_dim3A_530], %gather3A_531 masked %and3A_497 : memref<128x128xf32, #tpu.memory_space<vmem>>[vector<16xi32>, vector<16xi32>], vector<16xf32>, vector<16xi1>
      %broadcast_in_dim3A_532 = arith.constant 6 : i32
      %broadcast_in_dim3A_533 = vector.broadcast %broadcast_in_dim3A_532 : i32 to vector<16xi32>
      %gather3A_534 = tpu.vector_load_idx %arg19[%sub3A_505, %broadcast_in_dim3A_533] masked %and3A_497 : memref<72x128xf32, #tpu.memory_space<vmem>>[vector<16xi32>, vector<16xi32>], vector<16xf32>, vector<16xi1>
      tpu.vector_store_idx %arg20[%sub3A_514, %broadcast_in_dim3A_533], %gather3A_534 masked %and3A_497 : memref<128x128xf32, #tpu.memory_space<vmem>>[vector<16xi32>, vector<16xi32>], vector<16xf32>, vector<16xi1>
      %broadcast_in_dim3A_535 = arith.constant 7 : i32
      %broadcast_in_dim3A_536 = vector.broadcast %broadcast_in_dim3A_535 : i32 to vector<16xi32>
      %gather3A_537 = tpu.vector_load_idx %arg19[%sub3A_505, %broadcast_in_dim3A_536] masked %and3A_497 : memref<72x128xf32, #tpu.memory_space<vmem>>[vector<16xi32>, vector<16xi32>], vector<16xf32>, vector<16xi1>
      tpu.vector_store_idx %arg20[%sub3A_514, %broadcast_in_dim3A_536], %gather3A_537 masked %and3A_497 : memref<128x128xf32, #tpu.memory_space<vmem>>[vector<16xi32>, vector<16xi32>], vector<16xf32>, vector<16xi1>
      %broadcast_in_dim3A_538 = arith.constant 8 : i32
      %broadcast_in_dim3A_539 = vector.broadcast %broadcast_in_dim3A_538 : i32 to vector<16xi32>
      %gather3A_540 = tpu.vector_load_idx %arg19[%sub3A_505, %broadcast_in_dim3A_539] masked %and3A_497 : memref<72x128xf32, #tpu.memory_space<vmem>>[vector<16xi32>, vector<16xi32>], vector<16xf32>, vector<16xi1>
      tpu.vector_store_idx %arg20[%sub3A_514, %broadcast_in_dim3A_539], %gather3A_540 masked %and3A_497 : memref<128x128xf32, #tpu.memory_space<vmem>>[vector<16xi32>, vector<16xi32>], vector<16xf32>, vector<16xi1>
      %broadcast_in_dim3A_541 = arith.constant 9 : i32
      %broadcast_in_dim3A_542 = vector.broadcast %broadcast_in_dim3A_541 : i32 to vector<16xi32>
      %gather3A_543 = tpu.vector_load_idx %arg19[%sub3A_505, %broadcast_in_dim3A_542] masked %and3A_497 : memref<72x128xf32, #tpu.memory_space<vmem>>[vector<16xi32>, vector<16xi32>], vector<16xf32>, vector<16xi1>
      tpu.vector_store_idx %arg20[%sub3A_514, %broadcast_in_dim3A_542], %gather3A_543 masked %and3A_497 : memref<128x128xf32, #tpu.memory_space<vmem>>[vector<16xi32>, vector<16xi32>], vector<16xf32>, vector<16xi1>
      %broadcast_in_dim3A_544 = arith.constant 10 : i32
      %broadcast_in_dim3A_545 = vector.broadcast %broadcast_in_dim3A_544 : i32 to vector<16xi32>
      %gather3A_546 = tpu.vector_load_idx %arg19[%sub3A_505, %broadcast_in_dim3A_545] masked %and3A_497 : memref<72x128xf32, #tpu.memory_space<vmem>>[vector<16xi32>, vector<16xi32>], vector<16xf32>, vector<16xi1>
      tpu.vector_store_idx %arg20[%sub3A_514, %broadcast_in_dim3A_545], %gather3A_546 masked %and3A_497 : memref<128x128xf32, #tpu.memory_space<vmem>>[vector<16xi32>, vector<16xi32>], vector<16xf32>, vector<16xi1>
      %broadcast_in_dim3A_547 = arith.constant 11 : i32
      %broadcast_in_dim3A_548 = vector.broadcast %broadcast_in_dim3A_547 : i32 to vector<16xi32>
      %gather3A_549 = tpu.vector_load_idx %arg19[%sub3A_505, %broadcast_in_dim3A_548] masked %and3A_497 : memref<72x128xf32, #tpu.memory_space<vmem>>[vector<16xi32>, vector<16xi32>], vector<16xf32>, vector<16xi1>
      tpu.vector_store_idx %arg20[%sub3A_514, %broadcast_in_dim3A_548], %gather3A_549 masked %and3A_497 : memref<128x128xf32, #tpu.memory_space<vmem>>[vector<16xi32>, vector<16xi32>], vector<16xf32>, vector<16xi1>
      %broadcast_in_dim3A_550 = arith.constant 12 : i32
      %broadcast_in_dim3A_551 = vector.broadcast %broadcast_in_dim3A_550 : i32 to vector<16xi32>
      %gather3A_552 = tpu.vector_load_idx %arg19[%sub3A_505, %broadcast_in_dim3A_551] masked %and3A_497 : memref<72x128xf32, #tpu.memory_space<vmem>>[vector<16xi32>, vector<16xi32>], vector<16xf32>, vector<16xi1>
      tpu.vector_store_idx %arg20[%sub3A_514, %broadcast_in_dim3A_551], %gather3A_552 masked %and3A_497 : memref<128x128xf32, #tpu.memory_space<vmem>>[vector<16xi32>, vector<16xi32>], vector<16xf32>, vector<16xi1>
      %broadcast_in_dim3A_553 = arith.constant 13 : i32
      %broadcast_in_dim3A_554 = vector.broadcast %broadcast_in_dim3A_553 : i32 to vector<16xi32>
      %gather3A_555 = tpu.vector_load_idx %arg19[%sub3A_505, %broadcast_in_dim3A_554] masked %and3A_497 : memref<72x128xf32, #tpu.memory_space<vmem>>[vector<16xi32>, vector<16xi32>], vector<16xf32>, vector<16xi1>
      tpu.vector_store_idx %arg20[%sub3A_514, %broadcast_in_dim3A_554], %gather3A_555 masked %and3A_497 : memref<128x128xf32, #tpu.memory_space<vmem>>[vector<16xi32>, vector<16xi32>], vector<16xf32>, vector<16xi1>
      %broadcast_in_dim3A_556 = arith.constant 14 : i32
      %broadcast_in_dim3A_557 = vector.broadcast %broadcast_in_dim3A_556 : i32 to vector<16xi32>
      %gather3A_558 = tpu.vector_load_idx %arg19[%sub3A_505, %broadcast_in_dim3A_557] masked %and3A_497 : memref<72x128xf32, #tpu.memory_space<vmem>>[vector<16xi32>, vector<16xi32>], vector<16xf32>, vector<16xi1>
      tpu.vector_store_idx %arg20[%sub3A_514, %broadcast_in_dim3A_557], %gather3A_558 masked %and3A_497 : memref<128x128xf32, #tpu.memory_space<vmem>>[vector<16xi32>, vector<16xi32>], vector<16xf32>, vector<16xi1>
      %broadcast_in_dim3A_559 = arith.constant 15 : i32
      %broadcast_in_dim3A_560 = vector.broadcast %broadcast_in_dim3A_559 : i32 to vector<16xi32>
      %gather3A_561 = tpu.vector_load_idx %arg19[%sub3A_505, %broadcast_in_dim3A_560] masked %and3A_497 : memref<72x128xf32, #tpu.memory_space<vmem>>[vector<16xi32>, vector<16xi32>], vector<16xf32>, vector<16xi1>
      tpu.vector_store_idx %arg20[%sub3A_514, %broadcast_in_dim3A_560], %gather3A_561 masked %and3A_497 : memref<128x128xf32, #tpu.memory_space<vmem>>[vector<16xi32>, vector<16xi32>], vector<16xf32>, vector<16xi1>
      %broadcast_in_dim3A_562 = arith.constant 16 : i32
      %broadcast_in_dim3A_563 = vector.broadcast %broadcast_in_dim3A_562 : i32 to vector<16xi32>
      %gather3A_564 = tpu.vector_load_idx %arg19[%sub3A_505, %broadcast_in_dim3A_563] masked %and3A_497 : memref<72x128xf32, #tpu.memory_space<vmem>>[vector<16xi32>, vector<16xi32>], vector<16xf32>, vector<16xi1>
      tpu.vector_store_idx %arg20[%sub3A_514, %broadcast_in_dim3A_563], %gather3A_564 masked %and3A_497 : memref<128x128xf32, #tpu.memory_space<vmem>>[vector<16xi32>, vector<16xi32>], vector<16xf32>, vector<16xi1>
      %broadcast_in_dim3A_565 = arith.constant 17 : i32
      %broadcast_in_dim3A_566 = vector.broadcast %broadcast_in_dim3A_565 : i32 to vector<16xi32>
      %gather3A_567 = tpu.vector_load_idx %arg19[%sub3A_505, %broadcast_in_dim3A_566] masked %and3A_497 : memref<72x128xf32, #tpu.memory_space<vmem>>[vector<16xi32>, vector<16xi32>], vector<16xf32>, vector<16xi1>
      tpu.vector_store_idx %arg20[%sub3A_514, %broadcast_in_dim3A_566], %gather3A_567 masked %and3A_497 : memref<128x128xf32, #tpu.memory_space<vmem>>[vector<16xi32>, vector<16xi32>], vector<16xf32>, vector<16xi1>
      %broadcast_in_dim3A_568 = arith.constant 18 : i32
      %broadcast_in_dim3A_569 = vector.broadcast %broadcast_in_dim3A_568 : i32 to vector<16xi32>
      %gather3A_570 = tpu.vector_load_idx %arg19[%sub3A_505, %broadcast_in_dim3A_569] masked %and3A_497 : memref<72x128xf32, #tpu.memory_space<vmem>>[vector<16xi32>, vector<16xi32>], vector<16xf32>, vector<16xi1>
      tpu.vector_store_idx %arg20[%sub3A_514, %broadcast_in_dim3A_569], %gather3A_570 masked %and3A_497 : memref<128x128xf32, #tpu.memory_space<vmem>>[vector<16xi32>, vector<16xi32>], vector<16xf32>, vector<16xi1>
      %broadcast_in_dim3A_571 = arith.constant 19 : i32
      %broadcast_in_dim3A_572 = vector.broadcast %broadcast_in_dim3A_571 : i32 to vector<16xi32>
      %gather3A_573 = tpu.vector_load_idx %arg19[%sub3A_505, %broadcast_in_dim3A_572] masked %and3A_497 : memref<72x128xf32, #tpu.memory_space<vmem>>[vector<16xi32>, vector<16xi32>], vector<16xf32>, vector<16xi1>
      tpu.vector_store_idx %arg20[%sub3A_514, %broadcast_in_dim3A_572], %gather3A_573 masked %and3A_497 : memref<128x128xf32, #tpu.memory_space<vmem>>[vector<16xi32>, vector<16xi32>], vector<16xf32>, vector<16xi1>
      %broadcast_in_dim3A_574 = arith.constant 20 : i32
      %broadcast_in_dim3A_575 = vector.broadcast %broadcast_in_dim3A_574 : i32 to vector<16xi32>
      %gather3A_576 = tpu.vector_load_idx %arg19[%sub3A_505, %broadcast_in_dim3A_575] masked %and3A_497 : memref<72x128xf32, #tpu.memory_space<vmem>>[vector<16xi32>, vector<16xi32>], vector<16xf32>, vector<16xi1>
      tpu.vector_store_idx %arg20[%sub3A_514, %broadcast_in_dim3A_575], %gather3A_576 masked %and3A_497 : memref<128x128xf32, #tpu.memory_space<vmem>>[vector<16xi32>, vector<16xi32>], vector<16xf32>, vector<16xi1>
      %broadcast_in_dim3A_577 = arith.constant 21 : i32
      %broadcast_in_dim3A_578 = vector.broadcast %broadcast_in_dim3A_577 : i32 to vector<16xi32>
      %gather3A_579 = tpu.vector_load_idx %arg19[%sub3A_505, %broadcast_in_dim3A_578] masked %and3A_497 : memref<72x128xf32, #tpu.memory_space<vmem>>[vector<16xi32>, vector<16xi32>], vector<16xf32>, vector<16xi1>
      tpu.vector_store_idx %arg20[%sub3A_514, %broadcast_in_dim3A_578], %gather3A_579 masked %and3A_497 : memref<128x128xf32, #tpu.memory_space<vmem>>[vector<16xi32>, vector<16xi32>], vector<16xf32>, vector<16xi1>
      %broadcast_in_dim3A_580 = arith.constant 22 : i32
      %broadcast_in_dim3A_581 = vector.broadcast %broadcast_in_dim3A_580 : i32 to vector<16xi32>
      %gather3A_582 = tpu.vector_load_idx %arg19[%sub3A_505, %broadcast_in_dim3A_581] masked %and3A_497 : memref<72x128xf32, #tpu.memory_space<vmem>>[vector<16xi32>, vector<16xi32>], vector<16xf32>, vector<16xi1>
      tpu.vector_store_idx %arg20[%sub3A_514, %broadcast_in_dim3A_581], %gather3A_582 masked %and3A_497 : memref<128x128xf32, #tpu.memory_space<vmem>>[vector<16xi32>, vector<16xi32>], vector<16xf32>, vector<16xi1>
      %broadcast_in_dim3A_583 = arith.constant 23 : i32
      %broadcast_in_dim3A_584 = vector.broadcast %broadcast_in_dim3A_583 : i32 to vector<16xi32>
      %gather3A_585 = tpu.vector_load_idx %arg19[%sub3A_505, %broadcast_in_dim3A_584] masked %and3A_497 : memref<72x128xf32, #tpu.memory_space<vmem>>[vector<16xi32>, vector<16xi32>], vector<16xf32>, vector<16xi1>
      tpu.vector_store_idx %arg20[%sub3A_514, %broadcast_in_dim3A_584], %gather3A_585 masked %and3A_497 : memref<128x128xf32, #tpu.memory_space<vmem>>[vector<16xi32>, vector<16xi32>], vector<16xf32>, vector<16xi1>
      %broadcast_in_dim3A_586 = arith.constant 24 : i32
      %broadcast_in_dim3A_587 = vector.broadcast %broadcast_in_dim3A_586 : i32 to vector<16xi32>
      %gather3A_588 = tpu.vector_load_idx %arg19[%sub3A_505, %broadcast_in_dim3A_587] masked %and3A_497 : memref<72x128xf32, #tpu.memory_space<vmem>>[vector<16xi32>, vector<16xi32>], vector<16xf32>, vector<16xi1>
      tpu.vector_store_idx %arg20[%sub3A_514, %broadcast_in_dim3A_587], %gather3A_588 masked %and3A_497 : memref<128x128xf32, #tpu.memory_space<vmem>>[vector<16xi32>, vector<16xi32>], vector<16xf32>, vector<16xi1>
      %broadcast_in_dim3A_589 = arith.constant 25 : i32
      %broadcast_in_dim3A_590 = vector.broadcast %broadcast_in_dim3A_589 : i32 to vector<16xi32>
      %gather3A_591 = tpu.vector_load_idx %arg19[%sub3A_505, %broadcast_in_dim3A_590] masked %and3A_497 : memref<72x128xf32, #tpu.memory_space<vmem>>[vector<16xi32>, vector<16xi32>], vector<16xf32>, vector<16xi1>
      tpu.vector_store_idx %arg20[%sub3A_514, %broadcast_in_dim3A_590], %gather3A_591 masked %and3A_497 : memref<128x128xf32, #tpu.memory_space<vmem>>[vector<16xi32>, vector<16xi32>], vector<16xf32>, vector<16xi1>
      %broadcast_in_dim3A_592 = arith.constant 26 : i32
      %broadcast_in_dim3A_593 = vector.broadcast %broadcast_in_dim3A_592 : i32 to vector<16xi32>
      %gather3A_594 = tpu.vector_load_idx %arg19[%sub3A_505, %broadcast_in_dim3A_593] masked %and3A_497 : memref<72x128xf32, #tpu.memory_space<vmem>>[vector<16xi32>, vector<16xi32>], vector<16xf32>, vector<16xi1>
      tpu.vector_store_idx %arg20[%sub3A_514, %broadcast_in_dim3A_593], %gather3A_594 masked %and3A_497 : memref<128x128xf32, #tpu.memory_space<vmem>>[vector<16xi32>, vector<16xi32>], vector<16xf32>, vector<16xi1>
      %broadcast_in_dim3A_595 = arith.constant 27 : i32
      %broadcast_in_dim3A_596 = vector.broadcast %broadcast_in_dim3A_595 : i32 to vector<16xi32>
      %gather3A_597 = tpu.vector_load_idx %arg19[%sub3A_505, %broadcast_in_dim3A_596] masked %and3A_497 : memref<72x128xf32, #tpu.memory_space<vmem>>[vector<16xi32>, vector<16xi32>], vector<16xf32>, vector<16xi1>
      tpu.vector_store_idx %arg20[%sub3A_514, %broadcast_in_dim3A_596], %gather3A_597 masked %and3A_497 : memref<128x128xf32, #tpu.memory_space<vmem>>[vector<16xi32>, vector<16xi32>], vector<16xf32>, vector<16xi1>
      %broadcast_in_dim3A_598 = arith.constant 28 : i32
      %broadcast_in_dim3A_599 = vector.broadcast %broadcast_in_dim3A_598 : i32 to vector<16xi32>
      %gather3A_600 = tpu.vector_load_idx %arg19[%sub3A_505, %broadcast_in_dim3A_599] masked %and3A_497 : memref<72x128xf32, #tpu.memory_space<vmem>>[vector<16xi32>, vector<16xi32>], vector<16xf32>, vector<16xi1>
      tpu.vector_store_idx %arg20[%sub3A_514, %broadcast_in_dim3A_599], %gather3A_600 masked %and3A_497 : memref<128x128xf32, #tpu.memory_space<vmem>>[vector<16xi32>, vector<16xi32>], vector<16xf32>, vector<16xi1>
      %broadcast_in_dim3A_601 = arith.constant 29 : i32
      %broadcast_in_dim3A_602 = vector.broadcast %broadcast_in_dim3A_601 : i32 to vector<16xi32>
      %gather3A_603 = tpu.vector_load_idx %arg19[%sub3A_505, %broadcast_in_dim3A_602] masked %and3A_497 : memref<72x128xf32, #tpu.memory_space<vmem>>[vector<16xi32>, vector<16xi32>], vector<16xf32>, vector<16xi1>
      tpu.vector_store_idx %arg20[%sub3A_514, %broadcast_in_dim3A_602], %gather3A_603 masked %and3A_497 : memref<128x128xf32, #tpu.memory_space<vmem>>[vector<16xi32>, vector<16xi32>], vector<16xf32>, vector<16xi1>
      %broadcast_in_dim3A_604 = arith.constant 30 : i32
      %broadcast_in_dim3A_605 = vector.broadcast %broadcast_in_dim3A_604 : i32 to vector<16xi32>
      %gather3A_606 = tpu.vector_load_idx %arg19[%sub3A_505, %broadcast_in_dim3A_605] masked %and3A_497 : memref<72x128xf32, #tpu.memory_space<vmem>>[vector<16xi32>, vector<16xi32>], vector<16xf32>, vector<16xi1>
      tpu.vector_store_idx %arg20[%sub3A_514, %broadcast_in_dim3A_605], %gather3A_606 masked %and3A_497 : memref<128x128xf32, #tpu.memory_space<vmem>>[vector<16xi32>, vector<16xi32>], vector<16xf32>, vector<16xi1>
      %broadcast_in_dim3A_607 = arith.constant 31 : i32
      %broadcast_in_dim3A_608 = vector.broadcast %broadcast_in_dim3A_607 : i32 to vector<16xi32>
      %gather3A_609 = tpu.vector_load_idx %arg19[%sub3A_505, %broadcast_in_dim3A_608] masked %and3A_497 : memref<72x128xf32, #tpu.memory_space<vmem>>[vector<16xi32>, vector<16xi32>], vector<16xf32>, vector<16xi1>
      tpu.vector_store_idx %arg20[%sub3A_514, %broadcast_in_dim3A_608], %gather3A_609 masked %and3A_497 : memref<128x128xf32, #tpu.memory_space<vmem>>[vector<16xi32>, vector<16xi32>], vector<16xf32>, vector<16xi1>
      tpu.vector_store_idx %arg16[%sub3A_514], %get3A_502 masked %and3A_497 : memref<128xi32, #tpu.memory_space<vmem>>[vector<16xi32>], vector<16xi32>, vector<16xi1>
      %reduce_sum3A_610 = arith.constant true
      %reduce_sum3A_611 = vector.broadcast %reduce_sum3A_610 : i1 to vector<16xi1>
      %reduce_sum3A_612 = tpu.scan <sum>, %convert_element_type3A_506 masked %reduce_sum3A_611 : vector<16xi32>, vector<16xi1> -> vector<16xi32>
      %reduce_sum3A_613 = vector.extract %reduce_sum3A_612[15] : i32 from vector<16xi32>
      %add3A_614 = arith.addi %while3A_488, %reduce_sum3A_613 : i32
      %gt3A_615 = arith.constant 112 : i32
      %gt3A_616 = arith.cmpi sgt, %add3A_614, %gt3A_615 : i32
      %convert_element_type3A_617 = arith.extui %gt3A_616 : i1 to i32
      %cond3A_618 = arith.constant 0 : i32
      %cond3A_619 = arith.cmpi ne, %convert_element_type3A_617, %cond3A_618 : i32
      scf.if %cond3A_619 {
        %dma_start3A_624 = arith.constant 0 : i32
        %dma_start3A_625 = arith.constant 0 : i32
        %dma_start3A_626 = tpu.memref_slice %arg6[%dma_start3A_624, %dma_start3A_625] : memref<16384x128xf32, #tpu.memory_space<hbm>> -> memref<16384x128xf32, #tpu.memory_space<hbm>>
        %dma_start3A_627 = arith.constant -1 : i32
        tpu.enqueue_indirect_dma source(%arg20 : memref<128x128xf32, #tpu.memory_space<vmem>>) target(%dma_start3A_626 : memref<16384x128xf32, #tpu.memory_space<hbm>>) offsets(%arg16 : memref<128xi32, #tpu.memory_space<vmem>>) offset_filter(%dma_start3A_627) semaphore(%arg23 : memref<!tpu.dma_semaphore, #tpu.memory_space<semaphore_mem>>)
        %dma_wait3A = arith.constant 0 : i32
        %dma_wait3A_628 = arith.constant 0 : i32
        %dma_wait3A_629 = tpu.memref_slice %arg6[%dma_wait3A, %dma_wait3A_628] : memref<16384x128xf32, #tpu.memory_space<hbm>> -> memref<16384x128xf32, #tpu.memory_space<hbm>>
        tpu.wait_indirect_dma semaphore(%arg23 : memref<!tpu.dma_semaphore, #tpu.memory_space<semaphore_mem>>) src(%arg20 : memref<128x128xf32, #tpu.memory_space<vmem>>) dst(%dma_wait3A_629 : memref<16384x128xf32, #tpu.memory_space<hbm>>)
        %swap3A_630 = arith.constant 0 : index
        %swap3A_631 = tpu.vector_load %arg16[%swap3A_630] {strides = array<i32>} : memref<128xi32, #tpu.memory_space<vmem>>, vector<16xi32>,
        tpu.vector_store %arg16[%swap3A_630], %broadcast_in_dim3A_11 {strides = array<i32>} : memref<128xi32, #tpu.memory_space<vmem>>, vector<16xi32>,
        %swap3A_632 = arith.constant 16 : index
        %swap3A_633 = tpu.vector_load %arg16[%swap3A_632] {strides = array<i32>} : memref<128xi32, #tpu.memory_space<vmem>>, vector<16xi32>,
        tpu.vector_store %arg16[%swap3A_632], %broadcast_in_dim3A_11 {strides = array<i32>} : memref<128xi32, #tpu.memory_space<vmem>>, vector<16xi32>,
        %swap3A_634 = arith.constant 32 : index
        %swap3A_635 = tpu.vector_load %arg16[%swap3A_634] {strides = array<i32>} : memref<128xi32, #tpu.memory_space<vmem>>, vector<16xi32>,
        tpu.vector_store %arg16[%swap3A_634], %broadcast_in_dim3A_11 {strides = array<i32>} : memref<128xi32, #tpu.memory_space<vmem>>, vector<16xi32>,
        %swap3A_636 = arith.constant 48 : index
        %swap3A_637 = tpu.vector_load %arg16[%swap3A_636] {strides = array<i32>} : memref<128xi32, #tpu.memory_space<vmem>>, vector<16xi32>,
        tpu.vector_store %arg16[%swap3A_636], %broadcast_in_dim3A_11 {strides = array<i32>} : memref<128xi32, #tpu.memory_space<vmem>>, vector<16xi32>,
        %swap3A_638 = arith.constant 64 : index
        %swap3A_639 = tpu.vector_load %arg16[%swap3A_638] {strides = array<i32>} : memref<128xi32, #tpu.memory_space<vmem>>, vector<16xi32>,
        tpu.vector_store %arg16[%swap3A_638], %broadcast_in_dim3A_11 {strides = array<i32>} : memref<128xi32, #tpu.memory_space<vmem>>, vector<16xi32>,
        %swap3A_640 = arith.constant 80 : index
        %swap3A_641 = tpu.vector_load %arg16[%swap3A_640] {strides = array<i32>} : memref<128xi32, #tpu.memory_space<vmem>>, vector<16xi32>,
        tpu.vector_store %arg16[%swap3A_640], %broadcast_in_dim3A_11 {strides = array<i32>} : memref<128xi32, #tpu.memory_space<vmem>>, vector<16xi32>,
        %swap3A_642 = arith.constant 96 : index
        %swap3A_643 = tpu.vector_load %arg16[%swap3A_642] {strides = array<i32>} : memref<128xi32, #tpu.memory_space<vmem>>, vector<16xi32>,
        tpu.vector_store %arg16[%swap3A_642], %broadcast_in_dim3A_11 {strides = array<i32>} : memref<128xi32, #tpu.memory_space<vmem>>, vector<16xi32>,
        %swap3A_644 = arith.constant 112 : index
        %swap3A_645 = tpu.vector_load %arg16[%swap3A_644] {strides = array<i32>} : memref<128xi32, #tpu.memory_space<vmem>>, vector<16xi32>,
        tpu.vector_store %arg16[%swap3A_644], %broadcast_in_dim3A_11 {strides = array<i32>} : memref<128xi32, #tpu.memory_space<vmem>>, vector<16xi32>,
      } else {
      }
      %gt3A_620 = arith.constant 112 : i32
      %gt3A_621 = arith.cmpi sgt, %add3A_614, %gt3A_620 : i32
      %jit3A_622 = arith.constant 0 : i32
      %select_n3A_623 = arith.select %gt3A_621, %jit3A_622, %add3A_614 : i32
      scf.yield %select_n3A_623 : i32
    }
    %while3A_482 = arith.constant 1 : i32
    %while3A_483 = scf.for %while3A_487 = %while3A_479 to %while3A_475 step %while3A_482 iter_args(%while3A_488 = %while3A_481) -> (i32)  : i32 {
      %mul3A_489 = arith.constant 16 : i32
      %mul3A_490 = arith.muli %mul3A_489, %while3A_487 : i32
      %add3A_491 = arith.addi %mul3A_441, %mul3A_490 : i32
      %iota3A_492 = tpu.iota {dimensions = array<i32: 0>} : vector<16xi32>
      %add3A_493 = vector.broadcast %add3A_491 : i32 to vector<16xi32>
      %add3A_494 = arith.addi %add3A_493, %iota3A_492 : vector<16xi32>
      %ge3A = vector.broadcast %while3A_346#1 : i32 to vector<16xi32>
      %ge3A_495 = arith.cmpi sge, %add3A_494, %ge3A : vector<16xi32>
      %lt3A = vector.broadcast %add3A_415 : i32 to vector<16xi32>
      %lt3A_496 = arith.cmpi slt, %add3A_494, %lt3A : vector<16xi32>
      %and3A_497 = arith.andi %ge3A_495, %lt3A_496 : vector<16xi1>
      %multiple_of3A_498 = tpu.assume_multiple %add3A_491, 8 : i32
      %get3A_499 = arith.index_cast %multiple_of3A_498 : i32 to index
      %get3A_500 = tpu.vector_load %arg9[%get3A_499] {strides = array<i32>} : memref<16640xi32, #tpu.memory_space<vmem>>, vector<16xi32>,
      %get3A_501 = arith.index_cast %multiple_of3A_498 : i32 to index
      %get3A_502 = tpu.vector_load %arg10[%get3A_501] {strides = array<i32>} : memref<16640xi32, #tpu.memory_space<vmem>>, vector<16xi32>,
      %sub3A_503 = arith.constant 999936 : i32
      %sub3A_504 = vector.broadcast %sub3A_503 : i32 to vector<16xi32>
      %sub3A_505 = arith.subi %get3A_500, %sub3A_504 : vector<16xi32>
      %convert_element_type3A_506 = arith.extui %and3A_497 : vector<16xi1> to vector<16xi32>
      %broadcast_in_dim3A_507 = arith.constant true
      %broadcast_in_dim3A_508 = vector.broadcast %broadcast_in_dim3A_507 : i1 to vector<16xi1>
      %masked_cumsum3A_509 = tpu.scan <sum>, %convert_element_type3A_506 masked %broadcast_in_dim3A_508 : vector<16xi32>, vector<16xi1> -> vector<16xi32>
      %add3A_510 = vector.broadcast %while3A_488 : i32 to vector<16xi32>
      %add3A_511 = arith.addi %add3A_510, %masked_cumsum3A_509 : vector<16xi32>
      %sub3A_512 = arith.constant 1 : i32
      %sub3A_513 = vector.broadcast %sub3A_512 : i32 to vector<16xi32>
      %sub3A_514 = arith.subi %add3A_511, %sub3A_513 : vector<16xi32>
      %broadcast_in_dim3A_515 = arith.constant 0 : i32
      %broadcast_in_dim3A_516 = vector.broadcast %broadcast_in_dim3A_515 : i32 to vector<16xi32>
      %gather3A = tpu.vector_load_idx %arg19[%sub3A_505, %broadcast_in_dim3A_516] masked %and3A_497 : memref<72x128xf32, #tpu.memory_space<vmem>>[vector<16xi32>, vector<16xi32>], vector<16xf32>, vector<16xi1>
      tpu.vector_store_idx %arg20[%sub3A_514, %broadcast_in_dim3A_516], %gather3A masked %and3A_497 : memref<128x128xf32, #tpu.memory_space<vmem>>[vector<16xi32>, vector<16xi32>], vector<16xf32>, vector<16xi1>
      %broadcast_in_dim3A_517 = arith.constant 1 : i32
      %broadcast_in_dim3A_518 = vector.broadcast %broadcast_in_dim3A_517 : i32 to vector<16xi32>
      %gather3A_519 = tpu.vector_load_idx %arg19[%sub3A_505, %broadcast_in_dim3A_518] masked %and3A_497 : memref<72x128xf32, #tpu.memory_space<vmem>>[vector<16xi32>, vector<16xi32>], vector<16xf32>, vector<16xi1>
      tpu.vector_store_idx %arg20[%sub3A_514, %broadcast_in_dim3A_518], %gather3A_519 masked %and3A_497 : memref<128x128xf32, #tpu.memory_space<vmem>>[vector<16xi32>, vector<16xi32>], vector<16xf32>, vector<16xi1>
      %broadcast_in_dim3A_520 = arith.constant 2 : i32
      %broadcast_in_dim3A_521 = vector.broadcast %broadcast_in_dim3A_520 : i32 to vector<16xi32>
      %gather3A_522 = tpu.vector_load_idx %arg19[%sub3A_505, %broadcast_in_dim3A_521] masked %and3A_497 : memref<72x128xf32, #tpu.memory_space<vmem>>[vector<16xi32>, vector<16xi32>], vector<16xf32>, vector<16xi1>
      tpu.vector_store_idx %arg20[%sub3A_514, %broadcast_in_dim3A_521], %gather3A_522 masked %and3A_497 : memref<128x128xf32, #tpu.memory_space<vmem>>[vector<16xi32>, vector<16xi32>], vector<16xf32>, vector<16xi1>
      %broadcast_in_dim3A_523 = arith.constant 3 : i32
      %broadcast_in_dim3A_524 = vector.broadcast %broadcast_in_dim3A_523 : i32 to vector<16xi32>
      %gather3A_525 = tpu.vector_load_idx %arg19[%sub3A_505, %broadcast_in_dim3A_524] masked %and3A_497 : memref<72x128xf32, #tpu.memory_space<vmem>>[vector<16xi32>, vector<16xi32>], vector<16xf32>, vector<16xi1>
      tpu.vector_store_idx %arg20[%sub3A_514, %broadcast_in_dim3A_524], %gather3A_525 masked %and3A_497 : memref<128x128xf32, #tpu.memory_space<vmem>>[vector<16xi32>, vector<16xi32>], vector<16xf32>, vector<16xi1>
      %broadcast_in_dim3A_526 = arith.constant 4 : i32
      %broadcast_in_dim3A_527 = vector.broadcast %broadcast_in_dim3A_526 : i32 to vector<16xi32>
      %gather3A_528 = tpu.vector_load_idx %arg19[%sub3A_505, %broadcast_in_dim3A_527] masked %and3A_497 : memref<72x128xf32, #tpu.memory_space<vmem>>[vector<16xi32>, vector<16xi32>], vector<16xf32>, vector<16xi1>
      tpu.vector_store_idx %arg20[%sub3A_514, %broadcast_in_dim3A_527], %gather3A_528 masked %and3A_497 : memref<128x128xf32, #tpu.memory_space<vmem>>[vector<16xi32>, vector<16xi32>], vector<16xf32>, vector<16xi1>
      %broadcast_in_dim3A_529 = arith.constant 5 : i32
      %broadcast_in_dim3A_530 = vector.broadcast %broadcast_in_dim3A_529 : i32 to vector<16xi32>
      %gather3A_531 = tpu.vector_load_idx %arg19[%sub3A_505, %broadcast_in_dim3A_530] masked %and3A_497 : memref<72x128xf32, #tpu.memory_space<vmem>>[vector<16xi32>, vector<16xi32>], vector<16xf32>, vector<16xi1>
      tpu.vector_store_idx %arg20[%sub3A_514, %broadcast_in_dim3A_530], %gather3A_531 masked %and3A_497 : memref<128x128xf32, #tpu.memory_space<vmem>>[vector<16xi32>, vector<16xi32>], vector<16xf32>, vector<16xi1>
      %broadcast_in_dim3A_532 = arith.constant 6 : i32
      %broadcast_in_dim3A_533 = vector.broadcast %broadcast_in_dim3A_532 : i32 to vector<16xi32>
      %gather3A_534 = tpu.vector_load_idx %arg19[%sub3A_505, %broadcast_in_dim3A_533] masked %and3A_497 : memref<72x128xf32, #tpu.memory_space<vmem>>[vector<16xi32>, vector<16xi32>], vector<16xf32>, vector<16xi1>
      tpu.vector_store_idx %arg20[%sub3A_514, %broadcast_in_dim3A_533], %gather3A_534 masked %and3A_497 : memref<128x128xf32, #tpu.memory_space<vmem>>[vector<16xi32>, vector<16xi32>], vector<16xf32>, vector<16xi1>
      %broadcast_in_dim3A_535 = arith.constant 7 : i32
      %broadcast_in_dim3A_536 = vector.broadcast %broadcast_in_dim3A_535 : i32 to vector<16xi32>
      %gather3A_537 = tpu.vector_load_idx %arg19[%sub3A_505, %broadcast_in_dim3A_536] masked %and3A_497 : memref<72x128xf32, #tpu.memory_space<vmem>>[vector<16xi32>, vector<16xi32>], vector<16xf32>, vector<16xi1>
      tpu.vector_store_idx %arg20[%sub3A_514, %broadcast_in_dim3A_536], %gather3A_537 masked %and3A_497 : memref<128x128xf32, #tpu.memory_space<vmem>>[vector<16xi32>, vector<16xi32>], vector<16xf32>, vector<16xi1>
      %broadcast_in_dim3A_538 = arith.constant 8 : i32
      %broadcast_in_dim3A_539 = vector.broadcast %broadcast_in_dim3A_538 : i32 to vector<16xi32>
      %gather3A_540 = tpu.vector_load_idx %arg19[%sub3A_505, %broadcast_in_dim3A_539] masked %and3A_497 : memref<72x128xf32, #tpu.memory_space<vmem>>[vector<16xi32>, vector<16xi32>], vector<16xf32>, vector<16xi1>
      tpu.vector_store_idx %arg20[%sub3A_514, %broadcast_in_dim3A_539], %gather3A_540 masked %and3A_497 : memref<128x128xf32, #tpu.memory_space<vmem>>[vector<16xi32>, vector<16xi32>], vector<16xf32>, vector<16xi1>
      %broadcast_in_dim3A_541 = arith.constant 9 : i32
      %broadcast_in_dim3A_542 = vector.broadcast %broadcast_in_dim3A_541 : i32 to vector<16xi32>
      %gather3A_543 = tpu.vector_load_idx %arg19[%sub3A_505, %broadcast_in_dim3A_542] masked %and3A_497 : memref<72x128xf32, #tpu.memory_space<vmem>>[vector<16xi32>, vector<16xi32>], vector<16xf32>, vector<16xi1>
      tpu.vector_store_idx %arg20[%sub3A_514, %broadcast_in_dim3A_542], %gather3A_543 masked %and3A_497 : memref<128x128xf32, #tpu.memory_space<vmem>>[vector<16xi32>, vector<16xi32>], vector<16xf32>, vector<16xi1>
      %broadcast_in_dim3A_544 = arith.constant 10 : i32
      %broadcast_in_dim3A_545 = vector.broadcast %broadcast_in_dim3A_544 : i32 to vector<16xi32>
      %gather3A_546 = tpu.vector_load_idx %arg19[%sub3A_505, %broadcast_in_dim3A_545] masked %and3A_497 : memref<72x128xf32, #tpu.memory_space<vmem>>[vector<16xi32>, vector<16xi32>], vector<16xf32>, vector<16xi1>
      tpu.vector_store_idx %arg20[%sub3A_514, %broadcast_in_dim3A_545], %gather3A_546 masked %and3A_497 : memref<128x128xf32, #tpu.memory_space<vmem>>[vector<16xi32>, vector<16xi32>], vector<16xf32>, vector<16xi1>
      %broadcast_in_dim3A_547 = arith.constant 11 : i32
      %broadcast_in_dim3A_548 = vector.broadcast %broadcast_in_dim3A_547 : i32 to vector<16xi32>
      %gather3A_549 = tpu.vector_load_idx %arg19[%sub3A_505, %broadcast_in_dim3A_548] masked %and3A_497 : memref<72x128xf32, #tpu.memory_space<vmem>>[vector<16xi32>, vector<16xi32>], vector<16xf32>, vector<16xi1>
      tpu.vector_store_idx %arg20[%sub3A_514, %broadcast_in_dim3A_548], %gather3A_549 masked %and3A_497 : memref<128x128xf32, #tpu.memory_space<vmem>>[vector<16xi32>, vector<16xi32>], vector<16xf32>, vector<16xi1>
      %broadcast_in_dim3A_550 = arith.constant 12 : i32
      %broadcast_in_dim3A_551 = vector.broadcast %broadcast_in_dim3A_550 : i32 to vector<16xi32>
      %gather3A_552 = tpu.vector_load_idx %arg19[%sub3A_505, %broadcast_in_dim3A_551] masked %and3A_497 : memref<72x128xf32, #tpu.memory_space<vmem>>[vector<16xi32>, vector<16xi32>], vector<16xf32>, vector<16xi1>
      tpu.vector_store_idx %arg20[%sub3A_514, %broadcast_in_dim3A_551], %gather3A_552 masked %and3A_497 : memref<128x128xf32, #tpu.memory_space<vmem>>[vector<16xi32>, vector<16xi32>], vector<16xf32>, vector<16xi1>
      %broadcast_in_dim3A_553 = arith.constant 13 : i32
      %broadcast_in_dim3A_554 = vector.broadcast %broadcast_in_dim3A_553 : i32 to vector<16xi32>
      %gather3A_555 = tpu.vector_load_idx %arg19[%sub3A_505, %broadcast_in_dim3A_554] masked %and3A_497 : memref<72x128xf32, #tpu.memory_space<vmem>>[vector<16xi32>, vector<16xi32>], vector<16xf32>, vector<16xi1>
      tpu.vector_store_idx %arg20[%sub3A_514, %broadcast_in_dim3A_554], %gather3A_555 masked %and3A_497 : memref<128x128xf32, #tpu.memory_space<vmem>>[vector<16xi32>, vector<16xi32>], vector<16xf32>, vector<16xi1>
      %broadcast_in_dim3A_556 = arith.constant 14 : i32
      %broadcast_in_dim3A_557 = vector.broadcast %broadcast_in_dim3A_556 : i32 to vector<16xi32>
      %gather3A_558 = tpu.vector_load_idx %arg19[%sub3A_505, %broadcast_in_dim3A_557] masked %and3A_497 : memref<72x128xf32, #tpu.memory_space<vmem>>[vector<16xi32>, vector<16xi32>], vector<16xf32>, vector<16xi1>
      tpu.vector_store_idx %arg20[%sub3A_514, %broadcast_in_dim3A_557], %gather3A_558 masked %and3A_497 : memref<128x128xf32, #tpu.memory_space<vmem>>[vector<16xi32>, vector<16xi32>], vector<16xf32>, vector<16xi1>
      %broadcast_in_dim3A_559 = arith.constant 15 : i32
      %broadcast_in_dim3A_560 = vector.broadcast %broadcast_in_dim3A_559 : i32 to vector<16xi32>
      %gather3A_561 = tpu.vector_load_idx %arg19[%sub3A_505, %broadcast_in_dim3A_560] masked %and3A_497 : memref<72x128xf32, #tpu.memory_space<vmem>>[vector<16xi32>, vector<16xi32>], vector<16xf32>, vector<16xi1>
      tpu.vector_store_idx %arg20[%sub3A_514, %broadcast_in_dim3A_560], %gather3A_561 masked %and3A_497 : memref<128x128xf32, #tpu.memory_space<vmem>>[vector<16xi32>, vector<16xi32>], vector<16xf32>, vector<16xi1>
      %broadcast_in_dim3A_562 = arith.constant 16 : i32
      %broadcast_in_dim3A_563 = vector.broadcast %broadcast_in_dim3A_562 : i32 to vector<16xi32>
      %gather3A_564 = tpu.vector_load_idx %arg19[%sub3A_505, %broadcast_in_dim3A_563] masked %and3A_497 : memref<72x128xf32, #tpu.memory_space<vmem>>[vector<16xi32>, vector<16xi32>], vector<16xf32>, vector<16xi1>
      tpu.vector_store_idx %arg20[%sub3A_514, %broadcast_in_dim3A_563], %gather3A_564 masked %and3A_497 : memref<128x128xf32, #tpu.memory_space<vmem>>[vector<16xi32>, vector<16xi32>], vector<16xf32>, vector<16xi1>
      %broadcast_in_dim3A_565 = arith.constant 17 : i32
      %broadcast_in_dim3A_566 = vector.broadcast %broadcast_in_dim3A_565 : i32 to vector<16xi32>
      %gather3A_567 = tpu.vector_load_idx %arg19[%sub3A_505, %broadcast_in_dim3A_566] masked %and3A_497 : memref<72x128xf32, #tpu.memory_space<vmem>>[vector<16xi32>, vector<16xi32>], vector<16xf32>, vector<16xi1>
      tpu.vector_store_idx %arg20[%sub3A_514, %broadcast_in_dim3A_566], %gather3A_567 masked %and3A_497 : memref<128x128xf32, #tpu.memory_space<vmem>>[vector<16xi32>, vector<16xi32>], vector<16xf32>, vector<16xi1>
      %broadcast_in_dim3A_568 = arith.constant 18 : i32
      %broadcast_in_dim3A_569 = vector.broadcast %broadcast_in_dim3A_568 : i32 to vector<16xi32>
      %gather3A_570 = tpu.vector_load_idx %arg19[%sub3A_505, %broadcast_in_dim3A_569] masked %and3A_497 : memref<72x128xf32, #tpu.memory_space<vmem>>[vector<16xi32>, vector<16xi32>], vector<16xf32>, vector<16xi1>
      tpu.vector_store_idx %arg20[%sub3A_514, %broadcast_in_dim3A_569], %gather3A_570 masked %and3A_497 : memref<128x128xf32, #tpu.memory_space<vmem>>[vector<16xi32>, vector<16xi32>], vector<16xf32>, vector<16xi1>
      %broadcast_in_dim3A_571 = arith.constant 19 : i32
      %broadcast_in_dim3A_572 = vector.broadcast %broadcast_in_dim3A_571 : i32 to vector<16xi32>
      %gather3A_573 = tpu.vector_load_idx %arg19[%sub3A_505, %broadcast_in_dim3A_572] masked %and3A_497 : memref<72x128xf32, #tpu.memory_space<vmem>>[vector<16xi32>, vector<16xi32>], vector<16xf32>, vector<16xi1>
      tpu.vector_store_idx %arg20[%sub3A_514, %broadcast_in_dim3A_572], %gather3A_573 masked %and3A_497 : memref<128x128xf32, #tpu.memory_space<vmem>>[vector<16xi32>, vector<16xi32>], vector<16xf32>, vector<16xi1>
      %broadcast_in_dim3A_574 = arith.constant 20 : i32
      %broadcast_in_dim3A_575 = vector.broadcast %broadcast_in_dim3A_574 : i32 to vector<16xi32>
      %gather3A_576 = tpu.vector_load_idx %arg19[%sub3A_505, %broadcast_in_dim3A_575] masked %and3A_497 : memref<72x128xf32, #tpu.memory_space<vmem>>[vector<16xi32>, vector<16xi32>], vector<16xf32>, vector<16xi1>
      tpu.vector_store_idx %arg20[%sub3A_514, %broadcast_in_dim3A_575], %gather3A_576 masked %and3A_497 : memref<128x128xf32, #tpu.memory_space<vmem>>[vector<16xi32>, vector<16xi32>], vector<16xf32>, vector<16xi1>
      %broadcast_in_dim3A_577 = arith.constant 21 : i32
      %broadcast_in_dim3A_578 = vector.broadcast %broadcast_in_dim3A_577 : i32 to vector<16xi32>
      %gather3A_579 = tpu.vector_load_idx %arg19[%sub3A_505, %broadcast_in_dim3A_578] masked %and3A_497 : memref<72x128xf32, #tpu.memory_space<vmem>>[vector<16xi32>, vector<16xi32>], vector<16xf32>, vector<16xi1>
      tpu.vector_store_idx %arg20[%sub3A_514, %broadcast_in_dim3A_578], %gather3A_579 masked %and3A_497 : memref<128x128xf32, #tpu.memory_space<vmem>>[vector<16xi32>, vector<16xi32>], vector<16xf32>, vector<16xi1>
      %broadcast_in_dim3A_580 = arith.constant 22 : i32
      %broadcast_in_dim3A_581 = vector.broadcast %broadcast_in_dim3A_580 : i32 to vector<16xi32>
      %gather3A_582 = tpu.vector_load_idx %arg19[%sub3A_505, %broadcast_in_dim3A_581] masked %and3A_497 : memref<72x128xf32, #tpu.memory_space<vmem>>[vector<16xi32>, vector<16xi32>], vector<16xf32>, vector<16xi1>
      tpu.vector_store_idx %arg20[%sub3A_514, %broadcast_in_dim3A_581], %gather3A_582 masked %and3A_497 : memref<128x128xf32, #tpu.memory_space<vmem>>[vector<16xi32>, vector<16xi32>], vector<16xf32>, vector<16xi1>
      %broadcast_in_dim3A_583 = arith.constant 23 : i32
      %broadcast_in_dim3A_584 = vector.broadcast %broadcast_in_dim3A_583 : i32 to vector<16xi32>
      %gather3A_585 = tpu.vector_load_idx %arg19[%sub3A_505, %broadcast_in_dim3A_584] masked %and3A_497 : memref<72x128xf32, #tpu.memory_space<vmem>>[vector<16xi32>, vector<16xi32>], vector<16xf32>, vector<16xi1>
      tpu.vector_store_idx %arg20[%sub3A_514, %broadcast_in_dim3A_584], %gather3A_585 masked %and3A_497 : memref<128x128xf32, #tpu.memory_space<vmem>>[vector<16xi32>, vector<16xi32>], vector<16xf32>, vector<16xi1>
      %broadcast_in_dim3A_586 = arith.constant 24 : i32
      %broadcast_in_dim3A_587 = vector.broadcast %broadcast_in_dim3A_586 : i32 to vector<16xi32>
      %gather3A_588 = tpu.vector_load_idx %arg19[%sub3A_505, %broadcast_in_dim3A_587] masked %and3A_497 : memref<72x128xf32, #tpu.memory_space<vmem>>[vector<16xi32>, vector<16xi32>], vector<16xf32>, vector<16xi1>
      tpu.vector_store_idx %arg20[%sub3A_514, %broadcast_in_dim3A_587], %gather3A_588 masked %and3A_497 : memref<128x128xf32, #tpu.memory_space<vmem>>[vector<16xi32>, vector<16xi32>], vector<16xf32>, vector<16xi1>
      %broadcast_in_dim3A_589 = arith.constant 25 : i32
      %broadcast_in_dim3A_590 = vector.broadcast %broadcast_in_dim3A_589 : i32 to vector<16xi32>
      %gather3A_591 = tpu.vector_load_idx %arg19[%sub3A_505, %broadcast_in_dim3A_590] masked %and3A_497 : memref<72x128xf32, #tpu.memory_space<vmem>>[vector<16xi32>, vector<16xi32>], vector<16xf32>, vector<16xi1>
      tpu.vector_store_idx %arg20[%sub3A_514, %broadcast_in_dim3A_590], %gather3A_591 masked %and3A_497 : memref<128x128xf32, #tpu.memory_space<vmem>>[vector<16xi32>, vector<16xi32>], vector<16xf32>, vector<16xi1>
      %broadcast_in_dim3A_592 = arith.constant 26 : i32
      %broadcast_in_dim3A_593 = vector.broadcast %broadcast_in_dim3A_592 : i32 to vector<16xi32>
      %gather3A_594 = tpu.vector_load_idx %arg19[%sub3A_505, %broadcast_in_dim3A_593] masked %and3A_497 : memref<72x128xf32, #tpu.memory_space<vmem>>[vector<16xi32>, vector<16xi32>], vector<16xf32>, vector<16xi1>
      tpu.vector_store_idx %arg20[%sub3A_514, %broadcast_in_dim3A_593], %gather3A_594 masked %and3A_497 : memref<128x128xf32, #tpu.memory_space<vmem>>[vector<16xi32>, vector<16xi32>], vector<16xf32>, vector<16xi1>
      %broadcast_in_dim3A_595 = arith.constant 27 : i32
      %broadcast_in_dim3A_596 = vector.broadcast %broadcast_in_dim3A_595 : i32 to vector<16xi32>
      %gather3A_597 = tpu.vector_load_idx %arg19[%sub3A_505, %broadcast_in_dim3A_596] masked %and3A_497 : memref<72x128xf32, #tpu.memory_space<vmem>>[vector<16xi32>, vector<16xi32>], vector<16xf32>, vector<16xi1>
      tpu.vector_store_idx %arg20[%sub3A_514, %broadcast_in_dim3A_596], %gather3A_597 masked %and3A_497 : memref<128x128xf32, #tpu.memory_space<vmem>>[vector<16xi32>, vector<16xi32>], vector<16xf32>, vector<16xi1>
      %broadcast_in_dim3A_598 = arith.constant 28 : i32
      %broadcast_in_dim3A_599 = vector.broadcast %broadcast_in_dim3A_598 : i32 to vector<16xi32>
      %gather3A_600 = tpu.vector_load_idx %arg19[%sub3A_505, %broadcast_in_dim3A_599] masked %and3A_497 : memref<72x128xf32, #tpu.memory_space<vmem>>[vector<16xi32>, vector<16xi32>], vector<16xf32>, vector<16xi1>
      tpu.vector_store_idx %arg20[%sub3A_514, %broadcast_in_dim3A_599], %gather3A_600 masked %and3A_497 : memref<128x128xf32, #tpu.memory_space<vmem>>[vector<16xi32>, vector<16xi32>], vector<16xf32>, vector<16xi1>
      %broadcast_in_dim3A_601 = arith.constant 29 : i32
      %broadcast_in_dim3A_602 = vector.broadcast %broadcast_in_dim3A_601 : i32 to vector<16xi32>
      %gather3A_603 = tpu.vector_load_idx %arg19[%sub3A_505, %broadcast_in_dim3A_602] masked %and3A_497 : memref<72x128xf32, #tpu.memory_space<vmem>>[vector<16xi32>, vector<16xi32>], vector<16xf32>, vector<16xi1>
      tpu.vector_store_idx %arg20[%sub3A_514, %broadcast_in_dim3A_602], %gather3A_603 masked %and3A_497 : memref<128x128xf32, #tpu.memory_space<vmem>>[vector<16xi32>, vector<16xi32>], vector<16xf32>, vector<16xi1>
      %broadcast_in_dim3A_604 = arith.constant 30 : i32
      %broadcast_in_dim3A_605 = vector.broadcast %broadcast_in_dim3A_604 : i32 to vector<16xi32>
      %gather3A_606 = tpu.vector_load_idx %arg19[%sub3A_505, %broadcast_in_dim3A_605] masked %and3A_497 : memref<72x128xf32, #tpu.memory_space<vmem>>[vector<16xi32>, vector<16xi32>], vector<16xf32>, vector<16xi1>
      tpu.vector_store_idx %arg20[%sub3A_514, %broadcast_in_dim3A_605], %gather3A_606 masked %and3A_497 : memref<128x128xf32, #tpu.memory_space<vmem>>[vector<16xi32>, vector<16xi32>], vector<16xf32>, vector<16xi1>
      %broadcast_in_dim3A_607 = arith.constant 31 : i32
      %broadcast_in_dim3A_608 = vector.broadcast %broadcast_in_dim3A_607 : i32 to vector<16xi32>
      %gather3A_609 = tpu.vector_load_idx %arg19[%sub3A_505, %broadcast_in_dim3A_608] masked %and3A_497 : memref<72x128xf32, #tpu.memory_space<vmem>>[vector<16xi32>, vector<16xi32>], vector<16xf32>, vector<16xi1>
      tpu.vector_store_idx %arg20[%sub3A_514, %broadcast_in_dim3A_608], %gather3A_609 masked %and3A_497 : memref<128x128xf32, #tpu.memory_space<vmem>>[vector<16xi32>, vector<16xi32>], vector<16xf32>, vector<16xi1>
      tpu.vector_store_idx %arg16[%sub3A_514], %get3A_502 masked %and3A_497 : memref<128xi32, #tpu.memory_space<vmem>>[vector<16xi32>], vector<16xi32>, vector<16xi1>
      %reduce_sum3A_610 = arith.constant true
      %reduce_sum3A_611 = vector.broadcast %reduce_sum3A_610 : i1 to vector<16xi1>
      %reduce_sum3A_612 = tpu.scan <sum>, %convert_element_type3A_506 masked %reduce_sum3A_611 : vector<16xi32>, vector<16xi1> -> vector<16xi32>
      %reduce_sum3A_613 = vector.extract %reduce_sum3A_612[15] : i32 from vector<16xi32>
      %add3A_614 = arith.addi %while3A_488, %reduce_sum3A_613 : i32
      %gt3A_615 = arith.constant 112 : i32
      %gt3A_616 = arith.cmpi sgt, %add3A_614, %gt3A_615 : i32
      %convert_element_type3A_617 = arith.extui %gt3A_616 : i1 to i32
      %cond3A_618 = arith.constant 0 : i32
      %cond3A_619 = arith.cmpi ne, %convert_element_type3A_617, %cond3A_618 : i32
      scf.if %cond3A_619 {
        %dma_start3A_624 = arith.constant 0 : i32
        %dma_start3A_625 = arith.constant 0 : i32
        %dma_start3A_626 = tpu.memref_slice %arg6[%dma_start3A_624, %dma_start3A_625] : memref<16384x128xf32, #tpu.memory_space<hbm>> -> memref<16384x128xf32, #tpu.memory_space<hbm>>
        %dma_start3A_627 = arith.constant -1 : i32
        tpu.enqueue_indirect_dma source(%arg20 : memref<128x128xf32, #tpu.memory_space<vmem>>) target(%dma_start3A_626 : memref<16384x128xf32, #tpu.memory_space<hbm>>) offsets(%arg16 : memref<128xi32, #tpu.memory_space<vmem>>) offset_filter(%dma_start3A_627) semaphore(%arg23 : memref<!tpu.dma_semaphore, #tpu.memory_space<semaphore_mem>>)
        %dma_wait3A = arith.constant 0 : i32
        %dma_wait3A_628 = arith.constant 0 : i32
        %dma_wait3A_629 = tpu.memref_slice %arg6[%dma_wait3A, %dma_wait3A_628] : memref<16384x128xf32, #tpu.memory_space<hbm>> -> memref<16384x128xf32, #tpu.memory_space<hbm>>
        tpu.wait_indirect_dma semaphore(%arg23 : memref<!tpu.dma_semaphore, #tpu.memory_space<semaphore_mem>>) src(%arg20 : memref<128x128xf32, #tpu.memory_space<vmem>>) dst(%dma_wait3A_629 : memref<16384x128xf32, #tpu.memory_space<hbm>>)
        %swap3A_630 = arith.constant 0 : index
        %swap3A_631 = tpu.vector_load %arg16[%swap3A_630] {strides = array<i32>} : memref<128xi32, #tpu.memory_space<vmem>>, vector<16xi32>,
        tpu.vector_store %arg16[%swap3A_630], %broadcast_in_dim3A_11 {strides = array<i32>} : memref<128xi32, #tpu.memory_space<vmem>>, vector<16xi32>,
        %swap3A_632 = arith.constant 16 : index
        %swap3A_633 = tpu.vector_load %arg16[%swap3A_632] {strides = array<i32>} : memref<128xi32, #tpu.memory_space<vmem>>, vector<16xi32>,
        tpu.vector_store %arg16[%swap3A_632], %broadcast_in_dim3A_11 {strides = array<i32>} : memref<128xi32, #tpu.memory_space<vmem>>, vector<16xi32>,
        %swap3A_634 = arith.constant 32 : index
        %swap3A_635 = tpu.vector_load %arg16[%swap3A_634] {strides = array<i32>} : memref<128xi32, #tpu.memory_space<vmem>>, vector<16xi32>,
        tpu.vector_store %arg16[%swap3A_634], %broadcast_in_dim3A_11 {strides = array<i32>} : memref<128xi32, #tpu.memory_space<vmem>>, vector<16xi32>,
        %swap3A_636 = arith.constant 48 : index
        %swap3A_637 = tpu.vector_load %arg16[%swap3A_636] {strides = array<i32>} : memref<128xi32, #tpu.memory_space<vmem>>, vector<16xi32>,
        tpu.vector_store %arg16[%swap3A_636], %broadcast_in_dim3A_11 {strides = array<i32>} : memref<128xi32, #tpu.memory_space<vmem>>, vector<16xi32>,
        %swap3A_638 = arith.constant 64 : index
        %swap3A_639 = tpu.vector_load %arg16[%swap3A_638] {strides = array<i32>} : memref<128xi32, #tpu.memory_space<vmem>>, vector<16xi32>,
        tpu.vector_store %arg16[%swap3A_638], %broadcast_in_dim3A_11 {strides = array<i32>} : memref<128xi32, #tpu.memory_space<vmem>>, vector<16xi32>,
        %swap3A_640 = arith.constant 80 : index
        %swap3A_641 = tpu.vector_load %arg16[%swap3A_640] {strides = array<i32>} : memref<128xi32, #tpu.memory_space<vmem>>, vector<16xi32>,
        tpu.vector_store %arg16[%swap3A_640], %broadcast_in_dim3A_11 {strides = array<i32>} : memref<128xi32, #tpu.memory_space<vmem>>, vector<16xi32>,
        %swap3A_642 = arith.constant 96 : index
        %swap3A_643 = tpu.vector_load %arg16[%swap3A_642] {strides = array<i32>} : memref<128xi32, #tpu.memory_space<vmem>>, vector<16xi32>,
        tpu.vector_store %arg16[%swap3A_642], %broadcast_in_dim3A_11 {strides = array<i32>} : memref<128xi32, #tpu.memory_space<vmem>>, vector<16xi32>,
        %swap3A_644 = arith.constant 112 : index
        %swap3A_645 = tpu.vector_load %arg16[%swap3A_644] {strides = array<i32>} : memref<128xi32, #tpu.memory_space<vmem>>, vector<16xi32>,
        tpu.vector_store %arg16[%swap3A_644], %broadcast_in_dim3A_11 {strides = array<i32>} : memref<128xi32, #tpu.memory_space<vmem>>, vector<16xi32>,
      } else {
      }
      %gt3A_620 = arith.constant 112 : i32
      %gt3A_621 = arith.cmpi sgt, %add3A_614, %gt3A_620 : i32
      %jit3A_622 = arith.constant 0 : i32
      %select_n3A_623 = arith.select %gt3A_621, %jit3A_622, %add3A_614 : i32
      scf.yield %select_n3A_623 : i32
    }
    %gt3A_484 = arith.constant 0 : i32
    %gt3A_485 = arith.cmpi sgt, %while3A_483, %gt3A_484 : i32
    %convert_element_type3A = arith.extui %gt3A_485 : i1 to i32
    %cond3A = arith.constant 0 : i32
    %cond3A_486 = arith.cmpi ne, %convert_element_type3A, %cond3A : i32
    scf.if %cond3A_486 {
      %dma_start3A_487 = arith.constant 0 : i32
      %dma_start3A_488 = arith.constant 0 : i32
      %dma_start3A_489 = tpu.memref_slice %arg6[%dma_start3A_487, %dma_start3A_488] : memref<16384x128xf32, #tpu.memory_space<hbm>> -> memref<16384x128xf32, #tpu.memory_space<hbm>>
      %dma_start3A_490 = arith.constant -1 : i32
      tpu.enqueue_indirect_dma source(%arg20 : memref<128x128xf32, #tpu.memory_space<vmem>>) target(%dma_start3A_489 : memref<16384x128xf32, #tpu.memory_space<hbm>>) offsets(%arg16 : memref<128xi32, #tpu.memory_space<vmem>>) offset_filter(%dma_start3A_490) semaphore(%arg23 : memref<!tpu.dma_semaphore, #tpu.memory_space<semaphore_mem>>)
      %dma_wait3A = arith.constant 0 : i32
      %dma_wait3A_491 = arith.constant 0 : i32
      %dma_wait3A_492 = tpu.memref_slice %arg6[%dma_wait3A, %dma_wait3A_491] : memref<16384x128xf32, #tpu.memory_space<hbm>> -> memref<16384x128xf32, #tpu.memory_space<hbm>>
      tpu.wait_indirect_dma semaphore(%arg23 : memref<!tpu.dma_semaphore, #tpu.memory_space<semaphore_mem>>) src(%arg20 : memref<128x128xf32, #tpu.memory_space<vmem>>) dst(%dma_wait3A_492 : memref<16384x128xf32, #tpu.memory_space<hbm>>)
      %swap3A_493 = arith.constant 0 : index
      %swap3A_494 = tpu.vector_load %arg16[%swap3A_493] {strides = array<i32>} : memref<128xi32, #tpu.memory_space<vmem>>, vector<16xi32>,
      tpu.vector_store %arg16[%swap3A_493], %broadcast_in_dim3A_11 {strides = array<i32>} : memref<128xi32, #tpu.memory_space<vmem>>, vector<16xi32>,
      %swap3A_495 = arith.constant 16 : index
      %swap3A_496 = tpu.vector_load %arg16[%swap3A_495] {strides = array<i32>} : memref<128xi32, #tpu.memory_space<vmem>>, vector<16xi32>,
      tpu.vector_store %arg16[%swap3A_495], %broadcast_in_dim3A_11 {strides = array<i32>} : memref<128xi32, #tpu.memory_space<vmem>>, vector<16xi32>,
      %swap3A_497 = arith.constant 32 : index
      %swap3A_498 = tpu.vector_load %arg16[%swap3A_497] {strides = array<i32>} : memref<128xi32, #tpu.memory_space<vmem>>, vector<16xi32>,
      tpu.vector_store %arg16[%swap3A_497], %broadcast_in_dim3A_11 {strides = array<i32>} : memref<128xi32, #tpu.memory_space<vmem>>, vector<16xi32>,
      %swap3A_499 = arith.constant 48 : index
      %swap3A_500 = tpu.vector_load %arg16[%swap3A_499] {strides = array<i32>} : memref<128xi32, #tpu.memory_space<vmem>>, vector<16xi32>,
      tpu.vector_store %arg16[%swap3A_499], %broadcast_in_dim3A_11 {strides = array<i32>} : memref<128xi32, #tpu.memory_space<vmem>>, vector<16xi32>,
      %swap3A_501 = arith.constant 64 : index
      %swap3A_502 = tpu.vector_load %arg16[%swap3A_501] {strides = array<i32>} : memref<128xi32, #tpu.memory_space<vmem>>, vector<16xi32>,
      tpu.vector_store %arg16[%swap3A_501], %broadcast_in_dim3A_11 {strides = array<i32>} : memref<128xi32, #tpu.memory_space<vmem>>, vector<16xi32>,
      %swap3A_503 = arith.constant 80 : index
      %swap3A_504 = tpu.vector_load %arg16[%swap3A_503] {strides = array<i32>} : memref<128xi32, #tpu.memory_space<vmem>>, vector<16xi32>,
      tpu.vector_store %arg16[%swap3A_503], %broadcast_in_dim3A_11 {strides = array<i32>} : memref<128xi32, #tpu.memory_space<vmem>>, vector<16xi32>,
      %swap3A_505 = arith.constant 96 : index
      %swap3A_506 = tpu.vector_load %arg16[%swap3A_505] {strides = array<i32>} : memref<128xi32, #tpu.memory_space<vmem>>, vector<16xi32>,
      tpu.vector_store %arg16[%swap3A_505], %broadcast_in_dim3A_11 {strides = array<i32>} : memref<128xi32, #tpu.memory_space<vmem>>, vector<16xi32>,
      %swap3A_507 = arith.constant 112 : index
      %swap3A_508 = tpu.vector_load %arg16[%swap3A_507] {strides = array<i32>} : memref<128xi32, #tpu.memory_space<vmem>>, vector<16xi32>,
      tpu.vector_store %arg16[%swap3A_507], %broadcast_in_dim3A_11 {strides = array<i32>} : memref<128xi32, #tpu.memory_space<vmem>>, vector<16xi32>,
    } else {
    }
    return
  }
}

</mosaic_0001>

<sc_bundles>
// kernel: kernel.3.cloned.1.call-start
scs
__scs_entry_jumppad:
0x0: {  	(pc) =	sbr.rel $0x88, $3  }
0x1: {  	(tag) =	ssettag $0x0;
	lr =	simm.s32 $0x1  }
0x2: {  	[smem:$0x3F9E] =	sst lr;
	_ =	strace $0xD0000000  }
0x3: {  	_ = 	snop  }
0x4: {  	_ = 	snop  }
0x5: {  	_ = 	snop  }
0x6: {  	_ = 	snop  }
0x7: {  	_ = 	snop  }
__scs_overlays_trampoline_lowered:
0x8: {  	[smem:$0x3FAD] =	sst s0  }
0x9: {  	[smem:$0x3FAE] =	sst s1  }
0xa: {  	[smem:$0x3FAF] =	sst s2  }
0xb: {  	[smem:$0x3FB0] =	sst s3  }
0xc: {  	[smem:$0x3FB1] =	sst s4  }
0xd: {  	[smem:$0x3FB2] =	sst s5  }
0xe: {  	[smem:$0x3FB3] =	sst s6  }
0xf: {  	[smem:$0x3FB4] =	sst s7  }
0x10: {  	[smem:$0x3FB5] =	sst s8  }
0x11: {  	[smem:$0x3FB6] =	sst s9;
	s0 =	simm.s32 @!p0 $0x0  }
0x12: {  	s1 =	sld [smem:$0x3F9C];
	s0 =	simm.s32 @p0 $0x1  }
0x13: {  	[smem:$0x3FB7] =	sst s0;
	s0 =	simm.s32 @!p1 $0x0  }
0x14: {  	s2 =	sld [smem:$0x3F9B];
	s0 =	simm.s32 @p1 $0x1  }
0x15: {  	[smem:$0x3FB8] =	sst s0;
	s0 =	simm.s32 @!p2 $0x0  }
0x16: {  	s3 =	sld [smem:$0x3FDB];
	s0 =	simm.s32 @p2 $0x1  }
0x17: {  	s4 =	simm.s32 $0x1BF5;
	[smem:$0x3FBA] =	sst s0  }
0x18: {  	s0 =	sld [smem:$0x3F9D];
	_ =	swait.ge [sflag:s4], $0x0  }
0x19: {  	s7 =	sld [smem:$0x3F9E]  }
0x1a: {  	s8 =	sadd.s32 $0xFFFFE003, lr  }
0x1b: {  	s9 =	sadd.s32 $0xFFFFFEF7, lr;
	s5 =	simm.s32 $0xFFFFFFFF;
	p2 =	slt.u32 s8, $0xFFFFF086  }
0x1c: {  	p1 =	slt.u32 s9, $0xF7A;
	s5 =	simm.s32 @!p2 $0x0  }
0x1d: {  	s5 =	simm.s32 @p1 $0x1;
	p0 =	seq.s32 s7, s2  }
0x1e: {  	s7 =	smul.u32 @!p0 $0xF7A, s2;
	p2 =	seq.s32 @!p0 s5, $0x0  }
0x1f: {  	s9 =	smul.u32 $0xF7A, s1;
	s8 =	simm.s32 @!p0 $0x1BF5;
	p2 =	por !p2, p0  }
0x20: {  	[sflag:s8] =	ssyncset.s32 @!p0 $0xFFFFF086;
	s6 =	sadd.s32 @!p0 s3, s7;
	s7 =	simm.s32 @!p0 $0x108  }
0x21: {  	s3 =	sadd.s32 s3, s9;
	s6 =	sadd.s32 @!p0 $0x88, s6;
	s7 =	simm.s32 @p2 $0x1082  }
0x22: {  	[simem:s7], [sflag:s8] =	dma.local @!p0 [hbm:s6], $0xF7A  }
0x23: {  	s9 =	sor.u32 $0xD0000000, s2;
	s6 =	simm.s32 $0x108;
	_ =	swait.ge @!p0 [sflag:s8], $0x0  }
0x24: {  	s3 =	sadd.s32 $0x88, s3;
	s6 =	simm.s32 @!p1 $0x1082;
	[sflag:s4] =	ssyncset.s32 $0xFFFFF086  }
0x25: {  	[simem:s6], [sflag:s4] =	dma.local [hbm:s3], $0xF7A  }
0x26: {  	[smem:$0x3F9E] =	sst s1;
	(tag) =	ssettag s2;
	_ =	strace s9  }
0x27: {  	s1 =	sld [smem:$0x3FAE]  }
0x28: {  	s2 =	sld [smem:$0x3FAF]  }
0x29: {  	s4 =	sld [smem:$0x3FB1]  }
0x2a: {  	p0 =	seq.s32 s5, $0x0;
	s5 =	sld [smem:$0x3FB2]  }
0x2b: {  	s6 =	sld [smem:$0x3FB3]  }
0x2c: {  	s7 =	sld [smem:$0x3FB4]  }
0x2d: {  	s3 =	simm.s32 $0x108;
	s8 =	sld [smem:$0x3FB5]  }
0x2e: {  	s3 =	simm.s32 @!p0 $0x1082;
	s9 =	sld [smem:$0x3FB6]  }
0x2f: {  	lr =	sadd.s32 s0, s3;
	s0 =	sld [smem:$0x3FAD]  }
0x30: {  	s3 =	sld [smem:$0x3FB0]  }
0x31: {  	[smem:$0x3FB9] =	sst s10  }
0x32: {  	s10 =	sld [smem:$0x3FB7];
	_ =	sdelay $0x3  }
0x33: {  	p0 =	seq.s32 s10, $0x1;
	s10 =	sld [smem:$0x3FB9];
	_ =	sdelay $0x3  }
0x34: {  	[smem:$0x3FB9] =	sst s10  }
0x35: {  	s10 =	sld [smem:$0x3FB8];
	_ =	sdelay $0x3  }
0x36: {  	p1 =	seq.s32 s10, $0x1;
	s10 =	sld [smem:$0x3FB9];
	_ =	sdelay $0x3  }
0x37: {  	[smem:$0x3FB9] =	sst s10  }
0x38: {  	s10 =	sld [smem:$0x3FBA]  }
0x39: {  	_ = 	snop;
	(pc) =	sbr.ind lr, $3  }
0x3a: {  	_ = 	snop  }
0x3b: {  	_ = 	snop  }
0x3c: {  	p2 =	seq.s32 s10, $0x1;
	s10 =	sld [smem:$0x3FB9]  }
0x3d: {  	_ =	shalt  }
0x3e: {  	_ =	shalt  }
0x3f: {  	_ =	shalt  }
0x40: {  	_ =	shalt  }
0x41: {  	_ =	shalt  }
0x42: {  	_ =	shalt  }
0x43: {  	_ =	shalt  }
0x44: {  	_ =	shalt  }
0x45: {  	_ =	shalt  }
0x46: {  	_ =	shalt  }
0x47: {  	_ =	shalt  }
0x48: {  	_ =	shalt  }
0x49: {  	_ =	shalt  }
0x4a: {  	_ =	shalt  }
0x4b: {  	_ =	shalt  }
0x4c: {  	_ =	shalt  }
0x4d: {  	_ =	shalt  }
0x4e: {  	_ =	shalt  }
0x4f: {  	_ =	shalt  }
0x50: {  	_ =	shalt  }
0x51: {  	_ =	shalt  }
0x52: {  	_ =	shalt  }
0x53: {  	_ =	shalt  }
0x54: {  	_ =	shalt  }
0x55: {  	_ =	shalt  }
0x56: {  	_ =	shalt  }
0x57: {  	_ =	shalt  }
0x58: {  	_ =	shalt  }
0x59: {  	_ =	shalt  }
0x5a: {  	_ =	shalt  }
0x5b: {  	_ =	shalt  }
0x5c: {  	_ =	shalt  }
0x5d: {  	_ =	shalt  }
0x5e: {  	_ =	shalt  }
0x5f: {  	_ =	shalt  }
0x60: {  	_ =	shalt  }
0x61: {  	_ =	shalt  }
0x62: {  	_ =	shalt  }
0x63: {  	_ =	shalt  }
0x64: {  	_ =	shalt  }
0x65: {  	_ =	shalt  }
0x66: {  	_ =	shalt  }
0x67: {  	_ =	shalt  }
0x68: {  	_ =	shalt  }
0x69: {  	_ =	shalt  }
0x6a: {  	_ =	shalt  }
0x6b: {  	_ =	shalt  }
0x6c: {  	_ =	shalt  }
0x6d: {  	_ =	shalt  }
0x6e: {  	_ =	shalt  }
0x6f: {  	_ =	shalt  }
0x70: {  	_ =	shalt  }
0x71: {  	_ =	shalt  }
0x72: {  	_ =	shalt  }
0x73: {  	_ =	shalt  }
0x74: {  	_ =	shalt  }
0x75: {  	_ =	shalt  }
0x76: {  	_ =	shalt  }
0x77: {  	_ =	shalt  }
0x78: {  	_ =	shalt  }
0x79: {  	_ =	shalt  }
0x7a: {  	_ =	shalt  }
0x7b: {  	_ =	shalt  }
0x7c: {  	_ =	shalt  }
0x7d: {  	_ =	shalt  }
0x7e: {  	_ =	shalt  }
0x7f: {  	_ =	shalt  }
0x80: {  	_ =	shalt  }
0x81: {  	_ =	shalt  }
0x82: {  	_ =	shalt  }
0x83: {  	_ =	shalt  }
0x84: {  	_ =	shalt  }
0x85: {  	_ =	shalt  }
0x86: {  	_ =	shalt  }
0x87: {  	_ =	shalt  }
.Lfunc_end0:
.L_simem_size_0:
called_computation_lowered:
.L_overlay_start_0:
0x88: {  	s2 =	sld [smem:$0x3FD9]  }
0x89: {  	s3 =	sld [smem:$0x3FFE];
	_ =	sdelay $0x1  }
0x8a: {  	s1 =	srdreg.scid  }
0x8b: {  	s0 =	sand.u32 $0x1, s1  }
0x8c: {  	s17 =	sshll.u32 s0, $0xA;
	s2 =	sadd.s32 s3, s2  }
0x8d: {  	s2 =	sadd.s32 s2, s17  }
0x8e: {  	[smem:$0x3FC5] =	sst s2  }
0x8f: {  	_ = 	snop  }
0x90: {  	s2 =	sld [smem:$0x3FC9]  }
0x91: {  	s18 =	sld [smem:$0x3FC7]  }
0x92: {  	s4 =	sld [smem:$0x3FD0];
	(tm) =	ssettm $0x1  }
0x93: {  	s5 =	sld [smem:$0x3FFB];
	_ =	sdelay $0x3  }
0x94: {  	_ =	strace s5  }
0x95: {  	s5 =	sld [smem:$0x3FFC];
	_ =	sdelay $0x3  }
0x96: {  	_ =	strace s5  }
0x97: {  	s5 =	sld [smem:$0x3FFD];
	_ =	sdelay $0x3  }
0x98: {  	_ =	strace s5  }
0x99: {  	_ =	strace $0x8FFFFFFF  }
0x9a: {  	s19 =	sld [smem:$0x3FDB];
	_ =	sdelay $0x1  }
0x9b: {  	s6 =	simm.s32 $_scs_section_size  }
0x9c: {  	s7 =	simm.s32 $_size__tile_overlayer_lowered;
	s8 =	simm.s32 $_tile_overlayer_lowered  }
0x9d: {  	s22 =	simm.s32 $0x1BFF;
	s21 =	sshll.u32 s8, $0x1;
	s5 =	sadd.s32 s6, s19  }
0x9e: {  	s9 =	simm.s32 $0x0;
	s20 =	sshll.u32 s7, $0x1;
	s7 =	sadd.s32 s21, s5  }
0x9f: {  	[timem:s9], [sflag:s22] =	dma.local [hbm:s7], s20  }
0xa0: {  	_ =	swait.ge [sflag:s22], s20  }
0xa1: {  	s6 =	ssub.s32 $0x0, s20;
	[sflag:s22] =	ssyncset.done $0x0  }
0xa2: {  	[sflag:s22] =	ssyncadd.s32 s6;
	_ =	sdelay $0x1  }
0xa3: {  	s23 =	simm.s32 $0x1B8B  }
0xa4: {  	_ =	swait.ge [sflag:s23], $0x1  }
0xa5: {  	[sflag:s23] =	ssyncset.done $0x0  }
0xa6: {  	s25 =	simm.s32 $0x1B8E;
	s24 =	sld [smem:$0x3FFE];
	[sflag:s23] =	ssyncadd.s32 $0xFFFFFFFF  }
0xa7: {  	s26 =	simm.s32 $execute0_lowered;
	[smem:$0x3FD2] =	sst s25  }
0xa8: {  	s7 =	sshll.u32 s26, $0x1;
	_ =	strace $0x80000046;
	[dreg:$0x1] =	wrdreg $0xFFFFFFFF  }
0xa9: {  	s28 =	simm.s32 $_size_execute0_lowered;
	s5 =	sadd.s32 s5, s7;
	[dreg:$0x0] =	wrdreg $0x0  }
0xaa: {  	s7 =	sshll.u32 s28, $0x1;
	[dreg:$0x2] =	wrdreg s5  }
0xab: {  	[dreg:$0x3] =	wrdreg s7  }
0xac: {  	[dreg:$0x4] =	wrdreg $0xC0  }
0xad: {  	_ =	task [dreg:s9], $0x5FFFF  }
0xae: {  	[dreg:$0x1] =	wrdreg $0xFFFFFFFF  }
0xaf: {  	[dreg:$0x0] =	wrdreg $0x60  }
0xb0: {  	[dreg:$0x2] =	wrdreg s2  }
0xb1: {  	[dreg:$0x3] =	wrdreg s4  }
0xb2: {  	[dreg:$0x4] =	wrdreg s18  }
0xb3: {  	[dreg:$0x5] =	wrdreg s24  }
0xb4: {  	[dreg:$0x6] =	wrdreg $0x9  }
0xb5: {  	_ =	task.clear_ibuf [dreg:s9], $0x7FFFF;
	_ =	strace $0x90000046  }
0xb6: {  	s29 =	simm.s32 $0x9;
	_ =	strace $0x80000048  }
0xb7: {  	_ =	swait.ge [sflag:s29], $0x1  }
0xb8: {  	[sflag:s29] =	ssyncadd.s32 $0xFFFFFFFF  }
0xb9: {  	_ =	strace $0x90000048  }
0xba: {  	_ =	sfence  }
0xbb: {  	s30 =	sld [smem:$0x0];
	_ =	sdelay $0x2  }
0xbc: {  	s31 =	sshll.u32 s1, $0xD;
	s1 =	sshrl.u32 s1, $0x2  }
0xbd: {  	s3 =	sand.u32 $0x4000, s31;
	s1 =	sadd.s32 s1, s30  }
0xbe: {  	s0 =	sor.u32 s3, s0;
	s1 =	sshll.u32 s1, $0x11  }
0xbf: {  	s0 =	sor.u32 s1, s0  }
0xc0: {  	s0 =	sadd.s32 $0x8F2B, s0  }
0xc1: {  	[sflag:s0] =	ssyncadd.remote.s32 $0x1  }
0xc2: {  	_ =	sfence.sel $0xFFFF  }
0xc3: {  	[dreg:$0x0] =	wrdreg $0xFFFFFFFF;
	(pc) =	sbr.abs _section_cstart, $3  }
0xc4: {  	[dreg:$0x1] =	wrdreg $0xFFFFFFFF  }
0xc5: {  	_ =	task.clear_ibuf [dreg:s9], $0x2FFFF;
	_ =	strace $0x9FFFFFFF  }
0xc6: {  	(tm) =	ssettm $0x7FFFFFFF  }
0xc7: {  	_ =	shalt  }
tec
execute0_lowered:
.L_overlay_start_1:
0x0: {  	(tag) =	ssettag $0x1  }
0x1: {  	s3 =	rddreg [dreg:$0x2];
	s1 =	simm.s32 $0x0  }
0x2: {  	[smem:$0x7FF] =	sst s1  }
0x3: {  	s0 =	rddreg [dreg:$0x3];
	v0 =	vimm.s32 $0x0;
	_ =	strace $0x80000047  }
0x4: {  	(xrf1) =	vunique.msk.u32 $0xffff, v0;
	_ =	sdelay $0xd  }
0x5: {  	_, v1, _ =	vpop (xrf1)  }
0x6: {  	v1 =	vxor.u32 $0x80000000, v1  }
0x7: {  	(xrf0) =	vmin.scan.msk.u32 $0xffff, v1  }
0x8: {  	(xrf0) =	vadd.scan.msk.s32 $0xffff, v0;
	_ =	sdelay $0x4  }
0x9: {  	v1, _, _ =	vpop (xrf0)  }
0xa: {  	(v2sf) =	vpush v1, $0xF;
	v1, _, _ =	vpop (xrf0)  }
0xb: {  	(v2sf) =	vpush v1, $0xF;
	_ =	sdelay $0x2  }
0xc: {  	s22 =	srdreg.scid  }
0xd: {  	s2 =	stileid.u32;
	s10 =	simm.s32 $0x3E;
	s17 =	simm.s32 $0x10500  }
0xe: {  	s18 =	simm.s32 $0x14500;
	s21 =	simm.s32 $0x18500;
	s28 =	simm.s32 $0x8000  }
0xf: {  	s29 =	simm.s32 $0xC100;
	s30 =	simm.s32 $0x1;
	s31 =	simm.s32 $0x1A900  }
0x10: {  	s16 =	simm.s32 $0x0;
	s1 =	sand.u32 $0x1, s22;
	s2 =	sshll.u32 s2, $0x1  }
0x11: {  	s4 =	sadd.s32 $0x400, s0;
	s9 =	sadd.s32 $0xA00, s0;
	s2 =	sor.u32 s1, s2  }
0x12: {  	s22 =	simm.s32 $0x10200;
	s1 =	ssub.s32 $0x2, s1;
	s6 =	smul.u32 $0x7A00, s2  }
0x13: {  	s7 =	sshrl.u32 s1, $0x1;
	s8 =	smul.u32 $0x3D000, s2;
	p0 =	seq.s32 s2, $0x1F  }
0x14: {  	[dreg:$0x5] =	wrdreg s4;
	s23 =	ssub.s32 s1, s7;
	s10 =	simm.s32 @!p0 $0x3D  }
0x15: {  	s1 =	sadd.s32 $0x7A00, s6;
	s24 =	sshrl.u32 s8, $0x3;
	s25 =	sadd.s32 s3, s6  }
0x16: {  	s0 =	smax.u32 s23, $0x1;
	s23 =	simm.s32 $0x10280;
	[dreg:$0x6] =	wrdreg s25  }
.Ltmp0:
0x17: {  	s2 =	sadd.s32 s3, s24;
	s5 =	spop (v2sf);
	(pc) =	sbr.rel .LBB2_1-.Ltmp0, $4  }
0x18: {  	[dreg:$0x9] =	wrdreg s0;
	s2 =	sadd.s32 $0x200, s2;
	s26 =	spop (v2sf)  }
0x19: {  	v4 =	vimm.s32 $0x1;
	s1 =	simm.s32 @p0 $0xF4241;
	[dreg:$0x7] =	wrdreg s2;
	s2 =	smul.u32 $0x3, s26  }
0x1a: {  	v5 =	vlaneseq.u32;
	v6 =	vimm.s32 $0xFFFFFFFF;
	vm0 =	vcmask $0x373C;
	s24 =	simm.s32 $0x10300;
	s25 =	simm.s32 $0x10380;
	s5 =	sxor.u32 $0x80000000, s5  }
0x1b: {  	v3 =	vmov s6;
	s0 =	simm.s32 $0x10480;
	v1 =	vmov s1;
	s26 =	simm.s32 $0x10400;
	v2 =	vmov s5;
	[dreg:$0x8] =	wrdreg s2  }
.LBB2_18:
0x1c: {  	s1 =	smov.u32 @p0 s1;
	s16 =	rddreg [dreg:$0xa]  }
.LBB2_22:
0x1d: {  	p0 =	slt.s32 s1, $0x1  }
0x1e: {  	(ifvalue) =	ssetifvalue @!p0 $0xFFFFFFFF;
	s1 =	simm.s32 @!p0 $0x80  }
0x1f: {  	s2 =	simm.s32 @!p0 $0x10480;
	s4 =	simm.s32 @!p0 $0x1A900;
	(ifvalue) =	ssetifvalue @!p0 $0xFFFFFFFF  }
0x20: {  	[hbm4b:s9+s1] =	stream.indirect.scatter @!p0 [tilespmem:s4], [sflag:$0x3], $0x80, s2, s1, $0x40b8;
	[tilespmem:$0x1E900] =	vst v63  }
0x21: {  	s1 =	simm.s32 @!p0 $0x3  }
0x22: {  	_ =	swait.ge @!p0 [sflag:s1], $0x4000  }
0x23: {  	[sflag:s1] =	ssyncset.done @!p0 $0x0  }
0x24: {  	v7 =	vimm.s32 @!p0 $0xFFFFFFFF;
	[sflag:s1] =	ssyncadd.s32 @!p0 $0xFFFFC000  }
0x25: {  	[tilespmem:$0x10480] =	vst @!p0 v7  }
0x26: {  	s16 =	sadd.s32 $0x1, s16;
	s20 =	rddreg [dreg:$0x9];
	[tilespmem:$0x10490] =	vst @!p0 v7  }
0x27: {  	p1 =	sne.s32 s16, s20;
	[tilespmem:$0x104A0] =	vst @!p0 v7  }
.Ltmp1:
0x28: {  	[tilespmem:$0x104B0] =	vst @!p0 v7;
	(pc) =	sbr.rel @!p1 .LBB2_23-.Ltmp1, $4  }
0x29: {  	[tilespmem:$0x104C0] =	vst @!p0 v7  }
0x2a: {  	[tilespmem:$0x104D0] =	vst @!p0 v7  }
0x2b: {  	[tilespmem:$0x104E0] =	vst @!p0 v7  }
0x2c: {  	[tilespmem:$0x104F0] =	vst @!p0 v7  }
.LBB2_1:
0x2d: {  	s1 =	rddreg [dreg:$0x6];
	s2 =	simm.s32 $0x1000;
	s4 =	simm.s32 $0x7A1400  }
0x2e: {  	[tilespmem:s17], [sflag:$0x1] =	stream.strided.gather [hbm4b:s1+s2], $0x4000, s4, s2, $0x38;
	[tilespmem:$0x1E900] =	vst v63  }
0x2f: {  	s12 =	rddreg [dreg:$0x7]  }
0x30: {  	[tilespmem:s18], [sflag:$0x2] =	stream.strided.gather [hbm4b:s12+s2], $0x4000, s4, s2, $0x38;
	[tilespmem:$0x1E900] =	vst v63  }
0x31: {  	s13 =	rddreg [dreg:$0x0];
	s14 =	simm.s32 $0x0;
	s15 =	simm.s32 $0x4  }
0x32: {  	[tilespmem:s14], [sflag:$0x4] =	stream.linear.gather [hbm4b:s13+s14], $0x4000, $0x38;
	[tilespmem:$0x1E900] =	vst v63  }
0x33: {  	_ =	swait.ge [sflag:s15], $0x4000  }
0x34: {  	[sflag:s15] =	ssyncset.done $0x0  }
0x35: {  	[sflag:s15] =	ssyncadd.s32 $0xFFFFC000  }
0x36: {  	s5 =	simm.s32 $0x4000;
	s19 =	rddreg [dreg:$0x1]  }
0x37: {  	[tilespmem:s5], [sflag:$0x4] =	stream.linear.gather [hbm4b:s19+s14], $0x4000, $0x38;
	[tilespmem:$0x1E900] =	vst v63  }
0x38: {  	_ =	swait.ge [sflag:s15], $0x4000  }
0x39: {  	[sflag:s15] =	ssyncset.done $0x0  }
0x3a: {  	s20 =	rddreg [dreg:$0x5];
	[sflag:s15] =	ssyncadd.s32 $0xFFFFC000  }
0x3b: {  	[tilespmem:s21], [sflag:$0x4] =	stream.linear.gather [hbm4b:s20+s14], $0x2400, $0x38;
	[tilespmem:$0x1E900] =	vst v63  }
0x3c: {  	_ =	swait.ge [sflag:s15], $0x2400  }
0x3d: {  	[sflag:s15] =	ssyncset.done $0x0  }
0x3e: {  	[sflag:s15] =	ssyncadd.s32 $0xFFFFDC00  }
0x3f: {  	[tilespmem:$0x10200] =	vst v0  }
0x40: {  	[tilespmem:$0x10210] =	vst v0  }
0x41: {  	[tilespmem:$0x10220] =	vst v0  }
0x42: {  	[tilespmem:$0x10230] =	vst v0  }
0x43: {  	[tilespmem:$0x10240] =	vst v0  }
0x44: {  	[tilespmem:$0x10250] =	vst v0  }
0x45: {  	[tilespmem:$0x10260] =	vst v0  }
0x46: {  	[tilespmem:$0x10270] =	vst v0  }
0x47: {  	[tilespmem:$0x10280] =	vst v0  }
0x48: {  	[tilespmem:$0x10290] =	vst v0  }
0x49: {  	[tilespmem:$0x102A0] =	vst v0  }
0x4a: {  	[tilespmem:$0x102B0] =	vst v0  }
0x4b: {  	[tilespmem:$0x10300] =	vst v0  }
0x4c: {  	[tilespmem:$0x10310] =	vst v0  }
0x4d: {  	[tilespmem:$0x10320] =	vst v0  }
0x4e: {  	[tilespmem:$0x10330] =	vst v0  }
0x4f: {  	[tilespmem:$0x10380] =	vst v0  }
0x50: {  	[tilespmem:$0x10390] =	vst v0  }
0x51: {  	[tilespmem:$0x103A0] =	vst v0  }
0x52: {  	s1 =	simm.s32 $0x0;
	[tilespmem:$0x103B0] =	vst v0  }
.LBB2_2:
0x53: {  	s2 =	sshra.s32 s1, $0x2  }
0x54: {  	v7 =	vld [tilespmem:s2+$0x4000]  }
0x55: {  	v8 =	vld [tilespmem:s2+$0x0];
	_ =	sdelay $0x3  }
0x56: {  	vm1 =	veq.s32 v7, $0x0  }
0x57: {  	v7 =	vnsel vm1, $0xF4240, v8  }
0x58: {  	v8 =	vsub.s32 v7, v3  }
0x59: {  	vm1 =	vge.s32 v7, v3;
	vm2 =	vlt.s32 v7, v1;
	v8 =	vshrl.u32 v8, $0x9  }
0x5a: {  	vm1 =	vmand vm1, vm2;
	v8 =	vmin.u32 v8, $0x3E  }
0x5b: {  	v8 =	vnsel vm1, $0x0, v8;
	_ =	sdelay $0x3  }
0x5c: {  	[tilespmem:s2+$0x0] =	vst v7  }
0x5d: {  	[tilespmem:v8+s22+$0x0] =	vst.idx.add.s32.msk vm1, v4  }
0x5e: {  	v7 =	vld [tilespmem:s2+$0x4010]  }
0x5f: {  	v8 =	vld [tilespmem:s2+$0x10];
	_ =	sdelay $0x3  }
0x60: {  	vm1 =	veq.s32 v7, $0x0  }
0x61: {  	v7 =	vnsel vm1, $0xF4240, v8  }
0x62: {  	v8 =	vsub.s32 v7, v3  }
0x63: {  	vm1 =	vge.s32 v7, v3;
	vm2 =	vlt.s32 v7, v1;
	v8 =	vshrl.u32 v8, $0x9  }
0x64: {  	vm1 =	vmand vm1, vm2;
	v8 =	vmin.u32 v8, $0x3E  }
0x65: {  	v8 =	vnsel vm1, $0x0, v8;
	_ =	sdelay $0x3  }
0x66: {  	[tilespmem:s2+$0x10] =	vst v7  }
0x67: {  	[tilespmem:v8+s23+$0x0] =	vst.idx.add.s32.msk vm1, v4  }
0x68: {  	v7 =	vld [tilespmem:s2+$0x4020]  }
0x69: {  	v8 =	vld [tilespmem:s2+$0x20];
	_ =	sdelay $0x3  }
0x6a: {  	vm1 =	veq.s32 v7, $0x0  }
0x6b: {  	v7 =	vnsel vm1, $0xF4240, v8  }
0x6c: {  	v8 =	vsub.s32 v7, v3  }
0x6d: {  	vm1 =	vge.s32 v7, v3;
	vm2 =	vlt.s32 v7, v1;
	v8 =	vshrl.u32 v8, $0x9  }
0x6e: {  	vm1 =	vmand vm1, vm2;
	v8 =	vmin.u32 v8, $0x3E  }
0x6f: {  	v8 =	vnsel vm1, $0x0, v8;
	_ =	sdelay $0x3  }
0x70: {  	[tilespmem:s2+$0x20] =	vst v7  }
0x71: {  	[tilespmem:v8+s24+$0x0] =	vst.idx.add.s32.msk vm1, v4  }
0x72: {  	v7 =	vld [tilespmem:s2+$0x4030]  }
0x73: {  	v8 =	vld [tilespmem:s2+$0x30];
	_ =	sdelay $0x3  }
0x74: {  	vm1 =	veq.s32 v7, $0x0  }
0x75: {  	v7 =	vnsel vm1, $0xF4240, v8  }
0x76: {  	v8 =	vsub.s32 v7, v3  }
0x77: {  	vm1 =	vge.s32 v7, v3;
	vm2 =	vlt.s32 v7, v1;
	v8 =	vshrl.u32 v8, $0x9  }
0x78: {  	vm1 =	vmand vm1, vm2;
	v8 =	vmin.u32 v8, $0x3E  }
0x79: {  	v8 =	vnsel vm1, $0x0, v8;
	_ =	sdelay $0x3  }
0x7a: {  	[tilespmem:s2+$0x30] =	vst v7  }
0x7b: {  	[tilespmem:v8+s25+$0x0] =	vst.idx.add.s32.msk vm1, v4  }
0x7c: {  	v7 =	vld [tilespmem:s2+$0x4040]  }
0x7d: {  	v8 =	vld [tilespmem:s2+$0x40];
	_ =	sdelay $0x3  }
0x7e: {  	vm1 =	veq.s32 v7, $0x0  }
0x7f: {  	v7 =	vnsel vm1, $0xF4240, v8  }
0x80: {  	v8 =	vsub.s32 v7, v3  }
0x81: {  	vm1 =	vge.s32 v7, v3;
	vm2 =	vlt.s32 v7, v1;
	v8 =	vshrl.u32 v8, $0x9  }
0x82: {  	vm1 =	vmand vm1, vm2;
	v8 =	vmin.u32 v8, $0x3E  }
0x83: {  	v8 =	vnsel vm1, $0x0, v8;
	_ =	sdelay $0x3  }
0x84: {  	[tilespmem:s2+$0x40] =	vst v7  }
0x85: {  	[tilespmem:v8+s22+$0x0] =	vst.idx.add.s32.msk vm1, v4  }
0x86: {  	v7 =	vld [tilespmem:s2+$0x4050]  }
0x87: {  	v8 =	vld [tilespmem:s2+$0x50];
	_ =	sdelay $0x3  }
0x88: {  	vm1 =	veq.s32 v7, $0x0  }
0x89: {  	v7 =	vnsel vm1, $0xF4240, v8  }
0x8a: {  	v8 =	vsub.s32 v7, v3  }
0x8b: {  	vm1 =	vge.s32 v7, v3;
	vm2 =	vlt.s32 v7, v1;
	v8 =	vshrl.u32 v8, $0x9  }
0x8c: {  	vm1 =	vmand vm1, vm2;
	v8 =	vmin.u32 v8, $0x3E  }
0x8d: {  	v8 =	vnsel vm1, $0x0, v8;
	_ =	sdelay $0x3  }
0x8e: {  	[tilespmem:s2+$0x50] =	vst v7  }
0x8f: {  	[tilespmem:v8+s23+$0x0] =	vst.idx.add.s32.msk vm1, v4  }
0x90: {  	v7 =	vld [tilespmem:s2+$0x4060]  }
0x91: {  	v8 =	vld [tilespmem:s2+$0x60];
	_ =	sdelay $0x3  }
0x92: {  	vm1 =	veq.s32 v7, $0x0  }
0x93: {  	v7 =	vnsel vm1, $0xF4240, v8  }
0x94: {  	v8 =	vsub.s32 v7, v3  }
0x95: {  	vm1 =	vge.s32 v7, v3;
	vm2 =	vlt.s32 v7, v1;
	v8 =	vshrl.u32 v8, $0x9  }
0x96: {  	vm1 =	vmand vm1, vm2;
	v8 =	vmin.u32 v8, $0x3E  }
0x97: {  	v8 =	vnsel vm1, $0x0, v8;
	_ =	sdelay $0x3  }
0x98: {  	[tilespmem:s2+$0x60] =	vst v7  }
0x99: {  	[tilespmem:v8+s24+$0x0] =	vst.idx.add.s32.msk vm1, v4  }
0x9a: {  	v7 =	vld [tilespmem:s2+$0x4070]  }
0x9b: {  	v8 =	vld [tilespmem:s2+$0x70];
	_ =	sdelay $0x3  }
0x9c: {  	vm1 =	veq.s32 v7, $0x0  }
0x9d: {  	v7 =	vnsel vm1, $0xF4240, v8  }
0x9e: {  	v8 =	vsub.s32 v7, v3  }
0x9f: {  	vm1 =	vge.s32 v7, v3;
	vm2 =	vlt.s32 v7, v1;
	v8 =	vshrl.u32 v8, $0x9  }
0xa0: {  	vm1 =	vmand vm1, vm2;
	v8 =	vmin.u32 v8, $0x3E  }
0xa1: {  	p0 =	sne.s32 s1, $0xFE00;
	v8 =	vnsel vm1, $0x0, v8  }
.Ltmp2:
0xa2: {  	_ = 	snop;
	(pc) =	sbr.rel @p0 .LBB2_2-.Ltmp2, $3  }
0xa3: {  	_ =	sdelay $0x1  }
0xa4: {  	[tilespmem:s2+$0x70] =	vst v7  }
0xa5: {  	s1 =	sadd.s32 $0x200, s1;
	[tilespmem:v8+s25+$0x0] =	vst.idx.add.s32.msk vm1, v4  }
0xa6: {  	v7 =	vld [tilespmem:$0x10200]  }
0xa7: {  	v8 =	vld [tilespmem:$0x10210]  }
0xa8: {  	v9 =	vld [tilespmem:$0x10290]  }
0xa9: {  	v10 =	vld [tilespmem:$0x10310]  }
0xaa: {  	v11 =	vld [tilespmem:$0x10390]  }
0xab: {  	v12 =	vld [tilespmem:$0x10220]  }
0xac: {  	v13 =	vld [tilespmem:$0x102A0]  }
0xad: {  	v14 =	vld [tilespmem:$0x10320]  }
0xae: {  	v15 =	vld [tilespmem:$0x103A0]  }
0xaf: {  	v16 =	vld [tilespmem:$0x10230]  }
0xb0: {  	v17 =	vld [tilespmem:$0x102B0]  }
0xb1: {  	v18 =	vld [tilespmem:$0x10330]  }
0xb2: {  	v19 =	vld [tilespmem:$0x103B0]  }
0xb3: {  	v20 =	vld [tilespmem:$0x10280];
	v8 =	vadd.s32 v8, v9  }
0xb4: {  	v46 =	vld [tilespmem:$0x10300];
	v47 =	vadd.s32 v12, v13;
	v8 =	vadd.s32 v10, v8  }
0xb5: {  	v48 =	vld [tilespmem:$0x10380];
	v49 =	vadd.s32 v16, v17;
	v10 =	vadd.s32 v14, v47;
	v8 =	vadd.s32 v11, v8  }
0xb6: {  	v50 =	vadd.s32 v18, v49;
	[tilespmem:$0x10210] =	vst v8;
	v8 =	vadd.s32 v15, v10  }
0xb7: {  	[tilespmem:$0x10220] =	vst v8;
	v8 =	vadd.s32 v19, v50;
	v51 =	vld [tilespmem:$0x10210]  }
0xb8: {  	v7 =	vadd.s32 v7, v20;
	[tilespmem:$0x10230] =	vst v8;
	v8 =	vld [tilespmem:$0x10220]  }
0xb9: {  	v7 =	vadd.s32 v46, v7;
	v52 =	vld [tilespmem:$0x10230]  }
0xba: {  	v53 =	vld [tilespmem:$0x10240];
	v7 =	vadd.s32 v48, v7  }
0xbb: {  	v54 =	vld [tilespmem:$0x10250];
	(xrf0) =	vadd.scan.msk.s32 $0xffff, v7  }
0xbc: {  	v55 =	vld [tilespmem:$0x10260];
	(xrf0) =	vadd.scan.msk.s32 $0xffff, v51  }
0xbd: {  	(xrf0) =	vadd.scan.msk.s32 $0xffff, v8  }
0xbe: {  	(xrf0) =	vadd.scan.msk.s32 $0xffff, v52  }
0xbf: {  	(xrf0) =	vadd.scan.msk.s32 $0xffff, v53  }
0xc0: {  	(xrf0) =	vadd.scan.msk.s32 $0xffff, v54  }
0xc1: {  	v56, _, _ =	vpop (xrf0);
	(xrf0) =	vadd.scan.msk.s32 $0xffff, v55  }
0xc2: {  	(v2sf) =	vpush v56, $0xF;
	v57, _, _ =	vpop (xrf0)  }
0xc3: {  	v58, _, _ =	vpop (xrf0);
	(v2sf) =	vpush v57, $0xF  }
0xc4: {  	v59, _, _ =	vpop (xrf0);
	(v2sf) =	vpush v58, $0xF  }
0xc5: {  	v60, _, _ =	vpop (xrf0);
	(v2sf) =	vpush v59, $0xF  }
0xc6: {  	v61, _, _ =	vpop (xrf0);
	(v2sf) =	vpush v60, $0xF  }
0xc7: {  	(v2sf) =	vpush v61, $0xF;
	v62, _, _ =	vpop (xrf0)  }
0xc8: {  	(v2sf) =	vpush v62, $0xF;
	_ =	sdelay $0x3  }
0xc9: {  	v21 =	vld [tilespmem:$0x10270];
	_ =	sdelay $0x3  }
0xca: {  	v22 =	vbroadcast v56, $0xF  }
0xcb: {  	(xrf0) =	vadd.scan.msk.s32 $0xffff, v21;
	s1 =	spop (v2sf)  }
0xcc: {  	[tilespmem:$0x10200] =	vst v7;
	v7 =	vsub.s32 v56, v7;
	v10 =	vsub.s32 v22, v51;
	s2 =	spop (v2sf)  }
0xcd: {  	[tilespmem:$0x10400] =	vst v7;
	v7 =	vadd.s32 v57, v10;
	v8 =	vsub.s32 v58, v8;
	s1 =	sadd.s32 s1, s2;
	s14 =	spop (v2sf)  }
0xce: {  	[tilespmem:$0x10410] =	vst v7;
	v7 =	vsub.s32 v59, v52;
	v8 =	vadd.s32 s1, v8;
	s1 =	sadd.s32 s1, s14;
	s15 =	spop (v2sf)  }
0xcf: {  	[dreg:$0xa] =	wrdreg s16;
	[tilespmem:$0x10420] =	vst v8;
	v8 =	vsub.s32 v60, v53;
	v7 =	vadd.s32 s1, v7;
	s1 =	sadd.s32 s1, s15;
	s16 =	spop (v2sf)  }
0xd0: {  	[tilespmem:$0x10430] =	vst v7;
	v7 =	vsub.s32 v61, v54;
	v8 =	vadd.s32 s1, v8;
	s1 =	sadd.s32 s1, s16;
	s19 =	spop (v2sf)  }
0xd1: {  	v63, _, _ =	vpop (xrf0);
	[tilespmem:$0x10440] =	vst v8;
	v7 =	vadd.s32 s1, v7;
	s1 =	sadd.s32 s1, s19;
	v8 =	vsub.s32 v62, v55;
	s20 =	spop (v2sf)  }
0xd2: {  	[tilespmem:$0x10450] =	vst v7;
	v7 =	vadd.s32 s1, v8;
	s1 =	sadd.s32 s1, s20;
	v8 =	vsub.s32 v63, v21  }
0xd3: {  	[tilespmem:$0x10460] =	vst v7;
	v7 =	vadd.s32 s1, v8  }
0xd4: {  	s2 =	simm.s32 $0x40;
	s1 =	simm.s32 $0x70;
	[tilespmem:$0x10470] =	vst v7  }
.LBB2_4:
0xd5: {  	v7 =	vld [tilespmem:s2+$0xFFFFFFC0];
	_ =	sdelay $0x4  }
0xd6: {  	v8 =	vsub.s32 v7, v3  }
0xd7: {  	vm1 =	vge.s32 v7, v3;
	vm2 =	vlt.s32 v7, v1;
	v8 =	vshrl.u32 v8, $0x9  }
0xd8: {  	vm1 =	vmand vm1, vm2;
	v8 =	vmin.u32 v8, $0x3E  }
0xd9: {  	v8 =	vnsel vm1, $0x0, v8  }
0xda: {  	(xrf1) =	vunique.msk.u32 vm1, v8;
	_ =	sdelay $0xa  }
0xdb: {  	v9 =	vld.idx.msk [tilespmem:v8+s26+$0x0], $0xffff;
	_ =	sdelay $0x2  }
0xdc: {  	_, v10, _ =	vpop (xrf1)  }
0xdd: {  	v10 =	vsub.s32 v10, v2  }
0xde: {  	v9 =	vadd.s32 v9, v10;
	_ =	sdelay $0x3  }
0xdf: {  	s7 =	sadd.s32 $0xFFFFFF90, s1  }
0xe0: {  	v49 =	vor.u32 s7, v5;
	[tilespmem:v9+s28+$0x0] =	vst.idx.msk vm1, v7  }
0xe1: {  	[tilespmem:v9+s29+$0x0] =	vst.idx.msk vm1, v49  }
0xe2: {  	[tilespmem:v8+s26+$0x0] =	vst.idx.add.s32.msk vm1, v4  }
0xe3: {  	v7 =	vld [tilespmem:s2+$0xFFFFFFD0];
	_ =	sdelay $0x4  }
0xe4: {  	v8 =	vsub.s32 v7, v3  }
0xe5: {  	vm1 =	vge.s32 v7, v3;
	vm2 =	vlt.s32 v7, v1;
	v8 =	vshrl.u32 v8, $0x9  }
0xe6: {  	vm1 =	vmand vm1, vm2;
	v8 =	vmin.u32 v8, $0x3E  }
0xe7: {  	v8 =	vnsel vm1, $0x0, v8  }
0xe8: {  	(xrf1) =	vunique.msk.u32 vm1, v8;
	_ =	sdelay $0xa  }
0xe9: {  	v9 =	vld.idx.msk [tilespmem:v8+s26+$0x0], $0xffff;
	_ =	sdelay $0x2  }
0xea: {  	_, v50, _ =	vpop (xrf1)  }
0xeb: {  	v10 =	vsub.s32 v50, v2  }
0xec: {  	v9 =	vadd.s32 v9, v10;
	_ =	sdelay $0x3  }
0xed: {  	s13 =	sadd.s32 $0xFFFFFFA0, s1  }
0xee: {  	v51 =	vor.u32 s13, v5;
	[tilespmem:v9+s28+$0x0] =	vst.idx.msk vm1, v7  }
0xef: {  	[tilespmem:v9+s29+$0x0] =	vst.idx.msk vm1, v51  }
0xf0: {  	[tilespmem:v8+s26+$0x0] =	vst.idx.add.s32.msk vm1, v4  }
0xf1: {  	v7 =	vld [tilespmem:s2+$0xFFFFFFE0];
	_ =	sdelay $0x4  }
0xf2: {  	v8 =	vsub.s32 v7, v3  }
0xf3: {  	vm1 =	vge.s32 v7, v3;
	vm2 =	vlt.s32 v7, v1;
	v8 =	vshrl.u32 v8, $0x9  }
0xf4: {  	vm1 =	vmand vm1, vm2;
	v8 =	vmin.u32 v8, $0x3E  }
0xf5: {  	v8 =	vnsel vm1, $0x0, v8  }
0xf6: {  	(xrf1) =	vunique.msk.u32 vm1, v8;
	_ =	sdelay $0xa  }
0xf7: {  	v9 =	vld.idx.msk [tilespmem:v8+s26+$0x0], $0xffff;
	_ =	sdelay $0x2  }
0xf8: {  	_, v52, _ =	vpop (xrf1)  }
0xf9: {  	v10 =	vsub.s32 v52, v2  }
0xfa: {  	v9 =	vadd.s32 v9, v10;
	_ =	sdelay $0x3  }
0xfb: {  	s14 =	sadd.s32 $0xFFFFFFB0, s1  }
0xfc: {  	v53 =	vor.u32 s14, v5;
	[tilespmem:v9+s28+$0x0] =	vst.idx.msk vm1, v7  }
0xfd: {  	[tilespmem:v9+s29+$0x0] =	vst.idx.msk vm1, v53  }
0xfe: {  	[tilespmem:v8+s26+$0x0] =	vst.idx.add.s32.msk vm1, v4  }
0xff: {  	v7 =	vld [tilespmem:s2+$0xFFFFFFF0];
	_ =	sdelay $0x4  }
0x100: {  	v8 =	vsub.s32 v7, v3  }
0x101: {  	vm1 =	vge.s32 v7, v3;
	vm2 =	vlt.s32 v7, v1;
	v8 =	vshrl.u32 v8, $0x9  }
0x102: {  	vm1 =	vmand vm1, vm2;
	v8 =	vmin.u32 v8, $0x3E  }
0x103: {  	v8 =	vnsel vm1, $0x0, v8  }
0x104: {  	(xrf1) =	vunique.msk.u32 vm1, v8;
	_ =	sdelay $0xa  }
0x105: {  	v9 =	vld.idx.msk [tilespmem:v8+s26+$0x0], $0xffff;
	_ =	sdelay $0x2  }
0x106: {  	_, v54, _ =	vpop (xrf1)  }
0x107: {  	v10 =	vsub.s32 v54, v2  }
0x108: {  	v9 =	vadd.s32 v9, v10;
	_ =	sdelay $0x3  }
0x109: {  	s15 =	sadd.s32 $0xFFFFFFC0, s1  }
0x10a: {  	v55 =	vor.u32 s15, v5;
	[tilespmem:v9+s28+$0x0] =	vst.idx.msk vm1, v7  }
0x10b: {  	[tilespmem:v9+s29+$0x0] =	vst.idx.msk vm1, v55  }
0x10c: {  	[tilespmem:v8+s26+$0x0] =	vst.idx.add.s32.msk vm1, v4  }
0x10d: {  	v7 =	vld [tilespmem:s2+$0x0];
	_ =	sdelay $0x4  }
0x10e: {  	v8 =	vsub.s32 v7, v3  }
0x10f: {  	vm1 =	vge.s32 v7, v3;
	vm2 =	vlt.s32 v7, v1;
	v8 =	vshrl.u32 v8, $0x9  }
0x110: {  	vm1 =	vmand vm1, vm2;
	v8 =	vmin.u32 v8, $0x3E  }
0x111: {  	v8 =	vnsel vm1, $0x0, v8  }
0x112: {  	(xrf1) =	vunique.msk.u32 vm1, v8;
	_ =	sdelay $0xa  }
0x113: {  	v9 =	vld.idx.msk [tilespmem:v8+s26+$0x0], $0xffff;
	_ =	sdelay $0x2  }
0x114: {  	_, v56, _ =	vpop (xrf1)  }
0x115: {  	v10 =	vsub.s32 v56, v2  }
0x116: {  	v9 =	vadd.s32 v9, v10;
	_ =	sdelay $0x3  }
0x117: {  	s16 =	sadd.s32 $0xFFFFFFD0, s1  }
0x118: {  	v57 =	vor.u32 s16, v5;
	[tilespmem:v9+s28+$0x0] =	vst.idx.msk vm1, v7  }
0x119: {  	[tilespmem:v9+s29+$0x0] =	vst.idx.msk vm1, v57  }
0x11a: {  	[tilespmem:v8+s26+$0x0] =	vst.idx.add.s32.msk vm1, v4  }
0x11b: {  	v7 =	vld [tilespmem:s2+$0x10];
	_ =	sdelay $0x4  }
0x11c: {  	v8 =	vsub.s32 v7, v3  }
0x11d: {  	vm1 =	vge.s32 v7, v3;
	vm2 =	vlt.s32 v7, v1;
	v8 =	vshrl.u32 v8, $0x9  }
0x11e: {  	vm1 =	vmand vm1, vm2;
	v8 =	vmin.u32 v8, $0x3E  }
0x11f: {  	v8 =	vnsel vm1, $0x0, v8  }
0x120: {  	(xrf1) =	vunique.msk.u32 vm1, v8;
	_ =	sdelay $0xa  }
0x121: {  	v9 =	vld.idx.msk [tilespmem:v8+s26+$0x0], $0xffff;
	_ =	sdelay $0x2  }
0x122: {  	_, v58, _ =	vpop (xrf1)  }
0x123: {  	v10 =	vsub.s32 v58, v2  }
0x124: {  	v9 =	vadd.s32 v9, v10;
	_ =	sdelay $0x3  }
0x125: {  	s19 =	sadd.s32 $0xFFFFFFE0, s1  }
0x126: {  	v59 =	vor.u32 s19, v5;
	[tilespmem:v9+s28+$0x0] =	vst.idx.msk vm1, v7  }
0x127: {  	[tilespmem:v9+s29+$0x0] =	vst.idx.msk vm1, v59  }
0x128: {  	[tilespmem:v8+s26+$0x0] =	vst.idx.add.s32.msk vm1, v4  }
0x129: {  	v7 =	vld [tilespmem:s2+$0x20];
	_ =	sdelay $0x4  }
0x12a: {  	v8 =	vsub.s32 v7, v3  }
0x12b: {  	vm1 =	vge.s32 v7, v3;
	vm2 =	vlt.s32 v7, v1;
	v8 =	vshrl.u32 v8, $0x9  }
0x12c: {  	vm1 =	vmand vm1, vm2;
	v8 =	vmin.u32 v8, $0x3E  }
0x12d: {  	v8 =	vnsel vm1, $0x0, v8  }
0x12e: {  	(xrf1) =	vunique.msk.u32 vm1, v8;
	_ =	sdelay $0xa  }
0x12f: {  	v9 =	vld.idx.msk [tilespmem:v8+s26+$0x0], $0xffff;
	_ =	sdelay $0x2  }
0x130: {  	_, v60, _ =	vpop (xrf1)  }
0x131: {  	v10 =	vsub.s32 v60, v2  }
0x132: {  	v9 =	vadd.s32 v9, v10;
	_ =	sdelay $0x3  }
0x133: {  	s20 =	sadd.s32 $0xFFFFFFF0, s1  }
0x134: {  	v61 =	vor.u32 s20, v5;
	[tilespmem:v9+s28+$0x0] =	vst.idx.msk vm1, v7  }
0x135: {  	[tilespmem:v9+s29+$0x0] =	vst.idx.msk vm1, v61  }
0x136: {  	[tilespmem:v8+s26+$0x0] =	vst.idx.add.s32.msk vm1, v4  }
0x137: {  	v7 =	vld [tilespmem:s2+$0x30];
	_ =	sdelay $0x4  }
0x138: {  	v8 =	vsub.s32 v7, v3  }
0x139: {  	vm1 =	vge.s32 v7, v3;
	vm2 =	vlt.s32 v7, v1;
	v8 =	vshrl.u32 v8, $0x9  }
0x13a: {  	vm1 =	vmand vm1, vm2;
	v8 =	vmin.u32 v8, $0x3E  }
0x13b: {  	v8 =	vnsel vm1, $0x0, v8  }
0x13c: {  	(xrf1) =	vunique.msk.u32 vm1, v8;
	_ =	sdelay $0xa  }
0x13d: {  	v9 =	vld.idx.msk [tilespmem:v8+s26+$0x0], $0xffff;
	_ =	sdelay $0x2  }
0x13e: {  	_, v62, _ =	vpop (xrf1)  }
0x13f: {  	v10 =	vsub.s32 v62, v2  }
0x140: {  	v9 =	vadd.s32 v9, v10;
	_ =	sdelay $0x1  }
0x141: {  	p0 =	sne.s32 s1, $0x3FF0  }
.Ltmp3:
0x142: {  	_ = 	snop;
	(pc) =	sbr.rel @p0 .LBB2_4-.Ltmp3, $4  }
0x143: {  	_ = 	snop  }
0x144: {  	v63 =	vor.u32 s1, v5;
	[tilespmem:v9+s28+$0x0] =	vst.idx.msk vm1, v7  }
0x145: {  	[tilespmem:v9+s29+$0x0] =	vst.idx.msk vm1, v63  }
0x146: {  	s1 =	sadd.s32 $0x80, s1;
	s2 =	sadd.s32 $0x80, s2;
	[tilespmem:v8+s26+$0x0] =	vst.idx.add.s32.msk vm1, v4  }
0x147: {  	[tilespmem:$0x10480] =	vst v6  }
0x148: {  	[tilespmem:$0x10490] =	vst v6  }
0x149: {  	[tilespmem:$0x104A0] =	vst v6  }
.Ltmp4:
0x14a: {  	[tilespmem:$0x104B0] =	vst v6;
	(pc) =	sbr.rel .LBB2_6-.Ltmp4, $4  }
0x14b: {  	[tilespmem:$0x104C0] =	vst v6  }
0x14c: {  	[tilespmem:$0x104D0] =	vst v6  }
0x14d: {  	[tilespmem:$0x104E0] =	vst v6  }
0x14e: {  	[tilespmem:$0x104F0] =	vst v6;
	s1 =	simm.s32 $0x0;
	s15 =	simm.s32 $0x0;
	s2 =	simm.s32 $0x0  }
.LBB2_12:
0x14f: {  	s1 =	smov.u32 @p0 s1  }
.LBB2_16:
0x150: {  	s4 =	sadd.s32 $0x3, s20  }
0x151: {  	p0 =	sge.u32 s4, s10  }
0x152: {  	s4 =	sshll.u32 @!p0 s4, $0xC  }
0x153: {  	s4 =	sadd.s32 @!p0 s8, s4  }
0x154: {  	s2 =	sadd.s32 $0x1, s2;
	s5 =	simm.s32 @!p0 $0x1000;
	s4 =	sshrl.u32 @!p0 s4, $0x3  }
0x155: {  	s7 =	simm.s32 @!p0 $0x7A1400;
	s11 =	simm.s32 @!p0 $0x14500;
	s4 =	sadd.s32 @!p0 s3, s4  }
0x156: {  	[tilespmem:s11], [sflag:$0x2] =	stream.strided.gather @!p0 [hbm4b:s4+s5], $0x4000, s7, s5, $0x38;
	[tilespmem:$0x1E900] =	vst v63  }
0x157: {  	p0 =	sne.s32 s2, $0x1F  }
.Ltmp5:
0x158: {  	_ = 	snop;
	(pc) =	sbr.rel @!p0 .LBB2_17-.Ltmp5, $1  }
0x159: {  	_ =	sdelay $0x3  }
.LBB2_6:
0x15a: {  	_ =	swait.ge [sflag:s30], $0x4000  }
0x15b: {  	[sflag:s30] =	ssyncset.done $0x0  }
0x15c: {  	[sflag:s30] =	ssyncadd.s32 $0xFFFFC000  }
0x15d: {  	v7 =	vld [tilespmem:$0x10200]  }
0x15e: {  	v10 =	vld [tilespmem:$0x10210]  }
0x15f: {  	s20 =	sshll.u32 s2, $0x1;
	v11 =	vld [tilespmem:$0x10220]  }
0x160: {  	v12 =	vmov s20  }
0x161: {  	v9 =	vor.u32 $0x10, v5;
	vm1 =	veq.s32 v12, v5  }
0x162: {  	v8 =	vor.u32 $0x20, v5;
	v7 =	vnsel vm1, $0x0, v7;
	vm1 =	veq.s32 v12, v9  }
0x163: {  	(xrf0) =	vadd.scan.msk.s32 $0xffff, v7;
	v7 =	vnsel vm1, $0x0, v10;
	vm1 =	veq.s32 v12, v8  }
0x164: {  	(xrf0) =	vadd.scan.msk.s32 $0xffff, v7;
	v7 =	vnsel vm1, $0x0, v11;
	v11 =	vld [tilespmem:$0x10230];
	_ =	sdelay $0x2  }
0x165: {  	v10 =	vor.u32 $0x30, v5  }
0x166: {  	vm1 =	veq.s32 v12, v10  }
0x167: {  	(xrf0) =	vadd.scan.msk.s32 $0xffff, v7;
	v11 =	vnsel vm1, $0x0, v11  }
0x168: {  	v7, _, _ =	vpop (xrf0);
	(xrf0) =	vadd.scan.msk.s32 $0xffff, v11;
	_ =	sdelay $0x3  }
0x169: {  	(v2sf) =	vpush v7, $0xF;
	v7, _, _ =	vpop (xrf0)  }
0x16a: {  	(v2sf) =	vpush v7, $0xF;
	v11, _, _ =	vpop (xrf0)  }
0x16b: {  	(v2sf) =	vpush v11, $0xF;
	v7, _, _ =	vpop (xrf0)  }
0x16c: {  	(v2sf) =	vpush v7, $0xF;
	_ =	sdelay $0x8  }
0x16d: {  	s13 =	sand.u32 $0x7, s15  }
0x16e: {  	s16 =	sshra.s32 s15, $0x1F;
	p0 =	slt.s32 s15, $0x1;
	p1 =	sne.s32 s13, $0x0  }
0x16f: {  	s19 =	sshrl.u32 s16, $0x1D;
	s16 =	simm.s32 $0x1;
	p0 =	por !p0, !p1  }
0x170: {  	s13 =	sadd.s32 s19, s15;
	p0 =	por !p0, !p0;
	s7 =	spop (v2sf)  }
0x171: {  	s4 =	sshra.s32 s13, $0x3;
	s11 =	spop (v2sf);
	s7 =	sadd.s32 s15, s7  }
0x172: {  	s16 =	simm.s32 @!p0 $0x0;
	s7 =	sadd.s32 s11, s7;
	s12 =	spop (v2sf)  }
0x173: {  	s11 =	ssub.s32 s4, s16;
	s7 =	sadd.s32 s12, s7;
	s5 =	spop (v2sf)  }
0x174: {  	s13 =	sshll.u32 s11, $0x3;
	s16 =	sadd.s32 s5, s7  }
0x175: {  	s7 =	ssub.s32 s16, s13  }
0x176: {  	s7 =	sadd.s32 $0xF, s7  }
0x177: {  	s14 =	sand.u32 $0xF, s7  }
0x178: {  	s19 =	sshra.s32 s7, $0x1F;
	p6 =	slt.s32 s7, $0x1;
	p5 =	sne.s32 s14, $0x0  }
0x179: {  	s12 =	sshrl.u32 s19, $0x1C;
	p0 =	por !p6, !p5  }
0x17a: {  	s7 =	sadd.s32 s12, s7;
	s12 =	simm.s32 $0x1;
	p0 =	por !p0, !p0  }
0x17b: {  	s7 =	sshra.s32 s7, $0x4;
	s12 =	simm.s32 @!p0 $0x0  }
0x17c: {  	p0 =	sle.s32 s16, s15;
	s7 =	ssub.s32 s7, s12  }
0x17d: {  	p1 =	slt.s32 @!p0 s7, $0x1  }
0x17e: {  	p1 =	por p0, p1  }
.Ltmp6:
0x17f: {  	_ = 	snop;
	(pc) =	sbr.rel @p1 .LBB2_7-.Ltmp6, $2  }
0x180: {  	_ =	sdelay $0x2  }
0x181: {  	v7 =	vmov s16  }
0x182: {  	s11 =	sshll.u32 s11, $0x5  }
0x183: {  	s12 =	sshra.s32 s11, $0x2  }
0x184: {  	s11 =	sadd.s32 $0x8000, s12  }
0x185: {  	v13 =	vld [tilespmem:s11+$0x0]  }
0x186: {  	v11 =	vmov s15;
	v12 =	vadd.s32 s13, v5  }
0x187: {  	s14 =	sshll.u32 s2, $0xA;
	vm1 =	vge.s32 v12, v11;
	vm2 =	vlt.s32 v12, v7  }
0x188: {  	s15 =	sadd.s32 s6, s14;
	vm1 =	vmand vm1, vm2  }
0x189: {  	v12 =	vmov s15;
	v14 =	vsel vm1, $0x1, v0  }
0x18a: {  	(xrf0) =	vadd.scan.msk.s32 $0xffff, v14;
	v15 =	vsub.s32 v13, v12  }
0x18b: {  	v14 =	vshll.u32 v15, $0x3  }
0x18c: {  	v13 =	vand.u32 $0x7F, v13;
	v14 =	vand.u32 $0xFFFFFC00, v14  }
0x18d: {  	v14 =	vor.u32 v13, v14;
	v13 =	vmov s1  }
0x18e: {  	v13 =	vadd.s32 $0xFFFFFFFF, v13  }
0x18f: {  	v13 =	vbroadcast v13, $0x0  }
0x190: {  	v15, _, _ =	vpop (xrf0)  }
0x191: {  	v13 =	vadd.s32 v15, v13  }
0x192: {  	v16 =	vld.idx.msk [tilespmem:v14+s17+$0x0], vm1;
	v17 =	vshll.u32 v13, $0x7  }
0x193: {  	v18 =	vor.u32 $0x80, v14;
	_ =	sdelay $0x2  }
0x194: {  	s15 =	sadd.s32 $0xC100, s12  }
0x195: {  	v19 =	vld [tilespmem:s15+$0x0];
	[tilespmem:v17+s31+$0x0] =	vst.idx.msk vm1, v16  }
0x196: {  	v47 =	vor.u32 $0x1, v17;
	v16 =	vld.idx.msk [tilespmem:v18+s17+$0x0], vm1  }
0x197: {  	v20 =	vor.u32 $0x100, v14;
	_ =	sdelay $0x3  }
0x198: {  	[tilespmem:v47+s31+$0x0] =	vst.idx.msk vm1, v16  }
0x199: {  	v48 =	vor.u32 $0x2, v17;
	v16 =	vld.idx.msk [tilespmem:v20+s17+$0x0], vm1  }
0x19a: {  	v49 =	vor.u32 $0x180, v14;
	_ =	sdelay $0x3  }
0x19b: {  	[tilespmem:v48+s31+$0x0] =	vst.idx.msk vm1, v16  }
0x19c: {  	v50 =	vor.u32 $0x3, v17;
	v16 =	vld.idx.msk [tilespmem:v49+s17+$0x0], vm1  }
0x19d: {  	v51 =	vor.u32 $0x200, v14;
	_ =	sdelay $0x3  }
0x19e: {  	[tilespmem:v50+s31+$0x0] =	vst.idx.msk vm1, v16  }
0x19f: {  	v52 =	vor.u32 $0x4, v17;
	v16 =	vld.idx.msk [tilespmem:v51+s17+$0x0], vm1  }
0x1a0: {  	v53 =	vor.u32 $0x280, v14;
	_ =	sdelay $0x3  }
0x1a1: {  	[tilespmem:v52+s31+$0x0] =	vst.idx.msk vm1, v16  }
0x1a2: {  	v54 =	vor.u32 $0x5, v17;
	v16 =	vld.idx.msk [tilespmem:v53+s17+$0x0], vm1  }
0x1a3: {  	v55 =	vor.u32 $0x300, v14;
	_ =	sdelay $0x3  }
0x1a4: {  	[tilespmem:v54+s31+$0x0] =	vst.idx.msk vm1, v16  }
0x1a5: {  	v56 =	vor.u32 $0x6, v17;
	v16 =	vld.idx.msk [tilespmem:v55+s17+$0x0], vm1  }
0x1a6: {  	v57 =	vor.u32 $0x380, v14;
	_ =	sdelay $0x3  }
0x1a7: {  	[tilespmem:v56+s31+$0x0] =	vst.idx.msk vm1, v16  }
0x1a8: {  	v58 =	vor.u32 $0x7, v17;
	v16 =	vld.idx.msk [tilespmem:v57+s17+$0x0], vm1  }
0x1a9: {  	v59 =	vadd.s32 $0x1000, v14;
	_ =	sdelay $0x3  }
0x1aa: {  	[tilespmem:v58+s31+$0x0] =	vst.idx.msk vm1, v16  }
0x1ab: {  	v60 =	vor.u32 $0x8, v17;
	v16 =	vld.idx.msk [tilespmem:v59+s17+$0x0], vm1  }
0x1ac: {  	v61 =	vadd.s32 $0x1080, v14;
	_ =	sdelay $0x3  }
0x1ad: {  	[tilespmem:v60+s31+$0x0] =	vst.idx.msk vm1, v16  }
0x1ae: {  	v62 =	vor.u32 $0x9, v17;
	v16 =	vld.idx.msk [tilespmem:v61+s17+$0x0], vm1  }
0x1af: {  	v63 =	vadd.s32 $0x1100, v14;
	_ =	sdelay $0x3  }
0x1b0: {  	[tilespmem:v62+s31+$0x0] =	vst.idx.msk vm1, v16  }
0x1b1: {  	v24 =	vor.u32 $0xA, v17;
	v16 =	vld.idx.msk [tilespmem:v63+s17+$0x0], vm1  }
0x1b2: {  	v25 =	vadd.s32 $0x1180, v14;
	_ =	sdelay $0x3  }
0x1b3: {  	[tilespmem:v24+s31+$0x0] =	vst.idx.msk vm1, v16  }
0x1b4: {  	v26 =	vor.u32 $0xB, v17;
	v16 =	vld.idx.msk [tilespmem:v25+s17+$0x0], vm1  }
0x1b5: {  	v27 =	vadd.s32 $0x1200, v14;
	_ =	sdelay $0x3  }
0x1b6: {  	[tilespmem:v26+s31+$0x0] =	vst.idx.msk vm1, v16  }
0x1b7: {  	v28 =	vor.u32 $0xC, v17;
	v16 =	vld.idx.msk [tilespmem:v27+s17+$0x0], vm1  }
0x1b8: {  	v29 =	vadd.s32 $0x1280, v14;
	_ =	sdelay $0x3  }
0x1b9: {  	[tilespmem:v28+s31+$0x0] =	vst.idx.msk vm1, v16  }
0x1ba: {  	v30 =	vor.u32 $0xD, v17;
	v16 =	vld.idx.msk [tilespmem:v29+s17+$0x0], vm1  }
0x1bb: {  	v31 =	vadd.s32 $0x1300, v14;
	_ =	sdelay $0x3  }
0x1bc: {  	[tilespmem:v30+s31+$0x0] =	vst.idx.msk vm1, v16  }
0x1bd: {  	v32 =	vor.u32 $0xE, v17;
	v16 =	vld.idx.msk [tilespmem:v31+s17+$0x0], vm1  }
0x1be: {  	v33 =	vadd.s32 $0x1380, v14;
	_ =	sdelay $0x3  }
0x1bf: {  	[tilespmem:v32+s31+$0x0] =	vst.idx.msk vm1, v16  }
0x1c0: {  	v34 =	vor.u32 $0xF, v17;
	v16 =	vld.idx.msk [tilespmem:v33+s17+$0x0], vm1  }
0x1c1: {  	v35 =	vadd.s32 $0x2000, v14;
	_ =	sdelay $0x3  }
0x1c2: {  	[tilespmem:v34+s31+$0x0] =	vst.idx.msk vm1, v16  }
0x1c3: {  	v36 =	vor.u32 $0x10, v17;
	v16 =	vld.idx.msk [tilespmem:v35+s17+$0x0], vm1  }
0x1c4: {  	v37 =	vadd.s32 $0x2080, v14;
	_ =	sdelay $0x3  }
0x1c5: {  	[tilespmem:v36+s31+$0x0] =	vst.idx.msk vm1, v16  }
0x1c6: {  	v38 =	vor.u32 $0x11, v17;
	v16 =	vld.idx.msk [tilespmem:v37+s17+$0x0], vm1  }
0x1c7: {  	v39 =	vadd.s32 $0x2100, v14;
	_ =	sdelay $0x3  }
0x1c8: {  	[tilespmem:v38+s31+$0x0] =	vst.idx.msk vm1, v16  }
0x1c9: {  	v40 =	vor.u32 $0x12, v17;
	v16 =	vld.idx.msk [tilespmem:v39+s17+$0x0], vm1  }
0x1ca: {  	v41 =	vadd.s32 $0x2180, v14;
	_ =	sdelay $0x3  }
0x1cb: {  	[tilespmem:v40+s31+$0x0] =	vst.idx.msk vm1, v16  }
0x1cc: {  	v42 =	vor.u32 $0x13, v17;
	v16 =	vld.idx.msk [tilespmem:v41+s17+$0x0], vm1  }
0x1cd: {  	v43 =	vadd.s32 $0x2200, v14;
	_ =	sdelay $0x3  }
0x1ce: {  	[tilespmem:v42+s31+$0x0] =	vst.idx.msk vm1, v16  }
0x1cf: {  	v44 =	vor.u32 $0x14, v17;
	v16 =	vld.idx.msk [tilespmem:v43+s17+$0x0], vm1  }
0x1d0: {  	v45 =	vadd.s32 $0x2280, v14;
	_ =	sdelay $0x3  }
0x1d1: {  	[tilespmem:v44+s31+$0x0] =	vst.idx.msk vm1, v16  }
0x1d2: {  	v46 =	vor.u32 $0x15, v17;
	v16 =	vld.idx.msk [tilespmem:v45+s17+$0x0], vm1  }
0x1d3: {  	v47 =	vadd.s32 $0x2300, v14;
	_ =	sdelay $0x3  }
0x1d4: {  	[tilespmem:v46+s31+$0x0] =	vst.idx.msk vm1, v16  }
0x1d5: {  	v48 =	vor.u32 $0x16, v17;
	v16 =	vld.idx.msk [tilespmem:v47+s17+$0x0], vm1  }
0x1d6: {  	v49 =	vadd.s32 $0x2380, v14;
	_ =	sdelay $0x3  }
0x1d7: {  	[tilespmem:v48+s31+$0x0] =	vst.idx.msk vm1, v16  }
0x1d8: {  	v50 =	vor.u32 $0x17, v17;
	v16 =	vld.idx.msk [tilespmem:v49+s17+$0x0], vm1  }
0x1d9: {  	v51 =	vadd.s32 $0x3000, v14;
	_ =	sdelay $0x3  }
0x1da: {  	[tilespmem:v50+s31+$0x0] =	vst.idx.msk vm1, v16  }
0x1db: {  	v52 =	vor.u32 $0x18, v17;
	v16 =	vld.idx.msk [tilespmem:v51+s17+$0x0], vm1  }
0x1dc: {  	v53 =	vadd.s32 $0x3080, v14;
	_ =	sdelay $0x3  }
0x1dd: {  	[tilespmem:v52+s31+$0x0] =	vst.idx.msk vm1, v16  }
0x1de: {  	v54 =	vor.u32 $0x19, v17;
	v16 =	vld.idx.msk [tilespmem:v53+s17+$0x0], vm1  }
0x1df: {  	v55 =	vadd.s32 $0x3100, v14;
	_ =	sdelay $0x3  }
0x1e0: {  	[tilespmem:v54+s31+$0x0] =	vst.idx.msk vm1, v16  }
0x1e1: {  	v56 =	vor.u32 $0x1A, v17;
	v16 =	vld.idx.msk [tilespmem:v55+s17+$0x0], vm1  }
0x1e2: {  	v57 =	vadd.s32 $0x3180, v14;
	_ =	sdelay $0x3  }
0x1e3: {  	[tilespmem:v56+s31+$0x0] =	vst.idx.msk vm1, v16  }
0x1e4: {  	v58 =	vor.u32 $0x1B, v17;
	v16 =	vld.idx.msk [tilespmem:v57+s17+$0x0], vm1  }
0x1e5: {  	v59 =	vadd.s32 $0x3200, v14;
	_ =	sdelay $0x3  }
0x1e6: {  	[tilespmem:v58+s31+$0x0] =	vst.idx.msk vm1, v16  }
0x1e7: {  	v60 =	vor.u32 $0x1C, v17;
	v16 =	vld.idx.msk [tilespmem:v59+s17+$0x0], vm1  }
0x1e8: {  	v61 =	vadd.s32 $0x3280, v14;
	_ =	sdelay $0x3  }
0x1e9: {  	(v2sf) =	vpush v15, $0xF;
	[tilespmem:v60+s31+$0x0] =	vst.idx.msk vm1, v16  }
0x1ea: {  	v62 =	vor.u32 $0x1D, v17;
	v16 =	vld.idx.msk [tilespmem:v61+s17+$0x0], vm1  }
0x1eb: {  	v15 =	vadd.s32 $0x3300, v14;
	_ =	sdelay $0x3  }
0x1ec: {  	[tilespmem:v62+s31+$0x0] =	vst.idx.msk vm1, v16  }
0x1ed: {  	v63 =	vor.u32 $0x1E, v17;
	v15 =	vld.idx.msk [tilespmem:v15+s17+$0x0], vm1  }
0x1ee: {  	v14 =	vadd.s32 $0x3380, v14;
	_ =	sdelay $0x3  }
0x1ef: {  	[tilespmem:v63+s31+$0x0] =	vst.idx.msk vm1, v15  }
0x1f0: {  	v15 =	vor.u32 $0x1F, v17;
	v14 =	vld.idx.msk [tilespmem:v14+s17+$0x0], vm1;
	_ =	sdelay $0x1  }
0x1f1: {  	s19 =	spop (v2sf)  }
0x1f2: {  	s1 =	sadd.s32 s1, s19  }
0x1f3: {  	p1 =	slt.s32 s1, $0x71  }
0x1f4: {  	p0 =	sgt.s32 s7, $0x1;
	s12 =	simm.s32 @!p1 $0x1A900;
	[tilespmem:v15+s31+$0x0] =	vst.idx.msk vm1, v14  }
0x1f5: {  	s14 =	simm.s32 @!p1 $0x3;
	s4 =	simm.s32 @!p1 $0x80;
	[tilespmem:v13+s0+$0x0] =	vst.idx.msk vm1, v19;
	(ifvalue) =	ssetifvalue @!p1 $0xFFFFFFFF  }
.Ltmp7:
0x1f6: {  	s19 =	simm.s32 @!p1 $0x10480;
	(ifvalue) =	ssetifvalue @!p1 $0xFFFFFFFF;
	(pc) =	sbr.rel @!p0 .LBB2_10-.Ltmp7, $4  }
0x1f7: {  	[hbm4b:s9+s4] =	stream.indirect.scatter @!p1 [tilespmem:s12], [sflag:$0x3], $0x80, s19, s4, $0x40b8;
	[tilespmem:$0x1E900] =	vst v63  }
0x1f8: {  	_ =	swait.ge @!p1 [sflag:s14], $0x4000  }
0x1f9: {  	s13 =	sadd.s32 $0x10, s13;
	[sflag:s14] =	ssyncset.done @!p1 $0x0  }
0x1fa: {  	s1 =	simm.s32 @!p1 $0x0;
	v13 =	vimm.s32 @!p1 $0xFFFFFFFF;
	s12 =	simm.s32 $0x1;
	[sflag:s14] =	ssyncadd.s32 @!p1 $0xFFFFC000  }
.LBB2_9:
0x1fb: {  	s12 =	sadd.s32 $0x1, s12;
	[tilespmem:$0x104F0] =	vst @!p1 v13;
	s11 =	sadd.s32 $0x10, s11;
	s15 =	sadd.s32 $0x10, s15  }
0x1fc: {  	p0 =	sgt.s32 s7, s12;
	[tilespmem:$0x104E0] =	vst @!p1 v13  }
0x1fd: {  	[tilespmem:$0x104D0] =	vst @!p1 v13  }
0x1fe: {  	[tilespmem:$0x104C0] =	vst @!p1 v13  }
0x1ff: {  	[tilespmem:$0x104B0] =	vst @!p1 v13  }
0x200: {  	[tilespmem:$0x104A0] =	vst @!p1 v13  }
0x201: {  	[tilespmem:$0x10480] =	vst @!p1 v13  }
0x202: {  	[tilespmem:$0x10490] =	vst @!p1 v13  }
0x203: {  	v13 =	vld [tilespmem:s11+$0x0];
	_ =	sdelay $0x1  }
0x204: {  	v14 =	vadd.s32 s13, v5  }
0x205: {  	vm1 =	vge.s32 v14, v11;
	vm2 =	vlt.s32 v14, v7  }
0x206: {  	vm1 =	vmand vm1, vm2  }
0x207: {  	v15 =	vsel vm1, $0x1, v0;
	v14 =	vsub.s32 v13, v12  }
0x208: {  	v14 =	vshll.u32 v14, $0x3;
	(xrf0) =	vadd.scan.msk.s32 $0xffff, v15  }
0x209: {  	v13 =	vand.u32 $0x7F, v13;
	v14 =	vand.u32 $0xFFFFFC00, v14  }
0x20a: {  	v14 =	vor.u32 v13, v14  }
0x20b: {  	v13 =	vmov s1  }
0x20c: {  	v13 =	vadd.s32 $0xFFFFFFFF, v13  }
0x20d: {  	v13 =	vbroadcast v13, $0x0  }
0x20e: {  	v15, _, _ =	vpop (xrf0)  }
0x20f: {  	v13 =	vadd.s32 v15, v13;
	v17 =	vld.idx.msk [tilespmem:v14+s17+$0x0], vm1;
	(v2sf) =	vpush v15, $0xF  }
0x210: {  	v16 =	vshll.u32 v13, $0x7  }
0x211: {  	v18 =	vor.u32 $0x80, v14;
	_ =	sdelay $0x2  }
0x212: {  	v15 =	vld [tilespmem:s15+$0x0]  }
0x213: {  	[tilespmem:v16+s31+$0x0] =	vst.idx.msk vm1, v17  }
0x214: {  	v17 =	vld.idx.msk [tilespmem:v18+s17+$0x0], vm1  }
0x215: {  	v18 =	vor.u32 $0x1, v16  }
0x216: {  	v19 =	vor.u32 $0x100, v14;
	_ =	sdelay $0x3  }
0x217: {  	[tilespmem:v18+s31+$0x0] =	vst.idx.msk vm1, v17  }
0x218: {  	v17 =	vld.idx.msk [tilespmem:v19+s17+$0x0], vm1  }
0x219: {  	v18 =	vor.u32 $0x2, v16;
	s4 =	spop (v2sf)  }
0x21a: {  	v19 =	vor.u32 $0x180, v14;
	s1 =	sadd.s32 s1, s4;
	_ =	sdelay $0x3  }
0x21b: {  	[tilespmem:v18+s31+$0x0] =	vst.idx.msk vm1, v17  }
0x21c: {  	v17 =	vld.idx.msk [tilespmem:v19+s17+$0x0], vm1  }
0x21d: {  	v18 =	vor.u32 $0x3, v16  }
0x21e: {  	v19 =	vor.u32 $0x200, v14;
	_ =	sdelay $0x3  }
0x21f: {  	[tilespmem:v18+s31+$0x0] =	vst.idx.msk vm1, v17  }
0x220: {  	v17 =	vld.idx.msk [tilespmem:v19+s17+$0x0], vm1  }
0x221: {  	v18 =	vor.u32 $0x4, v16  }
0x222: {  	v19 =	vor.u32 $0x280, v14;
	_ =	sdelay $0x3  }
0x223: {  	[tilespmem:v18+s31+$0x0] =	vst.idx.msk vm1, v17  }
0x224: {  	v17 =	vld.idx.msk [tilespmem:v19+s17+$0x0], vm1  }
0x225: {  	v18 =	vor.u32 $0x5, v16  }
0x226: {  	v19 =	vor.u32 $0x300, v14;
	_ =	sdelay $0x3  }
0x227: {  	[tilespmem:v18+s31+$0x0] =	vst.idx.msk vm1, v17  }
0x228: {  	v17 =	vld.idx.msk [tilespmem:v19+s17+$0x0], vm1  }
0x229: {  	v18 =	vor.u32 $0x6, v16  }
0x22a: {  	v19 =	vor.u32 $0x380, v14;
	_ =	sdelay $0x3  }
0x22b: {  	[tilespmem:v18+s31+$0x0] =	vst.idx.msk vm1, v17  }
0x22c: {  	v17 =	vld.idx.msk [tilespmem:v19+s17+$0x0], vm1  }
0x22d: {  	v18 =	vor.u32 $0x7, v16  }
0x22e: {  	v19 =	vadd.s32 $0x1000, v14;
	_ =	sdelay $0x3  }
0x22f: {  	[tilespmem:v18+s31+$0x0] =	vst.idx.msk vm1, v17  }
0x230: {  	v17 =	vld.idx.msk [tilespmem:v19+s17+$0x0], vm1  }
0x231: {  	v18 =	vor.u32 $0x8, v16  }
0x232: {  	v19 =	vadd.s32 $0x1080, v14;
	_ =	sdelay $0x3  }
0x233: {  	[tilespmem:v18+s31+$0x0] =	vst.idx.msk vm1, v17  }
0x234: {  	v17 =	vld.idx.msk [tilespmem:v19+s17+$0x0], vm1  }
0x235: {  	v18 =	vor.u32 $0x9, v16  }
0x236: {  	v19 =	vadd.s32 $0x1100, v14;
	_ =	sdelay $0x3  }
0x237: {  	[tilespmem:v18+s31+$0x0] =	vst.idx.msk vm1, v17  }
0x238: {  	v17 =	vld.idx.msk [tilespmem:v19+s17+$0x0], vm1  }
0x239: {  	v18 =	vor.u32 $0xA, v16  }
0x23a: {  	v19 =	vadd.s32 $0x1180, v14;
	_ =	sdelay $0x3  }
0x23b: {  	[tilespmem:v18+s31+$0x0] =	vst.idx.msk vm1, v17  }
0x23c: {  	v17 =	vld.idx.msk [tilespmem:v19+s17+$0x0], vm1  }
0x23d: {  	v18 =	vor.u32 $0xB, v16  }
0x23e: {  	v19 =	vadd.s32 $0x1200, v14;
	_ =	sdelay $0x3  }
0x23f: {  	[tilespmem:v18+s31+$0x0] =	vst.idx.msk vm1, v17  }
0x240: {  	v17 =	vld.idx.msk [tilespmem:v19+s17+$0x0], vm1  }
0x241: {  	v18 =	vor.u32 $0xC, v16  }
0x242: {  	v19 =	vadd.s32 $0x1280, v14;
	_ =	sdelay $0x3  }
0x243: {  	[tilespmem:v18+s31+$0x0] =	vst.idx.msk vm1, v17  }
0x244: {  	v17 =	vld.idx.msk [tilespmem:v19+s17+$0x0], vm1  }
0x245: {  	v18 =	vor.u32 $0xD, v16  }
0x246: {  	v19 =	vadd.s32 $0x1300, v14;
	_ =	sdelay $0x3  }
0x247: {  	[tilespmem:v18+s31+$0x0] =	vst.idx.msk vm1, v17  }
0x248: {  	v17 =	vld.idx.msk [tilespmem:v19+s17+$0x0], vm1  }
0x249: {  	v18 =	vor.u32 $0xE, v16  }
0x24a: {  	v19 =	vadd.s32 $0x1380, v14;
	_ =	sdelay $0x3  }
0x24b: {  	[tilespmem:v18+s31+$0x0] =	vst.idx.msk vm1, v17  }
0x24c: {  	v17 =	vld.idx.msk [tilespmem:v19+s17+$0x0], vm1  }
0x24d: {  	v18 =	vor.u32 $0xF, v16  }
0x24e: {  	v19 =	vadd.s32 $0x2000, v14;
	_ =	sdelay $0x3  }
0x24f: {  	[tilespmem:v18+s31+$0x0] =	vst.idx.msk vm1, v17  }
0x250: {  	v17 =	vld.idx.msk [tilespmem:v19+s17+$0x0], vm1  }
0x251: {  	v18 =	vor.u32 $0x10, v16  }
0x252: {  	v19 =	vadd.s32 $0x2080, v14;
	_ =	sdelay $0x3  }
0x253: {  	[tilespmem:v18+s31+$0x0] =	vst.idx.msk vm1, v17  }
0x254: {  	v17 =	vld.idx.msk [tilespmem:v19+s17+$0x0], vm1  }
0x255: {  	v18 =	vor.u32 $0x11, v16  }
0x256: {  	v19 =	vadd.s32 $0x2100, v14;
	_ =	sdelay $0x3  }
0x257: {  	[tilespmem:v18+s31+$0x0] =	vst.idx.msk vm1, v17  }
0x258: {  	v17 =	vld.idx.msk [tilespmem:v19+s17+$0x0], vm1  }
0x259: {  	v18 =	vor.u32 $0x12, v16  }
0x25a: {  	v19 =	vadd.s32 $0x2180, v14;
	_ =	sdelay $0x3  }
0x25b: {  	[tilespmem:v18+s31+$0x0] =	vst.idx.msk vm1, v17  }
0x25c: {  	v17 =	vld.idx.msk [tilespmem:v19+s17+$0x0], vm1  }
0x25d: {  	v18 =	vor.u32 $0x13, v16  }
0x25e: {  	v19 =	vadd.s32 $0x2200, v14;
	_ =	sdelay $0x3  }
0x25f: {  	[tilespmem:v18+s31+$0x0] =	vst.idx.msk vm1, v17  }
0x260: {  	v17 =	vld.idx.msk [tilespmem:v19+s17+$0x0], vm1  }
0x261: {  	v18 =	vor.u32 $0x14, v16  }
0x262: {  	v19 =	vadd.s32 $0x2280, v14;
	_ =	sdelay $0x3  }
0x263: {  	[tilespmem:v18+s31+$0x0] =	vst.idx.msk vm1, v17  }
0x264: {  	v17 =	vld.idx.msk [tilespmem:v19+s17+$0x0], vm1  }
0x265: {  	v18 =	vor.u32 $0x15, v16  }
0x266: {  	v19 =	vadd.s32 $0x2300, v14;
	_ =	sdelay $0x3  }
0x267: {  	[tilespmem:v18+s31+$0x0] =	vst.idx.msk vm1, v17  }
0x268: {  	v17 =	vld.idx.msk [tilespmem:v19+s17+$0x0], vm1  }
0x269: {  	v18 =	vor.u32 $0x16, v16  }
0x26a: {  	v19 =	vadd.s32 $0x2380, v14;
	_ =	sdelay $0x3  }
0x26b: {  	[tilespmem:v18+s31+$0x0] =	vst.idx.msk vm1, v17  }
0x26c: {  	v17 =	vld.idx.msk [tilespmem:v19+s17+$0x0], vm1  }
0x26d: {  	v18 =	vor.u32 $0x17, v16  }
0x26e: {  	v19 =	vadd.s32 $0x3000, v14;
	_ =	sdelay $0x3  }
0x26f: {  	[tilespmem:v18+s31+$0x0] =	vst.idx.msk vm1, v17  }
0x270: {  	v17 =	vld.idx.msk [tilespmem:v19+s17+$0x0], vm1  }
0x271: {  	v18 =	vor.u32 $0x18, v16  }
0x272: {  	v19 =	vadd.s32 $0x3080, v14;
	_ =	sdelay $0x3  }
0x273: {  	[tilespmem:v18+s31+$0x0] =	vst.idx.msk vm1, v17  }
0x274: {  	v17 =	vld.idx.msk [tilespmem:v19+s17+$0x0], vm1  }
0x275: {  	v18 =	vor.u32 $0x19, v16  }
0x276: {  	v19 =	vadd.s32 $0x3100, v14;
	_ =	sdelay $0x3  }
0x277: {  	[tilespmem:v18+s31+$0x0] =	vst.idx.msk vm1, v17  }
0x278: {  	v17 =	vld.idx.msk [tilespmem:v19+s17+$0x0], vm1  }
0x279: {  	v18 =	vor.u32 $0x1A, v16  }
0x27a: {  	v19 =	vadd.s32 $0x3180, v14;
	_ =	sdelay $0x3  }
0x27b: {  	[tilespmem:v18+s31+$0x0] =	vst.idx.msk vm1, v17  }
0x27c: {  	v17 =	vld.idx.msk [tilespmem:v19+s17+$0x0], vm1  }
0x27d: {  	v18 =	vor.u32 $0x1B, v16  }
0x27e: {  	v19 =	vadd.s32 $0x3200, v14;
	_ =	sdelay $0x3  }
0x27f: {  	[tilespmem:v18+s31+$0x0] =	vst.idx.msk vm1, v17  }
0x280: {  	v17 =	vld.idx.msk [tilespmem:v19+s17+$0x0], vm1  }
0x281: {  	v18 =	vor.u32 $0x1C, v16  }
0x282: {  	v19 =	vadd.s32 $0x3280, v14;
	_ =	sdelay $0x3  }
0x283: {  	[tilespmem:v18+s31+$0x0] =	vst.idx.msk vm1, v17  }
0x284: {  	v17 =	vld.idx.msk [tilespmem:v19+s17+$0x0], vm1  }
0x285: {  	v18 =	vor.u32 $0x1D, v16  }
0x286: {  	v19 =	vadd.s32 $0x3300, v14;
	_ =	sdelay $0x3  }
0x287: {  	[tilespmem:v18+s31+$0x0] =	vst.idx.msk vm1, v17  }
0x288: {  	v17 =	vld.idx.msk [tilespmem:v19+s17+$0x0], vm1  }
0x289: {  	v18 =	vor.u32 $0x1E, v16  }
0x28a: {  	v14 =	vadd.s32 $0x3380, v14;
	_ =	sdelay $0x3  }
0x28b: {  	[tilespmem:v18+s31+$0x0] =	vst.idx.msk vm1, v17  }
0x28c: {  	v14 =	vld.idx.msk [tilespmem:v14+s17+$0x0], vm1  }
0x28d: {  	v16 =	vor.u32 $0x1F, v16;
	_ =	sdelay $0x4  }
0x28e: {  	p1 =	slt.s32 s1, $0x71;
	[tilespmem:v16+s31+$0x0] =	vst.idx.msk vm1, v14  }
0x28f: {  	s4 =	simm.s32 @!p1 $0x1A900;
	[tilespmem:v13+s0+$0x0] =	vst.idx.msk vm1, v15  }
0x290: {  	s14 =	simm.s32 @!p1 $0x3;
	s19 =	simm.s32 @!p1 $0x80;
	(ifvalue) =	ssetifvalue @!p1 $0xFFFFFFFF  }
.Ltmp8:
0x291: {  	s5 =	simm.s32 @!p1 $0x10480;
	(ifvalue) =	ssetifvalue @!p1 $0xFFFFFFFF;
	(pc) =	sbr.rel @p0 .LBB2_9-.Ltmp8, $4  }
0x292: {  	[hbm4b:s9+s19] =	stream.indirect.scatter @!p1 [tilespmem:s4], [sflag:$0x3], $0x80, s5, s19, $0x40b8;
	[tilespmem:$0x1E900] =	vst v63  }
0x293: {  	s1 =	simm.s32 @!p1 $0x0;
	_ =	swait.ge @!p1 [sflag:s14], $0x4000  }
0x294: {  	[sflag:s14] =	ssyncset.done @!p1 $0x0  }
0x295: {  	s13 =	sadd.s32 $0x10, s13;
	v13 =	vimm.s32 @!p1 $0xFFFFFFFF;
	[sflag:s14] =	ssyncadd.s32 @!p1 $0xFFFFC000  }
.LBB2_10:
0x296: {  	[tilespmem:$0x104F0] =	vst @!p1 v13  }
0x297: {  	[tilespmem:$0x104E0] =	vst @!p1 v13  }
0x298: {  	[tilespmem:$0x104D0] =	vst @!p1 v13  }
.Ltmp9:
0x299: {  	[tilespmem:$0x104C0] =	vst @!p1 v13;
	(pc) =	sbr.rel .LBB2_11-.Ltmp9, $4  }
0x29a: {  	[tilespmem:$0x104B0] =	vst @!p1 v13  }
0x29b: {  	[tilespmem:$0x104A0] =	vst @!p1 v13  }
0x29c: {  	[tilespmem:$0x10480] =	vst @!p1 v13  }
0x29d: {  	[tilespmem:$0x10490] =	vst @!p1 v13  }
.LBB2_7:
0x29e: {  	s1 =	smov.u32 @p0 s1  }
.LBB2_11:
0x29f: {  	s4 =	sadd.s32 $0x2, s20  }
0x2a0: {  	p0 =	sge.u32 s4, s10  }
0x2a1: {  	s4 =	sshll.u32 @!p0 s4, $0xC  }
0x2a2: {  	s4 =	sadd.s32 @!p0 s8, s4  }
0x2a3: {  	s12 =	sor.u32 $0x1, s20;
	s5 =	simm.s32 @!p0 $0x1000;
	s4 =	sshrl.u32 @!p0 s4, $0x3  }
0x2a4: {  	s7 =	simm.s32 @!p0 $0x7A1400;
	s11 =	simm.s32 @!p0 $0x10500;
	s4 =	sadd.s32 @!p0 s3, s4  }
0x2a5: {  	[tilespmem:s11], [sflag:$0x1] =	stream.strided.gather @!p0 [hbm4b:s4+s5], $0x4000, s7, s5, $0x38;
	[tilespmem:$0x1E900] =	vst v63  }
0x2a6: {  	p0 =	sge.u32 s12, s10  }
0x2a7: {  	s4 =	simm.s32 @!p0 $0x2  }
0x2a8: {  	_ =	swait.ge @!p0 [sflag:s4], $0x4000  }
0x2a9: {  	[sflag:s4] =	ssyncset.done @!p0 $0x0  }
0x2aa: {  	[sflag:s4] =	ssyncadd.s32 @!p0 $0xFFFFC000  }
0x2ab: {  	v11 =	vld [tilespmem:$0x10200]  }
0x2ac: {  	v12 =	vld [tilespmem:$0x10210]  }
0x2ad: {  	v13 =	vld [tilespmem:$0x10220]  }
0x2ae: {  	v14 =	vmov s12  }
0x2af: {  	vm1 =	veq.s32 v14, v5;
	v61 =	vld [tilespmem:$0x10230]  }
0x2b0: {  	v11 =	vnsel vm1, $0x0, v11;
	vm1 =	veq.s32 v14, v9  }
0x2b1: {  	(xrf0) =	vadd.scan.msk.s32 $0xffff, v11;
	v62 =	vnsel vm1, $0x0, v12;
	vm1 =	veq.s32 v14, v8  }
0x2b2: {  	(xrf0) =	vadd.scan.msk.s32 $0xffff, v62;
	v8 =	vnsel vm1, $0x0, v13  }
0x2b3: {  	vm1 =	veq.s32 v14, v10;
	(xrf0) =	vadd.scan.msk.s32 $0xffff, v8  }
0x2b4: {  	v8 =	vnsel vm1, $0x0, v61  }
0x2b5: {  	(xrf0) =	vadd.scan.msk.s32 $0xffff, v8;
	_ =	sdelay $0x1  }
0x2b6: {  	v8, _, _ =	vpop (xrf0)  }
0x2b7: {  	v63, _, _ =	vpop (xrf0);
	(v2sf) =	vpush v8, $0xF  }
0x2b8: {  	v8, _, _ =	vpop (xrf0);
	(v2sf) =	vpush v63, $0xF  }
0x2b9: {  	(v2sf) =	vpush v8, $0xF  }
0x2ba: {  	v8, _, _ =	vpop (xrf0)  }
0x2bb: {  	(v2sf) =	vpush v8, $0xF;
	_ =	sdelay $0x9  }
0x2bc: {  	s14 =	sand.u32 $0x7, s16  }
0x2bd: {  	p1 =	slt.s32 s16, $0x1;
	p2 =	sne.s32 s14, $0x0;
	s7 =	spop (v2sf)  }
0x2be: {  	s15 =	sshra.s32 s16, $0x1F;
	p1 =	por !p1, !p2;
	s11 =	spop (v2sf)  }
0x2bf: {  	p1 =	por !p1, !p1;
	p0 =	slt.u32 s12, s10;
	s13 =	spop (v2sf)  }
0x2c0: {  	s4 =	sadd.s32 s7, s11;
	s7 =	sshrl.u32 s15, $0x1D;
	s11 =	simm.s32 $0x1  }
0x2c1: {  	s4 =	sadd.s32 s13, s4;
	s19 =	spop (v2sf);
	s7 =	sadd.s32 s7, s16  }
0x2c2: {  	s11 =	simm.s32 @!p1 $0x0;
	s4 =	sadd.s32 s19, s4;
	s13 =	sshra.s32 s7, $0x3  }
0x2c3: {  	s4 =	simm.s32 @!p0 $0x0;
	s11 =	ssub.s32 s13, s11  }
0x2c4: {  	s15 =	sadd.s32 s16, s4;
	s13 =	sshll.u32 s11, $0x3  }
0x2c5: {  	s4 =	ssub.s32 s15, s13  }
0x2c6: {  	s4 =	sadd.s32 $0xF, s4  }
0x2c7: {  	s14 =	sand.u32 $0xF, s4  }
0x2c8: {  	s19 =	sshra.s32 s4, $0x1F;
	p6 =	slt.s32 s4, $0x1;
	p5 =	sne.s32 s14, $0x0  }
0x2c9: {  	s5 =	sshrl.u32 s19, $0x1C;
	p0 =	por !p6, !p5  }
0x2ca: {  	s4 =	sadd.s32 s5, s4;
	s5 =	simm.s32 $0x1;
	p0 =	por !p0, !p0  }
0x2cb: {  	s4 =	sshra.s32 s4, $0x4;
	s5 =	simm.s32 @!p0 $0x0  }
0x2cc: {  	p0 =	sle.s32 s15, s16;
	s7 =	ssub.s32 s4, s5  }
0x2cd: {  	p1 =	slt.s32 @!p0 s7, $0x1  }
0x2ce: {  	p1 =	por p0, p1  }
.Ltmp10:
0x2cf: {  	_ = 	snop;
	(pc) =	sbr.rel @p1 .LBB2_12-.Ltmp10, $1  }
0x2d0: {  	_ =	sdelay $0x3  }
0x2d1: {  	s4 =	sshll.u32 s11, $0x5  }
0x2d2: {  	s4 =	sshra.s32 s4, $0x2  }
0x2d3: {  	s11 =	sadd.s32 $0x8000, s4  }
0x2d4: {  	v10 =	vld [tilespmem:s11+$0x0]  }
0x2d5: {  	v8 =	vmov s15;
	v9 =	vadd.s32 s13, v5  }
0x2d6: {  	s5 =	sshll.u32 s12, $0x9;
	vm1 =	vge.s32 v9, v7;
	vm2 =	vlt.s32 v9, v8  }
0x2d7: {  	s5 =	sadd.s32 s6, s5;
	vm1 =	vmand vm1, vm2  }
0x2d8: {  	v9 =	vmov s5;
	v11 =	vsel vm1, $0x1, v0  }
0x2d9: {  	(xrf0) =	vadd.scan.msk.s32 $0xffff, v11;
	v12 =	vsub.s32 v10, v9  }
0x2da: {  	v11 =	vshll.u32 v12, $0x3  }
0x2db: {  	v10 =	vand.u32 $0x7F, v10;
	v11 =	vand.u32 $0xFFFFFC00, v11  }
0x2dc: {  	v11 =	vor.u32 v10, v11;
	v10 =	vmov s1  }
0x2dd: {  	v10 =	vadd.s32 $0xFFFFFFFF, v10  }
0x2de: {  	v10 =	vbroadcast v10, $0x0  }
0x2df: {  	v12, _, _ =	vpop (xrf0)  }
0x2e0: {  	v10 =	vadd.s32 v12, v10  }
0x2e1: {  	v13 =	vld.idx.msk [tilespmem:v11+s18+$0x0], vm1;
	v14 =	vshll.u32 v10, $0x7  }
0x2e2: {  	v15 =	vor.u32 $0x80, v11;
	_ =	sdelay $0x2  }
0x2e3: {  	s16 =	sadd.s32 $0xC100, s4  }
0x2e4: {  	v16 =	vld [tilespmem:s16+$0x0];
	[tilespmem:v14+s31+$0x0] =	vst.idx.msk vm1, v13  }
0x2e5: {  	v49 =	vor.u32 $0x1, v14;
	v13 =	vld.idx.msk [tilespmem:v15+s18+$0x0], vm1  }
0x2e6: {  	v17 =	vor.u32 $0x100, v11;
	_ =	sdelay $0x3  }
0x2e7: {  	[tilespmem:v49+s31+$0x0] =	vst.idx.msk vm1, v13  }
0x2e8: {  	v50 =	vor.u32 $0x2, v14;
	v13 =	vld.idx.msk [tilespmem:v17+s18+$0x0], vm1  }
0x2e9: {  	v51 =	vor.u32 $0x180, v11;
	_ =	sdelay $0x3  }
0x2ea: {  	[tilespmem:v50+s31+$0x0] =	vst.idx.msk vm1, v13  }
0x2eb: {  	v52 =	vor.u32 $0x3, v14;
	v13 =	vld.idx.msk [tilespmem:v51+s18+$0x0], vm1  }
0x2ec: {  	v53 =	vor.u32 $0x200, v11;
	_ =	sdelay $0x3  }
0x2ed: {  	[tilespmem:v52+s31+$0x0] =	vst.idx.msk vm1, v13  }
0x2ee: {  	v54 =	vor.u32 $0x4, v14;
	v13 =	vld.idx.msk [tilespmem:v53+s18+$0x0], vm1  }
0x2ef: {  	v55 =	vor.u32 $0x280, v11;
	_ =	sdelay $0x3  }
0x2f0: {  	[tilespmem:v54+s31+$0x0] =	vst.idx.msk vm1, v13  }
0x2f1: {  	v56 =	vor.u32 $0x5, v14;
	v13 =	vld.idx.msk [tilespmem:v55+s18+$0x0], vm1  }
0x2f2: {  	v57 =	vor.u32 $0x300, v11;
	_ =	sdelay $0x3  }
0x2f3: {  	[tilespmem:v56+s31+$0x0] =	vst.idx.msk vm1, v13  }
0x2f4: {  	v58 =	vor.u32 $0x6, v14;
	v13 =	vld.idx.msk [tilespmem:v57+s18+$0x0], vm1  }
0x2f5: {  	v59 =	vor.u32 $0x380, v11;
	_ =	sdelay $0x3  }
0x2f6: {  	[tilespmem:v58+s31+$0x0] =	vst.idx.msk vm1, v13  }
0x2f7: {  	v60 =	vor.u32 $0x7, v14;
	v13 =	vld.idx.msk [tilespmem:v59+s18+$0x0], vm1  }
0x2f8: {  	v61 =	vadd.s32 $0x1000, v11;
	_ =	sdelay $0x3  }
0x2f9: {  	[tilespmem:v60+s31+$0x0] =	vst.idx.msk vm1, v13  }
0x2fa: {  	v62 =	vor.u32 $0x8, v14;
	v13 =	vld.idx.msk [tilespmem:v61+s18+$0x0], vm1  }
0x2fb: {  	v63 =	vadd.s32 $0x1080, v11;
	_ =	sdelay $0x3  }
0x2fc: {  	[tilespmem:v62+s31+$0x0] =	vst.idx.msk vm1, v13  }
0x2fd: {  	v20 =	vor.u32 $0x9, v14;
	v13 =	vld.idx.msk [tilespmem:v63+s18+$0x0], vm1  }
0x2fe: {  	v21 =	vadd.s32 $0x1100, v11;
	_ =	sdelay $0x3  }
0x2ff: {  	[tilespmem:v20+s31+$0x0] =	vst.idx.msk vm1, v13  }
0x300: {  	v22 =	vor.u32 $0xA, v14;
	v13 =	vld.idx.msk [tilespmem:v21+s18+$0x0], vm1  }
0x301: {  	v23 =	vadd.s32 $0x1180, v11;
	_ =	sdelay $0x3  }
0x302: {  	[tilespmem:v22+s31+$0x0] =	vst.idx.msk vm1, v13  }
0x303: {  	v24 =	vor.u32 $0xB, v14;
	v13 =	vld.idx.msk [tilespmem:v23+s18+$0x0], vm1  }
0x304: {  	v25 =	vadd.s32 $0x1200, v11;
	_ =	sdelay $0x3  }
0x305: {  	[tilespmem:v24+s31+$0x0] =	vst.idx.msk vm1, v13  }
0x306: {  	v26 =	vor.u32 $0xC, v14;
	v13 =	vld.idx.msk [tilespmem:v25+s18+$0x0], vm1  }
0x307: {  	v27 =	vadd.s32 $0x1280, v11;
	_ =	sdelay $0x3  }
0x308: {  	[tilespmem:v26+s31+$0x0] =	vst.idx.msk vm1, v13  }
0x309: {  	v28 =	vor.u32 $0xD, v14;
	v13 =	vld.idx.msk [tilespmem:v27+s18+$0x0], vm1  }
0x30a: {  	v29 =	vadd.s32 $0x1300, v11;
	_ =	sdelay $0x3  }
0x30b: {  	[tilespmem:v28+s31+$0x0] =	vst.idx.msk vm1, v13  }
0x30c: {  	v30 =	vor.u32 $0xE, v14;
	v13 =	vld.idx.msk [tilespmem:v29+s18+$0x0], vm1  }
0x30d: {  	v31 =	vadd.s32 $0x1380, v11;
	_ =	sdelay $0x3  }
0x30e: {  	[tilespmem:v30+s31+$0x0] =	vst.idx.msk vm1, v13  }
0x30f: {  	v32 =	vor.u32 $0xF, v14;
	v13 =	vld.idx.msk [tilespmem:v31+s18+$0x0], vm1  }
0x310: {  	v33 =	vadd.s32 $0x2000, v11;
	_ =	sdelay $0x3  }
0x311: {  	[tilespmem:v32+s31+$0x0] =	vst.idx.msk vm1, v13  }
0x312: {  	v34 =	vor.u32 $0x10, v14;
	v13 =	vld.idx.msk [tilespmem:v33+s18+$0x0], vm1  }
0x313: {  	v35 =	vadd.s32 $0x2080, v11;
	_ =	sdelay $0x3  }
0x314: {  	[tilespmem:v34+s31+$0x0] =	vst.idx.msk vm1, v13  }
0x315: {  	v36 =	vor.u32 $0x11, v14;
	v13 =	vld.idx.msk [tilespmem:v35+s18+$0x0], vm1  }
0x316: {  	v37 =	vadd.s32 $0x2100, v11;
	_ =	sdelay $0x3  }
0x317: {  	[tilespmem:v36+s31+$0x0] =	vst.idx.msk vm1, v13  }
0x318: {  	v38 =	vor.u32 $0x12, v14;
	v13 =	vld.idx.msk [tilespmem:v37+s18+$0x0], vm1  }
0x319: {  	v39 =	vadd.s32 $0x2180, v11;
	_ =	sdelay $0x3  }
0x31a: {  	[tilespmem:v38+s31+$0x0] =	vst.idx.msk vm1, v13  }
0x31b: {  	v40 =	vor.u32 $0x13, v14;
	v13 =	vld.idx.msk [tilespmem:v39+s18+$0x0], vm1  }
0x31c: {  	v41 =	vadd.s32 $0x2200, v11;
	_ =	sdelay $0x3  }
0x31d: {  	[tilespmem:v40+s31+$0x0] =	vst.idx.msk vm1, v13  }
0x31e: {  	v42 =	vor.u32 $0x14, v14;
	v13 =	vld.idx.msk [tilespmem:v41+s18+$0x0], vm1  }
0x31f: {  	v43 =	vadd.s32 $0x2280, v11;
	_ =	sdelay $0x3  }
0x320: {  	[tilespmem:v42+s31+$0x0] =	vst.idx.msk vm1, v13  }
0x321: {  	v44 =	vor.u32 $0x15, v14;
	v13 =	vld.idx.msk [tilespmem:v43+s18+$0x0], vm1  }
0x322: {  	v45 =	vadd.s32 $0x2300, v11;
	_ =	sdelay $0x3  }
0x323: {  	[tilespmem:v44+s31+$0x0] =	vst.idx.msk vm1, v13  }
0x324: {  	v46 =	vor.u32 $0x16, v14;
	v13 =	vld.idx.msk [tilespmem:v45+s18+$0x0], vm1  }
0x325: {  	v47 =	vadd.s32 $0x2380, v11;
	_ =	sdelay $0x3  }
0x326: {  	[tilespmem:v46+s31+$0x0] =	vst.idx.msk vm1, v13  }
0x327: {  	v48 =	vor.u32 $0x17, v14;
	v13 =	vld.idx.msk [tilespmem:v47+s18+$0x0], vm1  }
0x328: {  	v49 =	vadd.s32 $0x3000, v11;
	_ =	sdelay $0x3  }
0x329: {  	[tilespmem:v48+s31+$0x0] =	vst.idx.msk vm1, v13  }
0x32a: {  	v50 =	vor.u32 $0x18, v14;
	v13 =	vld.idx.msk [tilespmem:v49+s18+$0x0], vm1  }
0x32b: {  	v51 =	vadd.s32 $0x3080, v11;
	_ =	sdelay $0x3  }
0x32c: {  	[tilespmem:v50+s31+$0x0] =	vst.idx.msk vm1, v13  }
0x32d: {  	v52 =	vor.u32 $0x19, v14;
	v13 =	vld.idx.msk [tilespmem:v51+s18+$0x0], vm1  }
0x32e: {  	v53 =	vadd.s32 $0x3100, v11;
	_ =	sdelay $0x3  }
0x32f: {  	[tilespmem:v52+s31+$0x0] =	vst.idx.msk vm1, v13  }
0x330: {  	v54 =	vor.u32 $0x1A, v14;
	v13 =	vld.idx.msk [tilespmem:v53+s18+$0x0], vm1  }
0x331: {  	v55 =	vadd.s32 $0x3180, v11;
	_ =	sdelay $0x3  }
0x332: {  	[tilespmem:v54+s31+$0x0] =	vst.idx.msk vm1, v13  }
0x333: {  	v56 =	vor.u32 $0x1B, v14;
	v13 =	vld.idx.msk [tilespmem:v55+s18+$0x0], vm1  }
0x334: {  	v57 =	vadd.s32 $0x3200, v11;
	_ =	sdelay $0x3  }
0x335: {  	[tilespmem:v56+s31+$0x0] =	vst.idx.msk vm1, v13  }
0x336: {  	v58 =	vor.u32 $0x1C, v14;
	v13 =	vld.idx.msk [tilespmem:v57+s18+$0x0], vm1  }
0x337: {  	v59 =	vadd.s32 $0x3280, v11;
	_ =	sdelay $0x3  }
0x338: {  	(v2sf) =	vpush v12, $0xF;
	[tilespmem:v58+s31+$0x0] =	vst.idx.msk vm1, v13  }
0x339: {  	v60 =	vor.u32 $0x1D, v14;
	v13 =	vld.idx.msk [tilespmem:v59+s18+$0x0], vm1  }
0x33a: {  	v61 =	vadd.s32 $0x3300, v11;
	_ =	sdelay $0x3  }
0x33b: {  	[tilespmem:v60+s31+$0x0] =	vst.idx.msk vm1, v13  }
0x33c: {  	v62 =	vor.u32 $0x1E, v14;
	v12 =	vld.idx.msk [tilespmem:v61+s18+$0x0], vm1  }
0x33d: {  	v11 =	vadd.s32 $0x3380, v11;
	_ =	sdelay $0x3  }
0x33e: {  	[tilespmem:v62+s31+$0x0] =	vst.idx.msk vm1, v12  }
0x33f: {  	v63 =	vor.u32 $0x1F, v14;
	v11 =	vld.idx.msk [tilespmem:v11+s18+$0x0], vm1;
	_ =	sdelay $0x1  }
0x340: {  	s19 =	spop (v2sf)  }
0x341: {  	s1 =	sadd.s32 s1, s19  }
0x342: {  	p1 =	slt.s32 s1, $0x71  }
0x343: {  	p0 =	sgt.s32 s7, $0x1;
	s4 =	simm.s32 @!p1 $0x1A900;
	[tilespmem:v63+s31+$0x0] =	vst.idx.msk vm1, v11  }
0x344: {  	s5 =	simm.s32 @!p1 $0x3;
	s12 =	simm.s32 @!p1 $0x80;
	[tilespmem:v10+s0+$0x0] =	vst.idx.msk vm1, v16;
	(ifvalue) =	ssetifvalue @!p1 $0xFFFFFFFF  }
.Ltmp11:
0x345: {  	s14 =	simm.s32 @!p1 $0x10480;
	(ifvalue) =	ssetifvalue @!p1 $0xFFFFFFFF;
	(pc) =	sbr.rel @!p0 .LBB2_15-.Ltmp11, $4  }
0x346: {  	[hbm4b:s9+s12] =	stream.indirect.scatter @!p1 [tilespmem:s4], [sflag:$0x3], $0x80, s14, s12, $0x40b8;
	[tilespmem:$0x1E900] =	vst v63  }
0x347: {  	_ =	swait.ge @!p1 [sflag:s5], $0x4000  }
0x348: {  	s13 =	sadd.s32 $0x10, s13;
	[sflag:s5] =	ssyncset.done @!p1 $0x0  }
0x349: {  	s1 =	simm.s32 @!p1 $0x0;
	v10 =	vimm.s32 @!p1 $0xFFFFFFFF;
	s12 =	simm.s32 $0x1;
	[sflag:s5] =	ssyncadd.s32 @!p1 $0xFFFFC000  }
.LBB2_14:
0x34a: {  	s12 =	sadd.s32 $0x1, s12;
	[tilespmem:$0x104F0] =	vst @!p1 v10;
	s11 =	sadd.s32 $0x10, s11;
	s16 =	sadd.s32 $0x10, s16  }
0x34b: {  	p0 =	sgt.s32 s7, s12;
	[tilespmem:$0x104E0] =	vst @!p1 v10  }
0x34c: {  	[tilespmem:$0x104D0] =	vst @!p1 v10  }
0x34d: {  	[tilespmem:$0x104C0] =	vst @!p1 v10  }
0x34e: {  	[tilespmem:$0x104B0] =	vst @!p1 v10  }
0x34f: {  	[tilespmem:$0x104A0] =	vst @!p1 v10  }
0x350: {  	[tilespmem:$0x10480] =	vst @!p1 v10  }
0x351: {  	[tilespmem:$0x10490] =	vst @!p1 v10  }
0x352: {  	v10 =	vld [tilespmem:s11+$0x0];
	_ =	sdelay $0x1  }
0x353: {  	v11 =	vadd.s32 s13, v5  }
0x354: {  	vm1 =	vge.s32 v11, v7;
	vm2 =	vlt.s32 v11, v8  }
0x355: {  	vm1 =	vmand vm1, vm2  }
0x356: {  	v12 =	vsel vm1, $0x1, v0;
	v11 =	vsub.s32 v10, v9  }
0x357: {  	v11 =	vshll.u32 v11, $0x3;
	(xrf0) =	vadd.scan.msk.s32 $0xffff, v12  }
0x358: {  	v10 =	vand.u32 $0x7F, v10;
	v11 =	vand.u32 $0xFFFFFC00, v11  }
0x359: {  	v11 =	vor.u32 v10, v11  }
0x35a: {  	v10 =	vmov s1  }
0x35b: {  	v10 =	vadd.s32 $0xFFFFFFFF, v10  }
0x35c: {  	v10 =	vbroadcast v10, $0x0  }
0x35d: {  	v12, _, _ =	vpop (xrf0)  }
0x35e: {  	v10 =	vadd.s32 v12, v10;
	v14 =	vld.idx.msk [tilespmem:v11+s18+$0x0], vm1;
	(v2sf) =	vpush v12, $0xF  }
0x35f: {  	v13 =	vshll.u32 v10, $0x7  }
0x360: {  	v15 =	vor.u32 $0x80, v11;
	_ =	sdelay $0x2  }
0x361: {  	v12 =	vld [tilespmem:s16+$0x0]  }
0x362: {  	[tilespmem:v13+s31+$0x0] =	vst.idx.msk vm1, v14  }
0x363: {  	v14 =	vld.idx.msk [tilespmem:v15+s18+$0x0], vm1  }
0x364: {  	v15 =	vor.u32 $0x1, v13  }
0x365: {  	v16 =	vor.u32 $0x100, v11;
	_ =	sdelay $0x3  }
0x366: {  	[tilespmem:v15+s31+$0x0] =	vst.idx.msk vm1, v14  }
0x367: {  	v14 =	vld.idx.msk [tilespmem:v16+s18+$0x0], vm1  }
0x368: {  	v15 =	vor.u32 $0x2, v13;
	s4 =	spop (v2sf)  }
0x369: {  	v16 =	vor.u32 $0x180, v11;
	s1 =	sadd.s32 s1, s4;
	_ =	sdelay $0x3  }
0x36a: {  	[tilespmem:v15+s31+$0x0] =	vst.idx.msk vm1, v14  }
0x36b: {  	v14 =	vld.idx.msk [tilespmem:v16+s18+$0x0], vm1  }
0x36c: {  	v15 =	vor.u32 $0x3, v13  }
0x36d: {  	v16 =	vor.u32 $0x200, v11;
	_ =	sdelay $0x3  }
0x36e: {  	[tilespmem:v15+s31+$0x0] =	vst.idx.msk vm1, v14  }
0x36f: {  	v14 =	vld.idx.msk [tilespmem:v16+s18+$0x0], vm1  }
0x370: {  	v15 =	vor.u32 $0x4, v13  }
0x371: {  	v16 =	vor.u32 $0x280, v11;
	_ =	sdelay $0x3  }
0x372: {  	[tilespmem:v15+s31+$0x0] =	vst.idx.msk vm1, v14  }
0x373: {  	v14 =	vld.idx.msk [tilespmem:v16+s18+$0x0], vm1  }
0x374: {  	v15 =	vor.u32 $0x5, v13  }
0x375: {  	v16 =	vor.u32 $0x300, v11;
	_ =	sdelay $0x3  }
0x376: {  	[tilespmem:v15+s31+$0x0] =	vst.idx.msk vm1, v14  }
0x377: {  	v14 =	vld.idx.msk [tilespmem:v16+s18+$0x0], vm1  }
0x378: {  	v15 =	vor.u32 $0x6, v13  }
0x379: {  	v16 =	vor.u32 $0x380, v11;
	_ =	sdelay $0x3  }
0x37a: {  	[tilespmem:v15+s31+$0x0] =	vst.idx.msk vm1, v14  }
0x37b: {  	v14 =	vld.idx.msk [tilespmem:v16+s18+$0x0], vm1  }
0x37c: {  	v15 =	vor.u32 $0x7, v13  }
0x37d: {  	v16 =	vadd.s32 $0x1000, v11;
	_ =	sdelay $0x3  }
0x37e: {  	[tilespmem:v15+s31+$0x0] =	vst.idx.msk vm1, v14  }
0x37f: {  	v14 =	vld.idx.msk [tilespmem:v16+s18+$0x0], vm1  }
0x380: {  	v15 =	vor.u32 $0x8, v13  }
0x381: {  	v16 =	vadd.s32 $0x1080, v11;
	_ =	sdelay $0x3  }
0x382: {  	[tilespmem:v15+s31+$0x0] =	vst.idx.msk vm1, v14  }
0x383: {  	v14 =	vld.idx.msk [tilespmem:v16+s18+$0x0], vm1  }
0x384: {  	v15 =	vor.u32 $0x9, v13  }
0x385: {  	v16 =	vadd.s32 $0x1100, v11;
	_ =	sdelay $0x3  }
0x386: {  	[tilespmem:v15+s31+$0x0] =	vst.idx.msk vm1, v14  }
0x387: {  	v14 =	vld.idx.msk [tilespmem:v16+s18+$0x0], vm1  }
0x388: {  	v15 =	vor.u32 $0xA, v13  }
0x389: {  	v16 =	vadd.s32 $0x1180, v11;
	_ =	sdelay $0x3  }
0x38a: {  	[tilespmem:v15+s31+$0x0] =	vst.idx.msk vm1, v14  }
0x38b: {  	v14 =	vld.idx.msk [tilespmem:v16+s18+$0x0], vm1  }
0x38c: {  	v15 =	vor.u32 $0xB, v13  }
0x38d: {  	v16 =	vadd.s32 $0x1200, v11;
	_ =	sdelay $0x3  }
0x38e: {  	[tilespmem:v15+s31+$0x0] =	vst.idx.msk vm1, v14  }
0x38f: {  	v14 =	vld.idx.msk [tilespmem:v16+s18+$0x0], vm1  }
0x390: {  	v15 =	vor.u32 $0xC, v13  }
0x391: {  	v16 =	vadd.s32 $0x1280, v11;
	_ =	sdelay $0x3  }
0x392: {  	[tilespmem:v15+s31+$0x0] =	vst.idx.msk vm1, v14  }
0x393: {  	v14 =	vld.idx.msk [tilespmem:v16+s18+$0x0], vm1  }
0x394: {  	v15 =	vor.u32 $0xD, v13  }
0x395: {  	v16 =	vadd.s32 $0x1300, v11;
	_ =	sdelay $0x3  }
0x396: {  	[tilespmem:v15+s31+$0x0] =	vst.idx.msk vm1, v14  }
0x397: {  	v14 =	vld.idx.msk [tilespmem:v16+s18+$0x0], vm1  }
0x398: {  	v15 =	vor.u32 $0xE, v13  }
0x399: {  	v16 =	vadd.s32 $0x1380, v11;
	_ =	sdelay $0x3  }
0x39a: {  	[tilespmem:v15+s31+$0x0] =	vst.idx.msk vm1, v14  }
0x39b: {  	v14 =	vld.idx.msk [tilespmem:v16+s18+$0x0], vm1  }
0x39c: {  	v15 =	vor.u32 $0xF, v13  }
0x39d: {  	v16 =	vadd.s32 $0x2000, v11;
	_ =	sdelay $0x3  }
0x39e: {  	[tilespmem:v15+s31+$0x0] =	vst.idx.msk vm1, v14  }
0x39f: {  	v14 =	vld.idx.msk [tilespmem:v16+s18+$0x0], vm1  }
0x3a0: {  	v15 =	vor.u32 $0x10, v13  }
0x3a1: {  	v16 =	vadd.s32 $0x2080, v11;
	_ =	sdelay $0x3  }
0x3a2: {  	[tilespmem:v15+s31+$0x0] =	vst.idx.msk vm1, v14  }
0x3a3: {  	v14 =	vld.idx.msk [tilespmem:v16+s18+$0x0], vm1  }
0x3a4: {  	v15 =	vor.u32 $0x11, v13  }
0x3a5: {  	v16 =	vadd.s32 $0x2100, v11;
	_ =	sdelay $0x3  }
0x3a6: {  	[tilespmem:v15+s31+$0x0] =	vst.idx.msk vm1, v14  }
0x3a7: {  	v14 =	vld.idx.msk [tilespmem:v16+s18+$0x0], vm1  }
0x3a8: {  	v15 =	vor.u32 $0x12, v13  }
0x3a9: {  	v16 =	vadd.s32 $0x2180, v11;
	_ =	sdelay $0x3  }
0x3aa: {  	[tilespmem:v15+s31+$0x0] =	vst.idx.msk vm1, v14  }
0x3ab: {  	v14 =	vld.idx.msk [tilespmem:v16+s18+$0x0], vm1  }
0x3ac: {  	v15 =	vor.u32 $0x13, v13  }
0x3ad: {  	v16 =	vadd.s32 $0x2200, v11;
	_ =	sdelay $0x3  }
0x3ae: {  	[tilespmem:v15+s31+$0x0] =	vst.idx.msk vm1, v14  }
0x3af: {  	v14 =	vld.idx.msk [tilespmem:v16+s18+$0x0], vm1  }
0x3b0: {  	v15 =	vor.u32 $0x14, v13  }
0x3b1: {  	v16 =	vadd.s32 $0x2280, v11;
	_ =	sdelay $0x3  }
0x3b2: {  	[tilespmem:v15+s31+$0x0] =	vst.idx.msk vm1, v14  }
0x3b3: {  	v14 =	vld.idx.msk [tilespmem:v16+s18+$0x0], vm1  }
0x3b4: {  	v15 =	vor.u32 $0x15, v13  }
0x3b5: {  	v16 =	vadd.s32 $0x2300, v11;
	_ =	sdelay $0x3  }
0x3b6: {  	[tilespmem:v15+s31+$0x0] =	vst.idx.msk vm1, v14  }
0x3b7: {  	v14 =	vld.idx.msk [tilespmem:v16+s18+$0x0], vm1  }
0x3b8: {  	v15 =	vor.u32 $0x16, v13  }
0x3b9: {  	v16 =	vadd.s32 $0x2380, v11;
	_ =	sdelay $0x3  }
0x3ba: {  	[tilespmem:v15+s31+$0x0] =	vst.idx.msk vm1, v14  }
0x3bb: {  	v14 =	vld.idx.msk [tilespmem:v16+s18+$0x0], vm1  }
0x3bc: {  	v15 =	vor.u32 $0x17, v13  }
0x3bd: {  	v16 =	vadd.s32 $0x3000, v11;
	_ =	sdelay $0x3  }
0x3be: {  	[tilespmem:v15+s31+$0x0] =	vst.idx.msk vm1, v14  }
0x3bf: {  	v14 =	vld.idx.msk [tilespmem:v16+s18+$0x0], vm1  }
0x3c0: {  	v15 =	vor.u32 $0x18, v13  }
0x3c1: {  	v16 =	vadd.s32 $0x3080, v11;
	_ =	sdelay $0x3  }
0x3c2: {  	[tilespmem:v15+s31+$0x0] =	vst.idx.msk vm1, v14  }
0x3c3: {  	v14 =	vld.idx.msk [tilespmem:v16+s18+$0x0], vm1  }
0x3c4: {  	v15 =	vor.u32 $0x19, v13  }
0x3c5: {  	v16 =	vadd.s32 $0x3100, v11;
	_ =	sdelay $0x3  }
0x3c6: {  	[tilespmem:v15+s31+$0x0] =	vst.idx.msk vm1, v14  }
0x3c7: {  	v14 =	vld.idx.msk [tilespmem:v16+s18+$0x0], vm1  }
0x3c8: {  	v15 =	vor.u32 $0x1A, v13  }
0x3c9: {  	v16 =	vadd.s32 $0x3180, v11;
	_ =	sdelay $0x3  }
0x3ca: {  	[tilespmem:v15+s31+$0x0] =	vst.idx.msk vm1, v14  }
0x3cb: {  	v14 =	vld.idx.msk [tilespmem:v16+s18+$0x0], vm1  }
0x3cc: {  	v15 =	vor.u32 $0x1B, v13  }
0x3cd: {  	v16 =	vadd.s32 $0x3200, v11;
	_ =	sdelay $0x3  }
0x3ce: {  	[tilespmem:v15+s31+$0x0] =	vst.idx.msk vm1, v14  }
0x3cf: {  	v14 =	vld.idx.msk [tilespmem:v16+s18+$0x0], vm1  }
0x3d0: {  	v15 =	vor.u32 $0x1C, v13  }
0x3d1: {  	v16 =	vadd.s32 $0x3280, v11;
	_ =	sdelay $0x3  }
0x3d2: {  	[tilespmem:v15+s31+$0x0] =	vst.idx.msk vm1, v14  }
0x3d3: {  	v14 =	vld.idx.msk [tilespmem:v16+s18+$0x0], vm1  }
0x3d4: {  	v15 =	vor.u32 $0x1D, v13  }
0x3d5: {  	v16 =	vadd.s32 $0x3300, v11;
	_ =	sdelay $0x3  }
0x3d6: {  	[tilespmem:v15+s31+$0x0] =	vst.idx.msk vm1, v14  }
0x3d7: {  	v14 =	vld.idx.msk [tilespmem:v16+s18+$0x0], vm1  }
0x3d8: {  	v15 =	vor.u32 $0x1E, v13  }
0x3d9: {  	v11 =	vadd.s32 $0x3380, v11;
	_ =	sdelay $0x3  }
0x3da: {  	[tilespmem:v15+s31+$0x0] =	vst.idx.msk vm1, v14  }
0x3db: {  	v11 =	vld.idx.msk [tilespmem:v11+s18+$0x0], vm1  }
0x3dc: {  	v13 =	vor.u32 $0x1F, v13;
	_ =	sdelay $0x4  }
0x3dd: {  	p1 =	slt.s32 s1, $0x71;
	[tilespmem:v13+s31+$0x0] =	vst.idx.msk vm1, v11  }
0x3de: {  	s4 =	simm.s32 @!p1 $0x1A900;
	[tilespmem:v10+s0+$0x0] =	vst.idx.msk vm1, v12  }
0x3df: {  	s5 =	simm.s32 @!p1 $0x3;
	s14 =	simm.s32 @!p1 $0x80;
	(ifvalue) =	ssetifvalue @!p1 $0xFFFFFFFF  }
.Ltmp12:
0x3e0: {  	s19 =	simm.s32 @!p1 $0x10480;
	(ifvalue) =	ssetifvalue @!p1 $0xFFFFFFFF;
	(pc) =	sbr.rel @p0 .LBB2_14-.Ltmp12, $4  }
0x3e1: {  	[hbm4b:s9+s14] =	stream.indirect.scatter @!p1 [tilespmem:s4], [sflag:$0x3], $0x80, s19, s14, $0x40b8;
	[tilespmem:$0x1E900] =	vst v63  }
0x3e2: {  	s1 =	simm.s32 @!p1 $0x0;
	_ =	swait.ge @!p1 [sflag:s5], $0x4000  }
0x3e3: {  	[sflag:s5] =	ssyncset.done @!p1 $0x0  }
0x3e4: {  	s13 =	sadd.s32 $0x10, s13;
	v10 =	vimm.s32 @!p1 $0xFFFFFFFF;
	[sflag:s5] =	ssyncadd.s32 @!p1 $0xFFFFC000  }
.LBB2_15:
0x3e5: {  	[tilespmem:$0x104F0] =	vst @!p1 v10  }
0x3e6: {  	[tilespmem:$0x104E0] =	vst @!p1 v10  }
0x3e7: {  	[tilespmem:$0x104D0] =	vst @!p1 v10  }
.Ltmp13:
0x3e8: {  	[tilespmem:$0x104C0] =	vst @!p1 v10;
	(pc) =	sbr.rel .LBB2_16-.Ltmp13, $4  }
0x3e9: {  	[tilespmem:$0x104B0] =	vst @!p1 v10  }
0x3ea: {  	[tilespmem:$0x104A0] =	vst @!p1 v10  }
0x3eb: {  	[tilespmem:$0x10480] =	vst @!p1 v10  }
0x3ec: {  	[tilespmem:$0x10490] =	vst @!p1 v10  }
.LBB2_17:
0x3ed: {  	v7 =	vld [tilespmem:$0x10230];
	_ =	sdelay $0x4  }
0x3ee: {  	v7 =	vsel vm0, $0x0, v7  }
0x3ef: {  	(xrf0) =	vadd.scan.msk.s32 $0xffff, v7;
	_ =	sdelay $0x5  }
0x3f0: {  	v7, _, _ =	vpop (xrf0)  }
0x3f1: {  	(v2sf) =	vpush v7, $0xF;
	_ =	sdelay $0x9  }
0x3f2: {  	s2 =	sand.u32 $0x7, s15  }
0x3f3: {  	s4 =	sshra.s32 s15, $0x1F;
	p0 =	slt.s32 s15, $0x1;
	p1 =	sne.s32 s2, $0x0  }
0x3f4: {  	s14 =	sshrl.u32 s4, $0x1D;
	p0 =	por !p0, !p1  }
0x3f5: {  	s4 =	simm.s32 $0x1;
	s2 =	sadd.s32 s14, s15;
	p0 =	por !p0, !p0  }
0x3f6: {  	s7 =	rddreg [dreg:$0x8];
	s2 =	sshra.s32 s2, $0x3;
	s4 =	simm.s32 @!p0 $0x0  }
0x3f7: {  	s7 =	sadd.s32 s7, s15;
	s11 =	ssub.s32 s2, s4;
	s5 =	spop (v2sf)  }
0x3f8: {  	s13 =	sshll.u32 s11, $0x3;
	s7 =	sadd.s32 s5, s7  }
0x3f9: {  	s16 =	ssub.s32 s7, s13  }
0x3fa: {  	s2 =	sadd.s32 $0xF, s16  }
0x3fb: {  	s19 =	sand.u32 $0xF, s2  }
0x3fc: {  	s20 =	sshra.s32 s2, $0x1F;
	p6 =	slt.s32 s2, $0x1;
	p5 =	sne.s32 s19, $0x0  }
0x3fd: {  	s4 =	sshrl.u32 s20, $0x1C;
	p0 =	por !p6, !p5  }
0x3fe: {  	s2 =	sadd.s32 s4, s2;
	s4 =	simm.s32 $0x1;
	p0 =	por !p0, !p0  }
0x3ff: {  	s2 =	sshra.s32 s2, $0x4;
	s4 =	simm.s32 @!p0 $0x0  }
0x400: {  	p0 =	sle.s32 s7, s15;
	s2 =	ssub.s32 s2, s4  }
0x401: {  	p1 =	slt.s32 @!p0 s2, $0x1  }
0x402: {  	p1 =	por p0, p1  }
.Ltmp14:
0x403: {  	_ = 	snop;
	(pc) =	sbr.rel @p1 .LBB2_18-.Ltmp14, $1  }
0x404: {  	_ =	sdelay $0x3  }
0x405: {  	s4 =	sshll.u32 s11, $0x5  }
0x406: {  	s4 =	sshra.s32 s4, $0x2  }
0x407: {  	v7 =	vmov s15;
	v8 =	vmov s7;
	v9 =	vadd.s32 s13, v5;
	s7 =	sadd.s32 $0x8000, s4  }
0x408: {  	vm1 =	vge.s32 v9, v7;
	vm2 =	vlt.s32 v9, v8;
	v10 =	vld [tilespmem:s7+$0x0]  }
0x409: {  	vm1 =	vmand vm1, vm2  }
0x40a: {  	v9 =	vsel vm1, $0x1, v0  }
0x40b: {  	(xrf0) =	vadd.scan.msk.s32 $0xffff, v9;
	_ =	sdelay $0x1  }
0x40c: {  	v10 =	vshll.u32 v10, $0x7  }
0x40d: {  	v9 =	vmov s1;
	v11 =	vadd.s32 $0xF85F0000, v10  }
0x40e: {  	v9 =	vadd.s32 $0xFFFFFFFF, v9  }
0x40f: {  	v9 =	vbroadcast v9, $0x0  }
0x410: {  	v12, _, _ =	vpop (xrf0)  }
0x411: {  	v9 =	vadd.s32 v12, v9  }
0x412: {  	v13 =	vshll.u32 v9, $0x7;
	v11 =	vld.idx.msk [tilespmem:v11+s21+$0x0], vm1  }
0x413: {  	v14 =	vadd.s32 $0xF85F0001, v10;
	_ =	sdelay $0x2  }
0x414: {  	s11 =	sadd.s32 $0xC100, s4  }
0x415: {  	v15 =	vld [tilespmem:s11+$0x0];
	[tilespmem:v13+s31+$0x0] =	vst.idx.msk vm1, v11  }
0x416: {  	v50 =	vor.u32 $0x1, v13;
	v11 =	vld.idx.msk [tilespmem:v14+s21+$0x0], vm1  }
0x417: {  	v16 =	vadd.s32 $0xF85F0002, v10;
	_ =	sdelay $0x3  }
0x418: {  	[tilespmem:v50+s31+$0x0] =	vst.idx.msk vm1, v11  }
0x419: {  	v51 =	vor.u32 $0x2, v13;
	v11 =	vld.idx.msk [tilespmem:v16+s21+$0x0], vm1  }
0x41a: {  	v52 =	vadd.s32 $0xF85F0003, v10;
	_ =	sdelay $0x3  }
0x41b: {  	[tilespmem:v51+s31+$0x0] =	vst.idx.msk vm1, v11  }
0x41c: {  	v53 =	vor.u32 $0x3, v13;
	v11 =	vld.idx.msk [tilespmem:v52+s21+$0x0], vm1  }
0x41d: {  	v54 =	vadd.s32 $0xF85F0004, v10;
	_ =	sdelay $0x3  }
0x41e: {  	[tilespmem:v53+s31+$0x0] =	vst.idx.msk vm1, v11  }
0x41f: {  	v55 =	vor.u32 $0x4, v13;
	v11 =	vld.idx.msk [tilespmem:v54+s21+$0x0], vm1  }
0x420: {  	v56 =	vadd.s32 $0xF85F0005, v10;
	_ =	sdelay $0x3  }
0x421: {  	[tilespmem:v55+s31+$0x0] =	vst.idx.msk vm1, v11  }
0x422: {  	v57 =	vor.u32 $0x5, v13;
	v11 =	vld.idx.msk [tilespmem:v56+s21+$0x0], vm1  }
0x423: {  	v58 =	vadd.s32 $0xF85F0006, v10;
	_ =	sdelay $0x3  }
0x424: {  	[tilespmem:v57+s31+$0x0] =	vst.idx.msk vm1, v11  }
0x425: {  	v59 =	vor.u32 $0x6, v13;
	v11 =	vld.idx.msk [tilespmem:v58+s21+$0x0], vm1  }
0x426: {  	v60 =	vadd.s32 $0xF85F0007, v10;
	_ =	sdelay $0x3  }
0x427: {  	[tilespmem:v59+s31+$0x0] =	vst.idx.msk vm1, v11  }
0x428: {  	v61 =	vor.u32 $0x7, v13;
	v11 =	vld.idx.msk [tilespmem:v60+s21+$0x0], vm1  }
0x429: {  	v62 =	vadd.s32 $0xF85F0008, v10;
	_ =	sdelay $0x3  }
0x42a: {  	[tilespmem:v61+s31+$0x0] =	vst.idx.msk vm1, v11  }
0x42b: {  	v63 =	vor.u32 $0x8, v13;
	v11 =	vld.idx.msk [tilespmem:v62+s21+$0x0], vm1  }
0x42c: {  	v20 =	vadd.s32 $0xF85F0009, v10;
	_ =	sdelay $0x3  }
0x42d: {  	[tilespmem:v63+s31+$0x0] =	vst.idx.msk vm1, v11  }
0x42e: {  	v21 =	vor.u32 $0x9, v13;
	v11 =	vld.idx.msk [tilespmem:v20+s21+$0x0], vm1  }
0x42f: {  	v22 =	vadd.s32 $0xF85F000A, v10;
	_ =	sdelay $0x3  }
0x430: {  	[tilespmem:v21+s31+$0x0] =	vst.idx.msk vm1, v11  }
0x431: {  	v23 =	vor.u32 $0xA, v13;
	v11 =	vld.idx.msk [tilespmem:v22+s21+$0x0], vm1  }
0x432: {  	v24 =	vadd.s32 $0xF85F000B, v10;
	_ =	sdelay $0x3  }
0x433: {  	[tilespmem:v23+s31+$0x0] =	vst.idx.msk vm1, v11  }
0x434: {  	v25 =	vor.u32 $0xB, v13;
	v11 =	vld.idx.msk [tilespmem:v24+s21+$0x0], vm1  }
0x435: {  	v26 =	vadd.s32 $0xF85F000C, v10;
	_ =	sdelay $0x3  }
0x436: {  	[tilespmem:v25+s31+$0x0] =	vst.idx.msk vm1, v11  }
0x437: {  	v27 =	vor.u32 $0xC, v13;
	v11 =	vld.idx.msk [tilespmem:v26+s21+$0x0], vm1  }
0x438: {  	v28 =	vadd.s32 $0xF85F000D, v10;
	_ =	sdelay $0x3  }
0x439: {  	[tilespmem:v27+s31+$0x0] =	vst.idx.msk vm1, v11  }
0x43a: {  	v29 =	vor.u32 $0xD, v13;
	v11 =	vld.idx.msk [tilespmem:v28+s21+$0x0], vm1  }
0x43b: {  	v30 =	vadd.s32 $0xF85F000E, v10;
	_ =	sdelay $0x3  }
0x43c: {  	[tilespmem:v29+s31+$0x0] =	vst.idx.msk vm1, v11  }
0x43d: {  	v31 =	vor.u32 $0xE, v13;
	v11 =	vld.idx.msk [tilespmem:v30+s21+$0x0], vm1  }
0x43e: {  	v32 =	vadd.s32 $0xF85F000F, v10;
	_ =	sdelay $0x3  }
0x43f: {  	[tilespmem:v31+s31+$0x0] =	vst.idx.msk vm1, v11  }
0x440: {  	v33 =	vor.u32 $0xF, v13;
	v11 =	vld.idx.msk [tilespmem:v32+s21+$0x0], vm1  }
0x441: {  	v34 =	vadd.s32 $0xF85F0010, v10;
	_ =	sdelay $0x3  }
0x442: {  	[tilespmem:v33+s31+$0x0] =	vst.idx.msk vm1, v11  }
0x443: {  	v35 =	vor.u32 $0x10, v13;
	v11 =	vld.idx.msk [tilespmem:v34+s21+$0x0], vm1  }
0x444: {  	v36 =	vadd.s32 $0xF85F0011, v10;
	_ =	sdelay $0x3  }
0x445: {  	[tilespmem:v35+s31+$0x0] =	vst.idx.msk vm1, v11  }
0x446: {  	v37 =	vor.u32 $0x11, v13;
	v11 =	vld.idx.msk [tilespmem:v36+s21+$0x0], vm1  }
0x447: {  	v38 =	vadd.s32 $0xF85F0012, v10;
	_ =	sdelay $0x3  }
0x448: {  	[tilespmem:v37+s31+$0x0] =	vst.idx.msk vm1, v11  }
0x449: {  	v39 =	vor.u32 $0x12, v13;
	v11 =	vld.idx.msk [tilespmem:v38+s21+$0x0], vm1  }
0x44a: {  	v40 =	vadd.s32 $0xF85F0013, v10;
	_ =	sdelay $0x3  }
0x44b: {  	[tilespmem:v39+s31+$0x0] =	vst.idx.msk vm1, v11  }
0x44c: {  	v41 =	vor.u32 $0x13, v13;
	v11 =	vld.idx.msk [tilespmem:v40+s21+$0x0], vm1  }
0x44d: {  	v42 =	vadd.s32 $0xF85F0014, v10;
	_ =	sdelay $0x3  }
0x44e: {  	[tilespmem:v41+s31+$0x0] =	vst.idx.msk vm1, v11  }
0x44f: {  	v43 =	vor.u32 $0x14, v13;
	v11 =	vld.idx.msk [tilespmem:v42+s21+$0x0], vm1  }
0x450: {  	v44 =	vadd.s32 $0xF85F0015, v10;
	_ =	sdelay $0x3  }
0x451: {  	[tilespmem:v43+s31+$0x0] =	vst.idx.msk vm1, v11  }
0x452: {  	v45 =	vor.u32 $0x15, v13;
	v11 =	vld.idx.msk [tilespmem:v44+s21+$0x0], vm1  }
0x453: {  	v46 =	vadd.s32 $0xF85F0016, v10;
	_ =	sdelay $0x3  }
0x454: {  	[tilespmem:v45+s31+$0x0] =	vst.idx.msk vm1, v11  }
0x455: {  	v47 =	vor.u32 $0x16, v13;
	v11 =	vld.idx.msk [tilespmem:v46+s21+$0x0], vm1  }
0x456: {  	v48 =	vadd.s32 $0xF85F0017, v10;
	_ =	sdelay $0x3  }
0x457: {  	[tilespmem:v47+s31+$0x0] =	vst.idx.msk vm1, v11  }
0x458: {  	v49 =	vor.u32 $0x17, v13;
	v11 =	vld.idx.msk [tilespmem:v48+s21+$0x0], vm1  }
0x459: {  	v50 =	vadd.s32 $0xF85F0018, v10;
	_ =	sdelay $0x3  }
0x45a: {  	[tilespmem:v49+s31+$0x0] =	vst.idx.msk vm1, v11  }
0x45b: {  	v51 =	vor.u32 $0x18, v13;
	v11 =	vld.idx.msk [tilespmem:v50+s21+$0x0], vm1  }
0x45c: {  	v52 =	vadd.s32 $0xF85F0019, v10;
	_ =	sdelay $0x3  }
0x45d: {  	[tilespmem:v51+s31+$0x0] =	vst.idx.msk vm1, v11  }
0x45e: {  	v53 =	vor.u32 $0x19, v13;
	v11 =	vld.idx.msk [tilespmem:v52+s21+$0x0], vm1  }
0x45f: {  	v54 =	vadd.s32 $0xF85F001A, v10;
	_ =	sdelay $0x3  }
0x460: {  	[tilespmem:v53+s31+$0x0] =	vst.idx.msk vm1, v11  }
0x461: {  	v55 =	vor.u32 $0x1A, v13;
	v11 =	vld.idx.msk [tilespmem:v54+s21+$0x0], vm1  }
0x462: {  	v56 =	vadd.s32 $0xF85F001B, v10;
	_ =	sdelay $0x3  }
0x463: {  	[tilespmem:v55+s31+$0x0] =	vst.idx.msk vm1, v11  }
0x464: {  	v57 =	vor.u32 $0x1B, v13;
	v11 =	vld.idx.msk [tilespmem:v56+s21+$0x0], vm1  }
0x465: {  	v58 =	vadd.s32 $0xF85F001C, v10;
	_ =	sdelay $0x3  }
0x466: {  	[tilespmem:v57+s31+$0x0] =	vst.idx.msk vm1, v11  }
0x467: {  	v59 =	vor.u32 $0x1C, v13;
	v11 =	vld.idx.msk [tilespmem:v58+s21+$0x0], vm1  }
0x468: {  	v60 =	vadd.s32 $0xF85F001D, v10;
	_ =	sdelay $0x3  }
0x469: {  	(v2sf) =	vpush v12, $0xF;
	[tilespmem:v59+s31+$0x0] =	vst.idx.msk vm1, v11  }
0x46a: {  	v61 =	vor.u32 $0x1D, v13;
	v11 =	vld.idx.msk [tilespmem:v60+s21+$0x0], vm1  }
0x46b: {  	v62 =	vadd.s32 $0xF85F001E, v10;
	_ =	sdelay $0x3  }
0x46c: {  	[tilespmem:v61+s31+$0x0] =	vst.idx.msk vm1, v11  }
0x46d: {  	v63 =	vor.u32 $0x1E, v13;
	v11 =	vld.idx.msk [tilespmem:v62+s21+$0x0], vm1  }
0x46e: {  	v10 =	vadd.s32 $0xF85F001F, v10;
	_ =	sdelay $0x3  }
0x46f: {  	[tilespmem:v63+s31+$0x0] =	vst.idx.msk vm1, v11  }
0x470: {  	v11 =	vor.u32 $0x1F, v13;
	v10 =	vld.idx.msk [tilespmem:v10+s21+$0x0], vm1;
	_ =	sdelay $0x1  }
0x471: {  	s20 =	spop (v2sf)  }
0x472: {  	s1 =	sadd.s32 s1, s20  }
0x473: {  	p1 =	slt.s32 s1, $0x71  }
0x474: {  	p0 =	sgt.s32 s2, $0x1;
	s4 =	simm.s32 @!p1 $0x1A900;
	[tilespmem:v11+s31+$0x0] =	vst.idx.msk vm1, v10  }
0x475: {  	s5 =	simm.s32 @!p1 $0x3;
	s12 =	simm.s32 @!p1 $0x80;
	[tilespmem:v9+s0+$0x0] =	vst.idx.msk vm1, v15;
	(ifvalue) =	ssetifvalue @!p1 $0xFFFFFFFF  }
.Ltmp15:
0x476: {  	s14 =	simm.s32 @!p1 $0x10480;
	(ifvalue) =	ssetifvalue @!p1 $0xFFFFFFFF;
	(pc) =	sbr.rel @!p0 .LBB2_21-.Ltmp15, $4  }
0x477: {  	[hbm4b:s9+s12] =	stream.indirect.scatter @!p1 [tilespmem:s4], [sflag:$0x3], $0x80, s14, s12, $0x40b8;
	[tilespmem:$0x1E900] =	vst v63  }
0x478: {  	_ =	swait.ge @!p1 [sflag:s5], $0x4000  }
0x479: {  	s13 =	sadd.s32 $0x10, s13;
	s1 =	simm.s32 @!p1 $0x0;
	[sflag:s5] =	ssyncset.done @!p1 $0x0  }
0x47a: {  	v9 =	vimm.s32 @!p1 $0xFFFFFFFF;
	s12 =	simm.s32 $0x1;
	s16 =	rddreg [dreg:$0xa];
	[sflag:s5] =	ssyncadd.s32 @!p1 $0xFFFFC000  }
.LBB2_20:
0x47b: {  	s12 =	sadd.s32 $0x1, s12;
	[tilespmem:$0x104F0] =	vst @!p1 v9;
	s7 =	sadd.s32 $0x10, s7;
	s11 =	sadd.s32 $0x10, s11  }
0x47c: {  	p0 =	sgt.s32 s2, s12;
	[tilespmem:$0x104E0] =	vst @!p1 v9  }
0x47d: {  	[tilespmem:$0x104D0] =	vst @!p1 v9  }
0x47e: {  	[tilespmem:$0x104C0] =	vst @!p1 v9  }
0x47f: {  	[tilespmem:$0x104B0] =	vst @!p1 v9  }
0x480: {  	[tilespmem:$0x104A0] =	vst @!p1 v9  }
0x481: {  	[tilespmem:$0x10480] =	vst @!p1 v9  }
0x482: {  	[tilespmem:$0x10490] =	vst @!p1 v9  }
0x483: {  	v9 =	vadd.s32 s13, v5;
	v10 =	vld [tilespmem:s7+$0x0]  }
0x484: {  	vm1 =	vge.s32 v9, v7;
	vm2 =	vlt.s32 v9, v8  }
0x485: {  	vm1 =	vmand vm1, vm2  }
0x486: {  	v9 =	vsel vm1, $0x1, v0  }
0x487: {  	(xrf0) =	vadd.scan.msk.s32 $0xffff, v9  }
0x488: {  	v10 =	vshll.u32 v10, $0x7  }
0x489: {  	v11 =	vadd.s32 $0xF85F0000, v10  }
0x48a: {  	v9 =	vmov s1  }
0x48b: {  	v9 =	vadd.s32 $0xFFFFFFFF, v9  }
0x48c: {  	v9 =	vbroadcast v9, $0x0  }
0x48d: {  	v12, _, _ =	vpop (xrf0)  }
0x48e: {  	v9 =	vadd.s32 v12, v9;
	v13 =	vld.idx.msk [tilespmem:v11+s21+$0x0], vm1;
	(v2sf) =	vpush v12, $0xF  }
0x48f: {  	v12 =	vshll.u32 v9, $0x7  }
0x490: {  	v14 =	vadd.s32 $0xF85F0001, v10;
	_ =	sdelay $0x2  }
0x491: {  	v11 =	vld [tilespmem:s11+$0x0]  }
0x492: {  	[tilespmem:v12+s31+$0x0] =	vst.idx.msk vm1, v13  }
0x493: {  	v13 =	vld.idx.msk [tilespmem:v14+s21+$0x0], vm1  }
0x494: {  	v14 =	vor.u32 $0x1, v12  }
0x495: {  	v15 =	vadd.s32 $0xF85F0002, v10;
	_ =	sdelay $0x3  }
0x496: {  	[tilespmem:v14+s31+$0x0] =	vst.idx.msk vm1, v13  }
0x497: {  	v13 =	vld.idx.msk [tilespmem:v15+s21+$0x0], vm1  }
0x498: {  	v14 =	vor.u32 $0x2, v12;
	s4 =	spop (v2sf)  }
0x499: {  	v15 =	vadd.s32 $0xF85F0003, v10;
	s1 =	sadd.s32 s1, s4;
	_ =	sdelay $0x3  }
0x49a: {  	[tilespmem:v14+s31+$0x0] =	vst.idx.msk vm1, v13  }
0x49b: {  	v13 =	vld.idx.msk [tilespmem:v15+s21+$0x0], vm1  }
0x49c: {  	v14 =	vor.u32 $0x3, v12  }
0x49d: {  	v15 =	vadd.s32 $0xF85F0004, v10;
	_ =	sdelay $0x3  }
0x49e: {  	[tilespmem:v14+s31+$0x0] =	vst.idx.msk vm1, v13  }
0x49f: {  	v13 =	vld.idx.msk [tilespmem:v15+s21+$0x0], vm1  }
0x4a0: {  	v14 =	vor.u32 $0x4, v12  }
0x4a1: {  	v15 =	vadd.s32 $0xF85F0005, v10;
	_ =	sdelay $0x3  }
0x4a2: {  	[tilespmem:v14+s31+$0x0] =	vst.idx.msk vm1, v13  }
0x4a3: {  	v13 =	vld.idx.msk [tilespmem:v15+s21+$0x0], vm1  }
0x4a4: {  	v14 =	vor.u32 $0x5, v12  }
0x4a5: {  	v15 =	vadd.s32 $0xF85F0006, v10;
	_ =	sdelay $0x3  }
0x4a6: {  	[tilespmem:v14+s31+$0x0] =	vst.idx.msk vm1, v13  }
0x4a7: {  	v13 =	vld.idx.msk [tilespmem:v15+s21+$0x0], vm1  }
0x4a8: {  	v14 =	vor.u32 $0x6, v12  }
0x4a9: {  	v15 =	vadd.s32 $0xF85F0007, v10;
	_ =	sdelay $0x3  }
0x4aa: {  	[tilespmem:v14+s31+$0x0] =	vst.idx.msk vm1, v13  }
0x4ab: {  	v13 =	vld.idx.msk [tilespmem:v15+s21+$0x0], vm1  }
0x4ac: {  	v14 =	vor.u32 $0x7, v12  }
0x4ad: {  	v15 =	vadd.s32 $0xF85F0008, v10;
	_ =	sdelay $0x3  }
0x4ae: {  	[tilespmem:v14+s31+$0x0] =	vst.idx.msk vm1, v13  }
0x4af: {  	v13 =	vld.idx.msk [tilespmem:v15+s21+$0x0], vm1  }
0x4b0: {  	v14 =	vor.u32 $0x8, v12  }
0x4b1: {  	v15 =	vadd.s32 $0xF85F0009, v10;
	_ =	sdelay $0x3  }
0x4b2: {  	[tilespmem:v14+s31+$0x0] =	vst.idx.msk vm1, v13  }
0x4b3: {  	v13 =	vld.idx.msk [tilespmem:v15+s21+$0x0], vm1  }
0x4b4: {  	v14 =	vor.u32 $0x9, v12  }
0x4b5: {  	v15 =	vadd.s32 $0xF85F000A, v10;
	_ =	sdelay $0x3  }
0x4b6: {  	[tilespmem:v14+s31+$0x0] =	vst.idx.msk vm1, v13  }
0x4b7: {  	v13 =	vld.idx.msk [tilespmem:v15+s21+$0x0], vm1  }
0x4b8: {  	v14 =	vor.u32 $0xA, v12  }
0x4b9: {  	v15 =	vadd.s32 $0xF85F000B, v10;
	_ =	sdelay $0x3  }
0x4ba: {  	[tilespmem:v14+s31+$0x0] =	vst.idx.msk vm1, v13  }
0x4bb: {  	v13 =	vld.idx.msk [tilespmem:v15+s21+$0x0], vm1  }
0x4bc: {  	v14 =	vor.u32 $0xB, v12  }
0x4bd: {  	v15 =	vadd.s32 $0xF85F000C, v10;
	_ =	sdelay $0x3  }
0x4be: {  	[tilespmem:v14+s31+$0x0] =	vst.idx.msk vm1, v13  }
0x4bf: {  	v13 =	vld.idx.msk [tilespmem:v15+s21+$0x0], vm1  }
0x4c0: {  	v14 =	vor.u32 $0xC, v12  }
0x4c1: {  	v15 =	vadd.s32 $0xF85F000D, v10;
	_ =	sdelay $0x3  }
0x4c2: {  	[tilespmem:v14+s31+$0x0] =	vst.idx.msk vm1, v13  }
0x4c3: {  	v13 =	vld.idx.msk [tilespmem:v15+s21+$0x0], vm1  }
0x4c4: {  	v14 =	vor.u32 $0xD, v12  }
0x4c5: {  	v15 =	vadd.s32 $0xF85F000E, v10;
	_ =	sdelay $0x3  }
0x4c6: {  	[tilespmem:v14+s31+$0x0] =	vst.idx.msk vm1, v13  }
0x4c7: {  	v13 =	vld.idx.msk [tilespmem:v15+s21+$0x0], vm1  }
0x4c8: {  	v14 =	vor.u32 $0xE, v12  }
0x4c9: {  	v15 =	vadd.s32 $0xF85F000F, v10;
	_ =	sdelay $0x3  }
0x4ca: {  	[tilespmem:v14+s31+$0x0] =	vst.idx.msk vm1, v13  }
0x4cb: {  	v13 =	vld.idx.msk [tilespmem:v15+s21+$0x0], vm1  }
0x4cc: {  	v14 =	vor.u32 $0xF, v12  }
0x4cd: {  	v15 =	vadd.s32 $0xF85F0010, v10;
	_ =	sdelay $0x3  }
0x4ce: {  	[tilespmem:v14+s31+$0x0] =	vst.idx.msk vm1, v13  }
0x4cf: {  	v13 =	vld.idx.msk [tilespmem:v15+s21+$0x0], vm1  }
0x4d0: {  	v14 =	vor.u32 $0x10, v12  }
0x4d1: {  	v15 =	vadd.s32 $0xF85F0011, v10;
	_ =	sdelay $0x3  }
0x4d2: {  	[tilespmem:v14+s31+$0x0] =	vst.idx.msk vm1, v13  }
0x4d3: {  	v13 =	vld.idx.msk [tilespmem:v15+s21+$0x0], vm1  }
0x4d4: {  	v14 =	vor.u32 $0x11, v12  }
0x4d5: {  	v15 =	vadd.s32 $0xF85F0012, v10;
	_ =	sdelay $0x3  }
0x4d6: {  	[tilespmem:v14+s31+$0x0] =	vst.idx.msk vm1, v13  }
0x4d7: {  	v13 =	vld.idx.msk [tilespmem:v15+s21+$0x0], vm1  }
0x4d8: {  	v14 =	vor.u32 $0x12, v12  }
0x4d9: {  	v15 =	vadd.s32 $0xF85F0013, v10;
	_ =	sdelay $0x3  }
0x4da: {  	[tilespmem:v14+s31+$0x0] =	vst.idx.msk vm1, v13  }
0x4db: {  	v13 =	vld.idx.msk [tilespmem:v15+s21+$0x0], vm1  }
0x4dc: {  	v14 =	vor.u32 $0x13, v12  }
0x4dd: {  	v15 =	vadd.s32 $0xF85F0014, v10;
	_ =	sdelay $0x3  }
0x4de: {  	[tilespmem:v14+s31+$0x0] =	vst.idx.msk vm1, v13  }
0x4df: {  	v13 =	vld.idx.msk [tilespmem:v15+s21+$0x0], vm1  }
0x4e0: {  	v14 =	vor.u32 $0x14, v12  }
0x4e1: {  	v15 =	vadd.s32 $0xF85F0015, v10;
	_ =	sdelay $0x3  }
0x4e2: {  	[tilespmem:v14+s31+$0x0] =	vst.idx.msk vm1, v13  }
0x4e3: {  	v13 =	vld.idx.msk [tilespmem:v15+s21+$0x0], vm1  }
0x4e4: {  	v14 =	vor.u32 $0x15, v12  }
0x4e5: {  	v15 =	vadd.s32 $0xF85F0016, v10;
	_ =	sdelay $0x3  }
0x4e6: {  	[tilespmem:v14+s31+$0x0] =	vst.idx.msk vm1, v13  }
0x4e7: {  	v13 =	vld.idx.msk [tilespmem:v15+s21+$0x0], vm1  }
0x4e8: {  	v14 =	vor.u32 $0x16, v12  }
0x4e9: {  	v15 =	vadd.s32 $0xF85F0017, v10;
	_ =	sdelay $0x3  }
0x4ea: {  	[tilespmem:v14+s31+$0x0] =	vst.idx.msk vm1, v13  }
0x4eb: {  	v13 =	vld.idx.msk [tilespmem:v15+s21+$0x0], vm1  }
0x4ec: {  	v14 =	vor.u32 $0x17, v12  }
0x4ed: {  	v15 =	vadd.s32 $0xF85F0018, v10;
	_ =	sdelay $0x3  }
0x4ee: {  	[tilespmem:v14+s31+$0x0] =	vst.idx.msk vm1, v13  }
0x4ef: {  	v13 =	vld.idx.msk [tilespmem:v15+s21+$0x0], vm1  }
0x4f0: {  	v14 =	vor.u32 $0x18, v12  }
0x4f1: {  	v15 =	vadd.s32 $0xF85F0019, v10;
	_ =	sdelay $0x3  }
0x4f2: {  	[tilespmem:v14+s31+$0x0] =	vst.idx.msk vm1, v13  }
0x4f3: {  	v13 =	vld.idx.msk [tilespmem:v15+s21+$0x0], vm1  }
0x4f4: {  	v14 =	vor.u32 $0x19, v12  }
0x4f5: {  	v15 =	vadd.s32 $0xF85F001A, v10;
	_ =	sdelay $0x3  }
0x4f6: {  	[tilespmem:v14+s31+$0x0] =	vst.idx.msk vm1, v13  }
0x4f7: {  	v13 =	vld.idx.msk [tilespmem:v15+s21+$0x0], vm1  }
0x4f8: {  	v14 =	vor.u32 $0x1A, v12  }
0x4f9: {  	v15 =	vadd.s32 $0xF85F001B, v10;
	_ =	sdelay $0x3  }
0x4fa: {  	[tilespmem:v14+s31+$0x0] =	vst.idx.msk vm1, v13  }
0x4fb: {  	v13 =	vld.idx.msk [tilespmem:v15+s21+$0x0], vm1  }
0x4fc: {  	v14 =	vor.u32 $0x1B, v12  }
0x4fd: {  	v15 =	vadd.s32 $0xF85F001C, v10;
	_ =	sdelay $0x3  }
0x4fe: {  	[tilespmem:v14+s31+$0x0] =	vst.idx.msk vm1, v13  }
0x4ff: {  	v13 =	vld.idx.msk [tilespmem:v15+s21+$0x0], vm1  }
0x500: {  	v14 =	vor.u32 $0x1C, v12  }
0x501: {  	v15 =	vadd.s32 $0xF85F001D, v10;
	_ =	sdelay $0x3  }
0x502: {  	[tilespmem:v14+s31+$0x0] =	vst.idx.msk vm1, v13  }
0x503: {  	v13 =	vld.idx.msk [tilespmem:v15+s21+$0x0], vm1  }
0x504: {  	v14 =	vor.u32 $0x1D, v12  }
0x505: {  	v15 =	vadd.s32 $0xF85F001E, v10;
	_ =	sdelay $0x3  }
0x506: {  	[tilespmem:v14+s31+$0x0] =	vst.idx.msk vm1, v13  }
0x507: {  	v13 =	vld.idx.msk [tilespmem:v15+s21+$0x0], vm1  }
0x508: {  	v14 =	vor.u32 $0x1E, v12  }
0x509: {  	v10 =	vadd.s32 $0xF85F001F, v10;
	_ =	sdelay $0x3  }
0x50a: {  	[tilespmem:v14+s31+$0x0] =	vst.idx.msk vm1, v13  }
0x50b: {  	v10 =	vld.idx.msk [tilespmem:v10+s21+$0x0], vm1  }
0x50c: {  	v12 =	vor.u32 $0x1F, v12;
	_ =	sdelay $0x4  }
0x50d: {  	p1 =	slt.s32 s1, $0x71;
	[tilespmem:v12+s31+$0x0] =	vst.idx.msk vm1, v10  }
0x50e: {  	s4 =	simm.s32 @!p1 $0x1A900;
	[tilespmem:v9+s0+$0x0] =	vst.idx.msk vm1, v11  }
0x50f: {  	s5 =	simm.s32 @!p1 $0x3;
	s14 =	simm.s32 @!p1 $0x80;
	(ifvalue) =	ssetifvalue @!p1 $0xFFFFFFFF  }
.Ltmp16:
0x510: {  	s15 =	simm.s32 @!p1 $0x10480;
	(ifvalue) =	ssetifvalue @!p1 $0xFFFFFFFF;
	(pc) =	sbr.rel @p0 .LBB2_20-.Ltmp16, $4  }
0x511: {  	[hbm4b:s9+s14] =	stream.indirect.scatter @!p1 [tilespmem:s4], [sflag:$0x3], $0x80, s15, s14, $0x40b8;
	[tilespmem:$0x1E900] =	vst v63  }
0x512: {  	s1 =	simm.s32 @!p1 $0x0;
	_ =	swait.ge @!p1 [sflag:s5], $0x4000  }
0x513: {  	[sflag:s5] =	ssyncset.done @!p1 $0x0  }
0x514: {  	s13 =	sadd.s32 $0x10, s13;
	v9 =	vimm.s32 @!p1 $0xFFFFFFFF;
	[sflag:s5] =	ssyncadd.s32 @!p1 $0xFFFFC000  }
.LBB2_21:
0x515: {  	[tilespmem:$0x104F0] =	vst @!p1 v9  }
0x516: {  	[tilespmem:$0x104E0] =	vst @!p1 v9  }
0x517: {  	[tilespmem:$0x104D0] =	vst @!p1 v9  }
.Ltmp17:
0x518: {  	[tilespmem:$0x104C0] =	vst @!p1 v9;
	(pc) =	sbr.rel .LBB2_22-.Ltmp17, $4  }
0x519: {  	[tilespmem:$0x104B0] =	vst @!p1 v9  }
0x51a: {  	[tilespmem:$0x104A0] =	vst @!p1 v9  }
0x51b: {  	[tilespmem:$0x10480] =	vst @!p1 v9  }
0x51c: {  	[tilespmem:$0x10490] =	vst @!p1 v9  }
.LBB2_23:
0x51d: {  	_ =	sfence.sel $0x180000  }
0x51e: {  	[bflag:$0x0] =	sbarrier.arrive $0xFFFF  }
0x51f: {  	_ =	strace $0x90000047  }
0x520: {  	s0 =	stileid.u32;
	[bflag:$0x2] =	sbarrier.arrive $0xFFFF  }
0x521: {  	p0 =	sne.s32 s0, $0x0;
	s0 =	rddreg [dreg:$0x4]  }
0x522: {  	s0 =	sadd.s32 @!p0 $0x100000, s0  }
0x523: {  	[sflag:s0] =	ssyncadd.tile.s32 @!p0 $0x1;
	_ =	shalt  }
.Lfunc_end2:
_tile_overlayer_lowered:
.L_overlay_start_2:
0x524: {  	(tag) =	ssettag $0x2  }
0x525: {  	s0 =	rddreg [dreg:$0x0];
	s2 =	stileid.u32  }
0x526: {  	s1 =	rddreg [dreg:$0x1];
	p0 =	sne.s32 s2, $0x0  }
0x527: {  	s3 =	rddreg [dreg:$0x2];
	[bflag:$0x3] =	sbarrier.arrive $0xFFFF;
	s2 =	simm.s32 @!p0 $0x1C04  }
0x528: {  	[timem:s3], [sflag:s2] =	dma.local @!p0 [hbm:s0], s1  }
0x529: {  	s0 =	simm.s32 @!p0 $0x4  }
0x52a: {  	_ =	swait.ge @!p0 [sflag:s0], s1  }
0x52b: {  	s1 =	ssub.s32 @!p0 $0x0, s1;
	[sflag:s0] =	ssyncset.done @!p0 $0x0  }
0x52c: {  	[sflag:s0] =	ssyncadd.s32 @!p0 s1  }
0x52d: {  	[bflag:$0x3] =	sbarrier.arrive $0xFFFF  }
0x52e: {  	_ =	shalt  }

</sc_bundles>
